<compile_context>
chip_gen: v7x
topology: tpu7x:2x2x1
jax: 0.10.2.dev20260603
libtpu: 0.0.44.dev20260713+nightly
codegen_flags: <defaults>
</compile_context>

<pallas_src>
import functools

import jax
import jax.numpy as jnp
from jax import lax
from jax.experimental import pallas as pl
from jax.experimental.pallas import tpu as pltpu
from jax.experimental.pallas import tpu_sc as plsc

N = 10000
E = 320000
D = 128
DE = 16
G = 64

NC = 2
NS = 16
C = 64
E_PER_SC = E // NC
CHUNKS_PER_SC = E_PER_SC // C
ROWS_PER_TILE = 624
ROWS_REM = N - NS * ROWS_PER_TILE
ZROWS = 8



BE = 2000


def _edge_mlp1_body(ea_ref, ew_ref, w1_ref, b1_ref, w2_ref, b2_ref,
                    o0_ref, ewb_ref):
    t = jnp.maximum(
        jnp.dot(ea_ref[...], w1_ref[...],
                preferred_element_type=jnp.float32) + b1_ref[...], 0.0)
    o0_ref[...] = (
        jnp.dot(t, w2_ref[...], preferred_element_type=jnp.float32)
        + b2_ref[...])
    ewb_ref[...] = jnp.broadcast_to(ew_ref[...], (BE, 16))


def _edge_mlp1(edge_attr, ew2d, w1, b1, w2, b2):
    return pl.pallas_call(
        _edge_mlp1_body,
        grid=(E // BE,),
        in_specs=[
            pl.BlockSpec((BE, DE), lambda i: (i, 0)),
            pl.BlockSpec((BE, 1), lambda i: (i, 0)),
            pl.BlockSpec((DE, D), lambda i: (0, 0)),
            pl.BlockSpec((1, D), lambda i: (0, 0)),
            pl.BlockSpec((D, D), lambda i: (0, 0)),
            pl.BlockSpec((1, D), lambda i: (0, 0)),
        ],
        out_specs=[
            pl.BlockSpec((BE, D), lambda i: (i, 0)),
            pl.BlockSpec((BE, 16), lambda i: (i, 0)),
        ],
        out_shape=[
            jax.ShapeDtypeStruct((E, D), jnp.float32),
            jax.ShapeDtypeStruct((E, 16), jnp.float32),
        ],
    )(edge_attr, ew2d, w1, b1, w2, b2)


def _edge_mlp2_body(ea_ref, w1_ref, b1_ref, w2_ref, b2_ref,
                    o1_ref, o2_ref):
    ea = ea_ref[...]
    for l, o_ref in enumerate((o1_ref, o2_ref)):
        t = jnp.maximum(
            jnp.dot(ea, w1_ref[l], preferred_element_type=jnp.float32)
            + b1_ref[l], 0.0)
        o_ref[...] = (
            jnp.dot(t, w2_ref[l], preferred_element_type=jnp.float32)
            + b2_ref[l])


def _edge_mlp2(edge_attr, w1s, b1s, w2s, b2s):
    return pl.pallas_call(
        _edge_mlp2_body,
        grid=(E // BE,),
        in_specs=[
            pl.BlockSpec((BE, DE), lambda i: (i, 0)),
            pl.BlockSpec((2, DE, D), lambda i: (0, 0, 0)),
            pl.BlockSpec((2, 1, D), lambda i: (0, 0, 0)),
            pl.BlockSpec((2, D, D), lambda i: (0, 0, 0)),
            pl.BlockSpec((2, 1, D), lambda i: (0, 0, 0)),
        ],
        out_specs=[
            pl.BlockSpec((BE, D), lambda i: (i, 0)),
            pl.BlockSpec((BE, D), lambda i: (i, 0)),
        ],
        out_shape=[
            jax.ShapeDtypeStruct((E, D), jnp.float32),
            jax.ShapeDtypeStruct((E, D), jnp.float32),
        ],
    )(edge_attr, w1s, b1s, w2s, b2s)




def _msg_agg_body(h_hbm, ee_hbm, src_hbm, dst_hbm, ew_hbm, out_hbm,
                  src0, dst0, ew0, hr0, eev0,
                  src1, dst1, ew1, hr1, eev1,
                  zbuf_v, agg_sh, sem_i0, sem_i1, sem_g0, sem_g1,
                  sem_d0, sem_d1, sem_s0, sem_s1, sem_e0, sem_e1):
    bufs = ((src0, dst0, ew0, hr0, eev0, sem_i0, sem_g0, sem_d0, sem_s0,
             sem_e0),
            (src1, dst1, ew1, hr1, eev1, sem_i1, sem_g1, sem_d1, sem_s1,
             sem_e1))
    cid = lax.axis_index("c")
    sid = lax.axis_index("s")

    def zero_row(i, _):
        for d8 in range(D // 16):
            zbuf_v[i, pl.ds(d8 * 16, 16)] = jnp.zeros((16,), jnp.float32)
        return 0
    lax.fori_loop(0, ZROWS, zero_row, 0)
    rows_start = sid * ROWS_PER_TILE

    def zfill(k, _):
        pltpu.sync_copy(zbuf_v, agg_sh.at[pl.ds(rows_start + k * ZROWS,
                                                ZROWS)])
        return 0
    lax.fori_loop(0, ROWS_PER_TILE // ZROWS, zfill, 0)

    @pl.when(sid == NS - 1)
    def _():
        for k in range(ROWS_REM // ZROWS):
            pltpu.sync_copy(
                zbuf_v,
                agg_sh.at[pl.ds(NS * ROWS_PER_TILE + k * ZROWS, ZROWS)])
    plsc.subcore_barrier()

    n_g = (CHUNKS_PER_SC - sid + NS - 1) // NS
    e_base = cid * E_PER_SC

    def issue_src(j, par):
        src_v, sem_i = bufs[par][0], bufs[par][5]
        off = e_base + (sid + j * NS) * C
        pltpu.async_copy(src_hbm.at[pl.ds(off, C)], src_v, sem_i)

    def issue_ewee(j, par):
        ew_v, ee_v, sem_e = bufs[par][2], bufs[par][4], bufs[par][9]
        off = e_base + (sid + j * NS) * C
        pltpu.async_copy(ew_hbm.at[pl.ds(off, C)], ew_v, sem_e)
        pltpu.async_copy(ee_hbm.at[pl.ds(off, C)], ee_v, sem_e)

    def wait_src(par):
        src_v, sem_i = bufs[par][0], bufs[par][5]
        pltpu.make_async_copy(src_hbm.at[pl.ds(0, C)], src_v, sem_i).wait()

    def wait_ee(par):
        ew_v, ee_v, sem_e = bufs[par][2], bufs[par][4], bufs[par][9]
        pltpu.make_async_copy(ew_hbm.at[pl.ds(0, C)], ew_v, sem_e).wait()
        pltpu.make_async_copy(ee_hbm.at[pl.ds(0, C)], ee_v, sem_e).wait()

    def issue_dst(j, par):
        dst_v, sem_d = bufs[par][1], bufs[par][7]
        off = e_base + (sid + j * NS) * C
        pltpu.async_copy(dst_hbm.at[pl.ds(off, C)], dst_v, sem_d)

    def wait_dst(par):
        dst_v, sem_d = bufs[par][1], bufs[par][7]
        pltpu.make_async_copy(dst_hbm.at[pl.ds(0, C)], dst_v, sem_d).wait()

    def issue_gather(par):
        src_v, hr_v, sem_g = bufs[par][0], bufs[par][3], bufs[par][6]
        pltpu.async_copy(h_hbm.at[src_v], hr_v, sem_g)

    def wait_gather(par):
        src_v, hr_v, sem_g = bufs[par][0], bufs[par][3], bufs[par][6]
        pltpu.make_async_copy(h_hbm.at[src_v], hr_v, sem_g).wait()

    def issue_scatter(par):
        dst_v, ee_v, sem_s = bufs[par][1], bufs[par][4], bufs[par][8]
        pltpu.async_copy(ee_v, agg_sh.at[dst_v], sem_s, add=True)

    def wait_scatter(par):
        dst_v, ee_v, sem_s = bufs[par][1], bufs[par][4], bufs[par][8]
        pltpu.make_async_copy(ee_v, agg_sh.at[dst_v], sem_s).wait()

    issue_src(0, 0)
    issue_ewee(0, 0)
    issue_dst(0, 0)
    wait_src(0)
    issue_gather(0)
    issue_src(1, 1)

    def pair_body(jj, _):
        for par in range(2):
            j = jj * 2 + par
            nb = 1 - par

            @pl.when(j < n_g)
            def _():
                wait_gather(par)

                @pl.when(j + 1 < n_g)
                def _():
                    wait_src(nb)
                    issue_gather(nb)

                    @pl.when(j >= 1)
                    def _():
                        wait_scatter(nb)
                    issue_dst(j + 1, nb)
                    issue_ewee(j + 1, nb)

                wait_ee(par)
                src_v, dst_v, ew_v, hr_v, ee_v = bufs[par][:5]

                def edge_body(c, _):
                    w = ew_v[c, pl.ds(0, 16)]
                    for d8 in range(D // 16):
                        sl = pl.ds(d8 * 16, 16)
                        ee_v[c, sl] = jnp.maximum(
                            hr_v[c, sl] + ee_v[c, sl], 0.0) * w
                    return 0
                lax.fori_loop(0, C, edge_body, 0)

                wait_dst(par)
                issue_scatter(par)

                @pl.when(j + 2 < n_g)
                def _():
                    issue_src(j + 2, par)
        return 0
    lax.fori_loop(0, (n_g + 1) // 2, pair_body, 0)
    wait_scatter(0)
    wait_scatter(1)

    plsc.subcore_barrier()
    pltpu.sync_copy(agg_sh.at[pl.ds(rows_start, ROWS_PER_TILE)],
                    out_hbm.at[cid, pl.ds(rows_start, ROWS_PER_TILE)])

    @pl.when(sid == NS - 1)
    def _():
        pltpu.sync_copy(agg_sh.at[pl.ds(NS * ROWS_PER_TILE, ROWS_REM)],
                        out_hbm.at[cid, pl.ds(NS * ROWS_PER_TILE,
                                              ROWS_REM)])


def _msg_agg(h, ee, src, dst, ew):
    mesh = plsc.VectorSubcoreMesh(core_axis_name="c", subcore_axis_name="s",
                                  num_cores=NC, num_subcores=NS)
    f = pl.kernel(
        _msg_agg_body,
        mesh=mesh,
        out_type=jax.ShapeDtypeStruct((NC, N, D), jnp.float32),
        scratch_types=(
            [pltpu.VMEM((C,), jnp.int32),
             pltpu.VMEM((C,), jnp.int32),
             pltpu.VMEM((C, 16), jnp.float32),
             pltpu.VMEM((C, D), jnp.float32),
             pltpu.VMEM((C, D), jnp.float32)] * 2
            + [pltpu.VMEM((ZROWS, D), jnp.float32),
               pltpu.VMEM_SHARED((N, D), jnp.float32)]
            + [pltpu.SemaphoreType.DMA] * 10),
    )
    return f(h, ee, src, dst, ew)




def _node_update_body(h_ref, parts_ref, eps_ref, w1_ref, b1_ref, w2_ref,
                      b2_ref, gamma_ref, beta_ref, out_ref):
    agg = parts_ref[0] + parts_ref[1]
    z = (1.0 + eps_ref[0, 0]) * h_ref[...] + agg
    z = jnp.maximum(
        jnp.dot(z, w1_ref[...], preferred_element_type=jnp.float32)
        + b1_ref[...], 0.0)
    z = (jnp.dot(z, w2_ref[...], preferred_element_type=jnp.float32)
         + b2_ref[...])
    mu = jnp.mean(z, axis=0, keepdims=True)
    var = jnp.mean((z - mu) ** 2, axis=0, keepdims=True)
    z = (z - mu) / jnp.sqrt(var + 1e-5) * gamma_ref[...] + beta_ref[...]
    out_ref[...] = jnp.maximum(z, 0.0)


def _node_update(h, parts, eps, w1, b1, w2, b2, gamma, beta):
    return pl.pallas_call(
        _node_update_body,
        out_shape=jax.ShapeDtypeStruct((N, D), jnp.float32),
    )(h, parts, eps, w1, b1, w2, b2, gamma, beta)




def _pool_head_body(h_ref, batch_ref, w1_ref, b1_ref, w2_ref, b2_ref,
                    w3_ref, b3_ref, w4_ref, b4_ref, out_ref):
    gids = lax.broadcasted_iota(jnp.int32, (N, G), 1)
    oh = (batch_ref[...] == gids).astype(jnp.float32)
    cnt = jnp.sum(oh, axis=0, keepdims=True)
    pooled = jax.lax.dot_general(
        oh, h_ref[...], (((0,), (0,)), ((), ())),
        preferred_element_type=jnp.float32)
    pooled = pooled / jnp.maximum(cnt, 1.0).reshape(G, 1)
    g = jnp.maximum(
        jnp.dot(pooled, w1_ref[...], preferred_element_type=jnp.float32)
        + b1_ref[...], 0.0)
    g = jnp.maximum(
        jnp.dot(g, w2_ref[...], preferred_element_type=jnp.float32)
        + b2_ref[...], 0.0)
    g = jnp.maximum(
        jnp.dot(g, w3_ref[...], preferred_element_type=jnp.float32)
        + b3_ref[...], 0.0)
    out_ref[...] = (
        jnp.dot(g, w4_ref[...], preferred_element_type=jnp.float32)
        + b4_ref[...])


def _pool_head(h, batch2d, p):
    return pl.pallas_call(
        _pool_head_body,
        out_shape=jax.ShapeDtypeStruct((G, 1), jnp.float32),
    )(h, batch2d,
      p["fcW_1"], p["fcb_1"].reshape(1, D),
      p["fcW_2"], p["fcb_2"].reshape(1, D),
      p["fcW_3"], p["fcb_3"].reshape(1, D),
      p["fcW_4"], p["fcb_4"].reshape(1, 1))




def kernel(x, edge_index, edge_attr, edge_weight, batch, params):
    src = edge_index[0]
    dst = edge_index[1]
    L = 3
    ee0, ewb = _edge_mlp1(edge_attr, edge_weight.reshape(E, 1),
                          params["Wb1_0"], params["bb1_0"].reshape(1, D),
                          params["Wb2_0"], params["bb2_0"].reshape(1, D))
    w1s = jnp.stack([params[f"Wb1_{l}"] for l in (1, 2)])
    b1s = jnp.stack([params[f"bb1_{l}"].reshape(1, D) for l in (1, 2)])
    w2s = jnp.stack([params[f"Wb2_{l}"] for l in (1, 2)])
    b2s = jnp.stack([params[f"bb2_{l}"].reshape(1, D) for l in (1, 2)])
    h = x
    parts0 = _msg_agg(h, ee0, src, dst, ewb)
    ee1, ee2 = _edge_mlp2(edge_attr, w1s, b1s, w2s, b2s)
    ee = (ee0, ee1, ee2)
    for l in range(L):
        parts = parts0 if l == 0 else _msg_agg(h, ee[l], src, dst, ewb)
        h = _node_update(
            h, parts, params[f"eps_{l}"].reshape(1, 1),
            params[f"Wm1_{l}"], params[f"bm1_{l}"].reshape(1, D),
            params[f"Wm2_{l}"], params[f"bm2_{l}"].reshape(1, D),
            params[f"gamma_{l}"].reshape(1, D),
            params[f"beta_{l}"].reshape(1, D))
    out = _pool_head(h, batch.reshape(N, 1), params)
    return out.reshape(-1)

# --- scband reference (transcript-rebuilt; emitter-appended) ---
"""Pipeline reference for scband-net-gine-6828998001137 (READ-ONLY COPY).

The authoritative reference and input builder live on the scoring server;
editing this copy changes nothing except your own understanding.
"""

import jax, jax.numpy as jnp
import numpy as np

N = 10000
E = 320000
D = 128
DE = 16
G = 64
L = 3


def _lin(key, fan_in, fan_out):
    k1, k2 = jax.random.split(key)
    s = 1.0 / np.sqrt(fan_in)
    W = jax.random.uniform(k1, (fan_in, fan_out), minval=-s, maxval=s, dtype=jnp.float32)
    b = jax.random.uniform(k2, (fan_out,), minval=-s, maxval=s, dtype=jnp.float32)
    return W, b


def setup_inputs(seed: int = 0) -> dict:
    key = jax.random.key(seed)
    ks = jax.random.split(key, 6)
    x = jax.random.normal(ks[0], (N, D), dtype=jnp.float32)
    edge_index = jax.random.randint(ks[1], (2, E), 0, N, dtype=jnp.int32)
    edge_attr = jax.random.normal(ks[2], (E, DE), dtype=jnp.float32)
    edge_weight = jax.random.uniform(ks[3], (E,), dtype=jnp.float32)
    batch = jnp.sort(jax.random.randint(ks[4], (N,), 0, G, dtype=jnp.int32))
    params = {}
    pk = ks[5]
    for l in range(L):
        for name, (fi, fo) in {"Wb1": (DE, D), "Wb2": (D, D), "Wm1": (D, D), "Wm2": (D, D)}.items():
            pk, sk = jax.random.split(pk)
            W, b = _lin(sk, fi, fo)
            params[name + "_" + str(l)] = W
            params[name.replace("W", "b") + "_" + str(l)] = b
        params["eps_" + str(l)] = jnp.zeros((1,), dtype=jnp.float32)
        params["gamma_" + str(l)] = jnp.ones((D,), dtype=jnp.float32)
        params["beta_" + str(l)] = jnp.zeros((D,), dtype=jnp.float32)
    for i, (fi, fo) in enumerate([(D, D), (D, D), (D, D), (D, 1)], start=1):
        pk, sk = jax.random.split(pk)
        W, b = _lin(sk, fi, fo)
        params["fcW_" + str(i)] = W
        params["fcb_" + str(i)] = b
    return {"x": x, "edge_index": edge_index, "edge_attr": edge_attr, "edge_weight": edge_weight, "batch": batch, "params": params}


def reference(x, edge_index, edge_attr, edge_weight, batch, params):
    src = edge_index[0]
    dst = edge_index[1]
    ew = edge_weight[:, None]
    h = x
    for l in range(L):
        sl = "_" + str(l)
        ee = jnp.maximum(edge_attr @ params["Wb1" + sl] + params["bb1" + sl], 0.0) @ params["Wb2" + sl] + params["bb2" + sl]
        m = jnp.maximum(h[src] + ee, 0.0) * ew
        agg = jax.ops.segment_sum(m, dst, num_segments=N)
        z = (1.0 + params["eps" + sl]) * h + agg
        z = jnp.maximum(z @ params["Wm1" + sl] + params["bm1" + sl], 0.0) @ params["Wm2" + sl] + params["bm2" + sl]
        mu = jnp.mean(z, axis=0)
        var = jnp.mean((z - mu) ** 2, axis=0)
        z = (z - mu) / jnp.sqrt(var + 1e-5) * params["gamma" + sl] + params["beta" + sl]
        h = jnp.maximum(z, 0.0)
    ones = jnp.ones((h.shape[0],), dtype=h.dtype)
    cnt = jax.ops.segment_sum(ones, batch, num_segments=G)
    pooled = jax.ops.segment_sum(h, batch, num_segments=G) / jnp.maximum(cnt, 1.0)[:, None]
    g = jnp.maximum(pooled @ params["fcW_1"] + params["fcb_1"], 0.0)
    g = jnp.maximum(g @ params["fcW_2"] + params["fcb_2"], 0.0)
    g = jnp.maximum(g @ params["fcW_3"] + params["fcb_3"], 0.0)
    g = g @ params["fcW_4"] + params["fcb_4"]
    return g.reshape(-1)

if __name__ == "__main__":
    import jax
    _d = setup_inputs()
    print(jax.jit(kernel)(*tuple(_d.values())))

</pallas_src>

<mosaic_0001>
#map = affine_map<(d0, d1) -> (0, 0)>
#map1 = affine_map<(d0, d1) -> (0)>
#map2 = affine_map<(d0, d1) -> (0, 0, 0)>
module attributes {stable_mosaic.version = 14 : i64} {
  func.func @_msg_agg_body(%arg0: i32, %arg1: i32, %arg2: memref<10000x128xf32, #tpu.memory_space<hbm>>, %arg3: memref<320000x128xf32, #tpu.memory_space<hbm>>, %arg4: memref<320000xi32, #tpu.memory_space<hbm>>, %arg5: memref<320000xi32, #tpu.memory_space<hbm>>, %arg6: memref<320000x16xf32, #tpu.memory_space<hbm>>, %arg7: memref<2x10000x128xf32, #tpu.memory_space<hbm>>, %arg8: memref<64xi32, #tpu.memory_space<vmem>>, %arg9: memref<64xi32, #tpu.memory_space<vmem>>, %arg10: memref<64x16xf32, #tpu.memory_space<vmem>>, %arg11: memref<64x128xf32, #tpu.memory_space<vmem>>, %arg12: memref<64x128xf32, #tpu.memory_space<vmem>>, %arg13: memref<64xi32, #tpu.memory_space<vmem>>, %arg14: memref<64xi32, #tpu.memory_space<vmem>>, %arg15: memref<64x16xf32, #tpu.memory_space<vmem>>, %arg16: memref<64x128xf32, #tpu.memory_space<vmem>>, %arg17: memref<64x128xf32, #tpu.memory_space<vmem>>, %arg18: memref<8x128xf32, #tpu.memory_space<vmem>>, %arg19: memref<10000x128xf32, #tpu.memory_space<vmem_shared>>, %arg20: memref<!tpu.dma_semaphore, #tpu.memory_space<semaphore_mem>>, %arg21: memref<!tpu.dma_semaphore, #tpu.memory_space<semaphore_mem>>, %arg22: memref<!tpu.dma_semaphore, #tpu.memory_space<semaphore_mem>>, %arg23: memref<!tpu.dma_semaphore, #tpu.memory_space<semaphore_mem>>, %arg24: memref<!tpu.dma_semaphore, #tpu.memory_space<semaphore_mem>>, %arg25: memref<!tpu.dma_semaphore, #tpu.memory_space<semaphore_mem>>, %arg26: memref<!tpu.dma_semaphore, #tpu.memory_space<semaphore_mem>>, %arg27: memref<!tpu.dma_semaphore, #tpu.memory_space<semaphore_mem>>, %arg28: memref<!tpu.dma_semaphore, #tpu.memory_space<semaphore_mem>>, %arg29: memref<!tpu.dma_semaphore, #tpu.memory_space<semaphore_mem>>) attributes {dimension_semantics = [#tpu.dimension_semantics<core_parallel>, #tpu.dimension_semantics<subcore_parallel>], iteration_bounds = array<i64: 2, 16>, scalar_prefetch = 0 : i64, scratch_operands = 22 : i64, tpu.core_type = #tpu.core_type<sc_vector_subcore>, window_params = [{transform_indices = #map}, {transform_indices = #map}, {transform_indices = #map1}, {transform_indices = #map1}, {transform_indices = #map}, {transform_indices = #map2}]} {
    %scan3A = arith.constant 0 : i32
    %scan3A_0 = arith.constant 0 : i32
    %scan3A_1 = arith.constant 8 : i32
    %scan3A_2 = arith.addi %scan3A_0, %scan3A_1 : i32
    %scan3A_3 = arith.constant 1 : i32
    %scan3A_4 = scf.for %scan3A_127 = %scan3A_0 to %scan3A_2 step %scan3A_3 iter_args(%scan3A_128 = %scan3A) -> (i32)  : i32 {
      %broadcast_in_dim3A = arith.constant 0.000000e+00 : f32
      %broadcast_in_dim3A_129 = vector.broadcast %broadcast_in_dim3A : f32 to vector<16xf32>
      %swap3A = arith.index_cast %scan3A_127 : i32 to index
      %swap3A_130 = arith.constant 0 : index
      %swap3A_131 = tpu.vector_load %arg18[%swap3A, %swap3A_130] {strides = array<i32>} : memref<8x128xf32, #tpu.memory_space<vmem>>, vector<1x16xf32>,
      %swap3A_132 = vector.shape_cast %swap3A_131 : vector<1x16xf32> to vector<16xf32>
      %swap3A_133 = vector.shape_cast %broadcast_in_dim3A_129 : vector<16xf32> to vector<1x16xf32>
      tpu.vector_store %arg18[%swap3A, %swap3A_130], %swap3A_133 {strides = array<i32>} : memref<8x128xf32, #tpu.memory_space<vmem>>, vector<1x16xf32>,
      %broadcast_in_dim3A_134 = arith.constant 0.000000e+00 : f32
      %broadcast_in_dim3A_135 = vector.broadcast %broadcast_in_dim3A_134 : f32 to vector<16xf32>
      %swap3A_136 = arith.index_cast %scan3A_127 : i32 to index
      %swap3A_137 = arith.constant 16 : index
      %swap3A_138 = tpu.vector_load %arg18[%swap3A_136, %swap3A_137] {strides = array<i32>} : memref<8x128xf32, #tpu.memory_space<vmem>>, vector<1x16xf32>,
      %swap3A_139 = vector.shape_cast %swap3A_138 : vector<1x16xf32> to vector<16xf32>
      %swap3A_140 = vector.shape_cast %broadcast_in_dim3A_135 : vector<16xf32> to vector<1x16xf32>
      tpu.vector_store %arg18[%swap3A_136, %swap3A_137], %swap3A_140 {strides = array<i32>} : memref<8x128xf32, #tpu.memory_space<vmem>>, vector<1x16xf32>,
      %broadcast_in_dim3A_141 = arith.constant 0.000000e+00 : f32
      %broadcast_in_dim3A_142 = vector.broadcast %broadcast_in_dim3A_141 : f32 to vector<16xf32>
      %swap3A_143 = arith.index_cast %scan3A_127 : i32 to index
      %swap3A_144 = arith.constant 32 : index
      %swap3A_145 = tpu.vector_load %arg18[%swap3A_143, %swap3A_144] {strides = array<i32>} : memref<8x128xf32, #tpu.memory_space<vmem>>, vector<1x16xf32>,
      %swap3A_146 = vector.shape_cast %swap3A_145 : vector<1x16xf32> to vector<16xf32>
      %swap3A_147 = vector.shape_cast %broadcast_in_dim3A_142 : vector<16xf32> to vector<1x16xf32>
      tpu.vector_store %arg18[%swap3A_143, %swap3A_144], %swap3A_147 {strides = array<i32>} : memref<8x128xf32, #tpu.memory_space<vmem>>, vector<1x16xf32>,
      %broadcast_in_dim3A_148 = arith.constant 0.000000e+00 : f32
      %broadcast_in_dim3A_149 = vector.broadcast %broadcast_in_dim3A_148 : f32 to vector<16xf32>
      %swap3A_150 = arith.index_cast %scan3A_127 : i32 to index
      %swap3A_151 = arith.constant 48 : index
      %swap3A_152 = tpu.vector_load %arg18[%swap3A_150, %swap3A_151] {strides = array<i32>} : memref<8x128xf32, #tpu.memory_space<vmem>>, vector<1x16xf32>,
      %swap3A_153 = vector.shape_cast %swap3A_152 : vector<1x16xf32> to vector<16xf32>
      %swap3A_154 = vector.shape_cast %broadcast_in_dim3A_149 : vector<16xf32> to vector<1x16xf32>
      tpu.vector_store %arg18[%swap3A_150, %swap3A_151], %swap3A_154 {strides = array<i32>} : memref<8x128xf32, #tpu.memory_space<vmem>>, vector<1x16xf32>,
      %broadcast_in_dim3A_155 = arith.constant 0.000000e+00 : f32
      %broadcast_in_dim3A_156 = vector.broadcast %broadcast_in_dim3A_155 : f32 to vector<16xf32>
      %swap3A_157 = arith.index_cast %scan3A_127 : i32 to index
      %swap3A_158 = arith.constant 64 : index
      %swap3A_159 = tpu.vector_load %arg18[%swap3A_157, %swap3A_158] {strides = array<i32>} : memref<8x128xf32, #tpu.memory_space<vmem>>, vector<1x16xf32>,
      %swap3A_160 = vector.shape_cast %swap3A_159 : vector<1x16xf32> to vector<16xf32>
      %swap3A_161 = vector.shape_cast %broadcast_in_dim3A_156 : vector<16xf32> to vector<1x16xf32>
      tpu.vector_store %arg18[%swap3A_157, %swap3A_158], %swap3A_161 {strides = array<i32>} : memref<8x128xf32, #tpu.memory_space<vmem>>, vector<1x16xf32>,
      %broadcast_in_dim3A_162 = arith.constant 0.000000e+00 : f32
      %broadcast_in_dim3A_163 = vector.broadcast %broadcast_in_dim3A_162 : f32 to vector<16xf32>
      %swap3A_164 = arith.index_cast %scan3A_127 : i32 to index
      %swap3A_165 = arith.constant 80 : index
      %swap3A_166 = tpu.vector_load %arg18[%swap3A_164, %swap3A_165] {strides = array<i32>} : memref<8x128xf32, #tpu.memory_space<vmem>>, vector<1x16xf32>,
      %swap3A_167 = vector.shape_cast %swap3A_166 : vector<1x16xf32> to vector<16xf32>
      %swap3A_168 = vector.shape_cast %broadcast_in_dim3A_163 : vector<16xf32> to vector<1x16xf32>
      tpu.vector_store %arg18[%swap3A_164, %swap3A_165], %swap3A_168 {strides = array<i32>} : memref<8x128xf32, #tpu.memory_space<vmem>>, vector<1x16xf32>,
      %broadcast_in_dim3A_169 = arith.constant 0.000000e+00 : f32
      %broadcast_in_dim3A_170 = vector.broadcast %broadcast_in_dim3A_169 : f32 to vector<16xf32>
      %swap3A_171 = arith.index_cast %scan3A_127 : i32 to index
      %swap3A_172 = arith.constant 96 : index
      %swap3A_173 = tpu.vector_load %arg18[%swap3A_171, %swap3A_172] {strides = array<i32>} : memref<8x128xf32, #tpu.memory_space<vmem>>, vector<1x16xf32>,
      %swap3A_174 = vector.shape_cast %swap3A_173 : vector<1x16xf32> to vector<16xf32>
      %swap3A_175 = vector.shape_cast %broadcast_in_dim3A_170 : vector<16xf32> to vector<1x16xf32>
      tpu.vector_store %arg18[%swap3A_171, %swap3A_172], %swap3A_175 {strides = array<i32>} : memref<8x128xf32, #tpu.memory_space<vmem>>, vector<1x16xf32>,
      %broadcast_in_dim3A_176 = arith.constant 0.000000e+00 : f32
      %broadcast_in_dim3A_177 = vector.broadcast %broadcast_in_dim3A_176 : f32 to vector<16xf32>
      %swap3A_178 = arith.index_cast %scan3A_127 : i32 to index
      %swap3A_179 = arith.constant 112 : index
      %swap3A_180 = tpu.vector_load %arg18[%swap3A_178, %swap3A_179] {strides = array<i32>} : memref<8x128xf32, #tpu.memory_space<vmem>>, vector<1x16xf32>,
      %swap3A_181 = vector.shape_cast %swap3A_180 : vector<1x16xf32> to vector<16xf32>
      %swap3A_182 = vector.shape_cast %broadcast_in_dim3A_177 : vector<16xf32> to vector<1x16xf32>
      tpu.vector_store %arg18[%swap3A_178, %swap3A_179], %swap3A_182 {strides = array<i32>} : memref<8x128xf32, #tpu.memory_space<vmem>>, vector<1x16xf32>,
      %scan3A_183 = arith.constant 0 : i32
      scf.yield %scan3A_183 : i32
    }
    %scan3A_5 = arith.constant 8 : i32
    %mul3A = arith.constant 624 : i32
    %mul3A_6 = arith.muli %arg1, %mul3A : i32
    %scan3A_7 = arith.constant 0 : i32
    %scan3A_8 = arith.constant 0 : i32
    %scan3A_9 = arith.constant 78 : i32
    %scan3A_10 = arith.addi %scan3A_8, %scan3A_9 : i32
    %scan3A_11 = arith.constant 1 : i32
    %scan3A_12 = scf.for %scan3A_127 = %scan3A_8 to %scan3A_10 step %scan3A_11 iter_args(%scan3A_128 = %scan3A_7) -> (i32)  : i32 {
      %mul3A_129 = arith.constant 8 : i32
      %mul3A_130 = arith.muli %scan3A_127, %mul3A_129 : i32
      %add3A_131 = arith.addi %mul3A_6, %mul3A_130 : i32
      "tpu.region"() ({
        %run_scoped3A = tpu.sem_alloc : memref<!tpu.dma_semaphore, #tpu.memory_space<semaphore_mem>>
        %dma_start3A_133 = arith.constant 0 : i32
        %dma_start3A_134 = tpu.memref_slice %arg19[%add3A_131, %dma_start3A_133] : memref<10000x128xf32, #tpu.memory_space<vmem_shared>> -> memref<8x128xf32, #tpu.memory_space<vmem_shared>>
        %dma_start3A_135 = arith.constant 0 : i32
        %dma_start3A_136 = tpu.memref_slice %arg19[%add3A_131, %dma_start3A_135] : memref<10000x128xf32, #tpu.memory_space<vmem_shared>> -> memref<8x128xf32, #tpu.memory_space<vmem_shared>>
        tpu.enqueue_dma source(%arg18 : memref<8x128xf32, #tpu.memory_space<vmem>>) target(%dma_start3A_136 : memref<8x128xf32, #tpu.memory_space<vmem_shared>>) target_semaphore(%run_scoped3A : memref<!tpu.dma_semaphore, #tpu.memory_space<semaphore_mem>>)
        %dma_wait3A_137 = arith.constant 0 : i32
        %dma_wait3A_138 = tpu.memref_slice %arg19[%add3A_131, %dma_wait3A_137] : memref<10000x128xf32, #tpu.memory_space<vmem_shared>> -> memref<8x128xf32, #tpu.memory_space<vmem_shared>>
        %dma_wait3A_139 = arith.constant 0 : i32
        %dma_wait3A_140 = tpu.memref_slice %arg19[%add3A_131, %dma_wait3A_139] : memref<10000x128xf32, #tpu.memory_space<vmem_shared>> -> memref<8x128xf32, #tpu.memory_space<vmem_shared>>
        tpu.wait_dma2 semaphore(%run_scoped3A : memref<!tpu.dma_semaphore, #tpu.memory_space<semaphore_mem>>) src(%arg18 : memref<8x128xf32, #tpu.memory_space<vmem>>) dst(%dma_wait3A_140 : memref<8x128xf32, #tpu.memory_space<vmem_shared>>)
        tpu.yield
      }) : () -> ()
      %scan3A_132 = arith.constant 0 : i32
      scf.yield %scan3A_132 : i32
    }
    %scan3A_13 = arith.constant 78 : i32
    %eq3A = arith.constant 15 : i32
    %eq3A_14 = arith.cmpi eq, %arg1, %eq3A : i32
    %convert_element_type3A = arith.extui %eq3A_14 : i1 to i32
    %cond3A = arith.constant 0 : i32
    %cond3A_15 = arith.cmpi ne, %convert_element_type3A, %cond3A : i32
    scf.if %cond3A_15 {
      "tpu.region"() ({
        %run_scoped3A = tpu.sem_alloc : memref<!tpu.dma_semaphore, #tpu.memory_space<semaphore_mem>>
        %dma_start3A_127 = arith.constant 9984 : i32
        %dma_start3A_128 = arith.constant 0 : i32
        %dma_start3A_129 = tpu.memref_slice %arg19[%dma_start3A_127, %dma_start3A_128] : memref<10000x128xf32, #tpu.memory_space<vmem_shared>> -> memref<8x128xf32, #tpu.memory_space<vmem_shared>>
        %dma_start3A_130 = arith.constant 9984 : i32
        %dma_start3A_131 = arith.constant 0 : i32
        %dma_start3A_132 = tpu.memref_slice %arg19[%dma_start3A_130, %dma_start3A_131] : memref<10000x128xf32, #tpu.memory_space<vmem_shared>> -> memref<8x128xf32, #tpu.memory_space<vmem_shared>>
        tpu.enqueue_dma source(%arg18 : memref<8x128xf32, #tpu.memory_space<vmem>>) target(%dma_start3A_132 : memref<8x128xf32, #tpu.memory_space<vmem_shared>>) target_semaphore(%run_scoped3A : memref<!tpu.dma_semaphore, #tpu.memory_space<semaphore_mem>>)
        %dma_wait3A_133 = arith.constant 9984 : i32
        %dma_wait3A_134 = arith.constant 0 : i32
        %dma_wait3A_135 = tpu.memref_slice %arg19[%dma_wait3A_133, %dma_wait3A_134] : memref<10000x128xf32, #tpu.memory_space<vmem_shared>> -> memref<8x128xf32, #tpu.memory_space<vmem_shared>>
        %dma_wait3A_136 = arith.constant 9984 : i32
        %dma_wait3A_137 = arith.constant 0 : i32
        %dma_wait3A_138 = tpu.memref_slice %arg19[%dma_wait3A_136, %dma_wait3A_137] : memref<10000x128xf32, #tpu.memory_space<vmem_shared>> -> memref<8x128xf32, #tpu.memory_space<vmem_shared>>
        tpu.wait_dma2 semaphore(%run_scoped3A : memref<!tpu.dma_semaphore, #tpu.memory_space<semaphore_mem>>) src(%arg18 : memref<8x128xf32, #tpu.memory_space<vmem>>) dst(%dma_wait3A_138 : memref<8x128xf32, #tpu.memory_space<vmem_shared>>)
        tpu.yield
      }) : () -> ()
      "tpu.region"() ({
        %run_scoped3A = tpu.sem_alloc : memref<!tpu.dma_semaphore, #tpu.memory_space<semaphore_mem>>
        %dma_start3A_127 = arith.constant 9992 : i32
        %dma_start3A_128 = arith.constant 0 : i32
        %dma_start3A_129 = tpu.memref_slice %arg19[%dma_start3A_127, %dma_start3A_128] : memref<10000x128xf32, #tpu.memory_space<vmem_shared>> -> memref<8x128xf32, #tpu.memory_space<vmem_shared>>
        %dma_start3A_130 = arith.constant 9992 : i32
        %dma_start3A_131 = arith.constant 0 : i32
        %dma_start3A_132 = tpu.memref_slice %arg19[%dma_start3A_130, %dma_start3A_131] : memref<10000x128xf32, #tpu.memory_space<vmem_shared>> -> memref<8x128xf32, #tpu.memory_space<vmem_shared>>
        tpu.enqueue_dma source(%arg18 : memref<8x128xf32, #tpu.memory_space<vmem>>) target(%dma_start3A_132 : memref<8x128xf32, #tpu.memory_space<vmem_shared>>) target_semaphore(%run_scoped3A : memref<!tpu.dma_semaphore, #tpu.memory_space<semaphore_mem>>)
        %dma_wait3A_133 = arith.constant 9992 : i32
        %dma_wait3A_134 = arith.constant 0 : i32
        %dma_wait3A_135 = tpu.memref_slice %arg19[%dma_wait3A_133, %dma_wait3A_134] : memref<10000x128xf32, #tpu.memory_space<vmem_shared>> -> memref<8x128xf32, #tpu.memory_space<vmem_shared>>
        %dma_wait3A_136 = arith.constant 9992 : i32
        %dma_wait3A_137 = arith.constant 0 : i32
        %dma_wait3A_138 = tpu.memref_slice %arg19[%dma_wait3A_136, %dma_wait3A_137] : memref<10000x128xf32, #tpu.memory_space<vmem_shared>> -> memref<8x128xf32, #tpu.memory_space<vmem_shared>>
        tpu.wait_dma2 semaphore(%run_scoped3A : memref<!tpu.dma_semaphore, #tpu.memory_space<semaphore_mem>>) src(%arg18 : memref<8x128xf32, #tpu.memory_space<vmem>>) dst(%dma_wait3A_138 : memref<8x128xf32, #tpu.memory_space<vmem_shared>>)
        tpu.yield
      }) : () -> ()
    } else {
    }
    %barrier3A = arith.constant 0 : index
    tpu.barrier barrier_id(%barrier3A)
    %sub3A = arith.constant 2500 : i32
    %sub3A_16 = arith.subi %sub3A, %arg1 : i32
    %add3A = arith.constant 16 : i32
    %add3A_17 = arith.addi %sub3A_16, %add3A : i32
    %sub3A_18 = arith.constant 1 : i32
    %sub3A_19 = arith.subi %add3A_17, %sub3A_18 : i32
    %jit3A = arith.constant 16 : i32
    %div3A = arith.divsi %sub3A_19, %jit3A : i32
    %sign3A = arith.constant 0 : i32
    %sign3A_20 = arith.cmpi sgt, %sub3A_19, %sign3A : i32
    %sign3A_21 = arith.extui %sign3A_20 : i1 to i32
    %sign3A_22 = arith.constant 0 : i32
    %sign3A_23 = arith.cmpi slt, %sub3A_19, %sign3A_22 : i32
    %sign3A_24 = arith.extui %sign3A_23 : i1 to i32
    %sign3A_25 = arith.subi %sign3A_21, %sign3A_24 : i32
    %sign3A_26 = arith.constant 0 : i32
    %sign3A_27 = arith.cmpi sgt, %jit3A, %sign3A_26 : i32
    %sign3A_28 = arith.extui %sign3A_27 : i1 to i32
    %sign3A_29 = arith.constant 0 : i32
    %sign3A_30 = arith.cmpi slt, %jit3A, %sign3A_29 : i32
    %sign3A_31 = arith.extui %sign3A_30 : i1 to i32
    %sign3A_32 = arith.subi %sign3A_28, %sign3A_31 : i32
    %ne3A = arith.cmpi ne, %sign3A_25, %sign3A_32 : i32
    %rem3A = arith.remsi %sub3A_19, %jit3A : i32
    %ne3A_33 = arith.constant 0 : i32
    %ne3A_34 = arith.cmpi ne, %rem3A, %ne3A_33 : i32
    %and3A = arith.andi %ne3A, %ne3A_34 : i1
    %sub3A_35 = arith.constant 1 : i32
    %sub3A_36 = arith.subi %div3A, %sub3A_35 : i32
    %select_n3A = arith.select %and3A, %sub3A_36, %div3A : i32
    %mul3A_37 = arith.constant 160000 : i32
    %mul3A_38 = arith.muli %arg0, %mul3A_37 : i32
    %add3A_39 = arith.constant 0 : i32
    %add3A_40 = arith.addi %arg1, %add3A_39 : i32
    %mul3A_41 = arith.constant 64 : i32
    %mul3A_42 = arith.muli %add3A_40, %mul3A_41 : i32
    %add3A_43 = arith.addi %mul3A_38, %mul3A_42 : i32
    %dma_start3A = tpu.memref_slice %arg4[%add3A_43] : memref<320000xi32, #tpu.memory_space<hbm>> -> memref<64xi32, #tpu.memory_space<hbm>>
    %dma_start3A_44 = tpu.memref_slice %arg4[%add3A_43] : memref<320000xi32, #tpu.memory_space<hbm>> -> memref<64xi32, #tpu.memory_space<hbm>>
    tpu.enqueue_dma source(%dma_start3A_44 : memref<64xi32, #tpu.memory_space<hbm>>) target(%arg8 : memref<64xi32, #tpu.memory_space<vmem>>) target_semaphore(%arg20 : memref<!tpu.dma_semaphore, #tpu.memory_space<semaphore_mem>>)
    %add3A_45 = arith.constant 0 : i32
    %add3A_46 = arith.addi %arg1, %add3A_45 : i32
    %mul3A_47 = arith.constant 64 : i32
    %mul3A_48 = arith.muli %add3A_46, %mul3A_47 : i32
    %add3A_49 = arith.addi %mul3A_38, %mul3A_48 : i32
    %dma_start3A_50 = arith.constant 0 : i32
    %dma_start3A_51 = tpu.memref_slice %arg6[%add3A_49, %dma_start3A_50] : memref<320000x16xf32, #tpu.memory_space<hbm>> -> memref<64x16xf32, #tpu.memory_space<hbm>>
    %dma_start3A_52 = arith.constant 0 : i32
    %dma_start3A_53 = tpu.memref_slice %arg6[%add3A_49, %dma_start3A_52] : memref<320000x16xf32, #tpu.memory_space<hbm>> -> memref<64x16xf32, #tpu.memory_space<hbm>>
    tpu.enqueue_dma source(%dma_start3A_53 : memref<64x16xf32, #tpu.memory_space<hbm>>) target(%arg10 : memref<64x16xf32, #tpu.memory_space<vmem>>) target_semaphore(%arg28 : memref<!tpu.dma_semaphore, #tpu.memory_space<semaphore_mem>>)
    %dma_start3A_54 = arith.constant 0 : i32
    %dma_start3A_55 = tpu.memref_slice %arg3[%add3A_49, %dma_start3A_54] : memref<320000x128xf32, #tpu.memory_space<hbm>> -> memref<64x128xf32, #tpu.memory_space<hbm>>
    %dma_start3A_56 = arith.constant 0 : i32
    %dma_start3A_57 = tpu.memref_slice %arg3[%add3A_49, %dma_start3A_56] : memref<320000x128xf32, #tpu.memory_space<hbm>> -> memref<64x128xf32, #tpu.memory_space<hbm>>
    tpu.enqueue_dma source(%dma_start3A_57 : memref<64x128xf32, #tpu.memory_space<hbm>>) target(%arg12 : memref<64x128xf32, #tpu.memory_space<vmem>>) target_semaphore(%arg28 : memref<!tpu.dma_semaphore, #tpu.memory_space<semaphore_mem>>)
    %add3A_58 = arith.constant 0 : i32
    %add3A_59 = arith.addi %arg1, %add3A_58 : i32
    %mul3A_60 = arith.constant 64 : i32
    %mul3A_61 = arith.muli %add3A_59, %mul3A_60 : i32
    %add3A_62 = arith.addi %mul3A_38, %mul3A_61 : i32
    %dma_start3A_63 = tpu.memref_slice %arg5[%add3A_62] : memref<320000xi32, #tpu.memory_space<hbm>> -> memref<64xi32, #tpu.memory_space<hbm>>
    %dma_start3A_64 = tpu.memref_slice %arg5[%add3A_62] : memref<320000xi32, #tpu.memory_space<hbm>> -> memref<64xi32, #tpu.memory_space<hbm>>
    tpu.enqueue_dma source(%dma_start3A_64 : memref<64xi32, #tpu.memory_space<hbm>>) target(%arg9 : memref<64xi32, #tpu.memory_space<vmem>>) target_semaphore(%arg24 : memref<!tpu.dma_semaphore, #tpu.memory_space<semaphore_mem>>)
    %dma_wait3A = arith.constant 0 : i32
    %dma_wait3A_65 = tpu.memref_slice %arg4[%dma_wait3A] : memref<320000xi32, #tpu.memory_space<hbm>> -> memref<64xi32, #tpu.memory_space<hbm>>
    %dma_wait3A_66 = arith.constant 0 : i32
    %dma_wait3A_67 = tpu.memref_slice %arg4[%dma_wait3A_66] : memref<320000xi32, #tpu.memory_space<hbm>> -> memref<64xi32, #tpu.memory_space<hbm>>
    tpu.wait_dma2 semaphore(%arg20 : memref<!tpu.dma_semaphore, #tpu.memory_space<semaphore_mem>>) src(%dma_wait3A_67 : memref<64xi32, #tpu.memory_space<hbm>>) dst(%arg8 : memref<64xi32, #tpu.memory_space<vmem>>)
    %dma_start3A_68 = arith.constant 0 : i32
    %dma_start3A_69 = arith.constant 0 : i32
    %dma_start3A_70 = tpu.memref_slice %arg2[%dma_start3A_68, %dma_start3A_69] : memref<10000x128xf32, #tpu.memory_space<hbm>> -> memref<10000x128xf32, #tpu.memory_space<hbm>>
    tpu.enqueue_indirect_dma source(%dma_start3A_70 : memref<10000x128xf32, #tpu.memory_space<hbm>>) target(%arg11 : memref<64x128xf32, #tpu.memory_space<vmem>>) offsets(%arg8 : memref<64xi32, #tpu.memory_space<vmem>>) semaphore(%arg22 : memref<!tpu.dma_semaphore, #tpu.memory_space<semaphore_mem>>)
    %add3A_71 = arith.constant 16 : i32
    %add3A_72 = arith.addi %arg1, %add3A_71 : i32
    %mul3A_73 = arith.constant 64 : i32
    %mul3A_74 = arith.muli %add3A_72, %mul3A_73 : i32
    %add3A_75 = arith.addi %mul3A_38, %mul3A_74 : i32
    %dma_start3A_76 = tpu.memref_slice %arg4[%add3A_75] : memref<320000xi32, #tpu.memory_space<hbm>> -> memref<64xi32, #tpu.memory_space<hbm>>
    %dma_start3A_77 = tpu.memref_slice %arg4[%add3A_75] : memref<320000xi32, #tpu.memory_space<hbm>> -> memref<64xi32, #tpu.memory_space<hbm>>
    tpu.enqueue_dma source(%dma_start3A_77 : memref<64xi32, #tpu.memory_space<hbm>>) target(%arg13 : memref<64xi32, #tpu.memory_space<vmem>>) target_semaphore(%arg21 : memref<!tpu.dma_semaphore, #tpu.memory_space<semaphore_mem>>)
    %add3A_78 = arith.constant 1 : i32
    %add3A_79 = arith.addi %select_n3A, %add3A_78 : i32
    %jit3A_80 = arith.constant 2 : i32
    %div3A_81 = arith.divsi %add3A_79, %jit3A_80 : i32
    %sign3A_82 = arith.constant 0 : i32
    %sign3A_83 = arith.cmpi sgt, %add3A_79, %sign3A_82 : i32
    %sign3A_84 = arith.extui %sign3A_83 : i1 to i32
    %sign3A_85 = arith.constant 0 : i32
    %sign3A_86 = arith.cmpi slt, %add3A_79, %sign3A_85 : i32
    %sign3A_87 = arith.extui %sign3A_86 : i1 to i32
    %sign3A_88 = arith.subi %sign3A_84, %sign3A_87 : i32
    %sign3A_89 = arith.constant 0 : i32
    %sign3A_90 = arith.cmpi sgt, %jit3A_80, %sign3A_89 : i32
    %sign3A_91 = arith.extui %sign3A_90 : i1 to i32
    %sign3A_92 = arith.constant 0 : i32
    %sign3A_93 = arith.cmpi slt, %jit3A_80, %sign3A_92 : i32
    %sign3A_94 = arith.extui %sign3A_93 : i1 to i32
    %sign3A_95 = arith.subi %sign3A_91, %sign3A_94 : i32
    %ne3A_96 = arith.cmpi ne, %sign3A_88, %sign3A_95 : i32
    %rem3A_97 = arith.remsi %add3A_79, %jit3A_80 : i32
    %ne3A_98 = arith.constant 0 : i32
    %ne3A_99 = arith.cmpi ne, %rem3A_97, %ne3A_98 : i32
    %and3A_100 = arith.andi %ne3A_96, %ne3A_99 : i1
    %sub3A_101 = arith.constant 1 : i32
    %sub3A_102 = arith.subi %div3A_81, %sub3A_101 : i32
    %select_n3A_103 = arith.select %and3A_100, %sub3A_102, %div3A_81 : i32
    %while3A = arith.constant 0 : i32
    %while3A_104 = arith.constant 0 : i32
    %while3A_105 = arith.subi %select_n3A_103, %while3A : i32
    %while3A_106 = arith.addi %while3A, %while3A_105 : i32
    %while3A_107 = arith.constant 1 : i32
    %while3A_108 = arith.divsi %while3A_105, %while3A_107 : i32
    %while3A_109 = arith.muli %while3A_108, %while3A_107 : i32
    %while3A_110 = arith.addi %while3A, %while3A_109 : i32
    %while3A_111 = arith.constant 1 : i32
    %while3A_112 = scf.for %while3A_127 = %while3A to %while3A_110 step %while3A_111 iter_args(%while3A_128 = %while3A_104) -> (i32)  : i32 {
      %mul3A_129 = arith.constant 2 : i32
      %mul3A_130 = arith.muli %while3A_127, %mul3A_129 : i32
      %add3A_131 = arith.constant 0 : i32
      %add3A_132 = arith.addi %mul3A_130, %add3A_131 : i32
      %lt3A = arith.cmpi slt, %add3A_132, %select_n3A : i32
      %convert_element_type3A_133 = arith.extui %lt3A : i1 to i32
      %cond3A_134 = arith.constant 0 : i32
      %cond3A_135 = arith.cmpi ne, %convert_element_type3A_133, %cond3A_134 : i32
      scf.if %cond3A_135 {
        %dma_wait3A_145 = arith.constant 0 : i32
        %dma_wait3A_146 = arith.constant 0 : i32
        %dma_wait3A_147 = tpu.memref_slice %arg2[%dma_wait3A_145, %dma_wait3A_146] : memref<10000x128xf32, #tpu.memory_space<hbm>> -> memref<10000x128xf32, #tpu.memory_space<hbm>>
        tpu.wait_indirect_dma semaphore(%arg22 : memref<!tpu.dma_semaphore, #tpu.memory_space<semaphore_mem>>) src(%dma_wait3A_147 : memref<10000x128xf32, #tpu.memory_space<hbm>>) dst(%arg11 : memref<64x128xf32, #tpu.memory_space<vmem>>)
        %add3A_148 = arith.constant 1 : i32
        %add3A_149 = arith.addi %add3A_132, %add3A_148 : i32
        %lt3A_150 = arith.cmpi slt, %add3A_149, %select_n3A : i32
        %convert_element_type3A_151 = arith.extui %lt3A_150 : i1 to i32
        %cond3A_152 = arith.constant 0 : i32
        %cond3A_153 = arith.cmpi ne, %convert_element_type3A_151, %cond3A_152 : i32
        scf.if %cond3A_153 {
          %dma_wait3A_186 = arith.constant 0 : i32
          %dma_wait3A_187 = tpu.memref_slice %arg4[%dma_wait3A_186] : memref<320000xi32, #tpu.memory_space<hbm>> -> memref<64xi32, #tpu.memory_space<hbm>>
          %dma_wait3A_188 = arith.constant 0 : i32
          %dma_wait3A_189 = tpu.memref_slice %arg4[%dma_wait3A_188] : memref<320000xi32, #tpu.memory_space<hbm>> -> memref<64xi32, #tpu.memory_space<hbm>>
          tpu.wait_dma2 semaphore(%arg21 : memref<!tpu.dma_semaphore, #tpu.memory_space<semaphore_mem>>) src(%dma_wait3A_189 : memref<64xi32, #tpu.memory_space<hbm>>) dst(%arg13 : memref<64xi32, #tpu.memory_space<vmem>>)
          %dma_start3A_190 = arith.constant 0 : i32
          %dma_start3A_191 = arith.constant 0 : i32
          %dma_start3A_192 = tpu.memref_slice %arg2[%dma_start3A_190, %dma_start3A_191] : memref<10000x128xf32, #tpu.memory_space<hbm>> -> memref<10000x128xf32, #tpu.memory_space<hbm>>
          tpu.enqueue_indirect_dma source(%dma_start3A_192 : memref<10000x128xf32, #tpu.memory_space<hbm>>) target(%arg16 : memref<64x128xf32, #tpu.memory_space<vmem>>) offsets(%arg13 : memref<64xi32, #tpu.memory_space<vmem>>) semaphore(%arg23 : memref<!tpu.dma_semaphore, #tpu.memory_space<semaphore_mem>>)
          %ge3A = arith.constant 1 : i32
          %ge3A_193 = arith.cmpi sge, %add3A_132, %ge3A : i32
          %convert_element_type3A_194 = arith.extui %ge3A_193 : i1 to i32
          %cond3A_195 = arith.constant 0 : i32
          %cond3A_196 = arith.cmpi ne, %convert_element_type3A_194, %cond3A_195 : i32
          scf.if %cond3A_196 {
            %dma_wait3A_223 = arith.constant 0 : i32
            %dma_wait3A_224 = arith.constant 0 : i32
            %dma_wait3A_225 = tpu.memref_slice %arg19[%dma_wait3A_223, %dma_wait3A_224] : memref<10000x128xf32, #tpu.memory_space<vmem_shared>> -> memref<10000x128xf32, #tpu.memory_space<vmem_shared>>
            tpu.wait_indirect_dma semaphore(%arg27 : memref<!tpu.dma_semaphore, #tpu.memory_space<semaphore_mem>>) src(%arg17 : memref<64x128xf32, #tpu.memory_space<vmem>>) dst(%dma_wait3A_225 : memref<10000x128xf32, #tpu.memory_space<vmem_shared>>)
          } else {
          }
          %add3A_197 = arith.constant 1 : i32
          %add3A_198 = arith.addi %add3A_132, %add3A_197 : i32
          %mul3A_199 = arith.constant 16 : i32
          %mul3A_200 = arith.muli %add3A_198, %mul3A_199 : i32
          %add3A_201 = arith.addi %arg1, %mul3A_200 : i32
          %mul3A_202 = arith.constant 64 : i32
          %mul3A_203 = arith.muli %add3A_201, %mul3A_202 : i32
          %add3A_204 = arith.addi %mul3A_38, %mul3A_203 : i32
          %dma_start3A_205 = tpu.memref_slice %arg5[%add3A_204] : memref<320000xi32, #tpu.memory_space<hbm>> -> memref<64xi32, #tpu.memory_space<hbm>>
          %dma_start3A_206 = tpu.memref_slice %arg5[%add3A_204] : memref<320000xi32, #tpu.memory_space<hbm>> -> memref<64xi32, #tpu.memory_space<hbm>>
          tpu.enqueue_dma source(%dma_start3A_206 : memref<64xi32, #tpu.memory_space<hbm>>) target(%arg14 : memref<64xi32, #tpu.memory_space<vmem>>) target_semaphore(%arg25 : memref<!tpu.dma_semaphore, #tpu.memory_space<semaphore_mem>>)
          %add3A_207 = arith.constant 1 : i32
          %add3A_208 = arith.addi %add3A_132, %add3A_207 : i32
          %mul3A_209 = arith.constant 16 : i32
          %mul3A_210 = arith.muli %add3A_208, %mul3A_209 : i32
          %add3A_211 = arith.addi %arg1, %mul3A_210 : i32
          %mul3A_212 = arith.constant 64 : i32
          %mul3A_213 = arith.muli %add3A_211, %mul3A_212 : i32
          %add3A_214 = arith.addi %mul3A_38, %mul3A_213 : i32
          %dma_start3A_215 = arith.constant 0 : i32
          %dma_start3A_216 = tpu.memref_slice %arg6[%add3A_214, %dma_start3A_215] : memref<320000x16xf32, #tpu.memory_space<hbm>> -> memref<64x16xf32, #tpu.memory_space<hbm>>
          %dma_start3A_217 = arith.constant 0 : i32
          %dma_start3A_218 = tpu.memref_slice %arg6[%add3A_214, %dma_start3A_217] : memref<320000x16xf32, #tpu.memory_space<hbm>> -> memref<64x16xf32, #tpu.memory_space<hbm>>
          tpu.enqueue_dma source(%dma_start3A_218 : memref<64x16xf32, #tpu.memory_space<hbm>>) target(%arg15 : memref<64x16xf32, #tpu.memory_space<vmem>>) target_semaphore(%arg29 : memref<!tpu.dma_semaphore, #tpu.memory_space<semaphore_mem>>)
          %dma_start3A_219 = arith.constant 0 : i32
          %dma_start3A_220 = tpu.memref_slice %arg3[%add3A_214, %dma_start3A_219] : memref<320000x128xf32, #tpu.memory_space<hbm>> -> memref<64x128xf32, #tpu.memory_space<hbm>>
          %dma_start3A_221 = arith.constant 0 : i32
          %dma_start3A_222 = tpu.memref_slice %arg3[%add3A_214, %dma_start3A_221] : memref<320000x128xf32, #tpu.memory_space<hbm>> -> memref<64x128xf32, #tpu.memory_space<hbm>>
          tpu.enqueue_dma source(%dma_start3A_222 : memref<64x128xf32, #tpu.memory_space<hbm>>) target(%arg17 : memref<64x128xf32, #tpu.memory_space<vmem>>) target_semaphore(%arg29 : memref<!tpu.dma_semaphore, #tpu.memory_space<semaphore_mem>>)
        } else {
        }
        %dma_wait3A_154 = arith.constant 0 : i32
        %dma_wait3A_155 = arith.constant 0 : i32
        %dma_wait3A_156 = tpu.memref_slice %arg6[%dma_wait3A_154, %dma_wait3A_155] : memref<320000x16xf32, #tpu.memory_space<hbm>> -> memref<64x16xf32, #tpu.memory_space<hbm>>
        %dma_wait3A_157 = arith.constant 0 : i32
        %dma_wait3A_158 = arith.constant 0 : i32
        %dma_wait3A_159 = tpu.memref_slice %arg6[%dma_wait3A_157, %dma_wait3A_158] : memref<320000x16xf32, #tpu.memory_space<hbm>> -> memref<64x16xf32, #tpu.memory_space<hbm>>
        tpu.wait_dma2 semaphore(%arg28 : memref<!tpu.dma_semaphore, #tpu.memory_space<semaphore_mem>>) src(%dma_wait3A_159 : memref<64x16xf32, #tpu.memory_space<hbm>>) dst(%arg10 : memref<64x16xf32, #tpu.memory_space<vmem>>)
        %dma_wait3A_160 = arith.constant 0 : i32
        %dma_wait3A_161 = arith.constant 0 : i32
        %dma_wait3A_162 = tpu.memref_slice %arg3[%dma_wait3A_160, %dma_wait3A_161] : memref<320000x128xf32, #tpu.memory_space<hbm>> -> memref<64x128xf32, #tpu.memory_space<hbm>>
        %dma_wait3A_163 = arith.constant 0 : i32
        %dma_wait3A_164 = arith.constant 0 : i32
        %dma_wait3A_165 = tpu.memref_slice %arg3[%dma_wait3A_163, %dma_wait3A_164] : memref<320000x128xf32, #tpu.memory_space<hbm>> -> memref<64x128xf32, #tpu.memory_space<hbm>>
        tpu.wait_dma2 semaphore(%arg28 : memref<!tpu.dma_semaphore, #tpu.memory_space<semaphore_mem>>) src(%dma_wait3A_165 : memref<64x128xf32, #tpu.memory_space<hbm>>) dst(%arg12 : memref<64x128xf32, #tpu.memory_space<vmem>>)
        %scan3A_166 = arith.constant 0 : i32
        %scan3A_167 = arith.constant 0 : i32
        %scan3A_168 = arith.constant 64 : i32
        %scan3A_169 = arith.addi %scan3A_167, %scan3A_168 : i32
        %scan3A_170 = arith.constant 1 : i32
        %scan3A_171 = scf.for %scan3A_186 = %scan3A_167 to %scan3A_169 step %scan3A_170 iter_args(%scan3A_187 = %scan3A_166) -> (i32)  : i32 {
          %get3A = arith.index_cast %scan3A_186 : i32 to index
          %get3A_188 = arith.constant 0 : index
          %get3A_189 = tpu.vector_load %arg10[%get3A, %get3A_188] {strides = array<i32>} : memref<64x16xf32, #tpu.memory_space<vmem>>, vector<1x16xf32>,
          %get3A_190 = vector.shape_cast %get3A_189 : vector<1x16xf32> to vector<16xf32>
          %get3A_191 = arith.index_cast %scan3A_186 : i32 to index
          %get3A_192 = arith.constant 0 : index
          %get3A_193 = tpu.vector_load %arg11[%get3A_191, %get3A_192] {strides = array<i32>} : memref<64x128xf32, #tpu.memory_space<vmem>>, vector<1x16xf32>,
          %get3A_194 = vector.shape_cast %get3A_193 : vector<1x16xf32> to vector<16xf32>
          %get3A_195 = arith.index_cast %scan3A_186 : i32 to index
          %get3A_196 = arith.constant 0 : index
          %get3A_197 = tpu.vector_load %arg12[%get3A_195, %get3A_196] {strides = array<i32>} : memref<64x128xf32, #tpu.memory_space<vmem>>, vector<1x16xf32>,
          %get3A_198 = vector.shape_cast %get3A_197 : vector<1x16xf32> to vector<16xf32>
          %add3A_199 = arith.addf %get3A_194, %get3A_198 : vector<16xf32>
          %max3A = arith.constant 0.000000e+00 : f32
          %max3A_200 = vector.broadcast %max3A : f32 to vector<16xf32>
          %max3A_201 = arith.maximumf %add3A_199, %max3A_200 : vector<16xf32>
          %mul3A_202 = arith.mulf %max3A_201, %get3A_190 : vector<16xf32>
          %swap3A = arith.index_cast %scan3A_186 : i32 to index
          %swap3A_203 = arith.constant 0 : index
          %swap3A_204 = tpu.vector_load %arg12[%swap3A, %swap3A_203] {strides = array<i32>} : memref<64x128xf32, #tpu.memory_space<vmem>>, vector<1x16xf32>,
          %swap3A_205 = vector.shape_cast %swap3A_204 : vector<1x16xf32> to vector<16xf32>
          %swap3A_206 = vector.shape_cast %mul3A_202 : vector<16xf32> to vector<1x16xf32>
          tpu.vector_store %arg12[%swap3A, %swap3A_203], %swap3A_206 {strides = array<i32>} : memref<64x128xf32, #tpu.memory_space<vmem>>, vector<1x16xf32>,
          %get3A_207 = arith.index_cast %scan3A_186 : i32 to index
          %get3A_208 = arith.constant 16 : index
          %get3A_209 = tpu.vector_load %arg11[%get3A_207, %get3A_208] {strides = array<i32>} : memref<64x128xf32, #tpu.memory_space<vmem>>, vector<1x16xf32>,
          %get3A_210 = vector.shape_cast %get3A_209 : vector<1x16xf32> to vector<16xf32>
          %get3A_211 = arith.index_cast %scan3A_186 : i32 to index
          %get3A_212 = arith.constant 16 : index
          %get3A_213 = tpu.vector_load %arg12[%get3A_211, %get3A_212] {strides = array<i32>} : memref<64x128xf32, #tpu.memory_space<vmem>>, vector<1x16xf32>,
          %get3A_214 = vector.shape_cast %get3A_213 : vector<1x16xf32> to vector<16xf32>
          %add3A_215 = arith.addf %get3A_210, %get3A_214 : vector<16xf32>
          %max3A_216 = arith.constant 0.000000e+00 : f32
          %max3A_217 = vector.broadcast %max3A_216 : f32 to vector<16xf32>
          %max3A_218 = arith.maximumf %add3A_215, %max3A_217 : vector<16xf32>
          %mul3A_219 = arith.mulf %max3A_218, %get3A_190 : vector<16xf32>
          %swap3A_220 = arith.index_cast %scan3A_186 : i32 to index
          %swap3A_221 = arith.constant 16 : index
          %swap3A_222 = tpu.vector_load %arg12[%swap3A_220, %swap3A_221] {strides = array<i32>} : memref<64x128xf32, #tpu.memory_space<vmem>>, vector<1x16xf32>,
          %swap3A_223 = vector.shape_cast %swap3A_222 : vector<1x16xf32> to vector<16xf32>
          %swap3A_224 = vector.shape_cast %mul3A_219 : vector<16xf32> to vector<1x16xf32>
          tpu.vector_store %arg12[%swap3A_220, %swap3A_221], %swap3A_224 {strides = array<i32>} : memref<64x128xf32, #tpu.memory_space<vmem>>, vector<1x16xf32>,
          %get3A_225 = arith.index_cast %scan3A_186 : i32 to index
          %get3A_226 = arith.constant 32 : index
          %get3A_227 = tpu.vector_load %arg11[%get3A_225, %get3A_226] {strides = array<i32>} : memref<64x128xf32, #tpu.memory_space<vmem>>, vector<1x16xf32>,
          %get3A_228 = vector.shape_cast %get3A_227 : vector<1x16xf32> to vector<16xf32>
          %get3A_229 = arith.index_cast %scan3A_186 : i32 to index
          %get3A_230 = arith.constant 32 : index
          %get3A_231 = tpu.vector_load %arg12[%get3A_229, %get3A_230] {strides = array<i32>} : memref<64x128xf32, #tpu.memory_space<vmem>>, vector<1x16xf32>,
          %get3A_232 = vector.shape_cast %get3A_231 : vector<1x16xf32> to vector<16xf32>
          %add3A_233 = arith.addf %get3A_228, %get3A_232 : vector<16xf32>
          %max3A_234 = arith.constant 0.000000e+00 : f32
          %max3A_235 = vector.broadcast %max3A_234 : f32 to vector<16xf32>
          %max3A_236 = arith.maximumf %add3A_233, %max3A_235 : vector<16xf32>
          %mul3A_237 = arith.mulf %max3A_236, %get3A_190 : vector<16xf32>
          %swap3A_238 = arith.index_cast %scan3A_186 : i32 to index
          %swap3A_239 = arith.constant 32 : index
          %swap3A_240 = tpu.vector_load %arg12[%swap3A_238, %swap3A_239] {strides = array<i32>} : memref<64x128xf32, #tpu.memory_space<vmem>>, vector<1x16xf32>,
          %swap3A_241 = vector.shape_cast %swap3A_240 : vector<1x16xf32> to vector<16xf32>
          %swap3A_242 = vector.shape_cast %mul3A_237 : vector<16xf32> to vector<1x16xf32>
          tpu.vector_store %arg12[%swap3A_238, %swap3A_239], %swap3A_242 {strides = array<i32>} : memref<64x128xf32, #tpu.memory_space<vmem>>, vector<1x16xf32>,
          %get3A_243 = arith.index_cast %scan3A_186 : i32 to index
          %get3A_244 = arith.constant 48 : index
          %get3A_245 = tpu.vector_load %arg11[%get3A_243, %get3A_244] {strides = array<i32>} : memref<64x128xf32, #tpu.memory_space<vmem>>, vector<1x16xf32>,
          %get3A_246 = vector.shape_cast %get3A_245 : vector<1x16xf32> to vector<16xf32>
          %get3A_247 = arith.index_cast %scan3A_186 : i32 to index
          %get3A_248 = arith.constant 48 : index
          %get3A_249 = tpu.vector_load %arg12[%get3A_247, %get3A_248] {strides = array<i32>} : memref<64x128xf32, #tpu.memory_space<vmem>>, vector<1x16xf32>,
          %get3A_250 = vector.shape_cast %get3A_249 : vector<1x16xf32> to vector<16xf32>
          %add3A_251 = arith.addf %get3A_246, %get3A_250 : vector<16xf32>
          %max3A_252 = arith.constant 0.000000e+00 : f32
          %max3A_253 = vector.broadcast %max3A_252 : f32 to vector<16xf32>
          %max3A_254 = arith.maximumf %add3A_251, %max3A_253 : vector<16xf32>
          %mul3A_255 = arith.mulf %max3A_254, %get3A_190 : vector<16xf32>
          %swap3A_256 = arith.index_cast %scan3A_186 : i32 to index
          %swap3A_257 = arith.constant 48 : index
          %swap3A_258 = tpu.vector_load %arg12[%swap3A_256, %swap3A_257] {strides = array<i32>} : memref<64x128xf32, #tpu.memory_space<vmem>>, vector<1x16xf32>,
          %swap3A_259 = vector.shape_cast %swap3A_258 : vector<1x16xf32> to vector<16xf32>
          %swap3A_260 = vector.shape_cast %mul3A_255 : vector<16xf32> to vector<1x16xf32>
          tpu.vector_store %arg12[%swap3A_256, %swap3A_257], %swap3A_260 {strides = array<i32>} : memref<64x128xf32, #tpu.memory_space<vmem>>, vector<1x16xf32>,
          %get3A_261 = arith.index_cast %scan3A_186 : i32 to index
          %get3A_262 = arith.constant 64 : index
          %get3A_263 = tpu.vector_load %arg11[%get3A_261, %get3A_262] {strides = array<i32>} : memref<64x128xf32, #tpu.memory_space<vmem>>, vector<1x16xf32>,
          %get3A_264 = vector.shape_cast %get3A_263 : vector<1x16xf32> to vector<16xf32>
          %get3A_265 = arith.index_cast %scan3A_186 : i32 to index
          %get3A_266 = arith.constant 64 : index
          %get3A_267 = tpu.vector_load %arg12[%get3A_265, %get3A_266] {strides = array<i32>} : memref<64x128xf32, #tpu.memory_space<vmem>>, vector<1x16xf32>,
          %get3A_268 = vector.shape_cast %get3A_267 : vector<1x16xf32> to vector<16xf32>
          %add3A_269 = arith.addf %get3A_264, %get3A_268 : vector<16xf32>
          %max3A_270 = arith.constant 0.000000e+00 : f32
          %max3A_271 = vector.broadcast %max3A_270 : f32 to vector<16xf32>
          %max3A_272 = arith.maximumf %add3A_269, %max3A_271 : vector<16xf32>
          %mul3A_273 = arith.mulf %max3A_272, %get3A_190 : vector<16xf32>
          %swap3A_274 = arith.index_cast %scan3A_186 : i32 to index
          %swap3A_275 = arith.constant 64 : index
          %swap3A_276 = tpu.vector_load %arg12[%swap3A_274, %swap3A_275] {strides = array<i32>} : memref<64x128xf32, #tpu.memory_space<vmem>>, vector<1x16xf32>,
          %swap3A_277 = vector.shape_cast %swap3A_276 : vector<1x16xf32> to vector<16xf32>
          %swap3A_278 = vector.shape_cast %mul3A_273 : vector<16xf32> to vector<1x16xf32>
          tpu.vector_store %arg12[%swap3A_274, %swap3A_275], %swap3A_278 {strides = array<i32>} : memref<64x128xf32, #tpu.memory_space<vmem>>, vector<1x16xf32>,
          %get3A_279 = arith.index_cast %scan3A_186 : i32 to index
          %get3A_280 = arith.constant 80 : index
          %get3A_281 = tpu.vector_load %arg11[%get3A_279, %get3A_280] {strides = array<i32>} : memref<64x128xf32, #tpu.memory_space<vmem>>, vector<1x16xf32>,
          %get3A_282 = vector.shape_cast %get3A_281 : vector<1x16xf32> to vector<16xf32>
          %get3A_283 = arith.index_cast %scan3A_186 : i32 to index
          %get3A_284 = arith.constant 80 : index
          %get3A_285 = tpu.vector_load %arg12[%get3A_283, %get3A_284] {strides = array<i32>} : memref<64x128xf32, #tpu.memory_space<vmem>>, vector<1x16xf32>,
          %get3A_286 = vector.shape_cast %get3A_285 : vector<1x16xf32> to vector<16xf32>
          %add3A_287 = arith.addf %get3A_282, %get3A_286 : vector<16xf32>
          %max3A_288 = arith.constant 0.000000e+00 : f32
          %max3A_289 = vector.broadcast %max3A_288 : f32 to vector<16xf32>
          %max3A_290 = arith.maximumf %add3A_287, %max3A_289 : vector<16xf32>
          %mul3A_291 = arith.mulf %max3A_290, %get3A_190 : vector<16xf32>
          %swap3A_292 = arith.index_cast %scan3A_186 : i32 to index
          %swap3A_293 = arith.constant 80 : index
          %swap3A_294 = tpu.vector_load %arg12[%swap3A_292, %swap3A_293] {strides = array<i32>} : memref<64x128xf32, #tpu.memory_space<vmem>>, vector<1x16xf32>,
          %swap3A_295 = vector.shape_cast %swap3A_294 : vector<1x16xf32> to vector<16xf32>
          %swap3A_296 = vector.shape_cast %mul3A_291 : vector<16xf32> to vector<1x16xf32>
          tpu.vector_store %arg12[%swap3A_292, %swap3A_293], %swap3A_296 {strides = array<i32>} : memref<64x128xf32, #tpu.memory_space<vmem>>, vector<1x16xf32>,
          %get3A_297 = arith.index_cast %scan3A_186 : i32 to index
          %get3A_298 = arith.constant 96 : index
          %get3A_299 = tpu.vector_load %arg11[%get3A_297, %get3A_298] {strides = array<i32>} : memref<64x128xf32, #tpu.memory_space<vmem>>, vector<1x16xf32>,
          %get3A_300 = vector.shape_cast %get3A_299 : vector<1x16xf32> to vector<16xf32>
          %get3A_301 = arith.index_cast %scan3A_186 : i32 to index
          %get3A_302 = arith.constant 96 : index
          %get3A_303 = tpu.vector_load %arg12[%get3A_301, %get3A_302] {strides = array<i32>} : memref<64x128xf32, #tpu.memory_space<vmem>>, vector<1x16xf32>,
          %get3A_304 = vector.shape_cast %get3A_303 : vector<1x16xf32> to vector<16xf32>
          %add3A_305 = arith.addf %get3A_300, %get3A_304 : vector<16xf32>
          %max3A_306 = arith.constant 0.000000e+00 : f32
          %max3A_307 = vector.broadcast %max3A_306 : f32 to vector<16xf32>
          %max3A_308 = arith.maximumf %add3A_305, %max3A_307 : vector<16xf32>
          %mul3A_309 = arith.mulf %max3A_308, %get3A_190 : vector<16xf32>
          %swap3A_310 = arith.index_cast %scan3A_186 : i32 to index
          %swap3A_311 = arith.constant 96 : index
          %swap3A_312 = tpu.vector_load %arg12[%swap3A_310, %swap3A_311] {strides = array<i32>} : memref<64x128xf32, #tpu.memory_space<vmem>>, vector<1x16xf32>,
          %swap3A_313 = vector.shape_cast %swap3A_312 : vector<1x16xf32> to vector<16xf32>
          %swap3A_314 = vector.shape_cast %mul3A_309 : vector<16xf32> to vector<1x16xf32>
          tpu.vector_store %arg12[%swap3A_310, %swap3A_311], %swap3A_314 {strides = array<i32>} : memref<64x128xf32, #tpu.memory_space<vmem>>, vector<1x16xf32>,
          %get3A_315 = arith.index_cast %scan3A_186 : i32 to index
          %get3A_316 = arith.constant 112 : index
          %get3A_317 = tpu.vector_load %arg11[%get3A_315, %get3A_316] {strides = array<i32>} : memref<64x128xf32, #tpu.memory_space<vmem>>, vector<1x16xf32>,
          %get3A_318 = vector.shape_cast %get3A_317 : vector<1x16xf32> to vector<16xf32>
          %get3A_319 = arith.index_cast %scan3A_186 : i32 to index
          %get3A_320 = arith.constant 112 : index
          %get3A_321 = tpu.vector_load %arg12[%get3A_319, %get3A_320] {strides = array<i32>} : memref<64x128xf32, #tpu.memory_space<vmem>>, vector<1x16xf32>,
          %get3A_322 = vector.shape_cast %get3A_321 : vector<1x16xf32> to vector<16xf32>
          %add3A_323 = arith.addf %get3A_318, %get3A_322 : vector<16xf32>
          %max3A_324 = arith.constant 0.000000e+00 : f32
          %max3A_325 = vector.broadcast %max3A_324 : f32 to vector<16xf32>
          %max3A_326 = arith.maximumf %add3A_323, %max3A_325 : vector<16xf32>
          %mul3A_327 = arith.mulf %max3A_326, %get3A_190 : vector<16xf32>
          %swap3A_328 = arith.index_cast %scan3A_186 : i32 to index
          %swap3A_329 = arith.constant 112 : index
          %swap3A_330 = tpu.vector_load %arg12[%swap3A_328, %swap3A_329] {strides = array<i32>} : memref<64x128xf32, #tpu.memory_space<vmem>>, vector<1x16xf32>,
          %swap3A_331 = vector.shape_cast %swap3A_330 : vector<1x16xf32> to vector<16xf32>
          %swap3A_332 = vector.shape_cast %mul3A_327 : vector<16xf32> to vector<1x16xf32>
          tpu.vector_store %arg12[%swap3A_328, %swap3A_329], %swap3A_332 {strides = array<i32>} : memref<64x128xf32, #tpu.memory_space<vmem>>, vector<1x16xf32>,
          %scan3A_333 = arith.constant 0 : i32
          scf.yield %scan3A_333 : i32
        }
        %scan3A_172 = arith.constant 64 : i32
        %dma_wait3A_173 = arith.constant 0 : i32
        %dma_wait3A_174 = tpu.memref_slice %arg5[%dma_wait3A_173] : memref<320000xi32, #tpu.memory_space<hbm>> -> memref<64xi32, #tpu.memory_space<hbm>>
        %dma_wait3A_175 = arith.constant 0 : i32
        %dma_wait3A_176 = tpu.memref_slice %arg5[%dma_wait3A_175] : memref<320000xi32, #tpu.memory_space<hbm>> -> memref<64xi32, #tpu.memory_space<hbm>>
        tpu.wait_dma2 semaphore(%arg24 : memref<!tpu.dma_semaphore, #tpu.memory_space<semaphore_mem>>) src(%dma_wait3A_176 : memref<64xi32, #tpu.memory_space<hbm>>) dst(%arg9 : memref<64xi32, #tpu.memory_space<vmem>>)
        %dma_start3A_177 = arith.constant 0 : i32
        %dma_start3A_178 = arith.constant 0 : i32
        %dma_start3A_179 = tpu.memref_slice %arg19[%dma_start3A_177, %dma_start3A_178] : memref<10000x128xf32, #tpu.memory_space<vmem_shared>> -> memref<10000x128xf32, #tpu.memory_space<vmem_shared>>
        tpu.enqueue_indirect_dma source(%arg12 : memref<64x128xf32, #tpu.memory_space<vmem>>) target(%dma_start3A_179 : memref<10000x128xf32, #tpu.memory_space<vmem_shared>>) offsets(%arg9 : memref<64xi32, #tpu.memory_space<vmem>>) semaphore(%arg26 : memref<!tpu.dma_semaphore, #tpu.memory_space<semaphore_mem>>) {add = true}
        %add3A_180 = arith.constant 2 : i32
        %add3A_181 = arith.addi %add3A_132, %add3A_180 : i32
        %lt3A_182 = arith.cmpi slt, %add3A_181, %select_n3A : i32
        %convert_element_type3A_183 = arith.extui %lt3A_182 : i1 to i32
        %cond3A_184 = arith.constant 0 : i32
        %cond3A_185 = arith.cmpi ne, %convert_element_type3A_183, %cond3A_184 : i32
        scf.if %cond3A_185 {
          %add3A_186 = arith.constant 2 : i32
          %add3A_187 = arith.addi %add3A_132, %add3A_186 : i32
          %mul3A_188 = arith.constant 16 : i32
          %mul3A_189 = arith.muli %add3A_187, %mul3A_188 : i32
          %add3A_190 = arith.addi %arg1, %mul3A_189 : i32
          %mul3A_191 = arith.constant 64 : i32
          %mul3A_192 = arith.muli %add3A_190, %mul3A_191 : i32
          %add3A_193 = arith.addi %mul3A_38, %mul3A_192 : i32
          %dma_start3A_194 = tpu.memref_slice %arg4[%add3A_193] : memref<320000xi32, #tpu.memory_space<hbm>> -> memref<64xi32, #tpu.memory_space<hbm>>
          %dma_start3A_195 = tpu.memref_slice %arg4[%add3A_193] : memref<320000xi32, #tpu.memory_space<hbm>> -> memref<64xi32, #tpu.memory_space<hbm>>
          tpu.enqueue_dma source(%dma_start3A_195 : memref<64xi32, #tpu.memory_space<hbm>>) target(%arg8 : memref<64xi32, #tpu.memory_space<vmem>>) target_semaphore(%arg20 : memref<!tpu.dma_semaphore, #tpu.memory_space<semaphore_mem>>)
        } else {
        }
      } else {
      }
      %mul3A_136 = arith.constant 2 : i32
      %mul3A_137 = arith.muli %while3A_127, %mul3A_136 : i32
      %add3A_138 = arith.constant 1 : i32
      %add3A_139 = arith.addi %mul3A_137, %add3A_138 : i32
      %lt3A_140 = arith.cmpi slt, %add3A_139, %select_n3A : i32
      %convert_element_type3A_141 = arith.extui %lt3A_140 : i1 to i32
      %cond3A_142 = arith.constant 0 : i32
      %cond3A_143 = arith.cmpi ne, %convert_element_type3A_141, %cond3A_142 : i32
      scf.if %cond3A_143 {
        %dma_wait3A_145 = arith.constant 0 : i32
        %dma_wait3A_146 = arith.constant 0 : i32
        %dma_wait3A_147 = tpu.memref_slice %arg2[%dma_wait3A_145, %dma_wait3A_146] : memref<10000x128xf32, #tpu.memory_space<hbm>> -> memref<10000x128xf32, #tpu.memory_space<hbm>>
        tpu.wait_indirect_dma semaphore(%arg23 : memref<!tpu.dma_semaphore, #tpu.memory_space<semaphore_mem>>) src(%dma_wait3A_147 : memref<10000x128xf32, #tpu.memory_space<hbm>>) dst(%arg16 : memref<64x128xf32, #tpu.memory_space<vmem>>)
        %add3A_148 = arith.constant 1 : i32
        %add3A_149 = arith.addi %add3A_139, %add3A_148 : i32
        %lt3A_150 = arith.cmpi slt, %add3A_149, %select_n3A : i32
        %convert_element_type3A_151 = arith.extui %lt3A_150 : i1 to i32
        %cond3A_152 = arith.constant 0 : i32
        %cond3A_153 = arith.cmpi ne, %convert_element_type3A_151, %cond3A_152 : i32
        scf.if %cond3A_153 {
          %dma_wait3A_186 = arith.constant 0 : i32
          %dma_wait3A_187 = tpu.memref_slice %arg4[%dma_wait3A_186] : memref<320000xi32, #tpu.memory_space<hbm>> -> memref<64xi32, #tpu.memory_space<hbm>>
          %dma_wait3A_188 = arith.constant 0 : i32
          %dma_wait3A_189 = tpu.memref_slice %arg4[%dma_wait3A_188] : memref<320000xi32, #tpu.memory_space<hbm>> -> memref<64xi32, #tpu.memory_space<hbm>>
          tpu.wait_dma2 semaphore(%arg20 : memref<!tpu.dma_semaphore, #tpu.memory_space<semaphore_mem>>) src(%dma_wait3A_189 : memref<64xi32, #tpu.memory_space<hbm>>) dst(%arg8 : memref<64xi32, #tpu.memory_space<vmem>>)
          %dma_start3A_190 = arith.constant 0 : i32
          %dma_start3A_191 = arith.constant 0 : i32
          %dma_start3A_192 = tpu.memref_slice %arg2[%dma_start3A_190, %dma_start3A_191] : memref<10000x128xf32, #tpu.memory_space<hbm>> -> memref<10000x128xf32, #tpu.memory_space<hbm>>
          tpu.enqueue_indirect_dma source(%dma_start3A_192 : memref<10000x128xf32, #tpu.memory_space<hbm>>) target(%arg11 : memref<64x128xf32, #tpu.memory_space<vmem>>) offsets(%arg8 : memref<64xi32, #tpu.memory_space<vmem>>) semaphore(%arg22 : memref<!tpu.dma_semaphore, #tpu.memory_space<semaphore_mem>>)
          %ge3A = arith.constant 1 : i32
          %ge3A_193 = arith.cmpi sge, %add3A_139, %ge3A : i32
          %convert_element_type3A_194 = arith.extui %ge3A_193 : i1 to i32
          %cond3A_195 = arith.constant 0 : i32
          %cond3A_196 = arith.cmpi ne, %convert_element_type3A_194, %cond3A_195 : i32
          scf.if %cond3A_196 {
            %dma_wait3A_223 = arith.constant 0 : i32
            %dma_wait3A_224 = arith.constant 0 : i32
            %dma_wait3A_225 = tpu.memref_slice %arg19[%dma_wait3A_223, %dma_wait3A_224] : memref<10000x128xf32, #tpu.memory_space<vmem_shared>> -> memref<10000x128xf32, #tpu.memory_space<vmem_shared>>
            tpu.wait_indirect_dma semaphore(%arg26 : memref<!tpu.dma_semaphore, #tpu.memory_space<semaphore_mem>>) src(%arg12 : memref<64x128xf32, #tpu.memory_space<vmem>>) dst(%dma_wait3A_225 : memref<10000x128xf32, #tpu.memory_space<vmem_shared>>)
          } else {
          }
          %add3A_197 = arith.constant 1 : i32
          %add3A_198 = arith.addi %add3A_139, %add3A_197 : i32
          %mul3A_199 = arith.constant 16 : i32
          %mul3A_200 = arith.muli %add3A_198, %mul3A_199 : i32
          %add3A_201 = arith.addi %arg1, %mul3A_200 : i32
          %mul3A_202 = arith.constant 64 : i32
          %mul3A_203 = arith.muli %add3A_201, %mul3A_202 : i32
          %add3A_204 = arith.addi %mul3A_38, %mul3A_203 : i32
          %dma_start3A_205 = tpu.memref_slice %arg5[%add3A_204] : memref<320000xi32, #tpu.memory_space<hbm>> -> memref<64xi32, #tpu.memory_space<hbm>>
          %dma_start3A_206 = tpu.memref_slice %arg5[%add3A_204] : memref<320000xi32, #tpu.memory_space<hbm>> -> memref<64xi32, #tpu.memory_space<hbm>>
          tpu.enqueue_dma source(%dma_start3A_206 : memref<64xi32, #tpu.memory_space<hbm>>) target(%arg9 : memref<64xi32, #tpu.memory_space<vmem>>) target_semaphore(%arg24 : memref<!tpu.dma_semaphore, #tpu.memory_space<semaphore_mem>>)
          %add3A_207 = arith.constant 1 : i32
          %add3A_208 = arith.addi %add3A_139, %add3A_207 : i32
          %mul3A_209 = arith.constant 16 : i32
          %mul3A_210 = arith.muli %add3A_208, %mul3A_209 : i32
          %add3A_211 = arith.addi %arg1, %mul3A_210 : i32
          %mul3A_212 = arith.constant 64 : i32
          %mul3A_213 = arith.muli %add3A_211, %mul3A_212 : i32
          %add3A_214 = arith.addi %mul3A_38, %mul3A_213 : i32
          %dma_start3A_215 = arith.constant 0 : i32
          %dma_start3A_216 = tpu.memref_slice %arg6[%add3A_214, %dma_start3A_215] : memref<320000x16xf32, #tpu.memory_space<hbm>> -> memref<64x16xf32, #tpu.memory_space<hbm>>
          %dma_start3A_217 = arith.constant 0 : i32
          %dma_start3A_218 = tpu.memref_slice %arg6[%add3A_214, %dma_start3A_217] : memref<320000x16xf32, #tpu.memory_space<hbm>> -> memref<64x16xf32, #tpu.memory_space<hbm>>
          tpu.enqueue_dma source(%dma_start3A_218 : memref<64x16xf32, #tpu.memory_space<hbm>>) target(%arg10 : memref<64x16xf32, #tpu.memory_space<vmem>>) target_semaphore(%arg28 : memref<!tpu.dma_semaphore, #tpu.memory_space<semaphore_mem>>)
          %dma_start3A_219 = arith.constant 0 : i32
          %dma_start3A_220 = tpu.memref_slice %arg3[%add3A_214, %dma_start3A_219] : memref<320000x128xf32, #tpu.memory_space<hbm>> -> memref<64x128xf32, #tpu.memory_space<hbm>>
          %dma_start3A_221 = arith.constant 0 : i32
          %dma_start3A_222 = tpu.memref_slice %arg3[%add3A_214, %dma_start3A_221] : memref<320000x128xf32, #tpu.memory_space<hbm>> -> memref<64x128xf32, #tpu.memory_space<hbm>>
          tpu.enqueue_dma source(%dma_start3A_222 : memref<64x128xf32, #tpu.memory_space<hbm>>) target(%arg12 : memref<64x128xf32, #tpu.memory_space<vmem>>) target_semaphore(%arg28 : memref<!tpu.dma_semaphore, #tpu.memory_space<semaphore_mem>>)
        } else {
        }
        %dma_wait3A_154 = arith.constant 0 : i32
        %dma_wait3A_155 = arith.constant 0 : i32
        %dma_wait3A_156 = tpu.memref_slice %arg6[%dma_wait3A_154, %dma_wait3A_155] : memref<320000x16xf32, #tpu.memory_space<hbm>> -> memref<64x16xf32, #tpu.memory_space<hbm>>
        %dma_wait3A_157 = arith.constant 0 : i32
        %dma_wait3A_158 = arith.constant 0 : i32
        %dma_wait3A_159 = tpu.memref_slice %arg6[%dma_wait3A_157, %dma_wait3A_158] : memref<320000x16xf32, #tpu.memory_space<hbm>> -> memref<64x16xf32, #tpu.memory_space<hbm>>
        tpu.wait_dma2 semaphore(%arg29 : memref<!tpu.dma_semaphore, #tpu.memory_space<semaphore_mem>>) src(%dma_wait3A_159 : memref<64x16xf32, #tpu.memory_space<hbm>>) dst(%arg15 : memref<64x16xf32, #tpu.memory_space<vmem>>)
        %dma_wait3A_160 = arith.constant 0 : i32
        %dma_wait3A_161 = arith.constant 0 : i32
        %dma_wait3A_162 = tpu.memref_slice %arg3[%dma_wait3A_160, %dma_wait3A_161] : memref<320000x128xf32, #tpu.memory_space<hbm>> -> memref<64x128xf32, #tpu.memory_space<hbm>>
        %dma_wait3A_163 = arith.constant 0 : i32
        %dma_wait3A_164 = arith.constant 0 : i32
        %dma_wait3A_165 = tpu.memref_slice %arg3[%dma_wait3A_163, %dma_wait3A_164] : memref<320000x128xf32, #tpu.memory_space<hbm>> -> memref<64x128xf32, #tpu.memory_space<hbm>>
        tpu.wait_dma2 semaphore(%arg29 : memref<!tpu.dma_semaphore, #tpu.memory_space<semaphore_mem>>) src(%dma_wait3A_165 : memref<64x128xf32, #tpu.memory_space<hbm>>) dst(%arg17 : memref<64x128xf32, #tpu.memory_space<vmem>>)
        %scan3A_166 = arith.constant 0 : i32
        %scan3A_167 = arith.constant 0 : i32
        %scan3A_168 = arith.constant 64 : i32
        %scan3A_169 = arith.addi %scan3A_167, %scan3A_168 : i32
        %scan3A_170 = arith.constant 1 : i32
        %scan3A_171 = scf.for %scan3A_186 = %scan3A_167 to %scan3A_169 step %scan3A_170 iter_args(%scan3A_187 = %scan3A_166) -> (i32)  : i32 {
          %get3A = arith.index_cast %scan3A_186 : i32 to index
          %get3A_188 = arith.constant 0 : index
          %get3A_189 = tpu.vector_load %arg15[%get3A, %get3A_188] {strides = array<i32>} : memref<64x16xf32, #tpu.memory_space<vmem>>, vector<1x16xf32>,
          %get3A_190 = vector.shape_cast %get3A_189 : vector<1x16xf32> to vector<16xf32>
          %get3A_191 = arith.index_cast %scan3A_186 : i32 to index
          %get3A_192 = arith.constant 0 : index
          %get3A_193 = tpu.vector_load %arg16[%get3A_191, %get3A_192] {strides = array<i32>} : memref<64x128xf32, #tpu.memory_space<vmem>>, vector<1x16xf32>,
          %get3A_194 = vector.shape_cast %get3A_193 : vector<1x16xf32> to vector<16xf32>
          %get3A_195 = arith.index_cast %scan3A_186 : i32 to index
          %get3A_196 = arith.constant 0 : index
          %get3A_197 = tpu.vector_load %arg17[%get3A_195, %get3A_196] {strides = array<i32>} : memref<64x128xf32, #tpu.memory_space<vmem>>, vector<1x16xf32>,
          %get3A_198 = vector.shape_cast %get3A_197 : vector<1x16xf32> to vector<16xf32>
          %add3A_199 = arith.addf %get3A_194, %get3A_198 : vector<16xf32>
          %max3A = arith.constant 0.000000e+00 : f32
          %max3A_200 = vector.broadcast %max3A : f32 to vector<16xf32>
          %max3A_201 = arith.maximumf %add3A_199, %max3A_200 : vector<16xf32>
          %mul3A_202 = arith.mulf %max3A_201, %get3A_190 : vector<16xf32>
          %swap3A = arith.index_cast %scan3A_186 : i32 to index
          %swap3A_203 = arith.constant 0 : index
          %swap3A_204 = tpu.vector_load %arg17[%swap3A, %swap3A_203] {strides = array<i32>} : memref<64x128xf32, #tpu.memory_space<vmem>>, vector<1x16xf32>,
          %swap3A_205 = vector.shape_cast %swap3A_204 : vector<1x16xf32> to vector<16xf32>
          %swap3A_206 = vector.shape_cast %mul3A_202 : vector<16xf32> to vector<1x16xf32>
          tpu.vector_store %arg17[%swap3A, %swap3A_203], %swap3A_206 {strides = array<i32>} : memref<64x128xf32, #tpu.memory_space<vmem>>, vector<1x16xf32>,
          %get3A_207 = arith.index_cast %scan3A_186 : i32 to index
          %get3A_208 = arith.constant 16 : index
          %get3A_209 = tpu.vector_load %arg16[%get3A_207, %get3A_208] {strides = array<i32>} : memref<64x128xf32, #tpu.memory_space<vmem>>, vector<1x16xf32>,
          %get3A_210 = vector.shape_cast %get3A_209 : vector<1x16xf32> to vector<16xf32>
          %get3A_211 = arith.index_cast %scan3A_186 : i32 to index
          %get3A_212 = arith.constant 16 : index
          %get3A_213 = tpu.vector_load %arg17[%get3A_211, %get3A_212] {strides = array<i32>} : memref<64x128xf32, #tpu.memory_space<vmem>>, vector<1x16xf32>,
          %get3A_214 = vector.shape_cast %get3A_213 : vector<1x16xf32> to vector<16xf32>
          %add3A_215 = arith.addf %get3A_210, %get3A_214 : vector<16xf32>
          %max3A_216 = arith.constant 0.000000e+00 : f32
          %max3A_217 = vector.broadcast %max3A_216 : f32 to vector<16xf32>
          %max3A_218 = arith.maximumf %add3A_215, %max3A_217 : vector<16xf32>
          %mul3A_219 = arith.mulf %max3A_218, %get3A_190 : vector<16xf32>
          %swap3A_220 = arith.index_cast %scan3A_186 : i32 to index
          %swap3A_221 = arith.constant 16 : index
          %swap3A_222 = tpu.vector_load %arg17[%swap3A_220, %swap3A_221] {strides = array<i32>} : memref<64x128xf32, #tpu.memory_space<vmem>>, vector<1x16xf32>,
          %swap3A_223 = vector.shape_cast %swap3A_222 : vector<1x16xf32> to vector<16xf32>
          %swap3A_224 = vector.shape_cast %mul3A_219 : vector<16xf32> to vector<1x16xf32>
          tpu.vector_store %arg17[%swap3A_220, %swap3A_221], %swap3A_224 {strides = array<i32>} : memref<64x128xf32, #tpu.memory_space<vmem>>, vector<1x16xf32>,
          %get3A_225 = arith.index_cast %scan3A_186 : i32 to index
          %get3A_226 = arith.constant 32 : index
          %get3A_227 = tpu.vector_load %arg16[%get3A_225, %get3A_226] {strides = array<i32>} : memref<64x128xf32, #tpu.memory_space<vmem>>, vector<1x16xf32>,
          %get3A_228 = vector.shape_cast %get3A_227 : vector<1x16xf32> to vector<16xf32>
          %get3A_229 = arith.index_cast %scan3A_186 : i32 to index
          %get3A_230 = arith.constant 32 : index
          %get3A_231 = tpu.vector_load %arg17[%get3A_229, %get3A_230] {strides = array<i32>} : memref<64x128xf32, #tpu.memory_space<vmem>>, vector<1x16xf32>,
          %get3A_232 = vector.shape_cast %get3A_231 : vector<1x16xf32> to vector<16xf32>
          %add3A_233 = arith.addf %get3A_228, %get3A_232 : vector<16xf32>
          %max3A_234 = arith.constant 0.000000e+00 : f32
          %max3A_235 = vector.broadcast %max3A_234 : f32 to vector<16xf32>
          %max3A_236 = arith.maximumf %add3A_233, %max3A_235 : vector<16xf32>
          %mul3A_237 = arith.mulf %max3A_236, %get3A_190 : vector<16xf32>
          %swap3A_238 = arith.index_cast %scan3A_186 : i32 to index
          %swap3A_239 = arith.constant 32 : index
          %swap3A_240 = tpu.vector_load %arg17[%swap3A_238, %swap3A_239] {strides = array<i32>} : memref<64x128xf32, #tpu.memory_space<vmem>>, vector<1x16xf32>,
          %swap3A_241 = vector.shape_cast %swap3A_240 : vector<1x16xf32> to vector<16xf32>
          %swap3A_242 = vector.shape_cast %mul3A_237 : vector<16xf32> to vector<1x16xf32>
          tpu.vector_store %arg17[%swap3A_238, %swap3A_239], %swap3A_242 {strides = array<i32>} : memref<64x128xf32, #tpu.memory_space<vmem>>, vector<1x16xf32>,
          %get3A_243 = arith.index_cast %scan3A_186 : i32 to index
          %get3A_244 = arith.constant 48 : index
          %get3A_245 = tpu.vector_load %arg16[%get3A_243, %get3A_244] {strides = array<i32>} : memref<64x128xf32, #tpu.memory_space<vmem>>, vector<1x16xf32>,
          %get3A_246 = vector.shape_cast %get3A_245 : vector<1x16xf32> to vector<16xf32>
          %get3A_247 = arith.index_cast %scan3A_186 : i32 to index
          %get3A_248 = arith.constant 48 : index
          %get3A_249 = tpu.vector_load %arg17[%get3A_247, %get3A_248] {strides = array<i32>} : memref<64x128xf32, #tpu.memory_space<vmem>>, vector<1x16xf32>,
          %get3A_250 = vector.shape_cast %get3A_249 : vector<1x16xf32> to vector<16xf32>
          %add3A_251 = arith.addf %get3A_246, %get3A_250 : vector<16xf32>
          %max3A_252 = arith.constant 0.000000e+00 : f32
          %max3A_253 = vector.broadcast %max3A_252 : f32 to vector<16xf32>
          %max3A_254 = arith.maximumf %add3A_251, %max3A_253 : vector<16xf32>
          %mul3A_255 = arith.mulf %max3A_254, %get3A_190 : vector<16xf32>
          %swap3A_256 = arith.index_cast %scan3A_186 : i32 to index
          %swap3A_257 = arith.constant 48 : index
          %swap3A_258 = tpu.vector_load %arg17[%swap3A_256, %swap3A_257] {strides = array<i32>} : memref<64x128xf32, #tpu.memory_space<vmem>>, vector<1x16xf32>,
          %swap3A_259 = vector.shape_cast %swap3A_258 : vector<1x16xf32> to vector<16xf32>
          %swap3A_260 = vector.shape_cast %mul3A_255 : vector<16xf32> to vector<1x16xf32>
          tpu.vector_store %arg17[%swap3A_256, %swap3A_257], %swap3A_260 {strides = array<i32>} : memref<64x128xf32, #tpu.memory_space<vmem>>, vector<1x16xf32>,
          %get3A_261 = arith.index_cast %scan3A_186 : i32 to index
          %get3A_262 = arith.constant 64 : index
          %get3A_263 = tpu.vector_load %arg16[%get3A_261, %get3A_262] {strides = array<i32>} : memref<64x128xf32, #tpu.memory_space<vmem>>, vector<1x16xf32>,
          %get3A_264 = vector.shape_cast %get3A_263 : vector<1x16xf32> to vector<16xf32>
          %get3A_265 = arith.index_cast %scan3A_186 : i32 to index
          %get3A_266 = arith.constant 64 : index
          %get3A_267 = tpu.vector_load %arg17[%get3A_265, %get3A_266] {strides = array<i32>} : memref<64x128xf32, #tpu.memory_space<vmem>>, vector<1x16xf32>,
          %get3A_268 = vector.shape_cast %get3A_267 : vector<1x16xf32> to vector<16xf32>
          %add3A_269 = arith.addf %get3A_264, %get3A_268 : vector<16xf32>
          %max3A_270 = arith.constant 0.000000e+00 : f32
          %max3A_271 = vector.broadcast %max3A_270 : f32 to vector<16xf32>
          %max3A_272 = arith.maximumf %add3A_269, %max3A_271 : vector<16xf32>
          %mul3A_273 = arith.mulf %max3A_272, %get3A_190 : vector<16xf32>
          %swap3A_274 = arith.index_cast %scan3A_186 : i32 to index
          %swap3A_275 = arith.constant 64 : index
          %swap3A_276 = tpu.vector_load %arg17[%swap3A_274, %swap3A_275] {strides = array<i32>} : memref<64x128xf32, #tpu.memory_space<vmem>>, vector<1x16xf32>,
          %swap3A_277 = vector.shape_cast %swap3A_276 : vector<1x16xf32> to vector<16xf32>
          %swap3A_278 = vector.shape_cast %mul3A_273 : vector<16xf32> to vector<1x16xf32>
          tpu.vector_store %arg17[%swap3A_274, %swap3A_275], %swap3A_278 {strides = array<i32>} : memref<64x128xf32, #tpu.memory_space<vmem>>, vector<1x16xf32>,
          %get3A_279 = arith.index_cast %scan3A_186 : i32 to index
          %get3A_280 = arith.constant 80 : index
          %get3A_281 = tpu.vector_load %arg16[%get3A_279, %get3A_280] {strides = array<i32>} : memref<64x128xf32, #tpu.memory_space<vmem>>, vector<1x16xf32>,
          %get3A_282 = vector.shape_cast %get3A_281 : vector<1x16xf32> to vector<16xf32>
          %get3A_283 = arith.index_cast %scan3A_186 : i32 to index
          %get3A_284 = arith.constant 80 : index
          %get3A_285 = tpu.vector_load %arg17[%get3A_283, %get3A_284] {strides = array<i32>} : memref<64x128xf32, #tpu.memory_space<vmem>>, vector<1x16xf32>,
          %get3A_286 = vector.shape_cast %get3A_285 : vector<1x16xf32> to vector<16xf32>
          %add3A_287 = arith.addf %get3A_282, %get3A_286 : vector<16xf32>
          %max3A_288 = arith.constant 0.000000e+00 : f32
          %max3A_289 = vector.broadcast %max3A_288 : f32 to vector<16xf32>
          %max3A_290 = arith.maximumf %add3A_287, %max3A_289 : vector<16xf32>
          %mul3A_291 = arith.mulf %max3A_290, %get3A_190 : vector<16xf32>
          %swap3A_292 = arith.index_cast %scan3A_186 : i32 to index
          %swap3A_293 = arith.constant 80 : index
          %swap3A_294 = tpu.vector_load %arg17[%swap3A_292, %swap3A_293] {strides = array<i32>} : memref<64x128xf32, #tpu.memory_space<vmem>>, vector<1x16xf32>,
          %swap3A_295 = vector.shape_cast %swap3A_294 : vector<1x16xf32> to vector<16xf32>
          %swap3A_296 = vector.shape_cast %mul3A_291 : vector<16xf32> to vector<1x16xf32>
          tpu.vector_store %arg17[%swap3A_292, %swap3A_293], %swap3A_296 {strides = array<i32>} : memref<64x128xf32, #tpu.memory_space<vmem>>, vector<1x16xf32>,
          %get3A_297 = arith.index_cast %scan3A_186 : i32 to index
          %get3A_298 = arith.constant 96 : index
          %get3A_299 = tpu.vector_load %arg16[%get3A_297, %get3A_298] {strides = array<i32>} : memref<64x128xf32, #tpu.memory_space<vmem>>, vector<1x16xf32>,
          %get3A_300 = vector.shape_cast %get3A_299 : vector<1x16xf32> to vector<16xf32>
          %get3A_301 = arith.index_cast %scan3A_186 : i32 to index
          %get3A_302 = arith.constant 96 : index
          %get3A_303 = tpu.vector_load %arg17[%get3A_301, %get3A_302] {strides = array<i32>} : memref<64x128xf32, #tpu.memory_space<vmem>>, vector<1x16xf32>,
          %get3A_304 = vector.shape_cast %get3A_303 : vector<1x16xf32> to vector<16xf32>
          %add3A_305 = arith.addf %get3A_300, %get3A_304 : vector<16xf32>
          %max3A_306 = arith.constant 0.000000e+00 : f32
          %max3A_307 = vector.broadcast %max3A_306 : f32 to vector<16xf32>
          %max3A_308 = arith.maximumf %add3A_305, %max3A_307 : vector<16xf32>
          %mul3A_309 = arith.mulf %max3A_308, %get3A_190 : vector<16xf32>
          %swap3A_310 = arith.index_cast %scan3A_186 : i32 to index
          %swap3A_311 = arith.constant 96 : index
          %swap3A_312 = tpu.vector_load %arg17[%swap3A_310, %swap3A_311] {strides = array<i32>} : memref<64x128xf32, #tpu.memory_space<vmem>>, vector<1x16xf32>,
          %swap3A_313 = vector.shape_cast %swap3A_312 : vector<1x16xf32> to vector<16xf32>
          %swap3A_314 = vector.shape_cast %mul3A_309 : vector<16xf32> to vector<1x16xf32>
          tpu.vector_store %arg17[%swap3A_310, %swap3A_311], %swap3A_314 {strides = array<i32>} : memref<64x128xf32, #tpu.memory_space<vmem>>, vector<1x16xf32>,
          %get3A_315 = arith.index_cast %scan3A_186 : i32 to index
          %get3A_316 = arith.constant 112 : index
          %get3A_317 = tpu.vector_load %arg16[%get3A_315, %get3A_316] {strides = array<i32>} : memref<64x128xf32, #tpu.memory_space<vmem>>, vector<1x16xf32>,
          %get3A_318 = vector.shape_cast %get3A_317 : vector<1x16xf32> to vector<16xf32>
          %get3A_319 = arith.index_cast %scan3A_186 : i32 to index
          %get3A_320 = arith.constant 112 : index
          %get3A_321 = tpu.vector_load %arg17[%get3A_319, %get3A_320] {strides = array<i32>} : memref<64x128xf32, #tpu.memory_space<vmem>>, vector<1x16xf32>,
          %get3A_322 = vector.shape_cast %get3A_321 : vector<1x16xf32> to vector<16xf32>
          %add3A_323 = arith.addf %get3A_318, %get3A_322 : vector<16xf32>
          %max3A_324 = arith.constant 0.000000e+00 : f32
          %max3A_325 = vector.broadcast %max3A_324 : f32 to vector<16xf32>
          %max3A_326 = arith.maximumf %add3A_323, %max3A_325 : vector<16xf32>
          %mul3A_327 = arith.mulf %max3A_326, %get3A_190 : vector<16xf32>
          %swap3A_328 = arith.index_cast %scan3A_186 : i32 to index
          %swap3A_329 = arith.constant 112 : index
          %swap3A_330 = tpu.vector_load %arg17[%swap3A_328, %swap3A_329] {strides = array<i32>} : memref<64x128xf32, #tpu.memory_space<vmem>>, vector<1x16xf32>,
          %swap3A_331 = vector.shape_cast %swap3A_330 : vector<1x16xf32> to vector<16xf32>
          %swap3A_332 = vector.shape_cast %mul3A_327 : vector<16xf32> to vector<1x16xf32>
          tpu.vector_store %arg17[%swap3A_328, %swap3A_329], %swap3A_332 {strides = array<i32>} : memref<64x128xf32, #tpu.memory_space<vmem>>, vector<1x16xf32>,
          %scan3A_333 = arith.constant 0 : i32
          scf.yield %scan3A_333 : i32
        }
        %scan3A_172 = arith.constant 64 : i32
        %dma_wait3A_173 = arith.constant 0 : i32
        %dma_wait3A_174 = tpu.memref_slice %arg5[%dma_wait3A_173] : memref<320000xi32, #tpu.memory_space<hbm>> -> memref<64xi32, #tpu.memory_space<hbm>>
        %dma_wait3A_175 = arith.constant 0 : i32
        %dma_wait3A_176 = tpu.memref_slice %arg5[%dma_wait3A_175] : memref<320000xi32, #tpu.memory_space<hbm>> -> memref<64xi32, #tpu.memory_space<hbm>>
        tpu.wait_dma2 semaphore(%arg25 : memref<!tpu.dma_semaphore, #tpu.memory_space<semaphore_mem>>) src(%dma_wait3A_176 : memref<64xi32, #tpu.memory_space<hbm>>) dst(%arg14 : memref<64xi32, #tpu.memory_space<vmem>>)
        %dma_start3A_177 = arith.constant 0 : i32
        %dma_start3A_178 = arith.constant 0 : i32
        %dma_start3A_179 = tpu.memref_slice %arg19[%dma_start3A_177, %dma_start3A_178] : memref<10000x128xf32, #tpu.memory_space<vmem_shared>> -> memref<10000x128xf32, #tpu.memory_space<vmem_shared>>
        tpu.enqueue_indirect_dma source(%arg17 : memref<64x128xf32, #tpu.memory_space<vmem>>) target(%dma_start3A_179 : memref<10000x128xf32, #tpu.memory_space<vmem_shared>>) offsets(%arg14 : memref<64xi32, #tpu.memory_space<vmem>>) semaphore(%arg27 : memref<!tpu.dma_semaphore, #tpu.memory_space<semaphore_mem>>) {add = true}
        %add3A_180 = arith.constant 2 : i32
        %add3A_181 = arith.addi %add3A_139, %add3A_180 : i32
        %lt3A_182 = arith.cmpi slt, %add3A_181, %select_n3A : i32
        %convert_element_type3A_183 = arith.extui %lt3A_182 : i1 to i32
        %cond3A_184 = arith.constant 0 : i32
        %cond3A_185 = arith.cmpi ne, %convert_element_type3A_183, %cond3A_184 : i32
        scf.if %cond3A_185 {
          %add3A_186 = arith.constant 2 : i32
          %add3A_187 = arith.addi %add3A_139, %add3A_186 : i32
          %mul3A_188 = arith.constant 16 : i32
          %mul3A_189 = arith.muli %add3A_187, %mul3A_188 : i32
          %add3A_190 = arith.addi %arg1, %mul3A_189 : i32
          %mul3A_191 = arith.constant 64 : i32
          %mul3A_192 = arith.muli %add3A_190, %mul3A_191 : i32
          %add3A_193 = arith.addi %mul3A_38, %mul3A_192 : i32
          %dma_start3A_194 = tpu.memref_slice %arg4[%add3A_193] : memref<320000xi32, #tpu.memory_space<hbm>> -> memref<64xi32, #tpu.memory_space<hbm>>
          %dma_start3A_195 = tpu.memref_slice %arg4[%add3A_193] : memref<320000xi32, #tpu.memory_space<hbm>> -> memref<64xi32, #tpu.memory_space<hbm>>
          tpu.enqueue_dma source(%dma_start3A_195 : memref<64xi32, #tpu.memory_space<hbm>>) target(%arg13 : memref<64xi32, #tpu.memory_space<vmem>>) target_semaphore(%arg21 : memref<!tpu.dma_semaphore, #tpu.memory_space<semaphore_mem>>)
        } else {
        }
      } else {
      }
      %while3A_144 = arith.constant 0 : i32
      scf.yield %while3A_144 : i32
    }
    %while3A_113 = arith.constant 1 : i32
    %while3A_114 = scf.for %while3A_127 = %while3A_110 to %while3A_106 step %while3A_113 iter_args(%while3A_128 = %while3A_112) -> (i32)  : i32 {
      %mul3A_129 = arith.constant 2 : i32
      %mul3A_130 = arith.muli %while3A_127, %mul3A_129 : i32
      %add3A_131 = arith.constant 0 : i32
      %add3A_132 = arith.addi %mul3A_130, %add3A_131 : i32
      %lt3A = arith.cmpi slt, %add3A_132, %select_n3A : i32
      %convert_element_type3A_133 = arith.extui %lt3A : i1 to i32
      %cond3A_134 = arith.constant 0 : i32
      %cond3A_135 = arith.cmpi ne, %convert_element_type3A_133, %cond3A_134 : i32
      scf.if %cond3A_135 {
        %dma_wait3A_145 = arith.constant 0 : i32
        %dma_wait3A_146 = arith.constant 0 : i32
        %dma_wait3A_147 = tpu.memref_slice %arg2[%dma_wait3A_145, %dma_wait3A_146] : memref<10000x128xf32, #tpu.memory_space<hbm>> -> memref<10000x128xf32, #tpu.memory_space<hbm>>
        tpu.wait_indirect_dma semaphore(%arg22 : memref<!tpu.dma_semaphore, #tpu.memory_space<semaphore_mem>>) src(%dma_wait3A_147 : memref<10000x128xf32, #tpu.memory_space<hbm>>) dst(%arg11 : memref<64x128xf32, #tpu.memory_space<vmem>>)
        %add3A_148 = arith.constant 1 : i32
        %add3A_149 = arith.addi %add3A_132, %add3A_148 : i32
        %lt3A_150 = arith.cmpi slt, %add3A_149, %select_n3A : i32
        %convert_element_type3A_151 = arith.extui %lt3A_150 : i1 to i32
        %cond3A_152 = arith.constant 0 : i32
        %cond3A_153 = arith.cmpi ne, %convert_element_type3A_151, %cond3A_152 : i32
        scf.if %cond3A_153 {
          %dma_wait3A_186 = arith.constant 0 : i32
          %dma_wait3A_187 = tpu.memref_slice %arg4[%dma_wait3A_186] : memref<320000xi32, #tpu.memory_space<hbm>> -> memref<64xi32, #tpu.memory_space<hbm>>
          %dma_wait3A_188 = arith.constant 0 : i32
          %dma_wait3A_189 = tpu.memref_slice %arg4[%dma_wait3A_188] : memref<320000xi32, #tpu.memory_space<hbm>> -> memref<64xi32, #tpu.memory_space<hbm>>
          tpu.wait_dma2 semaphore(%arg21 : memref<!tpu.dma_semaphore, #tpu.memory_space<semaphore_mem>>) src(%dma_wait3A_189 : memref<64xi32, #tpu.memory_space<hbm>>) dst(%arg13 : memref<64xi32, #tpu.memory_space<vmem>>)
          %dma_start3A_190 = arith.constant 0 : i32
          %dma_start3A_191 = arith.constant 0 : i32
          %dma_start3A_192 = tpu.memref_slice %arg2[%dma_start3A_190, %dma_start3A_191] : memref<10000x128xf32, #tpu.memory_space<hbm>> -> memref<10000x128xf32, #tpu.memory_space<hbm>>
          tpu.enqueue_indirect_dma source(%dma_start3A_192 : memref<10000x128xf32, #tpu.memory_space<hbm>>) target(%arg16 : memref<64x128xf32, #tpu.memory_space<vmem>>) offsets(%arg13 : memref<64xi32, #tpu.memory_space<vmem>>) semaphore(%arg23 : memref<!tpu.dma_semaphore, #tpu.memory_space<semaphore_mem>>)
          %ge3A = arith.constant 1 : i32
          %ge3A_193 = arith.cmpi sge, %add3A_132, %ge3A : i32
          %convert_element_type3A_194 = arith.extui %ge3A_193 : i1 to i32
          %cond3A_195 = arith.constant 0 : i32
          %cond3A_196 = arith.cmpi ne, %convert_element_type3A_194, %cond3A_195 : i32
          scf.if %cond3A_196 {
            %dma_wait3A_223 = arith.constant 0 : i32
            %dma_wait3A_224 = arith.constant 0 : i32
            %dma_wait3A_225 = tpu.memref_slice %arg19[%dma_wait3A_223, %dma_wait3A_224] : memref<10000x128xf32, #tpu.memory_space<vmem_shared>> -> memref<10000x128xf32, #tpu.memory_space<vmem_shared>>
            tpu.wait_indirect_dma semaphore(%arg27 : memref<!tpu.dma_semaphore, #tpu.memory_space<semaphore_mem>>) src(%arg17 : memref<64x128xf32, #tpu.memory_space<vmem>>) dst(%dma_wait3A_225 : memref<10000x128xf32, #tpu.memory_space<vmem_shared>>)
          } else {
          }
          %add3A_197 = arith.constant 1 : i32
          %add3A_198 = arith.addi %add3A_132, %add3A_197 : i32
          %mul3A_199 = arith.constant 16 : i32
          %mul3A_200 = arith.muli %add3A_198, %mul3A_199 : i32
          %add3A_201 = arith.addi %arg1, %mul3A_200 : i32
          %mul3A_202 = arith.constant 64 : i32
          %mul3A_203 = arith.muli %add3A_201, %mul3A_202 : i32
          %add3A_204 = arith.addi %mul3A_38, %mul3A_203 : i32
          %dma_start3A_205 = tpu.memref_slice %arg5[%add3A_204] : memref<320000xi32, #tpu.memory_space<hbm>> -> memref<64xi32, #tpu.memory_space<hbm>>
          %dma_start3A_206 = tpu.memref_slice %arg5[%add3A_204] : memref<320000xi32, #tpu.memory_space<hbm>> -> memref<64xi32, #tpu.memory_space<hbm>>
          tpu.enqueue_dma source(%dma_start3A_206 : memref<64xi32, #tpu.memory_space<hbm>>) target(%arg14 : memref<64xi32, #tpu.memory_space<vmem>>) target_semaphore(%arg25 : memref<!tpu.dma_semaphore, #tpu.memory_space<semaphore_mem>>)
          %add3A_207 = arith.constant 1 : i32
          %add3A_208 = arith.addi %add3A_132, %add3A_207 : i32
          %mul3A_209 = arith.constant 16 : i32
          %mul3A_210 = arith.muli %add3A_208, %mul3A_209 : i32
          %add3A_211 = arith.addi %arg1, %mul3A_210 : i32
          %mul3A_212 = arith.constant 64 : i32
          %mul3A_213 = arith.muli %add3A_211, %mul3A_212 : i32
          %add3A_214 = arith.addi %mul3A_38, %mul3A_213 : i32
          %dma_start3A_215 = arith.constant 0 : i32
          %dma_start3A_216 = tpu.memref_slice %arg6[%add3A_214, %dma_start3A_215] : memref<320000x16xf32, #tpu.memory_space<hbm>> -> memref<64x16xf32, #tpu.memory_space<hbm>>
          %dma_start3A_217 = arith.constant 0 : i32
          %dma_start3A_218 = tpu.memref_slice %arg6[%add3A_214, %dma_start3A_217] : memref<320000x16xf32, #tpu.memory_space<hbm>> -> memref<64x16xf32, #tpu.memory_space<hbm>>
          tpu.enqueue_dma source(%dma_start3A_218 : memref<64x16xf32, #tpu.memory_space<hbm>>) target(%arg15 : memref<64x16xf32, #tpu.memory_space<vmem>>) target_semaphore(%arg29 : memref<!tpu.dma_semaphore, #tpu.memory_space<semaphore_mem>>)
          %dma_start3A_219 = arith.constant 0 : i32
          %dma_start3A_220 = tpu.memref_slice %arg3[%add3A_214, %dma_start3A_219] : memref<320000x128xf32, #tpu.memory_space<hbm>> -> memref<64x128xf32, #tpu.memory_space<hbm>>
          %dma_start3A_221 = arith.constant 0 : i32
          %dma_start3A_222 = tpu.memref_slice %arg3[%add3A_214, %dma_start3A_221] : memref<320000x128xf32, #tpu.memory_space<hbm>> -> memref<64x128xf32, #tpu.memory_space<hbm>>
          tpu.enqueue_dma source(%dma_start3A_222 : memref<64x128xf32, #tpu.memory_space<hbm>>) target(%arg17 : memref<64x128xf32, #tpu.memory_space<vmem>>) target_semaphore(%arg29 : memref<!tpu.dma_semaphore, #tpu.memory_space<semaphore_mem>>)
        } else {
        }
        %dma_wait3A_154 = arith.constant 0 : i32
        %dma_wait3A_155 = arith.constant 0 : i32
        %dma_wait3A_156 = tpu.memref_slice %arg6[%dma_wait3A_154, %dma_wait3A_155] : memref<320000x16xf32, #tpu.memory_space<hbm>> -> memref<64x16xf32, #tpu.memory_space<hbm>>
        %dma_wait3A_157 = arith.constant 0 : i32
        %dma_wait3A_158 = arith.constant 0 : i32
        %dma_wait3A_159 = tpu.memref_slice %arg6[%dma_wait3A_157, %dma_wait3A_158] : memref<320000x16xf32, #tpu.memory_space<hbm>> -> memref<64x16xf32, #tpu.memory_space<hbm>>
        tpu.wait_dma2 semaphore(%arg28 : memref<!tpu.dma_semaphore, #tpu.memory_space<semaphore_mem>>) src(%dma_wait3A_159 : memref<64x16xf32, #tpu.memory_space<hbm>>) dst(%arg10 : memref<64x16xf32, #tpu.memory_space<vmem>>)
        %dma_wait3A_160 = arith.constant 0 : i32
        %dma_wait3A_161 = arith.constant 0 : i32
        %dma_wait3A_162 = tpu.memref_slice %arg3[%dma_wait3A_160, %dma_wait3A_161] : memref<320000x128xf32, #tpu.memory_space<hbm>> -> memref<64x128xf32, #tpu.memory_space<hbm>>
        %dma_wait3A_163 = arith.constant 0 : i32
        %dma_wait3A_164 = arith.constant 0 : i32
        %dma_wait3A_165 = tpu.memref_slice %arg3[%dma_wait3A_163, %dma_wait3A_164] : memref<320000x128xf32, #tpu.memory_space<hbm>> -> memref<64x128xf32, #tpu.memory_space<hbm>>
        tpu.wait_dma2 semaphore(%arg28 : memref<!tpu.dma_semaphore, #tpu.memory_space<semaphore_mem>>) src(%dma_wait3A_165 : memref<64x128xf32, #tpu.memory_space<hbm>>) dst(%arg12 : memref<64x128xf32, #tpu.memory_space<vmem>>)
        %scan3A_166 = arith.constant 0 : i32
        %scan3A_167 = arith.constant 0 : i32
        %scan3A_168 = arith.constant 64 : i32
        %scan3A_169 = arith.addi %scan3A_167, %scan3A_168 : i32
        %scan3A_170 = arith.constant 1 : i32
        %scan3A_171 = scf.for %scan3A_186 = %scan3A_167 to %scan3A_169 step %scan3A_170 iter_args(%scan3A_187 = %scan3A_166) -> (i32)  : i32 {
          %get3A = arith.index_cast %scan3A_186 : i32 to index
          %get3A_188 = arith.constant 0 : index
          %get3A_189 = tpu.vector_load %arg10[%get3A, %get3A_188] {strides = array<i32>} : memref<64x16xf32, #tpu.memory_space<vmem>>, vector<1x16xf32>,
          %get3A_190 = vector.shape_cast %get3A_189 : vector<1x16xf32> to vector<16xf32>
          %get3A_191 = arith.index_cast %scan3A_186 : i32 to index
          %get3A_192 = arith.constant 0 : index
          %get3A_193 = tpu.vector_load %arg11[%get3A_191, %get3A_192] {strides = array<i32>} : memref<64x128xf32, #tpu.memory_space<vmem>>, vector<1x16xf32>,
          %get3A_194 = vector.shape_cast %get3A_193 : vector<1x16xf32> to vector<16xf32>
          %get3A_195 = arith.index_cast %scan3A_186 : i32 to index
          %get3A_196 = arith.constant 0 : index
          %get3A_197 = tpu.vector_load %arg12[%get3A_195, %get3A_196] {strides = array<i32>} : memref<64x128xf32, #tpu.memory_space<vmem>>, vector<1x16xf32>,
          %get3A_198 = vector.shape_cast %get3A_197 : vector<1x16xf32> to vector<16xf32>
          %add3A_199 = arith.addf %get3A_194, %get3A_198 : vector<16xf32>
          %max3A = arith.constant 0.000000e+00 : f32
          %max3A_200 = vector.broadcast %max3A : f32 to vector<16xf32>
          %max3A_201 = arith.maximumf %add3A_199, %max3A_200 : vector<16xf32>
          %mul3A_202 = arith.mulf %max3A_201, %get3A_190 : vector<16xf32>
          %swap3A = arith.index_cast %scan3A_186 : i32 to index
          %swap3A_203 = arith.constant 0 : index
          %swap3A_204 = tpu.vector_load %arg12[%swap3A, %swap3A_203] {strides = array<i32>} : memref<64x128xf32, #tpu.memory_space<vmem>>, vector<1x16xf32>,
          %swap3A_205 = vector.shape_cast %swap3A_204 : vector<1x16xf32> to vector<16xf32>
          %swap3A_206 = vector.shape_cast %mul3A_202 : vector<16xf32> to vector<1x16xf32>
          tpu.vector_store %arg12[%swap3A, %swap3A_203], %swap3A_206 {strides = array<i32>} : memref<64x128xf32, #tpu.memory_space<vmem>>, vector<1x16xf32>,
          %get3A_207 = arith.index_cast %scan3A_186 : i32 to index
          %get3A_208 = arith.constant 16 : index
          %get3A_209 = tpu.vector_load %arg11[%get3A_207, %get3A_208] {strides = array<i32>} : memref<64x128xf32, #tpu.memory_space<vmem>>, vector<1x16xf32>,
          %get3A_210 = vector.shape_cast %get3A_209 : vector<1x16xf32> to vector<16xf32>
          %get3A_211 = arith.index_cast %scan3A_186 : i32 to index
          %get3A_212 = arith.constant 16 : index
          %get3A_213 = tpu.vector_load %arg12[%get3A_211, %get3A_212] {strides = array<i32>} : memref<64x128xf32, #tpu.memory_space<vmem>>, vector<1x16xf32>,
          %get3A_214 = vector.shape_cast %get3A_213 : vector<1x16xf32> to vector<16xf32>
          %add3A_215 = arith.addf %get3A_210, %get3A_214 : vector<16xf32>
          %max3A_216 = arith.constant 0.000000e+00 : f32
          %max3A_217 = vector.broadcast %max3A_216 : f32 to vector<16xf32>
          %max3A_218 = arith.maximumf %add3A_215, %max3A_217 : vector<16xf32>
          %mul3A_219 = arith.mulf %max3A_218, %get3A_190 : vector<16xf32>
          %swap3A_220 = arith.index_cast %scan3A_186 : i32 to index
          %swap3A_221 = arith.constant 16 : index
          %swap3A_222 = tpu.vector_load %arg12[%swap3A_220, %swap3A_221] {strides = array<i32>} : memref<64x128xf32, #tpu.memory_space<vmem>>, vector<1x16xf32>,
          %swap3A_223 = vector.shape_cast %swap3A_222 : vector<1x16xf32> to vector<16xf32>
          %swap3A_224 = vector.shape_cast %mul3A_219 : vector<16xf32> to vector<1x16xf32>
          tpu.vector_store %arg12[%swap3A_220, %swap3A_221], %swap3A_224 {strides = array<i32>} : memref<64x128xf32, #tpu.memory_space<vmem>>, vector<1x16xf32>,
          %get3A_225 = arith.index_cast %scan3A_186 : i32 to index
          %get3A_226 = arith.constant 32 : index
          %get3A_227 = tpu.vector_load %arg11[%get3A_225, %get3A_226] {strides = array<i32>} : memref<64x128xf32, #tpu.memory_space<vmem>>, vector<1x16xf32>,
          %get3A_228 = vector.shape_cast %get3A_227 : vector<1x16xf32> to vector<16xf32>
          %get3A_229 = arith.index_cast %scan3A_186 : i32 to index
          %get3A_230 = arith.constant 32 : index
          %get3A_231 = tpu.vector_load %arg12[%get3A_229, %get3A_230] {strides = array<i32>} : memref<64x128xf32, #tpu.memory_space<vmem>>, vector<1x16xf32>,
          %get3A_232 = vector.shape_cast %get3A_231 : vector<1x16xf32> to vector<16xf32>
          %add3A_233 = arith.addf %get3A_228, %get3A_232 : vector<16xf32>
          %max3A_234 = arith.constant 0.000000e+00 : f32
          %max3A_235 = vector.broadcast %max3A_234 : f32 to vector<16xf32>
          %max3A_236 = arith.maximumf %add3A_233, %max3A_235 : vector<16xf32>
          %mul3A_237 = arith.mulf %max3A_236, %get3A_190 : vector<16xf32>
          %swap3A_238 = arith.index_cast %scan3A_186 : i32 to index
          %swap3A_239 = arith.constant 32 : index
          %swap3A_240 = tpu.vector_load %arg12[%swap3A_238, %swap3A_239] {strides = array<i32>} : memref<64x128xf32, #tpu.memory_space<vmem>>, vector<1x16xf32>,
          %swap3A_241 = vector.shape_cast %swap3A_240 : vector<1x16xf32> to vector<16xf32>
          %swap3A_242 = vector.shape_cast %mul3A_237 : vector<16xf32> to vector<1x16xf32>
          tpu.vector_store %arg12[%swap3A_238, %swap3A_239], %swap3A_242 {strides = array<i32>} : memref<64x128xf32, #tpu.memory_space<vmem>>, vector<1x16xf32>,
          %get3A_243 = arith.index_cast %scan3A_186 : i32 to index
          %get3A_244 = arith.constant 48 : index
          %get3A_245 = tpu.vector_load %arg11[%get3A_243, %get3A_244] {strides = array<i32>} : memref<64x128xf32, #tpu.memory_space<vmem>>, vector<1x16xf32>,
          %get3A_246 = vector.shape_cast %get3A_245 : vector<1x16xf32> to vector<16xf32>
          %get3A_247 = arith.index_cast %scan3A_186 : i32 to index
          %get3A_248 = arith.constant 48 : index
          %get3A_249 = tpu.vector_load %arg12[%get3A_247, %get3A_248] {strides = array<i32>} : memref<64x128xf32, #tpu.memory_space<vmem>>, vector<1x16xf32>,
          %get3A_250 = vector.shape_cast %get3A_249 : vector<1x16xf32> to vector<16xf32>
          %add3A_251 = arith.addf %get3A_246, %get3A_250 : vector<16xf32>
          %max3A_252 = arith.constant 0.000000e+00 : f32
          %max3A_253 = vector.broadcast %max3A_252 : f32 to vector<16xf32>
          %max3A_254 = arith.maximumf %add3A_251, %max3A_253 : vector<16xf32>
          %mul3A_255 = arith.mulf %max3A_254, %get3A_190 : vector<16xf32>
          %swap3A_256 = arith.index_cast %scan3A_186 : i32 to index
          %swap3A_257 = arith.constant 48 : index
          %swap3A_258 = tpu.vector_load %arg12[%swap3A_256, %swap3A_257] {strides = array<i32>} : memref<64x128xf32, #tpu.memory_space<vmem>>, vector<1x16xf32>,
          %swap3A_259 = vector.shape_cast %swap3A_258 : vector<1x16xf32> to vector<16xf32>
          %swap3A_260 = vector.shape_cast %mul3A_255 : vector<16xf32> to vector<1x16xf32>
          tpu.vector_store %arg12[%swap3A_256, %swap3A_257], %swap3A_260 {strides = array<i32>} : memref<64x128xf32, #tpu.memory_space<vmem>>, vector<1x16xf32>,
          %get3A_261 = arith.index_cast %scan3A_186 : i32 to index
          %get3A_262 = arith.constant 64 : index
          %get3A_263 = tpu.vector_load %arg11[%get3A_261, %get3A_262] {strides = array<i32>} : memref<64x128xf32, #tpu.memory_space<vmem>>, vector<1x16xf32>,
          %get3A_264 = vector.shape_cast %get3A_263 : vector<1x16xf32> to vector<16xf32>
          %get3A_265 = arith.index_cast %scan3A_186 : i32 to index
          %get3A_266 = arith.constant 64 : index
          %get3A_267 = tpu.vector_load %arg12[%get3A_265, %get3A_266] {strides = array<i32>} : memref<64x128xf32, #tpu.memory_space<vmem>>, vector<1x16xf32>,
          %get3A_268 = vector.shape_cast %get3A_267 : vector<1x16xf32> to vector<16xf32>
          %add3A_269 = arith.addf %get3A_264, %get3A_268 : vector<16xf32>
          %max3A_270 = arith.constant 0.000000e+00 : f32
          %max3A_271 = vector.broadcast %max3A_270 : f32 to vector<16xf32>
          %max3A_272 = arith.maximumf %add3A_269, %max3A_271 : vector<16xf32>
          %mul3A_273 = arith.mulf %max3A_272, %get3A_190 : vector<16xf32>
          %swap3A_274 = arith.index_cast %scan3A_186 : i32 to index
          %swap3A_275 = arith.constant 64 : index
          %swap3A_276 = tpu.vector_load %arg12[%swap3A_274, %swap3A_275] {strides = array<i32>} : memref<64x128xf32, #tpu.memory_space<vmem>>, vector<1x16xf32>,
          %swap3A_277 = vector.shape_cast %swap3A_276 : vector<1x16xf32> to vector<16xf32>
          %swap3A_278 = vector.shape_cast %mul3A_273 : vector<16xf32> to vector<1x16xf32>
          tpu.vector_store %arg12[%swap3A_274, %swap3A_275], %swap3A_278 {strides = array<i32>} : memref<64x128xf32, #tpu.memory_space<vmem>>, vector<1x16xf32>,
          %get3A_279 = arith.index_cast %scan3A_186 : i32 to index
          %get3A_280 = arith.constant 80 : index
          %get3A_281 = tpu.vector_load %arg11[%get3A_279, %get3A_280] {strides = array<i32>} : memref<64x128xf32, #tpu.memory_space<vmem>>, vector<1x16xf32>,
          %get3A_282 = vector.shape_cast %get3A_281 : vector<1x16xf32> to vector<16xf32>
          %get3A_283 = arith.index_cast %scan3A_186 : i32 to index
          %get3A_284 = arith.constant 80 : index
          %get3A_285 = tpu.vector_load %arg12[%get3A_283, %get3A_284] {strides = array<i32>} : memref<64x128xf32, #tpu.memory_space<vmem>>, vector<1x16xf32>,
          %get3A_286 = vector.shape_cast %get3A_285 : vector<1x16xf32> to vector<16xf32>
          %add3A_287 = arith.addf %get3A_282, %get3A_286 : vector<16xf32>
          %max3A_288 = arith.constant 0.000000e+00 : f32
          %max3A_289 = vector.broadcast %max3A_288 : f32 to vector<16xf32>
          %max3A_290 = arith.maximumf %add3A_287, %max3A_289 : vector<16xf32>
          %mul3A_291 = arith.mulf %max3A_290, %get3A_190 : vector<16xf32>
          %swap3A_292 = arith.index_cast %scan3A_186 : i32 to index
          %swap3A_293 = arith.constant 80 : index
          %swap3A_294 = tpu.vector_load %arg12[%swap3A_292, %swap3A_293] {strides = array<i32>} : memref<64x128xf32, #tpu.memory_space<vmem>>, vector<1x16xf32>,
          %swap3A_295 = vector.shape_cast %swap3A_294 : vector<1x16xf32> to vector<16xf32>
          %swap3A_296 = vector.shape_cast %mul3A_291 : vector<16xf32> to vector<1x16xf32>
          tpu.vector_store %arg12[%swap3A_292, %swap3A_293], %swap3A_296 {strides = array<i32>} : memref<64x128xf32, #tpu.memory_space<vmem>>, vector<1x16xf32>,
          %get3A_297 = arith.index_cast %scan3A_186 : i32 to index
          %get3A_298 = arith.constant 96 : index
          %get3A_299 = tpu.vector_load %arg11[%get3A_297, %get3A_298] {strides = array<i32>} : memref<64x128xf32, #tpu.memory_space<vmem>>, vector<1x16xf32>,
          %get3A_300 = vector.shape_cast %get3A_299 : vector<1x16xf32> to vector<16xf32>
          %get3A_301 = arith.index_cast %scan3A_186 : i32 to index
          %get3A_302 = arith.constant 96 : index
          %get3A_303 = tpu.vector_load %arg12[%get3A_301, %get3A_302] {strides = array<i32>} : memref<64x128xf32, #tpu.memory_space<vmem>>, vector<1x16xf32>,
          %get3A_304 = vector.shape_cast %get3A_303 : vector<1x16xf32> to vector<16xf32>
          %add3A_305 = arith.addf %get3A_300, %get3A_304 : vector<16xf32>
          %max3A_306 = arith.constant 0.000000e+00 : f32
          %max3A_307 = vector.broadcast %max3A_306 : f32 to vector<16xf32>
          %max3A_308 = arith.maximumf %add3A_305, %max3A_307 : vector<16xf32>
          %mul3A_309 = arith.mulf %max3A_308, %get3A_190 : vector<16xf32>
          %swap3A_310 = arith.index_cast %scan3A_186 : i32 to index
          %swap3A_311 = arith.constant 96 : index
          %swap3A_312 = tpu.vector_load %arg12[%swap3A_310, %swap3A_311] {strides = array<i32>} : memref<64x128xf32, #tpu.memory_space<vmem>>, vector<1x16xf32>,
          %swap3A_313 = vector.shape_cast %swap3A_312 : vector<1x16xf32> to vector<16xf32>
          %swap3A_314 = vector.shape_cast %mul3A_309 : vector<16xf32> to vector<1x16xf32>
          tpu.vector_store %arg12[%swap3A_310, %swap3A_311], %swap3A_314 {strides = array<i32>} : memref<64x128xf32, #tpu.memory_space<vmem>>, vector<1x16xf32>,
          %get3A_315 = arith.index_cast %scan3A_186 : i32 to index
          %get3A_316 = arith.constant 112 : index
          %get3A_317 = tpu.vector_load %arg11[%get3A_315, %get3A_316] {strides = array<i32>} : memref<64x128xf32, #tpu.memory_space<vmem>>, vector<1x16xf32>,
          %get3A_318 = vector.shape_cast %get3A_317 : vector<1x16xf32> to vector<16xf32>
          %get3A_319 = arith.index_cast %scan3A_186 : i32 to index
          %get3A_320 = arith.constant 112 : index
          %get3A_321 = tpu.vector_load %arg12[%get3A_319, %get3A_320] {strides = array<i32>} : memref<64x128xf32, #tpu.memory_space<vmem>>, vector<1x16xf32>,
          %get3A_322 = vector.shape_cast %get3A_321 : vector<1x16xf32> to vector<16xf32>
          %add3A_323 = arith.addf %get3A_318, %get3A_322 : vector<16xf32>
          %max3A_324 = arith.constant 0.000000e+00 : f32
          %max3A_325 = vector.broadcast %max3A_324 : f32 to vector<16xf32>
          %max3A_326 = arith.maximumf %add3A_323, %max3A_325 : vector<16xf32>
          %mul3A_327 = arith.mulf %max3A_326, %get3A_190 : vector<16xf32>
          %swap3A_328 = arith.index_cast %scan3A_186 : i32 to index
          %swap3A_329 = arith.constant 112 : index
          %swap3A_330 = tpu.vector_load %arg12[%swap3A_328, %swap3A_329] {strides = array<i32>} : memref<64x128xf32, #tpu.memory_space<vmem>>, vector<1x16xf32>,
          %swap3A_331 = vector.shape_cast %swap3A_330 : vector<1x16xf32> to vector<16xf32>
          %swap3A_332 = vector.shape_cast %mul3A_327 : vector<16xf32> to vector<1x16xf32>
          tpu.vector_store %arg12[%swap3A_328, %swap3A_329], %swap3A_332 {strides = array<i32>} : memref<64x128xf32, #tpu.memory_space<vmem>>, vector<1x16xf32>,
          %scan3A_333 = arith.constant 0 : i32
          scf.yield %scan3A_333 : i32
        }
        %scan3A_172 = arith.constant 64 : i32
        %dma_wait3A_173 = arith.constant 0 : i32
        %dma_wait3A_174 = tpu.memref_slice %arg5[%dma_wait3A_173] : memref<320000xi32, #tpu.memory_space<hbm>> -> memref<64xi32, #tpu.memory_space<hbm>>
        %dma_wait3A_175 = arith.constant 0 : i32
        %dma_wait3A_176 = tpu.memref_slice %arg5[%dma_wait3A_175] : memref<320000xi32, #tpu.memory_space<hbm>> -> memref<64xi32, #tpu.memory_space<hbm>>
        tpu.wait_dma2 semaphore(%arg24 : memref<!tpu.dma_semaphore, #tpu.memory_space<semaphore_mem>>) src(%dma_wait3A_176 : memref<64xi32, #tpu.memory_space<hbm>>) dst(%arg9 : memref<64xi32, #tpu.memory_space<vmem>>)
        %dma_start3A_177 = arith.constant 0 : i32
        %dma_start3A_178 = arith.constant 0 : i32
        %dma_start3A_179 = tpu.memref_slice %arg19[%dma_start3A_177, %dma_start3A_178] : memref<10000x128xf32, #tpu.memory_space<vmem_shared>> -> memref<10000x128xf32, #tpu.memory_space<vmem_shared>>
        tpu.enqueue_indirect_dma source(%arg12 : memref<64x128xf32, #tpu.memory_space<vmem>>) target(%dma_start3A_179 : memref<10000x128xf32, #tpu.memory_space<vmem_shared>>) offsets(%arg9 : memref<64xi32, #tpu.memory_space<vmem>>) semaphore(%arg26 : memref<!tpu.dma_semaphore, #tpu.memory_space<semaphore_mem>>) {add = true}
        %add3A_180 = arith.constant 2 : i32
        %add3A_181 = arith.addi %add3A_132, %add3A_180 : i32
        %lt3A_182 = arith.cmpi slt, %add3A_181, %select_n3A : i32
        %convert_element_type3A_183 = arith.extui %lt3A_182 : i1 to i32
        %cond3A_184 = arith.constant 0 : i32
        %cond3A_185 = arith.cmpi ne, %convert_element_type3A_183, %cond3A_184 : i32
        scf.if %cond3A_185 {
          %add3A_186 = arith.constant 2 : i32
          %add3A_187 = arith.addi %add3A_132, %add3A_186 : i32
          %mul3A_188 = arith.constant 16 : i32
          %mul3A_189 = arith.muli %add3A_187, %mul3A_188 : i32
          %add3A_190 = arith.addi %arg1, %mul3A_189 : i32
          %mul3A_191 = arith.constant 64 : i32
          %mul3A_192 = arith.muli %add3A_190, %mul3A_191 : i32
          %add3A_193 = arith.addi %mul3A_38, %mul3A_192 : i32
          %dma_start3A_194 = tpu.memref_slice %arg4[%add3A_193] : memref<320000xi32, #tpu.memory_space<hbm>> -> memref<64xi32, #tpu.memory_space<hbm>>
          %dma_start3A_195 = tpu.memref_slice %arg4[%add3A_193] : memref<320000xi32, #tpu.memory_space<hbm>> -> memref<64xi32, #tpu.memory_space<hbm>>
          tpu.enqueue_dma source(%dma_start3A_195 : memref<64xi32, #tpu.memory_space<hbm>>) target(%arg8 : memref<64xi32, #tpu.memory_space<vmem>>) target_semaphore(%arg20 : memref<!tpu.dma_semaphore, #tpu.memory_space<semaphore_mem>>)
        } else {
        }
      } else {
      }
      %mul3A_136 = arith.constant 2 : i32
      %mul3A_137 = arith.muli %while3A_127, %mul3A_136 : i32
      %add3A_138 = arith.constant 1 : i32
      %add3A_139 = arith.addi %mul3A_137, %add3A_138 : i32
      %lt3A_140 = arith.cmpi slt, %add3A_139, %select_n3A : i32
      %convert_element_type3A_141 = arith.extui %lt3A_140 : i1 to i32
      %cond3A_142 = arith.constant 0 : i32
      %cond3A_143 = arith.cmpi ne, %convert_element_type3A_141, %cond3A_142 : i32
      scf.if %cond3A_143 {
        %dma_wait3A_145 = arith.constant 0 : i32
        %dma_wait3A_146 = arith.constant 0 : i32
        %dma_wait3A_147 = tpu.memref_slice %arg2[%dma_wait3A_145, %dma_wait3A_146] : memref<10000x128xf32, #tpu.memory_space<hbm>> -> memref<10000x128xf32, #tpu.memory_space<hbm>>
        tpu.wait_indirect_dma semaphore(%arg23 : memref<!tpu.dma_semaphore, #tpu.memory_space<semaphore_mem>>) src(%dma_wait3A_147 : memref<10000x128xf32, #tpu.memory_space<hbm>>) dst(%arg16 : memref<64x128xf32, #tpu.memory_space<vmem>>)
        %add3A_148 = arith.constant 1 : i32
        %add3A_149 = arith.addi %add3A_139, %add3A_148 : i32
        %lt3A_150 = arith.cmpi slt, %add3A_149, %select_n3A : i32
        %convert_element_type3A_151 = arith.extui %lt3A_150 : i1 to i32
        %cond3A_152 = arith.constant 0 : i32
        %cond3A_153 = arith.cmpi ne, %convert_element_type3A_151, %cond3A_152 : i32
        scf.if %cond3A_153 {
          %dma_wait3A_186 = arith.constant 0 : i32
          %dma_wait3A_187 = tpu.memref_slice %arg4[%dma_wait3A_186] : memref<320000xi32, #tpu.memory_space<hbm>> -> memref<64xi32, #tpu.memory_space<hbm>>
          %dma_wait3A_188 = arith.constant 0 : i32
          %dma_wait3A_189 = tpu.memref_slice %arg4[%dma_wait3A_188] : memref<320000xi32, #tpu.memory_space<hbm>> -> memref<64xi32, #tpu.memory_space<hbm>>
          tpu.wait_dma2 semaphore(%arg20 : memref<!tpu.dma_semaphore, #tpu.memory_space<semaphore_mem>>) src(%dma_wait3A_189 : memref<64xi32, #tpu.memory_space<hbm>>) dst(%arg8 : memref<64xi32, #tpu.memory_space<vmem>>)
          %dma_start3A_190 = arith.constant 0 : i32
          %dma_start3A_191 = arith.constant 0 : i32
          %dma_start3A_192 = tpu.memref_slice %arg2[%dma_start3A_190, %dma_start3A_191] : memref<10000x128xf32, #tpu.memory_space<hbm>> -> memref<10000x128xf32, #tpu.memory_space<hbm>>
          tpu.enqueue_indirect_dma source(%dma_start3A_192 : memref<10000x128xf32, #tpu.memory_space<hbm>>) target(%arg11 : memref<64x128xf32, #tpu.memory_space<vmem>>) offsets(%arg8 : memref<64xi32, #tpu.memory_space<vmem>>) semaphore(%arg22 : memref<!tpu.dma_semaphore, #tpu.memory_space<semaphore_mem>>)
          %ge3A = arith.constant 1 : i32
          %ge3A_193 = arith.cmpi sge, %add3A_139, %ge3A : i32
          %convert_element_type3A_194 = arith.extui %ge3A_193 : i1 to i32
          %cond3A_195 = arith.constant 0 : i32
          %cond3A_196 = arith.cmpi ne, %convert_element_type3A_194, %cond3A_195 : i32
          scf.if %cond3A_196 {
            %dma_wait3A_223 = arith.constant 0 : i32
            %dma_wait3A_224 = arith.constant 0 : i32
            %dma_wait3A_225 = tpu.memref_slice %arg19[%dma_wait3A_223, %dma_wait3A_224] : memref<10000x128xf32, #tpu.memory_space<vmem_shared>> -> memref<10000x128xf32, #tpu.memory_space<vmem_shared>>
            tpu.wait_indirect_dma semaphore(%arg26 : memref<!tpu.dma_semaphore, #tpu.memory_space<semaphore_mem>>) src(%arg12 : memref<64x128xf32, #tpu.memory_space<vmem>>) dst(%dma_wait3A_225 : memref<10000x128xf32, #tpu.memory_space<vmem_shared>>)
          } else {
          }
          %add3A_197 = arith.constant 1 : i32
          %add3A_198 = arith.addi %add3A_139, %add3A_197 : i32
          %mul3A_199 = arith.constant 16 : i32
          %mul3A_200 = arith.muli %add3A_198, %mul3A_199 : i32
          %add3A_201 = arith.addi %arg1, %mul3A_200 : i32
          %mul3A_202 = arith.constant 64 : i32
          %mul3A_203 = arith.muli %add3A_201, %mul3A_202 : i32
          %add3A_204 = arith.addi %mul3A_38, %mul3A_203 : i32
          %dma_start3A_205 = tpu.memref_slice %arg5[%add3A_204] : memref<320000xi32, #tpu.memory_space<hbm>> -> memref<64xi32, #tpu.memory_space<hbm>>
          %dma_start3A_206 = tpu.memref_slice %arg5[%add3A_204] : memref<320000xi32, #tpu.memory_space<hbm>> -> memref<64xi32, #tpu.memory_space<hbm>>
          tpu.enqueue_dma source(%dma_start3A_206 : memref<64xi32, #tpu.memory_space<hbm>>) target(%arg9 : memref<64xi32, #tpu.memory_space<vmem>>) target_semaphore(%arg24 : memref<!tpu.dma_semaphore, #tpu.memory_space<semaphore_mem>>)
          %add3A_207 = arith.constant 1 : i32
          %add3A_208 = arith.addi %add3A_139, %add3A_207 : i32
          %mul3A_209 = arith.constant 16 : i32
          %mul3A_210 = arith.muli %add3A_208, %mul3A_209 : i32
          %add3A_211 = arith.addi %arg1, %mul3A_210 : i32
          %mul3A_212 = arith.constant 64 : i32
          %mul3A_213 = arith.muli %add3A_211, %mul3A_212 : i32
          %add3A_214 = arith.addi %mul3A_38, %mul3A_213 : i32
          %dma_start3A_215 = arith.constant 0 : i32
          %dma_start3A_216 = tpu.memref_slice %arg6[%add3A_214, %dma_start3A_215] : memref<320000x16xf32, #tpu.memory_space<hbm>> -> memref<64x16xf32, #tpu.memory_space<hbm>>
          %dma_start3A_217 = arith.constant 0 : i32
          %dma_start3A_218 = tpu.memref_slice %arg6[%add3A_214, %dma_start3A_217] : memref<320000x16xf32, #tpu.memory_space<hbm>> -> memref<64x16xf32, #tpu.memory_space<hbm>>
          tpu.enqueue_dma source(%dma_start3A_218 : memref<64x16xf32, #tpu.memory_space<hbm>>) target(%arg10 : memref<64x16xf32, #tpu.memory_space<vmem>>) target_semaphore(%arg28 : memref<!tpu.dma_semaphore, #tpu.memory_space<semaphore_mem>>)
          %dma_start3A_219 = arith.constant 0 : i32
          %dma_start3A_220 = tpu.memref_slice %arg3[%add3A_214, %dma_start3A_219] : memref<320000x128xf32, #tpu.memory_space<hbm>> -> memref<64x128xf32, #tpu.memory_space<hbm>>
          %dma_start3A_221 = arith.constant 0 : i32
          %dma_start3A_222 = tpu.memref_slice %arg3[%add3A_214, %dma_start3A_221] : memref<320000x128xf32, #tpu.memory_space<hbm>> -> memref<64x128xf32, #tpu.memory_space<hbm>>
          tpu.enqueue_dma source(%dma_start3A_222 : memref<64x128xf32, #tpu.memory_space<hbm>>) target(%arg12 : memref<64x128xf32, #tpu.memory_space<vmem>>) target_semaphore(%arg28 : memref<!tpu.dma_semaphore, #tpu.memory_space<semaphore_mem>>)
        } else {
        }
        %dma_wait3A_154 = arith.constant 0 : i32
        %dma_wait3A_155 = arith.constant 0 : i32
        %dma_wait3A_156 = tpu.memref_slice %arg6[%dma_wait3A_154, %dma_wait3A_155] : memref<320000x16xf32, #tpu.memory_space<hbm>> -> memref<64x16xf32, #tpu.memory_space<hbm>>
        %dma_wait3A_157 = arith.constant 0 : i32
        %dma_wait3A_158 = arith.constant 0 : i32
        %dma_wait3A_159 = tpu.memref_slice %arg6[%dma_wait3A_157, %dma_wait3A_158] : memref<320000x16xf32, #tpu.memory_space<hbm>> -> memref<64x16xf32, #tpu.memory_space<hbm>>
        tpu.wait_dma2 semaphore(%arg29 : memref<!tpu.dma_semaphore, #tpu.memory_space<semaphore_mem>>) src(%dma_wait3A_159 : memref<64x16xf32, #tpu.memory_space<hbm>>) dst(%arg15 : memref<64x16xf32, #tpu.memory_space<vmem>>)
        %dma_wait3A_160 = arith.constant 0 : i32
        %dma_wait3A_161 = arith.constant 0 : i32
        %dma_wait3A_162 = tpu.memref_slice %arg3[%dma_wait3A_160, %dma_wait3A_161] : memref<320000x128xf32, #tpu.memory_space<hbm>> -> memref<64x128xf32, #tpu.memory_space<hbm>>
        %dma_wait3A_163 = arith.constant 0 : i32
        %dma_wait3A_164 = arith.constant 0 : i32
        %dma_wait3A_165 = tpu.memref_slice %arg3[%dma_wait3A_163, %dma_wait3A_164] : memref<320000x128xf32, #tpu.memory_space<hbm>> -> memref<64x128xf32, #tpu.memory_space<hbm>>
        tpu.wait_dma2 semaphore(%arg29 : memref<!tpu.dma_semaphore, #tpu.memory_space<semaphore_mem>>) src(%dma_wait3A_165 : memref<64x128xf32, #tpu.memory_space<hbm>>) dst(%arg17 : memref<64x128xf32, #tpu.memory_space<vmem>>)
        %scan3A_166 = arith.constant 0 : i32
        %scan3A_167 = arith.constant 0 : i32
        %scan3A_168 = arith.constant 64 : i32
        %scan3A_169 = arith.addi %scan3A_167, %scan3A_168 : i32
        %scan3A_170 = arith.constant 1 : i32
        %scan3A_171 = scf.for %scan3A_186 = %scan3A_167 to %scan3A_169 step %scan3A_170 iter_args(%scan3A_187 = %scan3A_166) -> (i32)  : i32 {
          %get3A = arith.index_cast %scan3A_186 : i32 to index
          %get3A_188 = arith.constant 0 : index
          %get3A_189 = tpu.vector_load %arg15[%get3A, %get3A_188] {strides = array<i32>} : memref<64x16xf32, #tpu.memory_space<vmem>>, vector<1x16xf32>,
          %get3A_190 = vector.shape_cast %get3A_189 : vector<1x16xf32> to vector<16xf32>
          %get3A_191 = arith.index_cast %scan3A_186 : i32 to index
          %get3A_192 = arith.constant 0 : index
          %get3A_193 = tpu.vector_load %arg16[%get3A_191, %get3A_192] {strides = array<i32>} : memref<64x128xf32, #tpu.memory_space<vmem>>, vector<1x16xf32>,
          %get3A_194 = vector.shape_cast %get3A_193 : vector<1x16xf32> to vector<16xf32>
          %get3A_195 = arith.index_cast %scan3A_186 : i32 to index
          %get3A_196 = arith.constant 0 : index
          %get3A_197 = tpu.vector_load %arg17[%get3A_195, %get3A_196] {strides = array<i32>} : memref<64x128xf32, #tpu.memory_space<vmem>>, vector<1x16xf32>,
          %get3A_198 = vector.shape_cast %get3A_197 : vector<1x16xf32> to vector<16xf32>
          %add3A_199 = arith.addf %get3A_194, %get3A_198 : vector<16xf32>
          %max3A = arith.constant 0.000000e+00 : f32
          %max3A_200 = vector.broadcast %max3A : f32 to vector<16xf32>
          %max3A_201 = arith.maximumf %add3A_199, %max3A_200 : vector<16xf32>
          %mul3A_202 = arith.mulf %max3A_201, %get3A_190 : vector<16xf32>
          %swap3A = arith.index_cast %scan3A_186 : i32 to index
          %swap3A_203 = arith.constant 0 : index
          %swap3A_204 = tpu.vector_load %arg17[%swap3A, %swap3A_203] {strides = array<i32>} : memref<64x128xf32, #tpu.memory_space<vmem>>, vector<1x16xf32>,
          %swap3A_205 = vector.shape_cast %swap3A_204 : vector<1x16xf32> to vector<16xf32>
          %swap3A_206 = vector.shape_cast %mul3A_202 : vector<16xf32> to vector<1x16xf32>
          tpu.vector_store %arg17[%swap3A, %swap3A_203], %swap3A_206 {strides = array<i32>} : memref<64x128xf32, #tpu.memory_space<vmem>>, vector<1x16xf32>,
          %get3A_207 = arith.index_cast %scan3A_186 : i32 to index
          %get3A_208 = arith.constant 16 : index
          %get3A_209 = tpu.vector_load %arg16[%get3A_207, %get3A_208] {strides = array<i32>} : memref<64x128xf32, #tpu.memory_space<vmem>>, vector<1x16xf32>,
          %get3A_210 = vector.shape_cast %get3A_209 : vector<1x16xf32> to vector<16xf32>
          %get3A_211 = arith.index_cast %scan3A_186 : i32 to index
          %get3A_212 = arith.constant 16 : index
          %get3A_213 = tpu.vector_load %arg17[%get3A_211, %get3A_212] {strides = array<i32>} : memref<64x128xf32, #tpu.memory_space<vmem>>, vector<1x16xf32>,
          %get3A_214 = vector.shape_cast %get3A_213 : vector<1x16xf32> to vector<16xf32>
          %add3A_215 = arith.addf %get3A_210, %get3A_214 : vector<16xf32>
          %max3A_216 = arith.constant 0.000000e+00 : f32
          %max3A_217 = vector.broadcast %max3A_216 : f32 to vector<16xf32>
          %max3A_218 = arith.maximumf %add3A_215, %max3A_217 : vector<16xf32>
          %mul3A_219 = arith.mulf %max3A_218, %get3A_190 : vector<16xf32>
          %swap3A_220 = arith.index_cast %scan3A_186 : i32 to index
          %swap3A_221 = arith.constant 16 : index
          %swap3A_222 = tpu.vector_load %arg17[%swap3A_220, %swap3A_221] {strides = array<i32>} : memref<64x128xf32, #tpu.memory_space<vmem>>, vector<1x16xf32>,
          %swap3A_223 = vector.shape_cast %swap3A_222 : vector<1x16xf32> to vector<16xf32>
          %swap3A_224 = vector.shape_cast %mul3A_219 : vector<16xf32> to vector<1x16xf32>
          tpu.vector_store %arg17[%swap3A_220, %swap3A_221], %swap3A_224 {strides = array<i32>} : memref<64x128xf32, #tpu.memory_space<vmem>>, vector<1x16xf32>,
          %get3A_225 = arith.index_cast %scan3A_186 : i32 to index
          %get3A_226 = arith.constant 32 : index
          %get3A_227 = tpu.vector_load %arg16[%get3A_225, %get3A_226] {strides = array<i32>} : memref<64x128xf32, #tpu.memory_space<vmem>>, vector<1x16xf32>,
          %get3A_228 = vector.shape_cast %get3A_227 : vector<1x16xf32> to vector<16xf32>
          %get3A_229 = arith.index_cast %scan3A_186 : i32 to index
          %get3A_230 = arith.constant 32 : index
          %get3A_231 = tpu.vector_load %arg17[%get3A_229, %get3A_230] {strides = array<i32>} : memref<64x128xf32, #tpu.memory_space<vmem>>, vector<1x16xf32>,
          %get3A_232 = vector.shape_cast %get3A_231 : vector<1x16xf32> to vector<16xf32>
          %add3A_233 = arith.addf %get3A_228, %get3A_232 : vector<16xf32>
          %max3A_234 = arith.constant 0.000000e+00 : f32
          %max3A_235 = vector.broadcast %max3A_234 : f32 to vector<16xf32>
          %max3A_236 = arith.maximumf %add3A_233, %max3A_235 : vector<16xf32>
          %mul3A_237 = arith.mulf %max3A_236, %get3A_190 : vector<16xf32>
          %swap3A_238 = arith.index_cast %scan3A_186 : i32 to index
          %swap3A_239 = arith.constant 32 : index
          %swap3A_240 = tpu.vector_load %arg17[%swap3A_238, %swap3A_239] {strides = array<i32>} : memref<64x128xf32, #tpu.memory_space<vmem>>, vector<1x16xf32>,
          %swap3A_241 = vector.shape_cast %swap3A_240 : vector<1x16xf32> to vector<16xf32>
          %swap3A_242 = vector.shape_cast %mul3A_237 : vector<16xf32> to vector<1x16xf32>
          tpu.vector_store %arg17[%swap3A_238, %swap3A_239], %swap3A_242 {strides = array<i32>} : memref<64x128xf32, #tpu.memory_space<vmem>>, vector<1x16xf32>,
          %get3A_243 = arith.index_cast %scan3A_186 : i32 to index
          %get3A_244 = arith.constant 48 : index
          %get3A_245 = tpu.vector_load %arg16[%get3A_243, %get3A_244] {strides = array<i32>} : memref<64x128xf32, #tpu.memory_space<vmem>>, vector<1x16xf32>,
          %get3A_246 = vector.shape_cast %get3A_245 : vector<1x16xf32> to vector<16xf32>
          %get3A_247 = arith.index_cast %scan3A_186 : i32 to index
          %get3A_248 = arith.constant 48 : index
          %get3A_249 = tpu.vector_load %arg17[%get3A_247, %get3A_248] {strides = array<i32>} : memref<64x128xf32, #tpu.memory_space<vmem>>, vector<1x16xf32>,
          %get3A_250 = vector.shape_cast %get3A_249 : vector<1x16xf32> to vector<16xf32>
          %add3A_251 = arith.addf %get3A_246, %get3A_250 : vector<16xf32>
          %max3A_252 = arith.constant 0.000000e+00 : f32
          %max3A_253 = vector.broadcast %max3A_252 : f32 to vector<16xf32>
          %max3A_254 = arith.maximumf %add3A_251, %max3A_253 : vector<16xf32>
          %mul3A_255 = arith.mulf %max3A_254, %get3A_190 : vector<16xf32>
          %swap3A_256 = arith.index_cast %scan3A_186 : i32 to index
          %swap3A_257 = arith.constant 48 : index
          %swap3A_258 = tpu.vector_load %arg17[%swap3A_256, %swap3A_257] {strides = array<i32>} : memref<64x128xf32, #tpu.memory_space<vmem>>, vector<1x16xf32>,
          %swap3A_259 = vector.shape_cast %swap3A_258 : vector<1x16xf32> to vector<16xf32>
          %swap3A_260 = vector.shape_cast %mul3A_255 : vector<16xf32> to vector<1x16xf32>
          tpu.vector_store %arg17[%swap3A_256, %swap3A_257], %swap3A_260 {strides = array<i32>} : memref<64x128xf32, #tpu.memory_space<vmem>>, vector<1x16xf32>,
          %get3A_261 = arith.index_cast %scan3A_186 : i32 to index
          %get3A_262 = arith.constant 64 : index
          %get3A_263 = tpu.vector_load %arg16[%get3A_261, %get3A_262] {strides = array<i32>} : memref<64x128xf32, #tpu.memory_space<vmem>>, vector<1x16xf32>,
          %get3A_264 = vector.shape_cast %get3A_263 : vector<1x16xf32> to vector<16xf32>
          %get3A_265 = arith.index_cast %scan3A_186 : i32 to index
          %get3A_266 = arith.constant 64 : index
          %get3A_267 = tpu.vector_load %arg17[%get3A_265, %get3A_266] {strides = array<i32>} : memref<64x128xf32, #tpu.memory_space<vmem>>, vector<1x16xf32>,
          %get3A_268 = vector.shape_cast %get3A_267 : vector<1x16xf32> to vector<16xf32>
          %add3A_269 = arith.addf %get3A_264, %get3A_268 : vector<16xf32>
          %max3A_270 = arith.constant 0.000000e+00 : f32
          %max3A_271 = vector.broadcast %max3A_270 : f32 to vector<16xf32>
          %max3A_272 = arith.maximumf %add3A_269, %max3A_271 : vector<16xf32>
          %mul3A_273 = arith.mulf %max3A_272, %get3A_190 : vector<16xf32>
          %swap3A_274 = arith.index_cast %scan3A_186 : i32 to index
          %swap3A_275 = arith.constant 64 : index
          %swap3A_276 = tpu.vector_load %arg17[%swap3A_274, %swap3A_275] {strides = array<i32>} : memref<64x128xf32, #tpu.memory_space<vmem>>, vector<1x16xf32>,
          %swap3A_277 = vector.shape_cast %swap3A_276 : vector<1x16xf32> to vector<16xf32>
          %swap3A_278 = vector.shape_cast %mul3A_273 : vector<16xf32> to vector<1x16xf32>
          tpu.vector_store %arg17[%swap3A_274, %swap3A_275], %swap3A_278 {strides = array<i32>} : memref<64x128xf32, #tpu.memory_space<vmem>>, vector<1x16xf32>,
          %get3A_279 = arith.index_cast %scan3A_186 : i32 to index
          %get3A_280 = arith.constant 80 : index
          %get3A_281 = tpu.vector_load %arg16[%get3A_279, %get3A_280] {strides = array<i32>} : memref<64x128xf32, #tpu.memory_space<vmem>>, vector<1x16xf32>,
          %get3A_282 = vector.shape_cast %get3A_281 : vector<1x16xf32> to vector<16xf32>
          %get3A_283 = arith.index_cast %scan3A_186 : i32 to index
          %get3A_284 = arith.constant 80 : index
          %get3A_285 = tpu.vector_load %arg17[%get3A_283, %get3A_284] {strides = array<i32>} : memref<64x128xf32, #tpu.memory_space<vmem>>, vector<1x16xf32>,
          %get3A_286 = vector.shape_cast %get3A_285 : vector<1x16xf32> to vector<16xf32>
          %add3A_287 = arith.addf %get3A_282, %get3A_286 : vector<16xf32>
          %max3A_288 = arith.constant 0.000000e+00 : f32
          %max3A_289 = vector.broadcast %max3A_288 : f32 to vector<16xf32>
          %max3A_290 = arith.maximumf %add3A_287, %max3A_289 : vector<16xf32>
          %mul3A_291 = arith.mulf %max3A_290, %get3A_190 : vector<16xf32>
          %swap3A_292 = arith.index_cast %scan3A_186 : i32 to index
          %swap3A_293 = arith.constant 80 : index
          %swap3A_294 = tpu.vector_load %arg17[%swap3A_292, %swap3A_293] {strides = array<i32>} : memref<64x128xf32, #tpu.memory_space<vmem>>, vector<1x16xf32>,
          %swap3A_295 = vector.shape_cast %swap3A_294 : vector<1x16xf32> to vector<16xf32>
          %swap3A_296 = vector.shape_cast %mul3A_291 : vector<16xf32> to vector<1x16xf32>
          tpu.vector_store %arg17[%swap3A_292, %swap3A_293], %swap3A_296 {strides = array<i32>} : memref<64x128xf32, #tpu.memory_space<vmem>>, vector<1x16xf32>,
          %get3A_297 = arith.index_cast %scan3A_186 : i32 to index
          %get3A_298 = arith.constant 96 : index
          %get3A_299 = tpu.vector_load %arg16[%get3A_297, %get3A_298] {strides = array<i32>} : memref<64x128xf32, #tpu.memory_space<vmem>>, vector<1x16xf32>,
          %get3A_300 = vector.shape_cast %get3A_299 : vector<1x16xf32> to vector<16xf32>
          %get3A_301 = arith.index_cast %scan3A_186 : i32 to index
          %get3A_302 = arith.constant 96 : index
          %get3A_303 = tpu.vector_load %arg17[%get3A_301, %get3A_302] {strides = array<i32>} : memref<64x128xf32, #tpu.memory_space<vmem>>, vector<1x16xf32>,
          %get3A_304 = vector.shape_cast %get3A_303 : vector<1x16xf32> to vector<16xf32>
          %add3A_305 = arith.addf %get3A_300, %get3A_304 : vector<16xf32>
          %max3A_306 = arith.constant 0.000000e+00 : f32
          %max3A_307 = vector.broadcast %max3A_306 : f32 to vector<16xf32>
          %max3A_308 = arith.maximumf %add3A_305, %max3A_307 : vector<16xf32>
          %mul3A_309 = arith.mulf %max3A_308, %get3A_190 : vector<16xf32>
          %swap3A_310 = arith.index_cast %scan3A_186 : i32 to index
          %swap3A_311 = arith.constant 96 : index
          %swap3A_312 = tpu.vector_load %arg17[%swap3A_310, %swap3A_311] {strides = array<i32>} : memref<64x128xf32, #tpu.memory_space<vmem>>, vector<1x16xf32>,
          %swap3A_313 = vector.shape_cast %swap3A_312 : vector<1x16xf32> to vector<16xf32>
          %swap3A_314 = vector.shape_cast %mul3A_309 : vector<16xf32> to vector<1x16xf32>
          tpu.vector_store %arg17[%swap3A_310, %swap3A_311], %swap3A_314 {strides = array<i32>} : memref<64x128xf32, #tpu.memory_space<vmem>>, vector<1x16xf32>,
          %get3A_315 = arith.index_cast %scan3A_186 : i32 to index
          %get3A_316 = arith.constant 112 : index
          %get3A_317 = tpu.vector_load %arg16[%get3A_315, %get3A_316] {strides = array<i32>} : memref<64x128xf32, #tpu.memory_space<vmem>>, vector<1x16xf32>,
          %get3A_318 = vector.shape_cast %get3A_317 : vector<1x16xf32> to vector<16xf32>
          %get3A_319 = arith.index_cast %scan3A_186 : i32 to index
          %get3A_320 = arith.constant 112 : index
          %get3A_321 = tpu.vector_load %arg17[%get3A_319, %get3A_320] {strides = array<i32>} : memref<64x128xf32, #tpu.memory_space<vmem>>, vector<1x16xf32>,
          %get3A_322 = vector.shape_cast %get3A_321 : vector<1x16xf32> to vector<16xf32>
          %add3A_323 = arith.addf %get3A_318, %get3A_322 : vector<16xf32>
          %max3A_324 = arith.constant 0.000000e+00 : f32
          %max3A_325 = vector.broadcast %max3A_324 : f32 to vector<16xf32>
          %max3A_326 = arith.maximumf %add3A_323, %max3A_325 : vector<16xf32>
          %mul3A_327 = arith.mulf %max3A_326, %get3A_190 : vector<16xf32>
          %swap3A_328 = arith.index_cast %scan3A_186 : i32 to index
          %swap3A_329 = arith.constant 112 : index
          %swap3A_330 = tpu.vector_load %arg17[%swap3A_328, %swap3A_329] {strides = array<i32>} : memref<64x128xf32, #tpu.memory_space<vmem>>, vector<1x16xf32>,
          %swap3A_331 = vector.shape_cast %swap3A_330 : vector<1x16xf32> to vector<16xf32>
          %swap3A_332 = vector.shape_cast %mul3A_327 : vector<16xf32> to vector<1x16xf32>
          tpu.vector_store %arg17[%swap3A_328, %swap3A_329], %swap3A_332 {strides = array<i32>} : memref<64x128xf32, #tpu.memory_space<vmem>>, vector<1x16xf32>,
          %scan3A_333 = arith.constant 0 : i32
          scf.yield %scan3A_333 : i32
        }
        %scan3A_172 = arith.constant 64 : i32
        %dma_wait3A_173 = arith.constant 0 : i32
        %dma_wait3A_174 = tpu.memref_slice %arg5[%dma_wait3A_173] : memref<320000xi32, #tpu.memory_space<hbm>> -> memref<64xi32, #tpu.memory_space<hbm>>
        %dma_wait3A_175 = arith.constant 0 : i32
        %dma_wait3A_176 = tpu.memref_slice %arg5[%dma_wait3A_175] : memref<320000xi32, #tpu.memory_space<hbm>> -> memref<64xi32, #tpu.memory_space<hbm>>
        tpu.wait_dma2 semaphore(%arg25 : memref<!tpu.dma_semaphore, #tpu.memory_space<semaphore_mem>>) src(%dma_wait3A_176 : memref<64xi32, #tpu.memory_space<hbm>>) dst(%arg14 : memref<64xi32, #tpu.memory_space<vmem>>)
        %dma_start3A_177 = arith.constant 0 : i32
        %dma_start3A_178 = arith.constant 0 : i32
        %dma_start3A_179 = tpu.memref_slice %arg19[%dma_start3A_177, %dma_start3A_178] : memref<10000x128xf32, #tpu.memory_space<vmem_shared>> -> memref<10000x128xf32, #tpu.memory_space<vmem_shared>>
        tpu.enqueue_indirect_dma source(%arg17 : memref<64x128xf32, #tpu.memory_space<vmem>>) target(%dma_start3A_179 : memref<10000x128xf32, #tpu.memory_space<vmem_shared>>) offsets(%arg14 : memref<64xi32, #tpu.memory_space<vmem>>) semaphore(%arg27 : memref<!tpu.dma_semaphore, #tpu.memory_space<semaphore_mem>>) {add = true}
        %add3A_180 = arith.constant 2 : i32
        %add3A_181 = arith.addi %add3A_139, %add3A_180 : i32
        %lt3A_182 = arith.cmpi slt, %add3A_181, %select_n3A : i32
        %convert_element_type3A_183 = arith.extui %lt3A_182 : i1 to i32
        %cond3A_184 = arith.constant 0 : i32
        %cond3A_185 = arith.cmpi ne, %convert_element_type3A_183, %cond3A_184 : i32
        scf.if %cond3A_185 {
          %add3A_186 = arith.constant 2 : i32
          %add3A_187 = arith.addi %add3A_139, %add3A_186 : i32
          %mul3A_188 = arith.constant 16 : i32
          %mul3A_189 = arith.muli %add3A_187, %mul3A_188 : i32
          %add3A_190 = arith.addi %arg1, %mul3A_189 : i32
          %mul3A_191 = arith.constant 64 : i32
          %mul3A_192 = arith.muli %add3A_190, %mul3A_191 : i32
          %add3A_193 = arith.addi %mul3A_38, %mul3A_192 : i32
          %dma_start3A_194 = tpu.memref_slice %arg4[%add3A_193] : memref<320000xi32, #tpu.memory_space<hbm>> -> memref<64xi32, #tpu.memory_space<hbm>>
          %dma_start3A_195 = tpu.memref_slice %arg4[%add3A_193] : memref<320000xi32, #tpu.memory_space<hbm>> -> memref<64xi32, #tpu.memory_space<hbm>>
          tpu.enqueue_dma source(%dma_start3A_195 : memref<64xi32, #tpu.memory_space<hbm>>) target(%arg13 : memref<64xi32, #tpu.memory_space<vmem>>) target_semaphore(%arg21 : memref<!tpu.dma_semaphore, #tpu.memory_space<semaphore_mem>>)
        } else {
        }
      } else {
      }
      %while3A_144 = arith.constant 0 : i32
      scf.yield %while3A_144 : i32
    }
    %dma_wait3A_115 = arith.constant 0 : i32
    %dma_wait3A_116 = arith.constant 0 : i32
    %dma_wait3A_117 = tpu.memref_slice %arg19[%dma_wait3A_115, %dma_wait3A_116] : memref<10000x128xf32, #tpu.memory_space<vmem_shared>> -> memref<10000x128xf32, #tpu.memory_space<vmem_shared>>
    tpu.wait_indirect_dma semaphore(%arg26 : memref<!tpu.dma_semaphore, #tpu.memory_space<semaphore_mem>>) src(%arg12 : memref<64x128xf32, #tpu.memory_space<vmem>>) dst(%dma_wait3A_117 : memref<10000x128xf32, #tpu.memory_space<vmem_shared>>)
    %dma_wait3A_118 = arith.constant 0 : i32
    %dma_wait3A_119 = arith.constant 0 : i32
    %dma_wait3A_120 = tpu.memref_slice %arg19[%dma_wait3A_118, %dma_wait3A_119] : memref<10000x128xf32, #tpu.memory_space<vmem_shared>> -> memref<10000x128xf32, #tpu.memory_space<vmem_shared>>
    tpu.wait_indirect_dma semaphore(%arg27 : memref<!tpu.dma_semaphore, #tpu.memory_space<semaphore_mem>>) src(%arg17 : memref<64x128xf32, #tpu.memory_space<vmem>>) dst(%dma_wait3A_120 : memref<10000x128xf32, #tpu.memory_space<vmem_shared>>)
    %barrier3A_121 = arith.constant 0 : index
    tpu.barrier barrier_id(%barrier3A_121)
    "tpu.region"() ({
      %run_scoped3A = tpu.sem_alloc : memref<!tpu.dma_semaphore, #tpu.memory_space<semaphore_mem>>
      %dma_start3A_127 = arith.constant 0 : i32
      %dma_start3A_128 = tpu.memref_slice %arg7[%arg0, %mul3A_6, %dma_start3A_127] : memref<2x10000x128xf32, #tpu.memory_space<hbm>> -> memref<1x624x128xf32, #tpu.memory_space<hbm>>
      %dma_start3A_129 = tpu.memref_squeeze %dma_start3A_128 : memref<1x624x128xf32, #tpu.memory_space<hbm>> -> memref<624x128xf32, #tpu.memory_space<hbm>>
      %dma_start3A_130 = arith.constant 0 : i32
      %dma_start3A_131 = tpu.memref_slice %arg19[%mul3A_6, %dma_start3A_130] : memref<10000x128xf32, #tpu.memory_space<vmem_shared>> -> memref<624x128xf32, #tpu.memory_space<vmem_shared>>
      tpu.enqueue_dma source(%dma_start3A_131 : memref<624x128xf32, #tpu.memory_space<vmem_shared>>) target(%dma_start3A_129 : memref<624x128xf32, #tpu.memory_space<hbm>>) target_semaphore(%run_scoped3A : memref<!tpu.dma_semaphore, #tpu.memory_space<semaphore_mem>>)
      %dma_wait3A_132 = arith.constant 0 : i32
      %dma_wait3A_133 = tpu.memref_slice %arg7[%arg0, %mul3A_6, %dma_wait3A_132] : memref<2x10000x128xf32, #tpu.memory_space<hbm>> -> memref<1x624x128xf32, #tpu.memory_space<hbm>>
      %dma_wait3A_134 = tpu.memref_squeeze %dma_wait3A_133 : memref<1x624x128xf32, #tpu.memory_space<hbm>> -> memref<624x128xf32, #tpu.memory_space<hbm>>
      %dma_wait3A_135 = arith.constant 0 : i32
      %dma_wait3A_136 = tpu.memref_slice %arg19[%mul3A_6, %dma_wait3A_135] : memref<10000x128xf32, #tpu.memory_space<vmem_shared>> -> memref<624x128xf32, #tpu.memory_space<vmem_shared>>
      tpu.wait_dma2 semaphore(%run_scoped3A : memref<!tpu.dma_semaphore, #tpu.memory_space<semaphore_mem>>) src(%dma_wait3A_136 : memref<624x128xf32, #tpu.memory_space<vmem_shared>>) dst(%dma_wait3A_134 : memref<624x128xf32, #tpu.memory_space<hbm>>)
      tpu.yield
    }) : () -> ()
    %eq3A_122 = arith.constant 15 : i32
    %eq3A_123 = arith.cmpi eq, %arg1, %eq3A_122 : i32
    %convert_element_type3A_124 = arith.extui %eq3A_123 : i1 to i32
    %cond3A_125 = arith.constant 0 : i32
    %cond3A_126 = arith.cmpi ne, %convert_element_type3A_124, %cond3A_125 : i32
    scf.if %cond3A_126 {
      "tpu.region"() ({
        %run_scoped3A = tpu.sem_alloc : memref<!tpu.dma_semaphore, #tpu.memory_space<semaphore_mem>>
        %dma_start3A_127 = arith.constant 9984 : i32
        %dma_start3A_128 = arith.constant 0 : i32
        %dma_start3A_129 = tpu.memref_slice %arg7[%arg0, %dma_start3A_127, %dma_start3A_128] : memref<2x10000x128xf32, #tpu.memory_space<hbm>> -> memref<1x16x128xf32, #tpu.memory_space<hbm>>
        %dma_start3A_130 = tpu.memref_squeeze %dma_start3A_129 : memref<1x16x128xf32, #tpu.memory_space<hbm>> -> memref<16x128xf32, #tpu.memory_space<hbm>>
        %dma_start3A_131 = arith.constant 9984 : i32
        %dma_start3A_132 = arith.constant 0 : i32
        %dma_start3A_133 = tpu.memref_slice %arg19[%dma_start3A_131, %dma_start3A_132] : memref<10000x128xf32, #tpu.memory_space<vmem_shared>> -> memref<16x128xf32, #tpu.memory_space<vmem_shared>>
        tpu.enqueue_dma source(%dma_start3A_133 : memref<16x128xf32, #tpu.memory_space<vmem_shared>>) target(%dma_start3A_130 : memref<16x128xf32, #tpu.memory_space<hbm>>) target_semaphore(%run_scoped3A : memref<!tpu.dma_semaphore, #tpu.memory_space<semaphore_mem>>)
        %dma_wait3A_134 = arith.constant 9984 : i32
        %dma_wait3A_135 = arith.constant 0 : i32
        %dma_wait3A_136 = tpu.memref_slice %arg7[%arg0, %dma_wait3A_134, %dma_wait3A_135] : memref<2x10000x128xf32, #tpu.memory_space<hbm>> -> memref<1x16x128xf32, #tpu.memory_space<hbm>>
        %dma_wait3A_137 = tpu.memref_squeeze %dma_wait3A_136 : memref<1x16x128xf32, #tpu.memory_space<hbm>> -> memref<16x128xf32, #tpu.memory_space<hbm>>
        %dma_wait3A_138 = arith.constant 9984 : i32
        %dma_wait3A_139 = arith.constant 0 : i32
        %dma_wait3A_140 = tpu.memref_slice %arg19[%dma_wait3A_138, %dma_wait3A_139] : memref<10000x128xf32, #tpu.memory_space<vmem_shared>> -> memref<16x128xf32, #tpu.memory_space<vmem_shared>>
        tpu.wait_dma2 semaphore(%run_scoped3A : memref<!tpu.dma_semaphore, #tpu.memory_space<semaphore_mem>>) src(%dma_wait3A_140 : memref<16x128xf32, #tpu.memory_space<vmem_shared>>) dst(%dma_wait3A_137 : memref<16x128xf32, #tpu.memory_space<hbm>>)
        tpu.yield
      }) : () -> ()
    } else {
    }
    return
  }
}

#map = affine_map<(d0, d1) -> (0, 0)>
#map1 = affine_map<(d0, d1) -> (0)>
#map2 = affine_map<(d0, d1) -> (0, 0, 0)>
module attributes {stable_mosaic.version = 14 : i64} {
  func.func @_msg_agg_body(%arg0: i32, %arg1: i32, %arg2: memref<10000x128xf32, #tpu.memory_space<hbm>>, %arg3: memref<320000x128xf32, #tpu.memory_space<hbm>>, %arg4: memref<320000xi32, #tpu.memory_space<hbm>>, %arg5: memref<320000xi32, #tpu.memory_space<hbm>>, %arg6: memref<320000x16xf32, #tpu.memory_space<hbm>>, %arg7: memref<2x10000x128xf32, #tpu.memory_space<hbm>>, %arg8: memref<64xi32, #tpu.memory_space<vmem>>, %arg9: memref<64xi32, #tpu.memory_space<vmem>>, %arg10: memref<64x16xf32, #tpu.memory_space<vmem>>, %arg11: memref<64x128xf32, #tpu.memory_space<vmem>>, %arg12: memref<64x128xf32, #tpu.memory_space<vmem>>, %arg13: memref<64xi32, #tpu.memory_space<vmem>>, %arg14: memref<64xi32, #tpu.memory_space<vmem>>, %arg15: memref<64x16xf32, #tpu.memory_space<vmem>>, %arg16: memref<64x128xf32, #tpu.memory_space<vmem>>, %arg17: memref<64x128xf32, #tpu.memory_space<vmem>>, %arg18: memref<8x128xf32, #tpu.memory_space<vmem>>, %arg19: memref<10000x128xf32, #tpu.memory_space<vmem_shared>>, %arg20: memref<!tpu.dma_semaphore, #tpu.memory_space<semaphore_mem>>, %arg21: memref<!tpu.dma_semaphore, #tpu.memory_space<semaphore_mem>>, %arg22: memref<!tpu.dma_semaphore, #tpu.memory_space<semaphore_mem>>, %arg23: memref<!tpu.dma_semaphore, #tpu.memory_space<semaphore_mem>>, %arg24: memref<!tpu.dma_semaphore, #tpu.memory_space<semaphore_mem>>, %arg25: memref<!tpu.dma_semaphore, #tpu.memory_space<semaphore_mem>>, %arg26: memref<!tpu.dma_semaphore, #tpu.memory_space<semaphore_mem>>, %arg27: memref<!tpu.dma_semaphore, #tpu.memory_space<semaphore_mem>>, %arg28: memref<!tpu.dma_semaphore, #tpu.memory_space<semaphore_mem>>, %arg29: memref<!tpu.dma_semaphore, #tpu.memory_space<semaphore_mem>>) attributes {dimension_semantics = [#tpu.dimension_semantics<core_parallel>, #tpu.dimension_semantics<subcore_parallel>], iteration_bounds = array<i64: 2, 16>, scalar_prefetch = 0 : i64, scratch_operands = 22 : i64, tpu.core_type = #tpu.core_type<sc_vector_subcore>, window_params = [{transform_indices = #map}, {transform_indices = #map}, {transform_indices = #map1}, {transform_indices = #map1}, {transform_indices = #map}, {transform_indices = #map2}]} {
    %scan3A = arith.constant 0 : i32
    %scan3A_0 = arith.constant 0 : i32
    %scan3A_1 = arith.constant 8 : i32
    %scan3A_2 = arith.addi %scan3A_0, %scan3A_1 : i32
    %scan3A_3 = arith.constant 1 : i32
    %scan3A_4 = scf.for %scan3A_127 = %scan3A_0 to %scan3A_2 step %scan3A_3 iter_args(%scan3A_128 = %scan3A) -> (i32)  : i32 {
      %broadcast_in_dim3A = arith.constant 0.000000e+00 : f32
      %broadcast_in_dim3A_129 = vector.broadcast %broadcast_in_dim3A : f32 to vector<16xf32>
      %swap3A = arith.index_cast %scan3A_127 : i32 to index
      %swap3A_130 = arith.constant 0 : index
      %swap3A_131 = tpu.vector_load %arg18[%swap3A, %swap3A_130] {strides = array<i32>} : memref<8x128xf32, #tpu.memory_space<vmem>>, vector<1x16xf32>,
      %swap3A_132 = vector.shape_cast %swap3A_131 : vector<1x16xf32> to vector<16xf32>
      %swap3A_133 = vector.shape_cast %broadcast_in_dim3A_129 : vector<16xf32> to vector<1x16xf32>
      tpu.vector_store %arg18[%swap3A, %swap3A_130], %swap3A_133 {strides = array<i32>} : memref<8x128xf32, #tpu.memory_space<vmem>>, vector<1x16xf32>,
      %broadcast_in_dim3A_134 = arith.constant 0.000000e+00 : f32
      %broadcast_in_dim3A_135 = vector.broadcast %broadcast_in_dim3A_134 : f32 to vector<16xf32>
      %swap3A_136 = arith.index_cast %scan3A_127 : i32 to index
      %swap3A_137 = arith.constant 16 : index
      %swap3A_138 = tpu.vector_load %arg18[%swap3A_136, %swap3A_137] {strides = array<i32>} : memref<8x128xf32, #tpu.memory_space<vmem>>, vector<1x16xf32>,
      %swap3A_139 = vector.shape_cast %swap3A_138 : vector<1x16xf32> to vector<16xf32>
      %swap3A_140 = vector.shape_cast %broadcast_in_dim3A_135 : vector<16xf32> to vector<1x16xf32>
      tpu.vector_store %arg18[%swap3A_136, %swap3A_137], %swap3A_140 {strides = array<i32>} : memref<8x128xf32, #tpu.memory_space<vmem>>, vector<1x16xf32>,
      %broadcast_in_dim3A_141 = arith.constant 0.000000e+00 : f32
      %broadcast_in_dim3A_142 = vector.broadcast %broadcast_in_dim3A_141 : f32 to vector<16xf32>
      %swap3A_143 = arith.index_cast %scan3A_127 : i32 to index
      %swap3A_144 = arith.constant 32 : index
      %swap3A_145 = tpu.vector_load %arg18[%swap3A_143, %swap3A_144] {strides = array<i32>} : memref<8x128xf32, #tpu.memory_space<vmem>>, vector<1x16xf32>,
      %swap3A_146 = vector.shape_cast %swap3A_145 : vector<1x16xf32> to vector<16xf32>
      %swap3A_147 = vector.shape_cast %broadcast_in_dim3A_142 : vector<16xf32> to vector<1x16xf32>
      tpu.vector_store %arg18[%swap3A_143, %swap3A_144], %swap3A_147 {strides = array<i32>} : memref<8x128xf32, #tpu.memory_space<vmem>>, vector<1x16xf32>,
      %broadcast_in_dim3A_148 = arith.constant 0.000000e+00 : f32
      %broadcast_in_dim3A_149 = vector.broadcast %broadcast_in_dim3A_148 : f32 to vector<16xf32>
      %swap3A_150 = arith.index_cast %scan3A_127 : i32 to index
      %swap3A_151 = arith.constant 48 : index
      %swap3A_152 = tpu.vector_load %arg18[%swap3A_150, %swap3A_151] {strides = array<i32>} : memref<8x128xf32, #tpu.memory_space<vmem>>, vector<1x16xf32>,
      %swap3A_153 = vector.shape_cast %swap3A_152 : vector<1x16xf32> to vector<16xf32>
      %swap3A_154 = vector.shape_cast %broadcast_in_dim3A_149 : vector<16xf32> to vector<1x16xf32>
      tpu.vector_store %arg18[%swap3A_150, %swap3A_151], %swap3A_154 {strides = array<i32>} : memref<8x128xf32, #tpu.memory_space<vmem>>, vector<1x16xf32>,
      %broadcast_in_dim3A_155 = arith.constant 0.000000e+00 : f32
      %broadcast_in_dim3A_156 = vector.broadcast %broadcast_in_dim3A_155 : f32 to vector<16xf32>
      %swap3A_157 = arith.index_cast %scan3A_127 : i32 to index
      %swap3A_158 = arith.constant 64 : index
      %swap3A_159 = tpu.vector_load %arg18[%swap3A_157, %swap3A_158] {strides = array<i32>} : memref<8x128xf32, #tpu.memory_space<vmem>>, vector<1x16xf32>,
      %swap3A_160 = vector.shape_cast %swap3A_159 : vector<1x16xf32> to vector<16xf32>
      %swap3A_161 = vector.shape_cast %broadcast_in_dim3A_156 : vector<16xf32> to vector<1x16xf32>
      tpu.vector_store %arg18[%swap3A_157, %swap3A_158], %swap3A_161 {strides = array<i32>} : memref<8x128xf32, #tpu.memory_space<vmem>>, vector<1x16xf32>,
      %broadcast_in_dim3A_162 = arith.constant 0.000000e+00 : f32
      %broadcast_in_dim3A_163 = vector.broadcast %broadcast_in_dim3A_162 : f32 to vector<16xf32>
      %swap3A_164 = arith.index_cast %scan3A_127 : i32 to index
      %swap3A_165 = arith.constant 80 : index
      %swap3A_166 = tpu.vector_load %arg18[%swap3A_164, %swap3A_165] {strides = array<i32>} : memref<8x128xf32, #tpu.memory_space<vmem>>, vector<1x16xf32>,
      %swap3A_167 = vector.shape_cast %swap3A_166 : vector<1x16xf32> to vector<16xf32>
      %swap3A_168 = vector.shape_cast %broadcast_in_dim3A_163 : vector<16xf32> to vector<1x16xf32>
      tpu.vector_store %arg18[%swap3A_164, %swap3A_165], %swap3A_168 {strides = array<i32>} : memref<8x128xf32, #tpu.memory_space<vmem>>, vector<1x16xf32>,
      %broadcast_in_dim3A_169 = arith.constant 0.000000e+00 : f32
      %broadcast_in_dim3A_170 = vector.broadcast %broadcast_in_dim3A_169 : f32 to vector<16xf32>
      %swap3A_171 = arith.index_cast %scan3A_127 : i32 to index
      %swap3A_172 = arith.constant 96 : index
      %swap3A_173 = tpu.vector_load %arg18[%swap3A_171, %swap3A_172] {strides = array<i32>} : memref<8x128xf32, #tpu.memory_space<vmem>>, vector<1x16xf32>,
      %swap3A_174 = vector.shape_cast %swap3A_173 : vector<1x16xf32> to vector<16xf32>
      %swap3A_175 = vector.shape_cast %broadcast_in_dim3A_170 : vector<16xf32> to vector<1x16xf32>
      tpu.vector_store %arg18[%swap3A_171, %swap3A_172], %swap3A_175 {strides = array<i32>} : memref<8x128xf32, #tpu.memory_space<vmem>>, vector<1x16xf32>,
      %broadcast_in_dim3A_176 = arith.constant 0.000000e+00 : f32
      %broadcast_in_dim3A_177 = vector.broadcast %broadcast_in_dim3A_176 : f32 to vector<16xf32>
      %swap3A_178 = arith.index_cast %scan3A_127 : i32 to index
      %swap3A_179 = arith.constant 112 : index
      %swap3A_180 = tpu.vector_load %arg18[%swap3A_178, %swap3A_179] {strides = array<i32>} : memref<8x128xf32, #tpu.memory_space<vmem>>, vector<1x16xf32>,
      %swap3A_181 = vector.shape_cast %swap3A_180 : vector<1x16xf32> to vector<16xf32>
      %swap3A_182 = vector.shape_cast %broadcast_in_dim3A_177 : vector<16xf32> to vector<1x16xf32>
      tpu.vector_store %arg18[%swap3A_178, %swap3A_179], %swap3A_182 {strides = array<i32>} : memref<8x128xf32, #tpu.memory_space<vmem>>, vector<1x16xf32>,
      %scan3A_183 = arith.constant 0 : i32
      scf.yield %scan3A_183 : i32
    }
    %scan3A_5 = arith.constant 8 : i32
    %mul3A = arith.constant 624 : i32
    %mul3A_6 = arith.muli %arg1, %mul3A : i32
    %scan3A_7 = arith.constant 0 : i32
    %scan3A_8 = arith.constant 0 : i32
    %scan3A_9 = arith.constant 78 : i32
    %scan3A_10 = arith.addi %scan3A_8, %scan3A_9 : i32
    %scan3A_11 = arith.constant 1 : i32
    %scan3A_12 = scf.for %scan3A_127 = %scan3A_8 to %scan3A_10 step %scan3A_11 iter_args(%scan3A_128 = %scan3A_7) -> (i32)  : i32 {
      %mul3A_129 = arith.constant 8 : i32
      %mul3A_130 = arith.muli %scan3A_127, %mul3A_129 : i32
      %add3A_131 = arith.addi %mul3A_6, %mul3A_130 : i32
      "tpu.region"() ({
        %run_scoped3A = tpu.sem_alloc : memref<!tpu.dma_semaphore, #tpu.memory_space<semaphore_mem>>
        %dma_start3A_133 = arith.constant 0 : i32
        %dma_start3A_134 = tpu.memref_slice %arg19[%add3A_131, %dma_start3A_133] : memref<10000x128xf32, #tpu.memory_space<vmem_shared>> -> memref<8x128xf32, #tpu.memory_space<vmem_shared>>
        %dma_start3A_135 = arith.constant 0 : i32
        %dma_start3A_136 = tpu.memref_slice %arg19[%add3A_131, %dma_start3A_135] : memref<10000x128xf32, #tpu.memory_space<vmem_shared>> -> memref<8x128xf32, #tpu.memory_space<vmem_shared>>
        tpu.enqueue_dma source(%arg18 : memref<8x128xf32, #tpu.memory_space<vmem>>) target(%dma_start3A_136 : memref<8x128xf32, #tpu.memory_space<vmem_shared>>) target_semaphore(%run_scoped3A : memref<!tpu.dma_semaphore, #tpu.memory_space<semaphore_mem>>)
        %dma_wait3A_137 = arith.constant 0 : i32
        %dma_wait3A_138 = tpu.memref_slice %arg19[%add3A_131, %dma_wait3A_137] : memref<10000x128xf32, #tpu.memory_space<vmem_shared>> -> memref<8x128xf32, #tpu.memory_space<vmem_shared>>
        %dma_wait3A_139 = arith.constant 0 : i32
        %dma_wait3A_140 = tpu.memref_slice %arg19[%add3A_131, %dma_wait3A_139] : memref<10000x128xf32, #tpu.memory_space<vmem_shared>> -> memref<8x128xf32, #tpu.memory_space<vmem_shared>>
        tpu.wait_dma2 semaphore(%run_scoped3A : memref<!tpu.dma_semaphore, #tpu.memory_space<semaphore_mem>>) src(%arg18 : memref<8x128xf32, #tpu.memory_space<vmem>>) dst(%dma_wait3A_140 : memref<8x128xf32, #tpu.memory_space<vmem_shared>>)
        tpu.yield
      }) : () -> ()
      %scan3A_132 = arith.constant 0 : i32
      scf.yield %scan3A_132 : i32
    }
    %scan3A_13 = arith.constant 78 : i32
    %eq3A = arith.constant 15 : i32
    %eq3A_14 = arith.cmpi eq, %arg1, %eq3A : i32
    %convert_element_type3A = arith.extui %eq3A_14 : i1 to i32
    %cond3A = arith.constant 0 : i32
    %cond3A_15 = arith.cmpi ne, %convert_element_type3A, %cond3A : i32
    scf.if %cond3A_15 {
      "tpu.region"() ({
        %run_scoped3A = tpu.sem_alloc : memref<!tpu.dma_semaphore, #tpu.memory_space<semaphore_mem>>
        %dma_start3A_127 = arith.constant 9984 : i32
        %dma_start3A_128 = arith.constant 0 : i32
        %dma_start3A_129 = tpu.memref_slice %arg19[%dma_start3A_127, %dma_start3A_128] : memref<10000x128xf32, #tpu.memory_space<vmem_shared>> -> memref<8x128xf32, #tpu.memory_space<vmem_shared>>
        %dma_start3A_130 = arith.constant 9984 : i32
        %dma_start3A_131 = arith.constant 0 : i32
        %dma_start3A_132 = tpu.memref_slice %arg19[%dma_start3A_130, %dma_start3A_131] : memref<10000x128xf32, #tpu.memory_space<vmem_shared>> -> memref<8x128xf32, #tpu.memory_space<vmem_shared>>
        tpu.enqueue_dma source(%arg18 : memref<8x128xf32, #tpu.memory_space<vmem>>) target(%dma_start3A_132 : memref<8x128xf32, #tpu.memory_space<vmem_shared>>) target_semaphore(%run_scoped3A : memref<!tpu.dma_semaphore, #tpu.memory_space<semaphore_mem>>)
        %dma_wait3A_133 = arith.constant 9984 : i32
        %dma_wait3A_134 = arith.constant 0 : i32
        %dma_wait3A_135 = tpu.memref_slice %arg19[%dma_wait3A_133, %dma_wait3A_134] : memref<10000x128xf32, #tpu.memory_space<vmem_shared>> -> memref<8x128xf32, #tpu.memory_space<vmem_shared>>
        %dma_wait3A_136 = arith.constant 9984 : i32
        %dma_wait3A_137 = arith.constant 0 : i32
        %dma_wait3A_138 = tpu.memref_slice %arg19[%dma_wait3A_136, %dma_wait3A_137] : memref<10000x128xf32, #tpu.memory_space<vmem_shared>> -> memref<8x128xf32, #tpu.memory_space<vmem_shared>>
        tpu.wait_dma2 semaphore(%run_scoped3A : memref<!tpu.dma_semaphore, #tpu.memory_space<semaphore_mem>>) src(%arg18 : memref<8x128xf32, #tpu.memory_space<vmem>>) dst(%dma_wait3A_138 : memref<8x128xf32, #tpu.memory_space<vmem_shared>>)
        tpu.yield
      }) : () -> ()
      "tpu.region"() ({
        %run_scoped3A = tpu.sem_alloc : memref<!tpu.dma_semaphore, #tpu.memory_space<semaphore_mem>>
        %dma_start3A_127 = arith.constant 9992 : i32
        %dma_start3A_128 = arith.constant 0 : i32
        %dma_start3A_129 = tpu.memref_slice %arg19[%dma_start3A_127, %dma_start3A_128] : memref<10000x128xf32, #tpu.memory_space<vmem_shared>> -> memref<8x128xf32, #tpu.memory_space<vmem_shared>>
        %dma_start3A_130 = arith.constant 9992 : i32
        %dma_start3A_131 = arith.constant 0 : i32
        %dma_start3A_132 = tpu.memref_slice %arg19[%dma_start3A_130, %dma_start3A_131] : memref<10000x128xf32, #tpu.memory_space<vmem_shared>> -> memref<8x128xf32, #tpu.memory_space<vmem_shared>>
        tpu.enqueue_dma source(%arg18 : memref<8x128xf32, #tpu.memory_space<vmem>>) target(%dma_start3A_132 : memref<8x128xf32, #tpu.memory_space<vmem_shared>>) target_semaphore(%run_scoped3A : memref<!tpu.dma_semaphore, #tpu.memory_space<semaphore_mem>>)
        %dma_wait3A_133 = arith.constant 9992 : i32
        %dma_wait3A_134 = arith.constant 0 : i32
        %dma_wait3A_135 = tpu.memref_slice %arg19[%dma_wait3A_133, %dma_wait3A_134] : memref<10000x128xf32, #tpu.memory_space<vmem_shared>> -> memref<8x128xf32, #tpu.memory_space<vmem_shared>>
        %dma_wait3A_136 = arith.constant 9992 : i32
        %dma_wait3A_137 = arith.constant 0 : i32
        %dma_wait3A_138 = tpu.memref_slice %arg19[%dma_wait3A_136, %dma_wait3A_137] : memref<10000x128xf32, #tpu.memory_space<vmem_shared>> -> memref<8x128xf32, #tpu.memory_space<vmem_shared>>
        tpu.wait_dma2 semaphore(%run_scoped3A : memref<!tpu.dma_semaphore, #tpu.memory_space<semaphore_mem>>) src(%arg18 : memref<8x128xf32, #tpu.memory_space<vmem>>) dst(%dma_wait3A_138 : memref<8x128xf32, #tpu.memory_space<vmem_shared>>)
        tpu.yield
      }) : () -> ()
    } else {
    }
    %barrier3A = arith.constant 0 : index
    tpu.barrier barrier_id(%barrier3A)
    %sub3A = arith.constant 2500 : i32
    %sub3A_16 = arith.subi %sub3A, %arg1 : i32
    %add3A = arith.constant 16 : i32
    %add3A_17 = arith.addi %sub3A_16, %add3A : i32
    %sub3A_18 = arith.constant 1 : i32
    %sub3A_19 = arith.subi %add3A_17, %sub3A_18 : i32
    %jit3A = arith.constant 16 : i32
    %div3A = arith.divsi %sub3A_19, %jit3A : i32
    %sign3A = arith.constant 0 : i32
    %sign3A_20 = arith.cmpi sgt, %sub3A_19, %sign3A : i32
    %sign3A_21 = arith.extui %sign3A_20 : i1 to i32
    %sign3A_22 = arith.constant 0 : i32
    %sign3A_23 = arith.cmpi slt, %sub3A_19, %sign3A_22 : i32
    %sign3A_24 = arith.extui %sign3A_23 : i1 to i32
    %sign3A_25 = arith.subi %sign3A_21, %sign3A_24 : i32
    %sign3A_26 = arith.constant 0 : i32
    %sign3A_27 = arith.cmpi sgt, %jit3A, %sign3A_26 : i32
    %sign3A_28 = arith.extui %sign3A_27 : i1 to i32
    %sign3A_29 = arith.constant 0 : i32
    %sign3A_30 = arith.cmpi slt, %jit3A, %sign3A_29 : i32
    %sign3A_31 = arith.extui %sign3A_30 : i1 to i32
    %sign3A_32 = arith.subi %sign3A_28, %sign3A_31 : i32
    %ne3A = arith.cmpi ne, %sign3A_25, %sign3A_32 : i32
    %rem3A = arith.remsi %sub3A_19, %jit3A : i32
    %ne3A_33 = arith.constant 0 : i32
    %ne3A_34 = arith.cmpi ne, %rem3A, %ne3A_33 : i32
    %and3A = arith.andi %ne3A, %ne3A_34 : i1
    %sub3A_35 = arith.constant 1 : i32
    %sub3A_36 = arith.subi %div3A, %sub3A_35 : i32
    %select_n3A = arith.select %and3A, %sub3A_36, %div3A : i32
    %mul3A_37 = arith.constant 160000 : i32
    %mul3A_38 = arith.muli %arg0, %mul3A_37 : i32
    %add3A_39 = arith.constant 0 : i32
    %add3A_40 = arith.addi %arg1, %add3A_39 : i32
    %mul3A_41 = arith.constant 64 : i32
    %mul3A_42 = arith.muli %add3A_40, %mul3A_41 : i32
    %add3A_43 = arith.addi %mul3A_38, %mul3A_42 : i32
    %dma_start3A = tpu.memref_slice %arg4[%add3A_43] : memref<320000xi32, #tpu.memory_space<hbm>> -> memref<64xi32, #tpu.memory_space<hbm>>
    %dma_start3A_44 = tpu.memref_slice %arg4[%add3A_43] : memref<320000xi32, #tpu.memory_space<hbm>> -> memref<64xi32, #tpu.memory_space<hbm>>
    tpu.enqueue_dma source(%dma_start3A_44 : memref<64xi32, #tpu.memory_space<hbm>>) target(%arg8 : memref<64xi32, #tpu.memory_space<vmem>>) target_semaphore(%arg20 : memref<!tpu.dma_semaphore, #tpu.memory_space<semaphore_mem>>)
    %add3A_45 = arith.constant 0 : i32
    %add3A_46 = arith.addi %arg1, %add3A_45 : i32
    %mul3A_47 = arith.constant 64 : i32
    %mul3A_48 = arith.muli %add3A_46, %mul3A_47 : i32
    %add3A_49 = arith.addi %mul3A_38, %mul3A_48 : i32
    %dma_start3A_50 = arith.constant 0 : i32
    %dma_start3A_51 = tpu.memref_slice %arg6[%add3A_49, %dma_start3A_50] : memref<320000x16xf32, #tpu.memory_space<hbm>> -> memref<64x16xf32, #tpu.memory_space<hbm>>
    %dma_start3A_52 = arith.constant 0 : i32
    %dma_start3A_53 = tpu.memref_slice %arg6[%add3A_49, %dma_start3A_52] : memref<320000x16xf32, #tpu.memory_space<hbm>> -> memref<64x16xf32, #tpu.memory_space<hbm>>
    tpu.enqueue_dma source(%dma_start3A_53 : memref<64x16xf32, #tpu.memory_space<hbm>>) target(%arg10 : memref<64x16xf32, #tpu.memory_space<vmem>>) target_semaphore(%arg28 : memref<!tpu.dma_semaphore, #tpu.memory_space<semaphore_mem>>)
    %dma_start3A_54 = arith.constant 0 : i32
    %dma_start3A_55 = tpu.memref_slice %arg3[%add3A_49, %dma_start3A_54] : memref<320000x128xf32, #tpu.memory_space<hbm>> -> memref<64x128xf32, #tpu.memory_space<hbm>>
    %dma_start3A_56 = arith.constant 0 : i32
    %dma_start3A_57 = tpu.memref_slice %arg3[%add3A_49, %dma_start3A_56] : memref<320000x128xf32, #tpu.memory_space<hbm>> -> memref<64x128xf32, #tpu.memory_space<hbm>>
    tpu.enqueue_dma source(%dma_start3A_57 : memref<64x128xf32, #tpu.memory_space<hbm>>) target(%arg12 : memref<64x128xf32, #tpu.memory_space<vmem>>) target_semaphore(%arg28 : memref<!tpu.dma_semaphore, #tpu.memory_space<semaphore_mem>>)
    %add3A_58 = arith.constant 0 : i32
    %add3A_59 = arith.addi %arg1, %add3A_58 : i32
    %mul3A_60 = arith.constant 64 : i32
    %mul3A_61 = arith.muli %add3A_59, %mul3A_60 : i32
    %add3A_62 = arith.addi %mul3A_38, %mul3A_61 : i32
    %dma_start3A_63 = tpu.memref_slice %arg5[%add3A_62] : memref<320000xi32, #tpu.memory_space<hbm>> -> memref<64xi32, #tpu.memory_space<hbm>>
    %dma_start3A_64 = tpu.memref_slice %arg5[%add3A_62] : memref<320000xi32, #tpu.memory_space<hbm>> -> memref<64xi32, #tpu.memory_space<hbm>>
    tpu.enqueue_dma source(%dma_start3A_64 : memref<64xi32, #tpu.memory_space<hbm>>) target(%arg9 : memref<64xi32, #tpu.memory_space<vmem>>) target_semaphore(%arg24 : memref<!tpu.dma_semaphore, #tpu.memory_space<semaphore_mem>>)
    %dma_wait3A = arith.constant 0 : i32
    %dma_wait3A_65 = tpu.memref_slice %arg4[%dma_wait3A] : memref<320000xi32, #tpu.memory_space<hbm>> -> memref<64xi32, #tpu.memory_space<hbm>>
    %dma_wait3A_66 = arith.constant 0 : i32
    %dma_wait3A_67 = tpu.memref_slice %arg4[%dma_wait3A_66] : memref<320000xi32, #tpu.memory_space<hbm>> -> memref<64xi32, #tpu.memory_space<hbm>>
    tpu.wait_dma2 semaphore(%arg20 : memref<!tpu.dma_semaphore, #tpu.memory_space<semaphore_mem>>) src(%dma_wait3A_67 : memref<64xi32, #tpu.memory_space<hbm>>) dst(%arg8 : memref<64xi32, #tpu.memory_space<vmem>>)
    %dma_start3A_68 = arith.constant 0 : i32
    %dma_start3A_69 = arith.constant 0 : i32
    %dma_start3A_70 = tpu.memref_slice %arg2[%dma_start3A_68, %dma_start3A_69] : memref<10000x128xf32, #tpu.memory_space<hbm>> -> memref<10000x128xf32, #tpu.memory_space<hbm>>
    tpu.enqueue_indirect_dma source(%dma_start3A_70 : memref<10000x128xf32, #tpu.memory_space<hbm>>) target(%arg11 : memref<64x128xf32, #tpu.memory_space<vmem>>) offsets(%arg8 : memref<64xi32, #tpu.memory_space<vmem>>) semaphore(%arg22 : memref<!tpu.dma_semaphore, #tpu.memory_space<semaphore_mem>>)
    %add3A_71 = arith.constant 16 : i32
    %add3A_72 = arith.addi %arg1, %add3A_71 : i32
    %mul3A_73 = arith.constant 64 : i32
    %mul3A_74 = arith.muli %add3A_72, %mul3A_73 : i32
    %add3A_75 = arith.addi %mul3A_38, %mul3A_74 : i32
    %dma_start3A_76 = tpu.memref_slice %arg4[%add3A_75] : memref<320000xi32, #tpu.memory_space<hbm>> -> memref<64xi32, #tpu.memory_space<hbm>>
    %dma_start3A_77 = tpu.memref_slice %arg4[%add3A_75] : memref<320000xi32, #tpu.memory_space<hbm>> -> memref<64xi32, #tpu.memory_space<hbm>>
    tpu.enqueue_dma source(%dma_start3A_77 : memref<64xi32, #tpu.memory_space<hbm>>) target(%arg13 : memref<64xi32, #tpu.memory_space<vmem>>) target_semaphore(%arg21 : memref<!tpu.dma_semaphore, #tpu.memory_space<semaphore_mem>>)
    %add3A_78 = arith.constant 1 : i32
    %add3A_79 = arith.addi %select_n3A, %add3A_78 : i32
    %jit3A_80 = arith.constant 2 : i32
    %div3A_81 = arith.divsi %add3A_79, %jit3A_80 : i32
    %sign3A_82 = arith.constant 0 : i32
    %sign3A_83 = arith.cmpi sgt, %add3A_79, %sign3A_82 : i32
    %sign3A_84 = arith.extui %sign3A_83 : i1 to i32
    %sign3A_85 = arith.constant 0 : i32
    %sign3A_86 = arith.cmpi slt, %add3A_79, %sign3A_85 : i32
    %sign3A_87 = arith.extui %sign3A_86 : i1 to i32
    %sign3A_88 = arith.subi %sign3A_84, %sign3A_87 : i32
    %sign3A_89 = arith.constant 0 : i32
    %sign3A_90 = arith.cmpi sgt, %jit3A_80, %sign3A_89 : i32
    %sign3A_91 = arith.extui %sign3A_90 : i1 to i32
    %sign3A_92 = arith.constant 0 : i32
    %sign3A_93 = arith.cmpi slt, %jit3A_80, %sign3A_92 : i32
    %sign3A_94 = arith.extui %sign3A_93 : i1 to i32
    %sign3A_95 = arith.subi %sign3A_91, %sign3A_94 : i32
    %ne3A_96 = arith.cmpi ne, %sign3A_88, %sign3A_95 : i32
    %rem3A_97 = arith.remsi %add3A_79, %jit3A_80 : i32
    %ne3A_98 = arith.constant 0 : i32
    %ne3A_99 = arith.cmpi ne, %rem3A_97, %ne3A_98 : i32
    %and3A_100 = arith.andi %ne3A_96, %ne3A_99 : i1
    %sub3A_101 = arith.constant 1 : i32
    %sub3A_102 = arith.subi %div3A_81, %sub3A_101 : i32
    %select_n3A_103 = arith.select %and3A_100, %sub3A_102, %div3A_81 : i32
    %while3A = arith.constant 0 : i32
    %while3A_104 = arith.constant 0 : i32
    %while3A_105 = arith.subi %select_n3A_103, %while3A : i32
    %while3A_106 = arith.addi %while3A, %while3A_105 : i32
    %while3A_107 = arith.constant 1 : i32
    %while3A_108 = arith.divsi %while3A_105, %while3A_107 : i32
    %while3A_109 = arith.muli %while3A_108, %while3A_107 : i32
    %while3A_110 = arith.addi %while3A, %while3A_109 : i32
    %while3A_111 = arith.constant 1 : i32
    %while3A_112 = scf.for %while3A_127 = %while3A to %while3A_110 step %while3A_111 iter_args(%while3A_128 = %while3A_104) -> (i32)  : i32 {
      %mul3A_129 = arith.constant 2 : i32
      %mul3A_130 = arith.muli %while3A_127, %mul3A_129 : i32
      %add3A_131 = arith.constant 0 : i32
      %add3A_132 = arith.addi %mul3A_130, %add3A_131 : i32
      %lt3A = arith.cmpi slt, %add3A_132, %select_n3A : i32
      %convert_element_type3A_133 = arith.extui %lt3A : i1 to i32
      %cond3A_134 = arith.constant 0 : i32
      %cond3A_135 = arith.cmpi ne, %convert_element_type3A_133, %cond3A_134 : i32
      scf.if %cond3A_135 {
        %dma_wait3A_145 = arith.constant 0 : i32
        %dma_wait3A_146 = arith.constant 0 : i32
        %dma_wait3A_147 = tpu.memref_slice %arg2[%dma_wait3A_145, %dma_wait3A_146] : memref<10000x128xf32, #tpu.memory_space<hbm>> -> memref<10000x128xf32, #tpu.memory_space<hbm>>
        tpu.wait_indirect_dma semaphore(%arg22 : memref<!tpu.dma_semaphore, #tpu.memory_space<semaphore_mem>>) src(%dma_wait3A_147 : memref<10000x128xf32, #tpu.memory_space<hbm>>) dst(%arg11 : memref<64x128xf32, #tpu.memory_space<vmem>>)
        %add3A_148 = arith.constant 1 : i32
        %add3A_149 = arith.addi %add3A_132, %add3A_148 : i32
        %lt3A_150 = arith.cmpi slt, %add3A_149, %select_n3A : i32
        %convert_element_type3A_151 = arith.extui %lt3A_150 : i1 to i32
        %cond3A_152 = arith.constant 0 : i32
        %cond3A_153 = arith.cmpi ne, %convert_element_type3A_151, %cond3A_152 : i32
        scf.if %cond3A_153 {
          %dma_wait3A_186 = arith.constant 0 : i32
          %dma_wait3A_187 = tpu.memref_slice %arg4[%dma_wait3A_186] : memref<320000xi32, #tpu.memory_space<hbm>> -> memref<64xi32, #tpu.memory_space<hbm>>
          %dma_wait3A_188 = arith.constant 0 : i32
          %dma_wait3A_189 = tpu.memref_slice %arg4[%dma_wait3A_188] : memref<320000xi32, #tpu.memory_space<hbm>> -> memref<64xi32, #tpu.memory_space<hbm>>
          tpu.wait_dma2 semaphore(%arg21 : memref<!tpu.dma_semaphore, #tpu.memory_space<semaphore_mem>>) src(%dma_wait3A_189 : memref<64xi32, #tpu.memory_space<hbm>>) dst(%arg13 : memref<64xi32, #tpu.memory_space<vmem>>)
          %dma_start3A_190 = arith.constant 0 : i32
          %dma_start3A_191 = arith.constant 0 : i32
          %dma_start3A_192 = tpu.memref_slice %arg2[%dma_start3A_190, %dma_start3A_191] : memref<10000x128xf32, #tpu.memory_space<hbm>> -> memref<10000x128xf32, #tpu.memory_space<hbm>>
          tpu.enqueue_indirect_dma source(%dma_start3A_192 : memref<10000x128xf32, #tpu.memory_space<hbm>>) target(%arg16 : memref<64x128xf32, #tpu.memory_space<vmem>>) offsets(%arg13 : memref<64xi32, #tpu.memory_space<vmem>>) semaphore(%arg23 : memref<!tpu.dma_semaphore, #tpu.memory_space<semaphore_mem>>)
          %ge3A = arith.constant 1 : i32
          %ge3A_193 = arith.cmpi sge, %add3A_132, %ge3A : i32
          %convert_element_type3A_194 = arith.extui %ge3A_193 : i1 to i32
          %cond3A_195 = arith.constant 0 : i32
          %cond3A_196 = arith.cmpi ne, %convert_element_type3A_194, %cond3A_195 : i32
          scf.if %cond3A_196 {
            %dma_wait3A_223 = arith.constant 0 : i32
            %dma_wait3A_224 = arith.constant 0 : i32
            %dma_wait3A_225 = tpu.memref_slice %arg19[%dma_wait3A_223, %dma_wait3A_224] : memref<10000x128xf32, #tpu.memory_space<vmem_shared>> -> memref<10000x128xf32, #tpu.memory_space<vmem_shared>>
            tpu.wait_indirect_dma semaphore(%arg27 : memref<!tpu.dma_semaphore, #tpu.memory_space<semaphore_mem>>) src(%arg17 : memref<64x128xf32, #tpu.memory_space<vmem>>) dst(%dma_wait3A_225 : memref<10000x128xf32, #tpu.memory_space<vmem_shared>>)
          } else {
          }
          %add3A_197 = arith.constant 1 : i32
          %add3A_198 = arith.addi %add3A_132, %add3A_197 : i32
          %mul3A_199 = arith.constant 16 : i32
          %mul3A_200 = arith.muli %add3A_198, %mul3A_199 : i32
          %add3A_201 = arith.addi %arg1, %mul3A_200 : i32
          %mul3A_202 = arith.constant 64 : i32
          %mul3A_203 = arith.muli %add3A_201, %mul3A_202 : i32
          %add3A_204 = arith.addi %mul3A_38, %mul3A_203 : i32
          %dma_start3A_205 = tpu.memref_slice %arg5[%add3A_204] : memref<320000xi32, #tpu.memory_space<hbm>> -> memref<64xi32, #tpu.memory_space<hbm>>
          %dma_start3A_206 = tpu.memref_slice %arg5[%add3A_204] : memref<320000xi32, #tpu.memory_space<hbm>> -> memref<64xi32, #tpu.memory_space<hbm>>
          tpu.enqueue_dma source(%dma_start3A_206 : memref<64xi32, #tpu.memory_space<hbm>>) target(%arg14 : memref<64xi32, #tpu.memory_space<vmem>>) target_semaphore(%arg25 : memref<!tpu.dma_semaphore, #tpu.memory_space<semaphore_mem>>)
          %add3A_207 = arith.constant 1 : i32
          %add3A_208 = arith.addi %add3A_132, %add3A_207 : i32
          %mul3A_209 = arith.constant 16 : i32
          %mul3A_210 = arith.muli %add3A_208, %mul3A_209 : i32
          %add3A_211 = arith.addi %arg1, %mul3A_210 : i32
          %mul3A_212 = arith.constant 64 : i32
          %mul3A_213 = arith.muli %add3A_211, %mul3A_212 : i32
          %add3A_214 = arith.addi %mul3A_38, %mul3A_213 : i32
          %dma_start3A_215 = arith.constant 0 : i32
          %dma_start3A_216 = tpu.memref_slice %arg6[%add3A_214, %dma_start3A_215] : memref<320000x16xf32, #tpu.memory_space<hbm>> -> memref<64x16xf32, #tpu.memory_space<hbm>>
          %dma_start3A_217 = arith.constant 0 : i32
          %dma_start3A_218 = tpu.memref_slice %arg6[%add3A_214, %dma_start3A_217] : memref<320000x16xf32, #tpu.memory_space<hbm>> -> memref<64x16xf32, #tpu.memory_space<hbm>>
          tpu.enqueue_dma source(%dma_start3A_218 : memref<64x16xf32, #tpu.memory_space<hbm>>) target(%arg15 : memref<64x16xf32, #tpu.memory_space<vmem>>) target_semaphore(%arg29 : memref<!tpu.dma_semaphore, #tpu.memory_space<semaphore_mem>>)
          %dma_start3A_219 = arith.constant 0 : i32
          %dma_start3A_220 = tpu.memref_slice %arg3[%add3A_214, %dma_start3A_219] : memref<320000x128xf32, #tpu.memory_space<hbm>> -> memref<64x128xf32, #tpu.memory_space<hbm>>
          %dma_start3A_221 = arith.constant 0 : i32
          %dma_start3A_222 = tpu.memref_slice %arg3[%add3A_214, %dma_start3A_221] : memref<320000x128xf32, #tpu.memory_space<hbm>> -> memref<64x128xf32, #tpu.memory_space<hbm>>
          tpu.enqueue_dma source(%dma_start3A_222 : memref<64x128xf32, #tpu.memory_space<hbm>>) target(%arg17 : memref<64x128xf32, #tpu.memory_space<vmem>>) target_semaphore(%arg29 : memref<!tpu.dma_semaphore, #tpu.memory_space<semaphore_mem>>)
        } else {
        }
        %dma_wait3A_154 = arith.constant 0 : i32
        %dma_wait3A_155 = arith.constant 0 : i32
        %dma_wait3A_156 = tpu.memref_slice %arg6[%dma_wait3A_154, %dma_wait3A_155] : memref<320000x16xf32, #tpu.memory_space<hbm>> -> memref<64x16xf32, #tpu.memory_space<hbm>>
        %dma_wait3A_157 = arith.constant 0 : i32
        %dma_wait3A_158 = arith.constant 0 : i32
        %dma_wait3A_159 = tpu.memref_slice %arg6[%dma_wait3A_157, %dma_wait3A_158] : memref<320000x16xf32, #tpu.memory_space<hbm>> -> memref<64x16xf32, #tpu.memory_space<hbm>>
        tpu.wait_dma2 semaphore(%arg28 : memref<!tpu.dma_semaphore, #tpu.memory_space<semaphore_mem>>) src(%dma_wait3A_159 : memref<64x16xf32, #tpu.memory_space<hbm>>) dst(%arg10 : memref<64x16xf32, #tpu.memory_space<vmem>>)
        %dma_wait3A_160 = arith.constant 0 : i32
        %dma_wait3A_161 = arith.constant 0 : i32
        %dma_wait3A_162 = tpu.memref_slice %arg3[%dma_wait3A_160, %dma_wait3A_161] : memref<320000x128xf32, #tpu.memory_space<hbm>> -> memref<64x128xf32, #tpu.memory_space<hbm>>
        %dma_wait3A_163 = arith.constant 0 : i32
        %dma_wait3A_164 = arith.constant 0 : i32
        %dma_wait3A_165 = tpu.memref_slice %arg3[%dma_wait3A_163, %dma_wait3A_164] : memref<320000x128xf32, #tpu.memory_space<hbm>> -> memref<64x128xf32, #tpu.memory_space<hbm>>
        tpu.wait_dma2 semaphore(%arg28 : memref<!tpu.dma_semaphore, #tpu.memory_space<semaphore_mem>>) src(%dma_wait3A_165 : memref<64x128xf32, #tpu.memory_space<hbm>>) dst(%arg12 : memref<64x128xf32, #tpu.memory_space<vmem>>)
        %scan3A_166 = arith.constant 0 : i32
        %scan3A_167 = arith.constant 0 : i32
        %scan3A_168 = arith.constant 64 : i32
        %scan3A_169 = arith.addi %scan3A_167, %scan3A_168 : i32
        %scan3A_170 = arith.constant 1 : i32
        %scan3A_171 = scf.for %scan3A_186 = %scan3A_167 to %scan3A_169 step %scan3A_170 iter_args(%scan3A_187 = %scan3A_166) -> (i32)  : i32 {
          %get3A = arith.index_cast %scan3A_186 : i32 to index
          %get3A_188 = arith.constant 0 : index
          %get3A_189 = tpu.vector_load %arg10[%get3A, %get3A_188] {strides = array<i32>} : memref<64x16xf32, #tpu.memory_space<vmem>>, vector<1x16xf32>,
          %get3A_190 = vector.shape_cast %get3A_189 : vector<1x16xf32> to vector<16xf32>
          %get3A_191 = arith.index_cast %scan3A_186 : i32 to index
          %get3A_192 = arith.constant 0 : index
          %get3A_193 = tpu.vector_load %arg11[%get3A_191, %get3A_192] {strides = array<i32>} : memref<64x128xf32, #tpu.memory_space<vmem>>, vector<1x16xf32>,
          %get3A_194 = vector.shape_cast %get3A_193 : vector<1x16xf32> to vector<16xf32>
          %get3A_195 = arith.index_cast %scan3A_186 : i32 to index
          %get3A_196 = arith.constant 0 : index
          %get3A_197 = tpu.vector_load %arg12[%get3A_195, %get3A_196] {strides = array<i32>} : memref<64x128xf32, #tpu.memory_space<vmem>>, vector<1x16xf32>,
          %get3A_198 = vector.shape_cast %get3A_197 : vector<1x16xf32> to vector<16xf32>
          %add3A_199 = arith.addf %get3A_194, %get3A_198 : vector<16xf32>
          %max3A = arith.constant 0.000000e+00 : f32
          %max3A_200 = vector.broadcast %max3A : f32 to vector<16xf32>
          %max3A_201 = arith.maximumf %add3A_199, %max3A_200 : vector<16xf32>
          %mul3A_202 = arith.mulf %max3A_201, %get3A_190 : vector<16xf32>
          %swap3A = arith.index_cast %scan3A_186 : i32 to index
          %swap3A_203 = arith.constant 0 : index
          %swap3A_204 = tpu.vector_load %arg12[%swap3A, %swap3A_203] {strides = array<i32>} : memref<64x128xf32, #tpu.memory_space<vmem>>, vector<1x16xf32>,
          %swap3A_205 = vector.shape_cast %swap3A_204 : vector<1x16xf32> to vector<16xf32>
          %swap3A_206 = vector.shape_cast %mul3A_202 : vector<16xf32> to vector<1x16xf32>
          tpu.vector_store %arg12[%swap3A, %swap3A_203], %swap3A_206 {strides = array<i32>} : memref<64x128xf32, #tpu.memory_space<vmem>>, vector<1x16xf32>,
          %get3A_207 = arith.index_cast %scan3A_186 : i32 to index
          %get3A_208 = arith.constant 16 : index
          %get3A_209 = tpu.vector_load %arg11[%get3A_207, %get3A_208] {strides = array<i32>} : memref<64x128xf32, #tpu.memory_space<vmem>>, vector<1x16xf32>,
          %get3A_210 = vector.shape_cast %get3A_209 : vector<1x16xf32> to vector<16xf32>
          %get3A_211 = arith.index_cast %scan3A_186 : i32 to index
          %get3A_212 = arith.constant 16 : index
          %get3A_213 = tpu.vector_load %arg12[%get3A_211, %get3A_212] {strides = array<i32>} : memref<64x128xf32, #tpu.memory_space<vmem>>, vector<1x16xf32>,
          %get3A_214 = vector.shape_cast %get3A_213 : vector<1x16xf32> to vector<16xf32>
          %add3A_215 = arith.addf %get3A_210, %get3A_214 : vector<16xf32>
          %max3A_216 = arith.constant 0.000000e+00 : f32
          %max3A_217 = vector.broadcast %max3A_216 : f32 to vector<16xf32>
          %max3A_218 = arith.maximumf %add3A_215, %max3A_217 : vector<16xf32>
          %mul3A_219 = arith.mulf %max3A_218, %get3A_190 : vector<16xf32>
          %swap3A_220 = arith.index_cast %scan3A_186 : i32 to index
          %swap3A_221 = arith.constant 16 : index
          %swap3A_222 = tpu.vector_load %arg12[%swap3A_220, %swap3A_221] {strides = array<i32>} : memref<64x128xf32, #tpu.memory_space<vmem>>, vector<1x16xf32>,
          %swap3A_223 = vector.shape_cast %swap3A_222 : vector<1x16xf32> to vector<16xf32>
          %swap3A_224 = vector.shape_cast %mul3A_219 : vector<16xf32> to vector<1x16xf32>
          tpu.vector_store %arg12[%swap3A_220, %swap3A_221], %swap3A_224 {strides = array<i32>} : memref<64x128xf32, #tpu.memory_space<vmem>>, vector<1x16xf32>,
          %get3A_225 = arith.index_cast %scan3A_186 : i32 to index
          %get3A_226 = arith.constant 32 : index
          %get3A_227 = tpu.vector_load %arg11[%get3A_225, %get3A_226] {strides = array<i32>} : memref<64x128xf32, #tpu.memory_space<vmem>>, vector<1x16xf32>,
          %get3A_228 = vector.shape_cast %get3A_227 : vector<1x16xf32> to vector<16xf32>
          %get3A_229 = arith.index_cast %scan3A_186 : i32 to index
          %get3A_230 = arith.constant 32 : index
          %get3A_231 = tpu.vector_load %arg12[%get3A_229, %get3A_230] {strides = array<i32>} : memref<64x128xf32, #tpu.memory_space<vmem>>, vector<1x16xf32>,
          %get3A_232 = vector.shape_cast %get3A_231 : vector<1x16xf32> to vector<16xf32>
          %add3A_233 = arith.addf %get3A_228, %get3A_232 : vector<16xf32>
          %max3A_234 = arith.constant 0.000000e+00 : f32
          %max3A_235 = vector.broadcast %max3A_234 : f32 to vector<16xf32>
          %max3A_236 = arith.maximumf %add3A_233, %max3A_235 : vector<16xf32>
          %mul3A_237 = arith.mulf %max3A_236, %get3A_190 : vector<16xf32>
          %swap3A_238 = arith.index_cast %scan3A_186 : i32 to index
          %swap3A_239 = arith.constant 32 : index
          %swap3A_240 = tpu.vector_load %arg12[%swap3A_238, %swap3A_239] {strides = array<i32>} : memref<64x128xf32, #tpu.memory_space<vmem>>, vector<1x16xf32>,
          %swap3A_241 = vector.shape_cast %swap3A_240 : vector<1x16xf32> to vector<16xf32>
          %swap3A_242 = vector.shape_cast %mul3A_237 : vector<16xf32> to vector<1x16xf32>
          tpu.vector_store %arg12[%swap3A_238, %swap3A_239], %swap3A_242 {strides = array<i32>} : memref<64x128xf32, #tpu.memory_space<vmem>>, vector<1x16xf32>,
          %get3A_243 = arith.index_cast %scan3A_186 : i32 to index
          %get3A_244 = arith.constant 48 : index
          %get3A_245 = tpu.vector_load %arg11[%get3A_243, %get3A_244] {strides = array<i32>} : memref<64x128xf32, #tpu.memory_space<vmem>>, vector<1x16xf32>,
          %get3A_246 = vector.shape_cast %get3A_245 : vector<1x16xf32> to vector<16xf32>
          %get3A_247 = arith.index_cast %scan3A_186 : i32 to index
          %get3A_248 = arith.constant 48 : index
          %get3A_249 = tpu.vector_load %arg12[%get3A_247, %get3A_248] {strides = array<i32>} : memref<64x128xf32, #tpu.memory_space<vmem>>, vector<1x16xf32>,
          %get3A_250 = vector.shape_cast %get3A_249 : vector<1x16xf32> to vector<16xf32>
          %add3A_251 = arith.addf %get3A_246, %get3A_250 : vector<16xf32>
          %max3A_252 = arith.constant 0.000000e+00 : f32
          %max3A_253 = vector.broadcast %max3A_252 : f32 to vector<16xf32>
          %max3A_254 = arith.maximumf %add3A_251, %max3A_253 : vector<16xf32>
          %mul3A_255 = arith.mulf %max3A_254, %get3A_190 : vector<16xf32>
          %swap3A_256 = arith.index_cast %scan3A_186 : i32 to index
          %swap3A_257 = arith.constant 48 : index
          %swap3A_258 = tpu.vector_load %arg12[%swap3A_256, %swap3A_257] {strides = array<i32>} : memref<64x128xf32, #tpu.memory_space<vmem>>, vector<1x16xf32>,
          %swap3A_259 = vector.shape_cast %swap3A_258 : vector<1x16xf32> to vector<16xf32>
          %swap3A_260 = vector.shape_cast %mul3A_255 : vector<16xf32> to vector<1x16xf32>
          tpu.vector_store %arg12[%swap3A_256, %swap3A_257], %swap3A_260 {strides = array<i32>} : memref<64x128xf32, #tpu.memory_space<vmem>>, vector<1x16xf32>,
          %get3A_261 = arith.index_cast %scan3A_186 : i32 to index
          %get3A_262 = arith.constant 64 : index
          %get3A_263 = tpu.vector_load %arg11[%get3A_261, %get3A_262] {strides = array<i32>} : memref<64x128xf32, #tpu.memory_space<vmem>>, vector<1x16xf32>,
          %get3A_264 = vector.shape_cast %get3A_263 : vector<1x16xf32> to vector<16xf32>
          %get3A_265 = arith.index_cast %scan3A_186 : i32 to index
          %get3A_266 = arith.constant 64 : index
          %get3A_267 = tpu.vector_load %arg12[%get3A_265, %get3A_266] {strides = array<i32>} : memref<64x128xf32, #tpu.memory_space<vmem>>, vector<1x16xf32>,
          %get3A_268 = vector.shape_cast %get3A_267 : vector<1x16xf32> to vector<16xf32>
          %add3A_269 = arith.addf %get3A_264, %get3A_268 : vector<16xf32>
          %max3A_270 = arith.constant 0.000000e+00 : f32
          %max3A_271 = vector.broadcast %max3A_270 : f32 to vector<16xf32>
          %max3A_272 = arith.maximumf %add3A_269, %max3A_271 : vector<16xf32>
          %mul3A_273 = arith.mulf %max3A_272, %get3A_190 : vector<16xf32>
          %swap3A_274 = arith.index_cast %scan3A_186 : i32 to index
          %swap3A_275 = arith.constant 64 : index
          %swap3A_276 = tpu.vector_load %arg12[%swap3A_274, %swap3A_275] {strides = array<i32>} : memref<64x128xf32, #tpu.memory_space<vmem>>, vector<1x16xf32>,
          %swap3A_277 = vector.shape_cast %swap3A_276 : vector<1x16xf32> to vector<16xf32>
          %swap3A_278 = vector.shape_cast %mul3A_273 : vector<16xf32> to vector<1x16xf32>
          tpu.vector_store %arg12[%swap3A_274, %swap3A_275], %swap3A_278 {strides = array<i32>} : memref<64x128xf32, #tpu.memory_space<vmem>>, vector<1x16xf32>,
          %get3A_279 = arith.index_cast %scan3A_186 : i32 to index
          %get3A_280 = arith.constant 80 : index
          %get3A_281 = tpu.vector_load %arg11[%get3A_279, %get3A_280] {strides = array<i32>} : memref<64x128xf32, #tpu.memory_space<vmem>>, vector<1x16xf32>,
          %get3A_282 = vector.shape_cast %get3A_281 : vector<1x16xf32> to vector<16xf32>
          %get3A_283 = arith.index_cast %scan3A_186 : i32 to index
          %get3A_284 = arith.constant 80 : index
          %get3A_285 = tpu.vector_load %arg12[%get3A_283, %get3A_284] {strides = array<i32>} : memref<64x128xf32, #tpu.memory_space<vmem>>, vector<1x16xf32>,
          %get3A_286 = vector.shape_cast %get3A_285 : vector<1x16xf32> to vector<16xf32>
          %add3A_287 = arith.addf %get3A_282, %get3A_286 : vector<16xf32>
          %max3A_288 = arith.constant 0.000000e+00 : f32
          %max3A_289 = vector.broadcast %max3A_288 : f32 to vector<16xf32>
          %max3A_290 = arith.maximumf %add3A_287, %max3A_289 : vector<16xf32>
          %mul3A_291 = arith.mulf %max3A_290, %get3A_190 : vector<16xf32>
          %swap3A_292 = arith.index_cast %scan3A_186 : i32 to index
          %swap3A_293 = arith.constant 80 : index
          %swap3A_294 = tpu.vector_load %arg12[%swap3A_292, %swap3A_293] {strides = array<i32>} : memref<64x128xf32, #tpu.memory_space<vmem>>, vector<1x16xf32>,
          %swap3A_295 = vector.shape_cast %swap3A_294 : vector<1x16xf32> to vector<16xf32>
          %swap3A_296 = vector.shape_cast %mul3A_291 : vector<16xf32> to vector<1x16xf32>
          tpu.vector_store %arg12[%swap3A_292, %swap3A_293], %swap3A_296 {strides = array<i32>} : memref<64x128xf32, #tpu.memory_space<vmem>>, vector<1x16xf32>,
          %get3A_297 = arith.index_cast %scan3A_186 : i32 to index
          %get3A_298 = arith.constant 96 : index
          %get3A_299 = tpu.vector_load %arg11[%get3A_297, %get3A_298] {strides = array<i32>} : memref<64x128xf32, #tpu.memory_space<vmem>>, vector<1x16xf32>,
          %get3A_300 = vector.shape_cast %get3A_299 : vector<1x16xf32> to vector<16xf32>
          %get3A_301 = arith.index_cast %scan3A_186 : i32 to index
          %get3A_302 = arith.constant 96 : index
          %get3A_303 = tpu.vector_load %arg12[%get3A_301, %get3A_302] {strides = array<i32>} : memref<64x128xf32, #tpu.memory_space<vmem>>, vector<1x16xf32>,
          %get3A_304 = vector.shape_cast %get3A_303 : vector<1x16xf32> to vector<16xf32>
          %add3A_305 = arith.addf %get3A_300, %get3A_304 : vector<16xf32>
          %max3A_306 = arith.constant 0.000000e+00 : f32
          %max3A_307 = vector.broadcast %max3A_306 : f32 to vector<16xf32>
          %max3A_308 = arith.maximumf %add3A_305, %max3A_307 : vector<16xf32>
          %mul3A_309 = arith.mulf %max3A_308, %get3A_190 : vector<16xf32>
          %swap3A_310 = arith.index_cast %scan3A_186 : i32 to index
          %swap3A_311 = arith.constant 96 : index
          %swap3A_312 = tpu.vector_load %arg12[%swap3A_310, %swap3A_311] {strides = array<i32>} : memref<64x128xf32, #tpu.memory_space<vmem>>, vector<1x16xf32>,
          %swap3A_313 = vector.shape_cast %swap3A_312 : vector<1x16xf32> to vector<16xf32>
          %swap3A_314 = vector.shape_cast %mul3A_309 : vector<16xf32> to vector<1x16xf32>
          tpu.vector_store %arg12[%swap3A_310, %swap3A_311], %swap3A_314 {strides = array<i32>} : memref<64x128xf32, #tpu.memory_space<vmem>>, vector<1x16xf32>,
          %get3A_315 = arith.index_cast %scan3A_186 : i32 to index
          %get3A_316 = arith.constant 112 : index
          %get3A_317 = tpu.vector_load %arg11[%get3A_315, %get3A_316] {strides = array<i32>} : memref<64x128xf32, #tpu.memory_space<vmem>>, vector<1x16xf32>,
          %get3A_318 = vector.shape_cast %get3A_317 : vector<1x16xf32> to vector<16xf32>
          %get3A_319 = arith.index_cast %scan3A_186 : i32 to index
          %get3A_320 = arith.constant 112 : index
          %get3A_321 = tpu.vector_load %arg12[%get3A_319, %get3A_320] {strides = array<i32>} : memref<64x128xf32, #tpu.memory_space<vmem>>, vector<1x16xf32>,
          %get3A_322 = vector.shape_cast %get3A_321 : vector<1x16xf32> to vector<16xf32>
          %add3A_323 = arith.addf %get3A_318, %get3A_322 : vector<16xf32>
          %max3A_324 = arith.constant 0.000000e+00 : f32
          %max3A_325 = vector.broadcast %max3A_324 : f32 to vector<16xf32>
          %max3A_326 = arith.maximumf %add3A_323, %max3A_325 : vector<16xf32>
          %mul3A_327 = arith.mulf %max3A_326, %get3A_190 : vector<16xf32>
          %swap3A_328 = arith.index_cast %scan3A_186 : i32 to index
          %swap3A_329 = arith.constant 112 : index
          %swap3A_330 = tpu.vector_load %arg12[%swap3A_328, %swap3A_329] {strides = array<i32>} : memref<64x128xf32, #tpu.memory_space<vmem>>, vector<1x16xf32>,
          %swap3A_331 = vector.shape_cast %swap3A_330 : vector<1x16xf32> to vector<16xf32>
          %swap3A_332 = vector.shape_cast %mul3A_327 : vector<16xf32> to vector<1x16xf32>
          tpu.vector_store %arg12[%swap3A_328, %swap3A_329], %swap3A_332 {strides = array<i32>} : memref<64x128xf32, #tpu.memory_space<vmem>>, vector<1x16xf32>,
          %scan3A_333 = arith.constant 0 : i32
          scf.yield %scan3A_333 : i32
        }
        %scan3A_172 = arith.constant 64 : i32
        %dma_wait3A_173 = arith.constant 0 : i32
        %dma_wait3A_174 = tpu.memref_slice %arg5[%dma_wait3A_173] : memref<320000xi32, #tpu.memory_space<hbm>> -> memref<64xi32, #tpu.memory_space<hbm>>
        %dma_wait3A_175 = arith.constant 0 : i32
        %dma_wait3A_176 = tpu.memref_slice %arg5[%dma_wait3A_175] : memref<320000xi32, #tpu.memory_space<hbm>> -> memref<64xi32, #tpu.memory_space<hbm>>
        tpu.wait_dma2 semaphore(%arg24 : memref<!tpu.dma_semaphore, #tpu.memory_space<semaphore_mem>>) src(%dma_wait3A_176 : memref<64xi32, #tpu.memory_space<hbm>>) dst(%arg9 : memref<64xi32, #tpu.memory_space<vmem>>)
        %dma_start3A_177 = arith.constant 0 : i32
        %dma_start3A_178 = arith.constant 0 : i32
        %dma_start3A_179 = tpu.memref_slice %arg19[%dma_start3A_177, %dma_start3A_178] : memref<10000x128xf32, #tpu.memory_space<vmem_shared>> -> memref<10000x128xf32, #tpu.memory_space<vmem_shared>>
        tpu.enqueue_indirect_dma source(%arg12 : memref<64x128xf32, #tpu.memory_space<vmem>>) target(%dma_start3A_179 : memref<10000x128xf32, #tpu.memory_space<vmem_shared>>) offsets(%arg9 : memref<64xi32, #tpu.memory_space<vmem>>) semaphore(%arg26 : memref<!tpu.dma_semaphore, #tpu.memory_space<semaphore_mem>>) {add = true}
        %add3A_180 = arith.constant 2 : i32
        %add3A_181 = arith.addi %add3A_132, %add3A_180 : i32
        %lt3A_182 = arith.cmpi slt, %add3A_181, %select_n3A : i32
        %convert_element_type3A_183 = arith.extui %lt3A_182 : i1 to i32
        %cond3A_184 = arith.constant 0 : i32
        %cond3A_185 = arith.cmpi ne, %convert_element_type3A_183, %cond3A_184 : i32
        scf.if %cond3A_185 {
          %add3A_186 = arith.constant 2 : i32
          %add3A_187 = arith.addi %add3A_132, %add3A_186 : i32
          %mul3A_188 = arith.constant 16 : i32
          %mul3A_189 = arith.muli %add3A_187, %mul3A_188 : i32
          %add3A_190 = arith.addi %arg1, %mul3A_189 : i32
          %mul3A_191 = arith.constant 64 : i32
          %mul3A_192 = arith.muli %add3A_190, %mul3A_191 : i32
          %add3A_193 = arith.addi %mul3A_38, %mul3A_192 : i32
          %dma_start3A_194 = tpu.memref_slice %arg4[%add3A_193] : memref<320000xi32, #tpu.memory_space<hbm>> -> memref<64xi32, #tpu.memory_space<hbm>>
          %dma_start3A_195 = tpu.memref_slice %arg4[%add3A_193] : memref<320000xi32, #tpu.memory_space<hbm>> -> memref<64xi32, #tpu.memory_space<hbm>>
          tpu.enqueue_dma source(%dma_start3A_195 : memref<64xi32, #tpu.memory_space<hbm>>) target(%arg8 : memref<64xi32, #tpu.memory_space<vmem>>) target_semaphore(%arg20 : memref<!tpu.dma_semaphore, #tpu.memory_space<semaphore_mem>>)
        } else {
        }
      } else {
      }
      %mul3A_136 = arith.constant 2 : i32
      %mul3A_137 = arith.muli %while3A_127, %mul3A_136 : i32
      %add3A_138 = arith.constant 1 : i32
      %add3A_139 = arith.addi %mul3A_137, %add3A_138 : i32
      %lt3A_140 = arith.cmpi slt, %add3A_139, %select_n3A : i32
      %convert_element_type3A_141 = arith.extui %lt3A_140 : i1 to i32
      %cond3A_142 = arith.constant 0 : i32
      %cond3A_143 = arith.cmpi ne, %convert_element_type3A_141, %cond3A_142 : i32
      scf.if %cond3A_143 {
        %dma_wait3A_145 = arith.constant 0 : i32
        %dma_wait3A_146 = arith.constant 0 : i32
        %dma_wait3A_147 = tpu.memref_slice %arg2[%dma_wait3A_145, %dma_wait3A_146] : memref<10000x128xf32, #tpu.memory_space<hbm>> -> memref<10000x128xf32, #tpu.memory_space<hbm>>
        tpu.wait_indirect_dma semaphore(%arg23 : memref<!tpu.dma_semaphore, #tpu.memory_space<semaphore_mem>>) src(%dma_wait3A_147 : memref<10000x128xf32, #tpu.memory_space<hbm>>) dst(%arg16 : memref<64x128xf32, #tpu.memory_space<vmem>>)
        %add3A_148 = arith.constant 1 : i32
        %add3A_149 = arith.addi %add3A_139, %add3A_148 : i32
        %lt3A_150 = arith.cmpi slt, %add3A_149, %select_n3A : i32
        %convert_element_type3A_151 = arith.extui %lt3A_150 : i1 to i32
        %cond3A_152 = arith.constant 0 : i32
        %cond3A_153 = arith.cmpi ne, %convert_element_type3A_151, %cond3A_152 : i32
        scf.if %cond3A_153 {
          %dma_wait3A_186 = arith.constant 0 : i32
          %dma_wait3A_187 = tpu.memref_slice %arg4[%dma_wait3A_186] : memref<320000xi32, #tpu.memory_space<hbm>> -> memref<64xi32, #tpu.memory_space<hbm>>
          %dma_wait3A_188 = arith.constant 0 : i32
          %dma_wait3A_189 = tpu.memref_slice %arg4[%dma_wait3A_188] : memref<320000xi32, #tpu.memory_space<hbm>> -> memref<64xi32, #tpu.memory_space<hbm>>
          tpu.wait_dma2 semaphore(%arg20 : memref<!tpu.dma_semaphore, #tpu.memory_space<semaphore_mem>>) src(%dma_wait3A_189 : memref<64xi32, #tpu.memory_space<hbm>>) dst(%arg8 : memref<64xi32, #tpu.memory_space<vmem>>)
          %dma_start3A_190 = arith.constant 0 : i32
          %dma_start3A_191 = arith.constant 0 : i32
          %dma_start3A_192 = tpu.memref_slice %arg2[%dma_start3A_190, %dma_start3A_191] : memref<10000x128xf32, #tpu.memory_space<hbm>> -> memref<10000x128xf32, #tpu.memory_space<hbm>>
          tpu.enqueue_indirect_dma source(%dma_start3A_192 : memref<10000x128xf32, #tpu.memory_space<hbm>>) target(%arg11 : memref<64x128xf32, #tpu.memory_space<vmem>>) offsets(%arg8 : memref<64xi32, #tpu.memory_space<vmem>>) semaphore(%arg22 : memref<!tpu.dma_semaphore, #tpu.memory_space<semaphore_mem>>)
          %ge3A = arith.constant 1 : i32
          %ge3A_193 = arith.cmpi sge, %add3A_139, %ge3A : i32
          %convert_element_type3A_194 = arith.extui %ge3A_193 : i1 to i32
          %cond3A_195 = arith.constant 0 : i32
          %cond3A_196 = arith.cmpi ne, %convert_element_type3A_194, %cond3A_195 : i32
          scf.if %cond3A_196 {
            %dma_wait3A_223 = arith.constant 0 : i32
            %dma_wait3A_224 = arith.constant 0 : i32
            %dma_wait3A_225 = tpu.memref_slice %arg19[%dma_wait3A_223, %dma_wait3A_224] : memref<10000x128xf32, #tpu.memory_space<vmem_shared>> -> memref<10000x128xf32, #tpu.memory_space<vmem_shared>>
            tpu.wait_indirect_dma semaphore(%arg26 : memref<!tpu.dma_semaphore, #tpu.memory_space<semaphore_mem>>) src(%arg12 : memref<64x128xf32, #tpu.memory_space<vmem>>) dst(%dma_wait3A_225 : memref<10000x128xf32, #tpu.memory_space<vmem_shared>>)
          } else {
          }
          %add3A_197 = arith.constant 1 : i32
          %add3A_198 = arith.addi %add3A_139, %add3A_197 : i32
          %mul3A_199 = arith.constant 16 : i32
          %mul3A_200 = arith.muli %add3A_198, %mul3A_199 : i32
          %add3A_201 = arith.addi %arg1, %mul3A_200 : i32
          %mul3A_202 = arith.constant 64 : i32
          %mul3A_203 = arith.muli %add3A_201, %mul3A_202 : i32
          %add3A_204 = arith.addi %mul3A_38, %mul3A_203 : i32
          %dma_start3A_205 = tpu.memref_slice %arg5[%add3A_204] : memref<320000xi32, #tpu.memory_space<hbm>> -> memref<64xi32, #tpu.memory_space<hbm>>
          %dma_start3A_206 = tpu.memref_slice %arg5[%add3A_204] : memref<320000xi32, #tpu.memory_space<hbm>> -> memref<64xi32, #tpu.memory_space<hbm>>
          tpu.enqueue_dma source(%dma_start3A_206 : memref<64xi32, #tpu.memory_space<hbm>>) target(%arg9 : memref<64xi32, #tpu.memory_space<vmem>>) target_semaphore(%arg24 : memref<!tpu.dma_semaphore, #tpu.memory_space<semaphore_mem>>)
          %add3A_207 = arith.constant 1 : i32
          %add3A_208 = arith.addi %add3A_139, %add3A_207 : i32
          %mul3A_209 = arith.constant 16 : i32
          %mul3A_210 = arith.muli %add3A_208, %mul3A_209 : i32
          %add3A_211 = arith.addi %arg1, %mul3A_210 : i32
          %mul3A_212 = arith.constant 64 : i32
          %mul3A_213 = arith.muli %add3A_211, %mul3A_212 : i32
          %add3A_214 = arith.addi %mul3A_38, %mul3A_213 : i32
          %dma_start3A_215 = arith.constant 0 : i32
          %dma_start3A_216 = tpu.memref_slice %arg6[%add3A_214, %dma_start3A_215] : memref<320000x16xf32, #tpu.memory_space<hbm>> -> memref<64x16xf32, #tpu.memory_space<hbm>>
          %dma_start3A_217 = arith.constant 0 : i32
          %dma_start3A_218 = tpu.memref_slice %arg6[%add3A_214, %dma_start3A_217] : memref<320000x16xf32, #tpu.memory_space<hbm>> -> memref<64x16xf32, #tpu.memory_space<hbm>>
          tpu.enqueue_dma source(%dma_start3A_218 : memref<64x16xf32, #tpu.memory_space<hbm>>) target(%arg10 : memref<64x16xf32, #tpu.memory_space<vmem>>) target_semaphore(%arg28 : memref<!tpu.dma_semaphore, #tpu.memory_space<semaphore_mem>>)
          %dma_start3A_219 = arith.constant 0 : i32
          %dma_start3A_220 = tpu.memref_slice %arg3[%add3A_214, %dma_start3A_219] : memref<320000x128xf32, #tpu.memory_space<hbm>> -> memref<64x128xf32, #tpu.memory_space<hbm>>
          %dma_start3A_221 = arith.constant 0 : i32
          %dma_start3A_222 = tpu.memref_slice %arg3[%add3A_214, %dma_start3A_221] : memref<320000x128xf32, #tpu.memory_space<hbm>> -> memref<64x128xf32, #tpu.memory_space<hbm>>
          tpu.enqueue_dma source(%dma_start3A_222 : memref<64x128xf32, #tpu.memory_space<hbm>>) target(%arg12 : memref<64x128xf32, #tpu.memory_space<vmem>>) target_semaphore(%arg28 : memref<!tpu.dma_semaphore, #tpu.memory_space<semaphore_mem>>)
        } else {
        }
        %dma_wait3A_154 = arith.constant 0 : i32
        %dma_wait3A_155 = arith.constant 0 : i32
        %dma_wait3A_156 = tpu.memref_slice %arg6[%dma_wait3A_154, %dma_wait3A_155] : memref<320000x16xf32, #tpu.memory_space<hbm>> -> memref<64x16xf32, #tpu.memory_space<hbm>>
        %dma_wait3A_157 = arith.constant 0 : i32
        %dma_wait3A_158 = arith.constant 0 : i32
        %dma_wait3A_159 = tpu.memref_slice %arg6[%dma_wait3A_157, %dma_wait3A_158] : memref<320000x16xf32, #tpu.memory_space<hbm>> -> memref<64x16xf32, #tpu.memory_space<hbm>>
        tpu.wait_dma2 semaphore(%arg29 : memref<!tpu.dma_semaphore, #tpu.memory_space<semaphore_mem>>) src(%dma_wait3A_159 : memref<64x16xf32, #tpu.memory_space<hbm>>) dst(%arg15 : memref<64x16xf32, #tpu.memory_space<vmem>>)
        %dma_wait3A_160 = arith.constant 0 : i32
        %dma_wait3A_161 = arith.constant 0 : i32
        %dma_wait3A_162 = tpu.memref_slice %arg3[%dma_wait3A_160, %dma_wait3A_161] : memref<320000x128xf32, #tpu.memory_space<hbm>> -> memref<64x128xf32, #tpu.memory_space<hbm>>
        %dma_wait3A_163 = arith.constant 0 : i32
        %dma_wait3A_164 = arith.constant 0 : i32
        %dma_wait3A_165 = tpu.memref_slice %arg3[%dma_wait3A_163, %dma_wait3A_164] : memref<320000x128xf32, #tpu.memory_space<hbm>> -> memref<64x128xf32, #tpu.memory_space<hbm>>
        tpu.wait_dma2 semaphore(%arg29 : memref<!tpu.dma_semaphore, #tpu.memory_space<semaphore_mem>>) src(%dma_wait3A_165 : memref<64x128xf32, #tpu.memory_space<hbm>>) dst(%arg17 : memref<64x128xf32, #tpu.memory_space<vmem>>)
        %scan3A_166 = arith.constant 0 : i32
        %scan3A_167 = arith.constant 0 : i32
        %scan3A_168 = arith.constant 64 : i32
        %scan3A_169 = arith.addi %scan3A_167, %scan3A_168 : i32
        %scan3A_170 = arith.constant 1 : i32
        %scan3A_171 = scf.for %scan3A_186 = %scan3A_167 to %scan3A_169 step %scan3A_170 iter_args(%scan3A_187 = %scan3A_166) -> (i32)  : i32 {
          %get3A = arith.index_cast %scan3A_186 : i32 to index
          %get3A_188 = arith.constant 0 : index
          %get3A_189 = tpu.vector_load %arg15[%get3A, %get3A_188] {strides = array<i32>} : memref<64x16xf32, #tpu.memory_space<vmem>>, vector<1x16xf32>,
          %get3A_190 = vector.shape_cast %get3A_189 : vector<1x16xf32> to vector<16xf32>
          %get3A_191 = arith.index_cast %scan3A_186 : i32 to index
          %get3A_192 = arith.constant 0 : index
          %get3A_193 = tpu.vector_load %arg16[%get3A_191, %get3A_192] {strides = array<i32>} : memref<64x128xf32, #tpu.memory_space<vmem>>, vector<1x16xf32>,
          %get3A_194 = vector.shape_cast %get3A_193 : vector<1x16xf32> to vector<16xf32>
          %get3A_195 = arith.index_cast %scan3A_186 : i32 to index
          %get3A_196 = arith.constant 0 : index
          %get3A_197 = tpu.vector_load %arg17[%get3A_195, %get3A_196] {strides = array<i32>} : memref<64x128xf32, #tpu.memory_space<vmem>>, vector<1x16xf32>,
          %get3A_198 = vector.shape_cast %get3A_197 : vector<1x16xf32> to vector<16xf32>
          %add3A_199 = arith.addf %get3A_194, %get3A_198 : vector<16xf32>
          %max3A = arith.constant 0.000000e+00 : f32
          %max3A_200 = vector.broadcast %max3A : f32 to vector<16xf32>
          %max3A_201 = arith.maximumf %add3A_199, %max3A_200 : vector<16xf32>
          %mul3A_202 = arith.mulf %max3A_201, %get3A_190 : vector<16xf32>
          %swap3A = arith.index_cast %scan3A_186 : i32 to index
          %swap3A_203 = arith.constant 0 : index
          %swap3A_204 = tpu.vector_load %arg17[%swap3A, %swap3A_203] {strides = array<i32>} : memref<64x128xf32, #tpu.memory_space<vmem>>, vector<1x16xf32>,
          %swap3A_205 = vector.shape_cast %swap3A_204 : vector<1x16xf32> to vector<16xf32>
          %swap3A_206 = vector.shape_cast %mul3A_202 : vector<16xf32> to vector<1x16xf32>
          tpu.vector_store %arg17[%swap3A, %swap3A_203], %swap3A_206 {strides = array<i32>} : memref<64x128xf32, #tpu.memory_space<vmem>>, vector<1x16xf32>,
          %get3A_207 = arith.index_cast %scan3A_186 : i32 to index
          %get3A_208 = arith.constant 16 : index
          %get3A_209 = tpu.vector_load %arg16[%get3A_207, %get3A_208] {strides = array<i32>} : memref<64x128xf32, #tpu.memory_space<vmem>>, vector<1x16xf32>,
          %get3A_210 = vector.shape_cast %get3A_209 : vector<1x16xf32> to vector<16xf32>
          %get3A_211 = arith.index_cast %scan3A_186 : i32 to index
          %get3A_212 = arith.constant 16 : index
          %get3A_213 = tpu.vector_load %arg17[%get3A_211, %get3A_212] {strides = array<i32>} : memref<64x128xf32, #tpu.memory_space<vmem>>, vector<1x16xf32>,
          %get3A_214 = vector.shape_cast %get3A_213 : vector<1x16xf32> to vector<16xf32>
          %add3A_215 = arith.addf %get3A_210, %get3A_214 : vector<16xf32>
          %max3A_216 = arith.constant 0.000000e+00 : f32
          %max3A_217 = vector.broadcast %max3A_216 : f32 to vector<16xf32>
          %max3A_218 = arith.maximumf %add3A_215, %max3A_217 : vector<16xf32>
          %mul3A_219 = arith.mulf %max3A_218, %get3A_190 : vector<16xf32>
          %swap3A_220 = arith.index_cast %scan3A_186 : i32 to index
          %swap3A_221 = arith.constant 16 : index
          %swap3A_222 = tpu.vector_load %arg17[%swap3A_220, %swap3A_221] {strides = array<i32>} : memref<64x128xf32, #tpu.memory_space<vmem>>, vector<1x16xf32>,
          %swap3A_223 = vector.shape_cast %swap3A_222 : vector<1x16xf32> to vector<16xf32>
          %swap3A_224 = vector.shape_cast %mul3A_219 : vector<16xf32> to vector<1x16xf32>
          tpu.vector_store %arg17[%swap3A_220, %swap3A_221], %swap3A_224 {strides = array<i32>} : memref<64x128xf32, #tpu.memory_space<vmem>>, vector<1x16xf32>,
          %get3A_225 = arith.index_cast %scan3A_186 : i32 to index
          %get3A_226 = arith.constant 32 : index
          %get3A_227 = tpu.vector_load %arg16[%get3A_225, %get3A_226] {strides = array<i32>} : memref<64x128xf32, #tpu.memory_space<vmem>>, vector<1x16xf32>,
          %get3A_228 = vector.shape_cast %get3A_227 : vector<1x16xf32> to vector<16xf32>
          %get3A_229 = arith.index_cast %scan3A_186 : i32 to index
          %get3A_230 = arith.constant 32 : index
          %get3A_231 = tpu.vector_load %arg17[%get3A_229, %get3A_230] {strides = array<i32>} : memref<64x128xf32, #tpu.memory_space<vmem>>, vector<1x16xf32>,
          %get3A_232 = vector.shape_cast %get3A_231 : vector<1x16xf32> to vector<16xf32>
          %add3A_233 = arith.addf %get3A_228, %get3A_232 : vector<16xf32>
          %max3A_234 = arith.constant 0.000000e+00 : f32
          %max3A_235 = vector.broadcast %max3A_234 : f32 to vector<16xf32>
          %max3A_236 = arith.maximumf %add3A_233, %max3A_235 : vector<16xf32>
          %mul3A_237 = arith.mulf %max3A_236, %get3A_190 : vector<16xf32>
          %swap3A_238 = arith.index_cast %scan3A_186 : i32 to index
          %swap3A_239 = arith.constant 32 : index
          %swap3A_240 = tpu.vector_load %arg17[%swap3A_238, %swap3A_239] {strides = array<i32>} : memref<64x128xf32, #tpu.memory_space<vmem>>, vector<1x16xf32>,
          %swap3A_241 = vector.shape_cast %swap3A_240 : vector<1x16xf32> to vector<16xf32>
          %swap3A_242 = vector.shape_cast %mul3A_237 : vector<16xf32> to vector<1x16xf32>
          tpu.vector_store %arg17[%swap3A_238, %swap3A_239], %swap3A_242 {strides = array<i32>} : memref<64x128xf32, #tpu.memory_space<vmem>>, vector<1x16xf32>,
          %get3A_243 = arith.index_cast %scan3A_186 : i32 to index
          %get3A_244 = arith.constant 48 : index
          %get3A_245 = tpu.vector_load %arg16[%get3A_243, %get3A_244] {strides = array<i32>} : memref<64x128xf32, #tpu.memory_space<vmem>>, vector<1x16xf32>,
          %get3A_246 = vector.shape_cast %get3A_245 : vector<1x16xf32> to vector<16xf32>
          %get3A_247 = arith.index_cast %scan3A_186 : i32 to index
          %get3A_248 = arith.constant 48 : index
          %get3A_249 = tpu.vector_load %arg17[%get3A_247, %get3A_248] {strides = array<i32>} : memref<64x128xf32, #tpu.memory_space<vmem>>, vector<1x16xf32>,
          %get3A_250 = vector.shape_cast %get3A_249 : vector<1x16xf32> to vector<16xf32>
          %add3A_251 = arith.addf %get3A_246, %get3A_250 : vector<16xf32>
          %max3A_252 = arith.constant 0.000000e+00 : f32
          %max3A_253 = vector.broadcast %max3A_252 : f32 to vector<16xf32>
          %max3A_254 = arith.maximumf %add3A_251, %max3A_253 : vector<16xf32>
          %mul3A_255 = arith.mulf %max3A_254, %get3A_190 : vector<16xf32>
          %swap3A_256 = arith.index_cast %scan3A_186 : i32 to index
          %swap3A_257 = arith.constant 48 : index
          %swap3A_258 = tpu.vector_load %arg17[%swap3A_256, %swap3A_257] {strides = array<i32>} : memref<64x128xf32, #tpu.memory_space<vmem>>, vector<1x16xf32>,
          %swap3A_259 = vector.shape_cast %swap3A_258 : vector<1x16xf32> to vector<16xf32>
          %swap3A_260 = vector.shape_cast %mul3A_255 : vector<16xf32> to vector<1x16xf32>
          tpu.vector_store %arg17[%swap3A_256, %swap3A_257], %swap3A_260 {strides = array<i32>} : memref<64x128xf32, #tpu.memory_space<vmem>>, vector<1x16xf32>,
          %get3A_261 = arith.index_cast %scan3A_186 : i32 to index
          %get3A_262 = arith.constant 64 : index
          %get3A_263 = tpu.vector_load %arg16[%get3A_261, %get3A_262] {strides = array<i32>} : memref<64x128xf32, #tpu.memory_space<vmem>>, vector<1x16xf32>,
          %get3A_264 = vector.shape_cast %get3A_263 : vector<1x16xf32> to vector<16xf32>
          %get3A_265 = arith.index_cast %scan3A_186 : i32 to index
          %get3A_266 = arith.constant 64 : index
          %get3A_267 = tpu.vector_load %arg17[%get3A_265, %get3A_266] {strides = array<i32>} : memref<64x128xf32, #tpu.memory_space<vmem>>, vector<1x16xf32>,
          %get3A_268 = vector.shape_cast %get3A_267 : vector<1x16xf32> to vector<16xf32>
          %add3A_269 = arith.addf %get3A_264, %get3A_268 : vector<16xf32>
          %max3A_270 = arith.constant 0.000000e+00 : f32
          %max3A_271 = vector.broadcast %max3A_270 : f32 to vector<16xf32>
          %max3A_272 = arith.maximumf %add3A_269, %max3A_271 : vector<16xf32>
          %mul3A_273 = arith.mulf %max3A_272, %get3A_190 : vector<16xf32>
          %swap3A_274 = arith.index_cast %scan3A_186 : i32 to index
          %swap3A_275 = arith.constant 64 : index
          %swap3A_276 = tpu.vector_load %arg17[%swap3A_274, %swap3A_275] {strides = array<i32>} : memref<64x128xf32, #tpu.memory_space<vmem>>, vector<1x16xf32>,
          %swap3A_277 = vector.shape_cast %swap3A_276 : vector<1x16xf32> to vector<16xf32>
          %swap3A_278 = vector.shape_cast %mul3A_273 : vector<16xf32> to vector<1x16xf32>
          tpu.vector_store %arg17[%swap3A_274, %swap3A_275], %swap3A_278 {strides = array<i32>} : memref<64x128xf32, #tpu.memory_space<vmem>>, vector<1x16xf32>,
          %get3A_279 = arith.index_cast %scan3A_186 : i32 to index
          %get3A_280 = arith.constant 80 : index
          %get3A_281 = tpu.vector_load %arg16[%get3A_279, %get3A_280] {strides = array<i32>} : memref<64x128xf32, #tpu.memory_space<vmem>>, vector<1x16xf32>,
          %get3A_282 = vector.shape_cast %get3A_281 : vector<1x16xf32> to vector<16xf32>
          %get3A_283 = arith.index_cast %scan3A_186 : i32 to index
          %get3A_284 = arith.constant 80 : index
          %get3A_285 = tpu.vector_load %arg17[%get3A_283, %get3A_284] {strides = array<i32>} : memref<64x128xf32, #tpu.memory_space<vmem>>, vector<1x16xf32>,
          %get3A_286 = vector.shape_cast %get3A_285 : vector<1x16xf32> to vector<16xf32>
          %add3A_287 = arith.addf %get3A_282, %get3A_286 : vector<16xf32>
          %max3A_288 = arith.constant 0.000000e+00 : f32
          %max3A_289 = vector.broadcast %max3A_288 : f32 to vector<16xf32>
          %max3A_290 = arith.maximumf %add3A_287, %max3A_289 : vector<16xf32>
          %mul3A_291 = arith.mulf %max3A_290, %get3A_190 : vector<16xf32>
          %swap3A_292 = arith.index_cast %scan3A_186 : i32 to index
          %swap3A_293 = arith.constant 80 : index
          %swap3A_294 = tpu.vector_load %arg17[%swap3A_292, %swap3A_293] {strides = array<i32>} : memref<64x128xf32, #tpu.memory_space<vmem>>, vector<1x16xf32>,
          %swap3A_295 = vector.shape_cast %swap3A_294 : vector<1x16xf32> to vector<16xf32>
          %swap3A_296 = vector.shape_cast %mul3A_291 : vector<16xf32> to vector<1x16xf32>
          tpu.vector_store %arg17[%swap3A_292, %swap3A_293], %swap3A_296 {strides = array<i32>} : memref<64x128xf32, #tpu.memory_space<vmem>>, vector<1x16xf32>,
          %get3A_297 = arith.index_cast %scan3A_186 : i32 to index
          %get3A_298 = arith.constant 96 : index
          %get3A_299 = tpu.vector_load %arg16[%get3A_297, %get3A_298] {strides = array<i32>} : memref<64x128xf32, #tpu.memory_space<vmem>>, vector<1x16xf32>,
          %get3A_300 = vector.shape_cast %get3A_299 : vector<1x16xf32> to vector<16xf32>
          %get3A_301 = arith.index_cast %scan3A_186 : i32 to index
          %get3A_302 = arith.constant 96 : index
          %get3A_303 = tpu.vector_load %arg17[%get3A_301, %get3A_302] {strides = array<i32>} : memref<64x128xf32, #tpu.memory_space<vmem>>, vector<1x16xf32>,
          %get3A_304 = vector.shape_cast %get3A_303 : vector<1x16xf32> to vector<16xf32>
          %add3A_305 = arith.addf %get3A_300, %get3A_304 : vector<16xf32>
          %max3A_306 = arith.constant 0.000000e+00 : f32
          %max3A_307 = vector.broadcast %max3A_306 : f32 to vector<16xf32>
          %max3A_308 = arith.maximumf %add3A_305, %max3A_307 : vector<16xf32>
          %mul3A_309 = arith.mulf %max3A_308, %get3A_190 : vector<16xf32>
          %swap3A_310 = arith.index_cast %scan3A_186 : i32 to index
          %swap3A_311 = arith.constant 96 : index
          %swap3A_312 = tpu.vector_load %arg17[%swap3A_310, %swap3A_311] {strides = array<i32>} : memref<64x128xf32, #tpu.memory_space<vmem>>, vector<1x16xf32>,
          %swap3A_313 = vector.shape_cast %swap3A_312 : vector<1x16xf32> to vector<16xf32>
          %swap3A_314 = vector.shape_cast %mul3A_309 : vector<16xf32> to vector<1x16xf32>
          tpu.vector_store %arg17[%swap3A_310, %swap3A_311], %swap3A_314 {strides = array<i32>} : memref<64x128xf32, #tpu.memory_space<vmem>>, vector<1x16xf32>,
          %get3A_315 = arith.index_cast %scan3A_186 : i32 to index
          %get3A_316 = arith.constant 112 : index
          %get3A_317 = tpu.vector_load %arg16[%get3A_315, %get3A_316] {strides = array<i32>} : memref<64x128xf32, #tpu.memory_space<vmem>>, vector<1x16xf32>,
          %get3A_318 = vector.shape_cast %get3A_317 : vector<1x16xf32> to vector<16xf32>
          %get3A_319 = arith.index_cast %scan3A_186 : i32 to index
          %get3A_320 = arith.constant 112 : index
          %get3A_321 = tpu.vector_load %arg17[%get3A_319, %get3A_320] {strides = array<i32>} : memref<64x128xf32, #tpu.memory_space<vmem>>, vector<1x16xf32>,
          %get3A_322 = vector.shape_cast %get3A_321 : vector<1x16xf32> to vector<16xf32>
          %add3A_323 = arith.addf %get3A_318, %get3A_322 : vector<16xf32>
          %max3A_324 = arith.constant 0.000000e+00 : f32
          %max3A_325 = vector.broadcast %max3A_324 : f32 to vector<16xf32>
          %max3A_326 = arith.maximumf %add3A_323, %max3A_325 : vector<16xf32>
          %mul3A_327 = arith.mulf %max3A_326, %get3A_190 : vector<16xf32>
          %swap3A_328 = arith.index_cast %scan3A_186 : i32 to index
          %swap3A_329 = arith.constant 112 : index
          %swap3A_330 = tpu.vector_load %arg17[%swap3A_328, %swap3A_329] {strides = array<i32>} : memref<64x128xf32, #tpu.memory_space<vmem>>, vector<1x16xf32>,
          %swap3A_331 = vector.shape_cast %swap3A_330 : vector<1x16xf32> to vector<16xf32>
          %swap3A_332 = vector.shape_cast %mul3A_327 : vector<16xf32> to vector<1x16xf32>
          tpu.vector_store %arg17[%swap3A_328, %swap3A_329], %swap3A_332 {strides = array<i32>} : memref<64x128xf32, #tpu.memory_space<vmem>>, vector<1x16xf32>,
          %scan3A_333 = arith.constant 0 : i32
          scf.yield %scan3A_333 : i32
        }
        %scan3A_172 = arith.constant 64 : i32
        %dma_wait3A_173 = arith.constant 0 : i32
        %dma_wait3A_174 = tpu.memref_slice %arg5[%dma_wait3A_173] : memref<320000xi32, #tpu.memory_space<hbm>> -> memref<64xi32, #tpu.memory_space<hbm>>
        %dma_wait3A_175 = arith.constant 0 : i32
        %dma_wait3A_176 = tpu.memref_slice %arg5[%dma_wait3A_175] : memref<320000xi32, #tpu.memory_space<hbm>> -> memref<64xi32, #tpu.memory_space<hbm>>
        tpu.wait_dma2 semaphore(%arg25 : memref<!tpu.dma_semaphore, #tpu.memory_space<semaphore_mem>>) src(%dma_wait3A_176 : memref<64xi32, #tpu.memory_space<hbm>>) dst(%arg14 : memref<64xi32, #tpu.memory_space<vmem>>)
        %dma_start3A_177 = arith.constant 0 : i32
        %dma_start3A_178 = arith.constant 0 : i32
        %dma_start3A_179 = tpu.memref_slice %arg19[%dma_start3A_177, %dma_start3A_178] : memref<10000x128xf32, #tpu.memory_space<vmem_shared>> -> memref<10000x128xf32, #tpu.memory_space<vmem_shared>>
        tpu.enqueue_indirect_dma source(%arg17 : memref<64x128xf32, #tpu.memory_space<vmem>>) target(%dma_start3A_179 : memref<10000x128xf32, #tpu.memory_space<vmem_shared>>) offsets(%arg14 : memref<64xi32, #tpu.memory_space<vmem>>) semaphore(%arg27 : memref<!tpu.dma_semaphore, #tpu.memory_space<semaphore_mem>>) {add = true}
        %add3A_180 = arith.constant 2 : i32
        %add3A_181 = arith.addi %add3A_139, %add3A_180 : i32
        %lt3A_182 = arith.cmpi slt, %add3A_181, %select_n3A : i32
        %convert_element_type3A_183 = arith.extui %lt3A_182 : i1 to i32
        %cond3A_184 = arith.constant 0 : i32
        %cond3A_185 = arith.cmpi ne, %convert_element_type3A_183, %cond3A_184 : i32
        scf.if %cond3A_185 {
          %add3A_186 = arith.constant 2 : i32
          %add3A_187 = arith.addi %add3A_139, %add3A_186 : i32
          %mul3A_188 = arith.constant 16 : i32
          %mul3A_189 = arith.muli %add3A_187, %mul3A_188 : i32
          %add3A_190 = arith.addi %arg1, %mul3A_189 : i32
          %mul3A_191 = arith.constant 64 : i32
          %mul3A_192 = arith.muli %add3A_190, %mul3A_191 : i32
          %add3A_193 = arith.addi %mul3A_38, %mul3A_192 : i32
          %dma_start3A_194 = tpu.memref_slice %arg4[%add3A_193] : memref<320000xi32, #tpu.memory_space<hbm>> -> memref<64xi32, #tpu.memory_space<hbm>>
          %dma_start3A_195 = tpu.memref_slice %arg4[%add3A_193] : memref<320000xi32, #tpu.memory_space<hbm>> -> memref<64xi32, #tpu.memory_space<hbm>>
          tpu.enqueue_dma source(%dma_start3A_195 : memref<64xi32, #tpu.memory_space<hbm>>) target(%arg13 : memref<64xi32, #tpu.memory_space<vmem>>) target_semaphore(%arg21 : memref<!tpu.dma_semaphore, #tpu.memory_space<semaphore_mem>>)
        } else {
        }
      } else {
      }
      %while3A_144 = arith.constant 0 : i32
      scf.yield %while3A_144 : i32
    }
    %while3A_113 = arith.constant 1 : i32
    %while3A_114 = scf.for %while3A_127 = %while3A_110 to %while3A_106 step %while3A_113 iter_args(%while3A_128 = %while3A_112) -> (i32)  : i32 {
      %mul3A_129 = arith.constant 2 : i32
      %mul3A_130 = arith.muli %while3A_127, %mul3A_129 : i32
      %add3A_131 = arith.constant 0 : i32
      %add3A_132 = arith.addi %mul3A_130, %add3A_131 : i32
      %lt3A = arith.cmpi slt, %add3A_132, %select_n3A : i32
      %convert_element_type3A_133 = arith.extui %lt3A : i1 to i32
      %cond3A_134 = arith.constant 0 : i32
      %cond3A_135 = arith.cmpi ne, %convert_element_type3A_133, %cond3A_134 : i32
      scf.if %cond3A_135 {
        %dma_wait3A_145 = arith.constant 0 : i32
        %dma_wait3A_146 = arith.constant 0 : i32
        %dma_wait3A_147 = tpu.memref_slice %arg2[%dma_wait3A_145, %dma_wait3A_146] : memref<10000x128xf32, #tpu.memory_space<hbm>> -> memref<10000x128xf32, #tpu.memory_space<hbm>>
        tpu.wait_indirect_dma semaphore(%arg22 : memref<!tpu.dma_semaphore, #tpu.memory_space<semaphore_mem>>) src(%dma_wait3A_147 : memref<10000x128xf32, #tpu.memory_space<hbm>>) dst(%arg11 : memref<64x128xf32, #tpu.memory_space<vmem>>)
        %add3A_148 = arith.constant 1 : i32
        %add3A_149 = arith.addi %add3A_132, %add3A_148 : i32
        %lt3A_150 = arith.cmpi slt, %add3A_149, %select_n3A : i32
        %convert_element_type3A_151 = arith.extui %lt3A_150 : i1 to i32
        %cond3A_152 = arith.constant 0 : i32
        %cond3A_153 = arith.cmpi ne, %convert_element_type3A_151, %cond3A_152 : i32
        scf.if %cond3A_153 {
          %dma_wait3A_186 = arith.constant 0 : i32
          %dma_wait3A_187 = tpu.memref_slice %arg4[%dma_wait3A_186] : memref<320000xi32, #tpu.memory_space<hbm>> -> memref<64xi32, #tpu.memory_space<hbm>>
          %dma_wait3A_188 = arith.constant 0 : i32
          %dma_wait3A_189 = tpu.memref_slice %arg4[%dma_wait3A_188] : memref<320000xi32, #tpu.memory_space<hbm>> -> memref<64xi32, #tpu.memory_space<hbm>>
          tpu.wait_dma2 semaphore(%arg21 : memref<!tpu.dma_semaphore, #tpu.memory_space<semaphore_mem>>) src(%dma_wait3A_189 : memref<64xi32, #tpu.memory_space<hbm>>) dst(%arg13 : memref<64xi32, #tpu.memory_space<vmem>>)
          %dma_start3A_190 = arith.constant 0 : i32
          %dma_start3A_191 = arith.constant 0 : i32
          %dma_start3A_192 = tpu.memref_slice %arg2[%dma_start3A_190, %dma_start3A_191] : memref<10000x128xf32, #tpu.memory_space<hbm>> -> memref<10000x128xf32, #tpu.memory_space<hbm>>
          tpu.enqueue_indirect_dma source(%dma_start3A_192 : memref<10000x128xf32, #tpu.memory_space<hbm>>) target(%arg16 : memref<64x128xf32, #tpu.memory_space<vmem>>) offsets(%arg13 : memref<64xi32, #tpu.memory_space<vmem>>) semaphore(%arg23 : memref<!tpu.dma_semaphore, #tpu.memory_space<semaphore_mem>>)
          %ge3A = arith.constant 1 : i32
          %ge3A_193 = arith.cmpi sge, %add3A_132, %ge3A : i32
          %convert_element_type3A_194 = arith.extui %ge3A_193 : i1 to i32
          %cond3A_195 = arith.constant 0 : i32
          %cond3A_196 = arith.cmpi ne, %convert_element_type3A_194, %cond3A_195 : i32
          scf.if %cond3A_196 {
            %dma_wait3A_223 = arith.constant 0 : i32
            %dma_wait3A_224 = arith.constant 0 : i32
            %dma_wait3A_225 = tpu.memref_slice %arg19[%dma_wait3A_223, %dma_wait3A_224] : memref<10000x128xf32, #tpu.memory_space<vmem_shared>> -> memref<10000x128xf32, #tpu.memory_space<vmem_shared>>
            tpu.wait_indirect_dma semaphore(%arg27 : memref<!tpu.dma_semaphore, #tpu.memory_space<semaphore_mem>>) src(%arg17 : memref<64x128xf32, #tpu.memory_space<vmem>>) dst(%dma_wait3A_225 : memref<10000x128xf32, #tpu.memory_space<vmem_shared>>)
          } else {
          }
          %add3A_197 = arith.constant 1 : i32
          %add3A_198 = arith.addi %add3A_132, %add3A_197 : i32
          %mul3A_199 = arith.constant 16 : i32
          %mul3A_200 = arith.muli %add3A_198, %mul3A_199 : i32
          %add3A_201 = arith.addi %arg1, %mul3A_200 : i32
          %mul3A_202 = arith.constant 64 : i32
          %mul3A_203 = arith.muli %add3A_201, %mul3A_202 : i32
          %add3A_204 = arith.addi %mul3A_38, %mul3A_203 : i32
          %dma_start3A_205 = tpu.memref_slice %arg5[%add3A_204] : memref<320000xi32, #tpu.memory_space<hbm>> -> memref<64xi32, #tpu.memory_space<hbm>>
          %dma_start3A_206 = tpu.memref_slice %arg5[%add3A_204] : memref<320000xi32, #tpu.memory_space<hbm>> -> memref<64xi32, #tpu.memory_space<hbm>>
          tpu.enqueue_dma source(%dma_start3A_206 : memref<64xi32, #tpu.memory_space<hbm>>) target(%arg14 : memref<64xi32, #tpu.memory_space<vmem>>) target_semaphore(%arg25 : memref<!tpu.dma_semaphore, #tpu.memory_space<semaphore_mem>>)
          %add3A_207 = arith.constant 1 : i32
          %add3A_208 = arith.addi %add3A_132, %add3A_207 : i32
          %mul3A_209 = arith.constant 16 : i32
          %mul3A_210 = arith.muli %add3A_208, %mul3A_209 : i32
          %add3A_211 = arith.addi %arg1, %mul3A_210 : i32
          %mul3A_212 = arith.constant 64 : i32
          %mul3A_213 = arith.muli %add3A_211, %mul3A_212 : i32
          %add3A_214 = arith.addi %mul3A_38, %mul3A_213 : i32
          %dma_start3A_215 = arith.constant 0 : i32
          %dma_start3A_216 = tpu.memref_slice %arg6[%add3A_214, %dma_start3A_215] : memref<320000x16xf32, #tpu.memory_space<hbm>> -> memref<64x16xf32, #tpu.memory_space<hbm>>
          %dma_start3A_217 = arith.constant 0 : i32
          %dma_start3A_218 = tpu.memref_slice %arg6[%add3A_214, %dma_start3A_217] : memref<320000x16xf32, #tpu.memory_space<hbm>> -> memref<64x16xf32, #tpu.memory_space<hbm>>
          tpu.enqueue_dma source(%dma_start3A_218 : memref<64x16xf32, #tpu.memory_space<hbm>>) target(%arg15 : memref<64x16xf32, #tpu.memory_space<vmem>>) target_semaphore(%arg29 : memref<!tpu.dma_semaphore, #tpu.memory_space<semaphore_mem>>)
          %dma_start3A_219 = arith.constant 0 : i32
          %dma_start3A_220 = tpu.memref_slice %arg3[%add3A_214, %dma_start3A_219] : memref<320000x128xf32, #tpu.memory_space<hbm>> -> memref<64x128xf32, #tpu.memory_space<hbm>>
          %dma_start3A_221 = arith.constant 0 : i32
          %dma_start3A_222 = tpu.memref_slice %arg3[%add3A_214, %dma_start3A_221] : memref<320000x128xf32, #tpu.memory_space<hbm>> -> memref<64x128xf32, #tpu.memory_space<hbm>>
          tpu.enqueue_dma source(%dma_start3A_222 : memref<64x128xf32, #tpu.memory_space<hbm>>) target(%arg17 : memref<64x128xf32, #tpu.memory_space<vmem>>) target_semaphore(%arg29 : memref<!tpu.dma_semaphore, #tpu.memory_space<semaphore_mem>>)
        } else {
        }
        %dma_wait3A_154 = arith.constant 0 : i32
        %dma_wait3A_155 = arith.constant 0 : i32
        %dma_wait3A_156 = tpu.memref_slice %arg6[%dma_wait3A_154, %dma_wait3A_155] : memref<320000x16xf32, #tpu.memory_space<hbm>> -> memref<64x16xf32, #tpu.memory_space<hbm>>
        %dma_wait3A_157 = arith.constant 0 : i32
        %dma_wait3A_158 = arith.constant 0 : i32
        %dma_wait3A_159 = tpu.memref_slice %arg6[%dma_wait3A_157, %dma_wait3A_158] : memref<320000x16xf32, #tpu.memory_space<hbm>> -> memref<64x16xf32, #tpu.memory_space<hbm>>
        tpu.wait_dma2 semaphore(%arg28 : memref<!tpu.dma_semaphore, #tpu.memory_space<semaphore_mem>>) src(%dma_wait3A_159 : memref<64x16xf32, #tpu.memory_space<hbm>>) dst(%arg10 : memref<64x16xf32, #tpu.memory_space<vmem>>)
        %dma_wait3A_160 = arith.constant 0 : i32
        %dma_wait3A_161 = arith.constant 0 : i32
        %dma_wait3A_162 = tpu.memref_slice %arg3[%dma_wait3A_160, %dma_wait3A_161] : memref<320000x128xf32, #tpu.memory_space<hbm>> -> memref<64x128xf32, #tpu.memory_space<hbm>>
        %dma_wait3A_163 = arith.constant 0 : i32
        %dma_wait3A_164 = arith.constant 0 : i32
        %dma_wait3A_165 = tpu.memref_slice %arg3[%dma_wait3A_163, %dma_wait3A_164] : memref<320000x128xf32, #tpu.memory_space<hbm>> -> memref<64x128xf32, #tpu.memory_space<hbm>>
        tpu.wait_dma2 semaphore(%arg28 : memref<!tpu.dma_semaphore, #tpu.memory_space<semaphore_mem>>) src(%dma_wait3A_165 : memref<64x128xf32, #tpu.memory_space<hbm>>) dst(%arg12 : memref<64x128xf32, #tpu.memory_space<vmem>>)
        %scan3A_166 = arith.constant 0 : i32
        %scan3A_167 = arith.constant 0 : i32
        %scan3A_168 = arith.constant 64 : i32
        %scan3A_169 = arith.addi %scan3A_167, %scan3A_168 : i32
        %scan3A_170 = arith.constant 1 : i32
        %scan3A_171 = scf.for %scan3A_186 = %scan3A_167 to %scan3A_169 step %scan3A_170 iter_args(%scan3A_187 = %scan3A_166) -> (i32)  : i32 {
          %get3A = arith.index_cast %scan3A_186 : i32 to index
          %get3A_188 = arith.constant 0 : index
          %get3A_189 = tpu.vector_load %arg10[%get3A, %get3A_188] {strides = array<i32>} : memref<64x16xf32, #tpu.memory_space<vmem>>, vector<1x16xf32>,
          %get3A_190 = vector.shape_cast %get3A_189 : vector<1x16xf32> to vector<16xf32>
          %get3A_191 = arith.index_cast %scan3A_186 : i32 to index
          %get3A_192 = arith.constant 0 : index
          %get3A_193 = tpu.vector_load %arg11[%get3A_191, %get3A_192] {strides = array<i32>} : memref<64x128xf32, #tpu.memory_space<vmem>>, vector<1x16xf32>,
          %get3A_194 = vector.shape_cast %get3A_193 : vector<1x16xf32> to vector<16xf32>
          %get3A_195 = arith.index_cast %scan3A_186 : i32 to index
          %get3A_196 = arith.constant 0 : index
          %get3A_197 = tpu.vector_load %arg12[%get3A_195, %get3A_196] {strides = array<i32>} : memref<64x128xf32, #tpu.memory_space<vmem>>, vector<1x16xf32>,
          %get3A_198 = vector.shape_cast %get3A_197 : vector<1x16xf32> to vector<16xf32>
          %add3A_199 = arith.addf %get3A_194, %get3A_198 : vector<16xf32>
          %max3A = arith.constant 0.000000e+00 : f32
          %max3A_200 = vector.broadcast %max3A : f32 to vector<16xf32>
          %max3A_201 = arith.maximumf %add3A_199, %max3A_200 : vector<16xf32>
          %mul3A_202 = arith.mulf %max3A_201, %get3A_190 : vector<16xf32>
          %swap3A = arith.index_cast %scan3A_186 : i32 to index
          %swap3A_203 = arith.constant 0 : index
          %swap3A_204 = tpu.vector_load %arg12[%swap3A, %swap3A_203] {strides = array<i32>} : memref<64x128xf32, #tpu.memory_space<vmem>>, vector<1x16xf32>,
          %swap3A_205 = vector.shape_cast %swap3A_204 : vector<1x16xf32> to vector<16xf32>
          %swap3A_206 = vector.shape_cast %mul3A_202 : vector<16xf32> to vector<1x16xf32>
          tpu.vector_store %arg12[%swap3A, %swap3A_203], %swap3A_206 {strides = array<i32>} : memref<64x128xf32, #tpu.memory_space<vmem>>, vector<1x16xf32>,
          %get3A_207 = arith.index_cast %scan3A_186 : i32 to index
          %get3A_208 = arith.constant 16 : index
          %get3A_209 = tpu.vector_load %arg11[%get3A_207, %get3A_208] {strides = array<i32>} : memref<64x128xf32, #tpu.memory_space<vmem>>, vector<1x16xf32>,
          %get3A_210 = vector.shape_cast %get3A_209 : vector<1x16xf32> to vector<16xf32>
          %get3A_211 = arith.index_cast %scan3A_186 : i32 to index
          %get3A_212 = arith.constant 16 : index
          %get3A_213 = tpu.vector_load %arg12[%get3A_211, %get3A_212] {strides = array<i32>} : memref<64x128xf32, #tpu.memory_space<vmem>>, vector<1x16xf32>,
          %get3A_214 = vector.shape_cast %get3A_213 : vector<1x16xf32> to vector<16xf32>
          %add3A_215 = arith.addf %get3A_210, %get3A_214 : vector<16xf32>
          %max3A_216 = arith.constant 0.000000e+00 : f32
          %max3A_217 = vector.broadcast %max3A_216 : f32 to vector<16xf32>
          %max3A_218 = arith.maximumf %add3A_215, %max3A_217 : vector<16xf32>
          %mul3A_219 = arith.mulf %max3A_218, %get3A_190 : vector<16xf32>
          %swap3A_220 = arith.index_cast %scan3A_186 : i32 to index
          %swap3A_221 = arith.constant 16 : index
          %swap3A_222 = tpu.vector_load %arg12[%swap3A_220, %swap3A_221] {strides = array<i32>} : memref<64x128xf32, #tpu.memory_space<vmem>>, vector<1x16xf32>,
          %swap3A_223 = vector.shape_cast %swap3A_222 : vector<1x16xf32> to vector<16xf32>
          %swap3A_224 = vector.shape_cast %mul3A_219 : vector<16xf32> to vector<1x16xf32>
          tpu.vector_store %arg12[%swap3A_220, %swap3A_221], %swap3A_224 {strides = array<i32>} : memref<64x128xf32, #tpu.memory_space<vmem>>, vector<1x16xf32>,
          %get3A_225 = arith.index_cast %scan3A_186 : i32 to index
          %get3A_226 = arith.constant 32 : index
          %get3A_227 = tpu.vector_load %arg11[%get3A_225, %get3A_226] {strides = array<i32>} : memref<64x128xf32, #tpu.memory_space<vmem>>, vector<1x16xf32>,
          %get3A_228 = vector.shape_cast %get3A_227 : vector<1x16xf32> to vector<16xf32>
          %get3A_229 = arith.index_cast %scan3A_186 : i32 to index
          %get3A_230 = arith.constant 32 : index
          %get3A_231 = tpu.vector_load %arg12[%get3A_229, %get3A_230] {strides = array<i32>} : memref<64x128xf32, #tpu.memory_space<vmem>>, vector<1x16xf32>,
          %get3A_232 = vector.shape_cast %get3A_231 : vector<1x16xf32> to vector<16xf32>
          %add3A_233 = arith.addf %get3A_228, %get3A_232 : vector<16xf32>
          %max3A_234 = arith.constant 0.000000e+00 : f32
          %max3A_235 = vector.broadcast %max3A_234 : f32 to vector<16xf32>
          %max3A_236 = arith.maximumf %add3A_233, %max3A_235 : vector<16xf32>
          %mul3A_237 = arith.mulf %max3A_236, %get3A_190 : vector<16xf32>
          %swap3A_238 = arith.index_cast %scan3A_186 : i32 to index
          %swap3A_239 = arith.constant 32 : index
          %swap3A_240 = tpu.vector_load %arg12[%swap3A_238, %swap3A_239] {strides = array<i32>} : memref<64x128xf32, #tpu.memory_space<vmem>>, vector<1x16xf32>,
          %swap3A_241 = vector.shape_cast %swap3A_240 : vector<1x16xf32> to vector<16xf32>
          %swap3A_242 = vector.shape_cast %mul3A_237 : vector<16xf32> to vector<1x16xf32>
          tpu.vector_store %arg12[%swap3A_238, %swap3A_239], %swap3A_242 {strides = array<i32>} : memref<64x128xf32, #tpu.memory_space<vmem>>, vector<1x16xf32>,
          %get3A_243 = arith.index_cast %scan3A_186 : i32 to index
          %get3A_244 = arith.constant 48 : index
          %get3A_245 = tpu.vector_load %arg11[%get3A_243, %get3A_244] {strides = array<i32>} : memref<64x128xf32, #tpu.memory_space<vmem>>, vector<1x16xf32>,
          %get3A_246 = vector.shape_cast %get3A_245 : vector<1x16xf32> to vector<16xf32>
          %get3A_247 = arith.index_cast %scan3A_186 : i32 to index
          %get3A_248 = arith.constant 48 : index
          %get3A_249 = tpu.vector_load %arg12[%get3A_247, %get3A_248] {strides = array<i32>} : memref<64x128xf32, #tpu.memory_space<vmem>>, vector<1x16xf32>,
          %get3A_250 = vector.shape_cast %get3A_249 : vector<1x16xf32> to vector<16xf32>
          %add3A_251 = arith.addf %get3A_246, %get3A_250 : vector<16xf32>
          %max3A_252 = arith.constant 0.000000e+00 : f32
          %max3A_253 = vector.broadcast %max3A_252 : f32 to vector<16xf32>
          %max3A_254 = arith.maximumf %add3A_251, %max3A_253 : vector<16xf32>
          %mul3A_255 = arith.mulf %max3A_254, %get3A_190 : vector<16xf32>
          %swap3A_256 = arith.index_cast %scan3A_186 : i32 to index
          %swap3A_257 = arith.constant 48 : index
          %swap3A_258 = tpu.vector_load %arg12[%swap3A_256, %swap3A_257] {strides = array<i32>} : memref<64x128xf32, #tpu.memory_space<vmem>>, vector<1x16xf32>,
          %swap3A_259 = vector.shape_cast %swap3A_258 : vector<1x16xf32> to vector<16xf32>
          %swap3A_260 = vector.shape_cast %mul3A_255 : vector<16xf32> to vector<1x16xf32>
          tpu.vector_store %arg12[%swap3A_256, %swap3A_257], %swap3A_260 {strides = array<i32>} : memref<64x128xf32, #tpu.memory_space<vmem>>, vector<1x16xf32>,
          %get3A_261 = arith.index_cast %scan3A_186 : i32 to index
          %get3A_262 = arith.constant 64 : index
          %get3A_263 = tpu.vector_load %arg11[%get3A_261, %get3A_262] {strides = array<i32>} : memref<64x128xf32, #tpu.memory_space<vmem>>, vector<1x16xf32>,
          %get3A_264 = vector.shape_cast %get3A_263 : vector<1x16xf32> to vector<16xf32>
          %get3A_265 = arith.index_cast %scan3A_186 : i32 to index
          %get3A_266 = arith.constant 64 : index
          %get3A_267 = tpu.vector_load %arg12[%get3A_265, %get3A_266] {strides = array<i32>} : memref<64x128xf32, #tpu.memory_space<vmem>>, vector<1x16xf32>,
          %get3A_268 = vector.shape_cast %get3A_267 : vector<1x16xf32> to vector<16xf32>
          %add3A_269 = arith.addf %get3A_264, %get3A_268 : vector<16xf32>
          %max3A_270 = arith.constant 0.000000e+00 : f32
          %max3A_271 = vector.broadcast %max3A_270 : f32 to vector<16xf32>
          %max3A_272 = arith.maximumf %add3A_269, %max3A_271 : vector<16xf32>
          %mul3A_273 = arith.mulf %max3A_272, %get3A_190 : vector<16xf32>
          %swap3A_274 = arith.index_cast %scan3A_186 : i32 to index
          %swap3A_275 = arith.constant 64 : index
          %swap3A_276 = tpu.vector_load %arg12[%swap3A_274, %swap3A_275] {strides = array<i32>} : memref<64x128xf32, #tpu.memory_space<vmem>>, vector<1x16xf32>,
          %swap3A_277 = vector.shape_cast %swap3A_276 : vector<1x16xf32> to vector<16xf32>
          %swap3A_278 = vector.shape_cast %mul3A_273 : vector<16xf32> to vector<1x16xf32>
          tpu.vector_store %arg12[%swap3A_274, %swap3A_275], %swap3A_278 {strides = array<i32>} : memref<64x128xf32, #tpu.memory_space<vmem>>, vector<1x16xf32>,
          %get3A_279 = arith.index_cast %scan3A_186 : i32 to index
          %get3A_280 = arith.constant 80 : index
          %get3A_281 = tpu.vector_load %arg11[%get3A_279, %get3A_280] {strides = array<i32>} : memref<64x128xf32, #tpu.memory_space<vmem>>, vector<1x16xf32>,
          %get3A_282 = vector.shape_cast %get3A_281 : vector<1x16xf32> to vector<16xf32>
          %get3A_283 = arith.index_cast %scan3A_186 : i32 to index
          %get3A_284 = arith.constant 80 : index
          %get3A_285 = tpu.vector_load %arg12[%get3A_283, %get3A_284] {strides = array<i32>} : memref<64x128xf32, #tpu.memory_space<vmem>>, vector<1x16xf32>,
          %get3A_286 = vector.shape_cast %get3A_285 : vector<1x16xf32> to vector<16xf32>
          %add3A_287 = arith.addf %get3A_282, %get3A_286 : vector<16xf32>
          %max3A_288 = arith.constant 0.000000e+00 : f32
          %max3A_289 = vector.broadcast %max3A_288 : f32 to vector<16xf32>
          %max3A_290 = arith.maximumf %add3A_287, %max3A_289 : vector<16xf32>
          %mul3A_291 = arith.mulf %max3A_290, %get3A_190 : vector<16xf32>
          %swap3A_292 = arith.index_cast %scan3A_186 : i32 to index
          %swap3A_293 = arith.constant 80 : index
          %swap3A_294 = tpu.vector_load %arg12[%swap3A_292, %swap3A_293] {strides = array<i32>} : memref<64x128xf32, #tpu.memory_space<vmem>>, vector<1x16xf32>,
          %swap3A_295 = vector.shape_cast %swap3A_294 : vector<1x16xf32> to vector<16xf32>
          %swap3A_296 = vector.shape_cast %mul3A_291 : vector<16xf32> to vector<1x16xf32>
          tpu.vector_store %arg12[%swap3A_292, %swap3A_293], %swap3A_296 {strides = array<i32>} : memref<64x128xf32, #tpu.memory_space<vmem>>, vector<1x16xf32>,
          %get3A_297 = arith.index_cast %scan3A_186 : i32 to index
          %get3A_298 = arith.constant 96 : index
          %get3A_299 = tpu.vector_load %arg11[%get3A_297, %get3A_298] {strides = array<i32>} : memref<64x128xf32, #tpu.memory_space<vmem>>, vector<1x16xf32>,
          %get3A_300 = vector.shape_cast %get3A_299 : vector<1x16xf32> to vector<16xf32>
          %get3A_301 = arith.index_cast %scan3A_186 : i32 to index
          %get3A_302 = arith.constant 96 : index
          %get3A_303 = tpu.vector_load %arg12[%get3A_301, %get3A_302] {strides = array<i32>} : memref<64x128xf32, #tpu.memory_space<vmem>>, vector<1x16xf32>,
          %get3A_304 = vector.shape_cast %get3A_303 : vector<1x16xf32> to vector<16xf32>
          %add3A_305 = arith.addf %get3A_300, %get3A_304 : vector<16xf32>
          %max3A_306 = arith.constant 0.000000e+00 : f32
          %max3A_307 = vector.broadcast %max3A_306 : f32 to vector<16xf32>
          %max3A_308 = arith.maximumf %add3A_305, %max3A_307 : vector<16xf32>
          %mul3A_309 = arith.mulf %max3A_308, %get3A_190 : vector<16xf32>
          %swap3A_310 = arith.index_cast %scan3A_186 : i32 to index
          %swap3A_311 = arith.constant 96 : index
          %swap3A_312 = tpu.vector_load %arg12[%swap3A_310, %swap3A_311] {strides = array<i32>} : memref<64x128xf32, #tpu.memory_space<vmem>>, vector<1x16xf32>,
          %swap3A_313 = vector.shape_cast %swap3A_312 : vector<1x16xf32> to vector<16xf32>
          %swap3A_314 = vector.shape_cast %mul3A_309 : vector<16xf32> to vector<1x16xf32>
          tpu.vector_store %arg12[%swap3A_310, %swap3A_311], %swap3A_314 {strides = array<i32>} : memref<64x128xf32, #tpu.memory_space<vmem>>, vector<1x16xf32>,
          %get3A_315 = arith.index_cast %scan3A_186 : i32 to index
          %get3A_316 = arith.constant 112 : index
          %get3A_317 = tpu.vector_load %arg11[%get3A_315, %get3A_316] {strides = array<i32>} : memref<64x128xf32, #tpu.memory_space<vmem>>, vector<1x16xf32>,
          %get3A_318 = vector.shape_cast %get3A_317 : vector<1x16xf32> to vector<16xf32>
          %get3A_319 = arith.index_cast %scan3A_186 : i32 to index
          %get3A_320 = arith.constant 112 : index
          %get3A_321 = tpu.vector_load %arg12[%get3A_319, %get3A_320] {strides = array<i32>} : memref<64x128xf32, #tpu.memory_space<vmem>>, vector<1x16xf32>,
          %get3A_322 = vector.shape_cast %get3A_321 : vector<1x16xf32> to vector<16xf32>
          %add3A_323 = arith.addf %get3A_318, %get3A_322 : vector<16xf32>
          %max3A_324 = arith.constant 0.000000e+00 : f32
          %max3A_325 = vector.broadcast %max3A_324 : f32 to vector<16xf32>
          %max3A_326 = arith.maximumf %add3A_323, %max3A_325 : vector<16xf32>
          %mul3A_327 = arith.mulf %max3A_326, %get3A_190 : vector<16xf32>
          %swap3A_328 = arith.index_cast %scan3A_186 : i32 to index
          %swap3A_329 = arith.constant 112 : index
          %swap3A_330 = tpu.vector_load %arg12[%swap3A_328, %swap3A_329] {strides = array<i32>} : memref<64x128xf32, #tpu.memory_space<vmem>>, vector<1x16xf32>,
          %swap3A_331 = vector.shape_cast %swap3A_330 : vector<1x16xf32> to vector<16xf32>
          %swap3A_332 = vector.shape_cast %mul3A_327 : vector<16xf32> to vector<1x16xf32>
          tpu.vector_store %arg12[%swap3A_328, %swap3A_329], %swap3A_332 {strides = array<i32>} : memref<64x128xf32, #tpu.memory_space<vmem>>, vector<1x16xf32>,
          %scan3A_333 = arith.constant 0 : i32
          scf.yield %scan3A_333 : i32
        }
        %scan3A_172 = arith.constant 64 : i32
        %dma_wait3A_173 = arith.constant 0 : i32
        %dma_wait3A_174 = tpu.memref_slice %arg5[%dma_wait3A_173] : memref<320000xi32, #tpu.memory_space<hbm>> -> memref<64xi32, #tpu.memory_space<hbm>>
        %dma_wait3A_175 = arith.constant 0 : i32
        %dma_wait3A_176 = tpu.memref_slice %arg5[%dma_wait3A_175] : memref<320000xi32, #tpu.memory_space<hbm>> -> memref<64xi32, #tpu.memory_space<hbm>>
        tpu.wait_dma2 semaphore(%arg24 : memref<!tpu.dma_semaphore, #tpu.memory_space<semaphore_mem>>) src(%dma_wait3A_176 : memref<64xi32, #tpu.memory_space<hbm>>) dst(%arg9 : memref<64xi32, #tpu.memory_space<vmem>>)
        %dma_start3A_177 = arith.constant 0 : i32
        %dma_start3A_178 = arith.constant 0 : i32
        %dma_start3A_179 = tpu.memref_slice %arg19[%dma_start3A_177, %dma_start3A_178] : memref<10000x128xf32, #tpu.memory_space<vmem_shared>> -> memref<10000x128xf32, #tpu.memory_space<vmem_shared>>
        tpu.enqueue_indirect_dma source(%arg12 : memref<64x128xf32, #tpu.memory_space<vmem>>) target(%dma_start3A_179 : memref<10000x128xf32, #tpu.memory_space<vmem_shared>>) offsets(%arg9 : memref<64xi32, #tpu.memory_space<vmem>>) semaphore(%arg26 : memref<!tpu.dma_semaphore, #tpu.memory_space<semaphore_mem>>) {add = true}
        %add3A_180 = arith.constant 2 : i32
        %add3A_181 = arith.addi %add3A_132, %add3A_180 : i32
        %lt3A_182 = arith.cmpi slt, %add3A_181, %select_n3A : i32
        %convert_element_type3A_183 = arith.extui %lt3A_182 : i1 to i32
        %cond3A_184 = arith.constant 0 : i32
        %cond3A_185 = arith.cmpi ne, %convert_element_type3A_183, %cond3A_184 : i32
        scf.if %cond3A_185 {
          %add3A_186 = arith.constant 2 : i32
          %add3A_187 = arith.addi %add3A_132, %add3A_186 : i32
          %mul3A_188 = arith.constant 16 : i32
          %mul3A_189 = arith.muli %add3A_187, %mul3A_188 : i32
          %add3A_190 = arith.addi %arg1, %mul3A_189 : i32
          %mul3A_191 = arith.constant 64 : i32
          %mul3A_192 = arith.muli %add3A_190, %mul3A_191 : i32
          %add3A_193 = arith.addi %mul3A_38, %mul3A_192 : i32
          %dma_start3A_194 = tpu.memref_slice %arg4[%add3A_193] : memref<320000xi32, #tpu.memory_space<hbm>> -> memref<64xi32, #tpu.memory_space<hbm>>
          %dma_start3A_195 = tpu.memref_slice %arg4[%add3A_193] : memref<320000xi32, #tpu.memory_space<hbm>> -> memref<64xi32, #tpu.memory_space<hbm>>
          tpu.enqueue_dma source(%dma_start3A_195 : memref<64xi32, #tpu.memory_space<hbm>>) target(%arg8 : memref<64xi32, #tpu.memory_space<vmem>>) target_semaphore(%arg20 : memref<!tpu.dma_semaphore, #tpu.memory_space<semaphore_mem>>)
        } else {
        }
      } else {
      }
      %mul3A_136 = arith.constant 2 : i32
      %mul3A_137 = arith.muli %while3A_127, %mul3A_136 : i32
      %add3A_138 = arith.constant 1 : i32
      %add3A_139 = arith.addi %mul3A_137, %add3A_138 : i32
      %lt3A_140 = arith.cmpi slt, %add3A_139, %select_n3A : i32
      %convert_element_type3A_141 = arith.extui %lt3A_140 : i1 to i32
      %cond3A_142 = arith.constant 0 : i32
      %cond3A_143 = arith.cmpi ne, %convert_element_type3A_141, %cond3A_142 : i32
      scf.if %cond3A_143 {
        %dma_wait3A_145 = arith.constant 0 : i32
        %dma_wait3A_146 = arith.constant 0 : i32
        %dma_wait3A_147 = tpu.memref_slice %arg2[%dma_wait3A_145, %dma_wait3A_146] : memref<10000x128xf32, #tpu.memory_space<hbm>> -> memref<10000x128xf32, #tpu.memory_space<hbm>>
        tpu.wait_indirect_dma semaphore(%arg23 : memref<!tpu.dma_semaphore, #tpu.memory_space<semaphore_mem>>) src(%dma_wait3A_147 : memref<10000x128xf32, #tpu.memory_space<hbm>>) dst(%arg16 : memref<64x128xf32, #tpu.memory_space<vmem>>)
        %add3A_148 = arith.constant 1 : i32
        %add3A_149 = arith.addi %add3A_139, %add3A_148 : i32
        %lt3A_150 = arith.cmpi slt, %add3A_149, %select_n3A : i32
        %convert_element_type3A_151 = arith.extui %lt3A_150 : i1 to i32
        %cond3A_152 = arith.constant 0 : i32
        %cond3A_153 = arith.cmpi ne, %convert_element_type3A_151, %cond3A_152 : i32
        scf.if %cond3A_153 {
          %dma_wait3A_186 = arith.constant 0 : i32
          %dma_wait3A_187 = tpu.memref_slice %arg4[%dma_wait3A_186] : memref<320000xi32, #tpu.memory_space<hbm>> -> memref<64xi32, #tpu.memory_space<hbm>>
          %dma_wait3A_188 = arith.constant 0 : i32
          %dma_wait3A_189 = tpu.memref_slice %arg4[%dma_wait3A_188] : memref<320000xi32, #tpu.memory_space<hbm>> -> memref<64xi32, #tpu.memory_space<hbm>>
          tpu.wait_dma2 semaphore(%arg20 : memref<!tpu.dma_semaphore, #tpu.memory_space<semaphore_mem>>) src(%dma_wait3A_189 : memref<64xi32, #tpu.memory_space<hbm>>) dst(%arg8 : memref<64xi32, #tpu.memory_space<vmem>>)
          %dma_start3A_190 = arith.constant 0 : i32
          %dma_start3A_191 = arith.constant 0 : i32
          %dma_start3A_192 = tpu.memref_slice %arg2[%dma_start3A_190, %dma_start3A_191] : memref<10000x128xf32, #tpu.memory_space<hbm>> -> memref<10000x128xf32, #tpu.memory_space<hbm>>
          tpu.enqueue_indirect_dma source(%dma_start3A_192 : memref<10000x128xf32, #tpu.memory_space<hbm>>) target(%arg11 : memref<64x128xf32, #tpu.memory_space<vmem>>) offsets(%arg8 : memref<64xi32, #tpu.memory_space<vmem>>) semaphore(%arg22 : memref<!tpu.dma_semaphore, #tpu.memory_space<semaphore_mem>>)
          %ge3A = arith.constant 1 : i32
          %ge3A_193 = arith.cmpi sge, %add3A_139, %ge3A : i32
          %convert_element_type3A_194 = arith.extui %ge3A_193 : i1 to i32
          %cond3A_195 = arith.constant 0 : i32
          %cond3A_196 = arith.cmpi ne, %convert_element_type3A_194, %cond3A_195 : i32
          scf.if %cond3A_196 {
            %dma_wait3A_223 = arith.constant 0 : i32
            %dma_wait3A_224 = arith.constant 0 : i32
            %dma_wait3A_225 = tpu.memref_slice %arg19[%dma_wait3A_223, %dma_wait3A_224] : memref<10000x128xf32, #tpu.memory_space<vmem_shared>> -> memref<10000x128xf32, #tpu.memory_space<vmem_shared>>
            tpu.wait_indirect_dma semaphore(%arg26 : memref<!tpu.dma_semaphore, #tpu.memory_space<semaphore_mem>>) src(%arg12 : memref<64x128xf32, #tpu.memory_space<vmem>>) dst(%dma_wait3A_225 : memref<10000x128xf32, #tpu.memory_space<vmem_shared>>)
          } else {
          }
          %add3A_197 = arith.constant 1 : i32
          %add3A_198 = arith.addi %add3A_139, %add3A_197 : i32
          %mul3A_199 = arith.constant 16 : i32
          %mul3A_200 = arith.muli %add3A_198, %mul3A_199 : i32
          %add3A_201 = arith.addi %arg1, %mul3A_200 : i32
          %mul3A_202 = arith.constant 64 : i32
          %mul3A_203 = arith.muli %add3A_201, %mul3A_202 : i32
          %add3A_204 = arith.addi %mul3A_38, %mul3A_203 : i32
          %dma_start3A_205 = tpu.memref_slice %arg5[%add3A_204] : memref<320000xi32, #tpu.memory_space<hbm>> -> memref<64xi32, #tpu.memory_space<hbm>>
          %dma_start3A_206 = tpu.memref_slice %arg5[%add3A_204] : memref<320000xi32, #tpu.memory_space<hbm>> -> memref<64xi32, #tpu.memory_space<hbm>>
          tpu.enqueue_dma source(%dma_start3A_206 : memref<64xi32, #tpu.memory_space<hbm>>) target(%arg9 : memref<64xi32, #tpu.memory_space<vmem>>) target_semaphore(%arg24 : memref<!tpu.dma_semaphore, #tpu.memory_space<semaphore_mem>>)
          %add3A_207 = arith.constant 1 : i32
          %add3A_208 = arith.addi %add3A_139, %add3A_207 : i32
          %mul3A_209 = arith.constant 16 : i32
          %mul3A_210 = arith.muli %add3A_208, %mul3A_209 : i32
          %add3A_211 = arith.addi %arg1, %mul3A_210 : i32
          %mul3A_212 = arith.constant 64 : i32
          %mul3A_213 = arith.muli %add3A_211, %mul3A_212 : i32
          %add3A_214 = arith.addi %mul3A_38, %mul3A_213 : i32
          %dma_start3A_215 = arith.constant 0 : i32
          %dma_start3A_216 = tpu.memref_slice %arg6[%add3A_214, %dma_start3A_215] : memref<320000x16xf32, #tpu.memory_space<hbm>> -> memref<64x16xf32, #tpu.memory_space<hbm>>
          %dma_start3A_217 = arith.constant 0 : i32
          %dma_start3A_218 = tpu.memref_slice %arg6[%add3A_214, %dma_start3A_217] : memref<320000x16xf32, #tpu.memory_space<hbm>> -> memref<64x16xf32, #tpu.memory_space<hbm>>
          tpu.enqueue_dma source(%dma_start3A_218 : memref<64x16xf32, #tpu.memory_space<hbm>>) target(%arg10 : memref<64x16xf32, #tpu.memory_space<vmem>>) target_semaphore(%arg28 : memref<!tpu.dma_semaphore, #tpu.memory_space<semaphore_mem>>)
          %dma_start3A_219 = arith.constant 0 : i32
          %dma_start3A_220 = tpu.memref_slice %arg3[%add3A_214, %dma_start3A_219] : memref<320000x128xf32, #tpu.memory_space<hbm>> -> memref<64x128xf32, #tpu.memory_space<hbm>>
          %dma_start3A_221 = arith.constant 0 : i32
          %dma_start3A_222 = tpu.memref_slice %arg3[%add3A_214, %dma_start3A_221] : memref<320000x128xf32, #tpu.memory_space<hbm>> -> memref<64x128xf32, #tpu.memory_space<hbm>>
          tpu.enqueue_dma source(%dma_start3A_222 : memref<64x128xf32, #tpu.memory_space<hbm>>) target(%arg12 : memref<64x128xf32, #tpu.memory_space<vmem>>) target_semaphore(%arg28 : memref<!tpu.dma_semaphore, #tpu.memory_space<semaphore_mem>>)
        } else {
        }
        %dma_wait3A_154 = arith.constant 0 : i32
        %dma_wait3A_155 = arith.constant 0 : i32
        %dma_wait3A_156 = tpu.memref_slice %arg6[%dma_wait3A_154, %dma_wait3A_155] : memref<320000x16xf32, #tpu.memory_space<hbm>> -> memref<64x16xf32, #tpu.memory_space<hbm>>
        %dma_wait3A_157 = arith.constant 0 : i32
        %dma_wait3A_158 = arith.constant 0 : i32
        %dma_wait3A_159 = tpu.memref_slice %arg6[%dma_wait3A_157, %dma_wait3A_158] : memref<320000x16xf32, #tpu.memory_space<hbm>> -> memref<64x16xf32, #tpu.memory_space<hbm>>
        tpu.wait_dma2 semaphore(%arg29 : memref<!tpu.dma_semaphore, #tpu.memory_space<semaphore_mem>>) src(%dma_wait3A_159 : memref<64x16xf32, #tpu.memory_space<hbm>>) dst(%arg15 : memref<64x16xf32, #tpu.memory_space<vmem>>)
        %dma_wait3A_160 = arith.constant 0 : i32
        %dma_wait3A_161 = arith.constant 0 : i32
        %dma_wait3A_162 = tpu.memref_slice %arg3[%dma_wait3A_160, %dma_wait3A_161] : memref<320000x128xf32, #tpu.memory_space<hbm>> -> memref<64x128xf32, #tpu.memory_space<hbm>>
        %dma_wait3A_163 = arith.constant 0 : i32
        %dma_wait3A_164 = arith.constant 0 : i32
        %dma_wait3A_165 = tpu.memref_slice %arg3[%dma_wait3A_163, %dma_wait3A_164] : memref<320000x128xf32, #tpu.memory_space<hbm>> -> memref<64x128xf32, #tpu.memory_space<hbm>>
        tpu.wait_dma2 semaphore(%arg29 : memref<!tpu.dma_semaphore, #tpu.memory_space<semaphore_mem>>) src(%dma_wait3A_165 : memref<64x128xf32, #tpu.memory_space<hbm>>) dst(%arg17 : memref<64x128xf32, #tpu.memory_space<vmem>>)
        %scan3A_166 = arith.constant 0 : i32
        %scan3A_167 = arith.constant 0 : i32
        %scan3A_168 = arith.constant 64 : i32
        %scan3A_169 = arith.addi %scan3A_167, %scan3A_168 : i32
        %scan3A_170 = arith.constant 1 : i32
        %scan3A_171 = scf.for %scan3A_186 = %scan3A_167 to %scan3A_169 step %scan3A_170 iter_args(%scan3A_187 = %scan3A_166) -> (i32)  : i32 {
          %get3A = arith.index_cast %scan3A_186 : i32 to index
          %get3A_188 = arith.constant 0 : index
          %get3A_189 = tpu.vector_load %arg15[%get3A, %get3A_188] {strides = array<i32>} : memref<64x16xf32, #tpu.memory_space<vmem>>, vector<1x16xf32>,
          %get3A_190 = vector.shape_cast %get3A_189 : vector<1x16xf32> to vector<16xf32>
          %get3A_191 = arith.index_cast %scan3A_186 : i32 to index
          %get3A_192 = arith.constant 0 : index
          %get3A_193 = tpu.vector_load %arg16[%get3A_191, %get3A_192] {strides = array<i32>} : memref<64x128xf32, #tpu.memory_space<vmem>>, vector<1x16xf32>,
          %get3A_194 = vector.shape_cast %get3A_193 : vector<1x16xf32> to vector<16xf32>
          %get3A_195 = arith.index_cast %scan3A_186 : i32 to index
          %get3A_196 = arith.constant 0 : index
          %get3A_197 = tpu.vector_load %arg17[%get3A_195, %get3A_196] {strides = array<i32>} : memref<64x128xf32, #tpu.memory_space<vmem>>, vector<1x16xf32>,
          %get3A_198 = vector.shape_cast %get3A_197 : vector<1x16xf32> to vector<16xf32>
          %add3A_199 = arith.addf %get3A_194, %get3A_198 : vector<16xf32>
          %max3A = arith.constant 0.000000e+00 : f32
          %max3A_200 = vector.broadcast %max3A : f32 to vector<16xf32>
          %max3A_201 = arith.maximumf %add3A_199, %max3A_200 : vector<16xf32>
          %mul3A_202 = arith.mulf %max3A_201, %get3A_190 : vector<16xf32>
          %swap3A = arith.index_cast %scan3A_186 : i32 to index
          %swap3A_203 = arith.constant 0 : index
          %swap3A_204 = tpu.vector_load %arg17[%swap3A, %swap3A_203] {strides = array<i32>} : memref<64x128xf32, #tpu.memory_space<vmem>>, vector<1x16xf32>,
          %swap3A_205 = vector.shape_cast %swap3A_204 : vector<1x16xf32> to vector<16xf32>
          %swap3A_206 = vector.shape_cast %mul3A_202 : vector<16xf32> to vector<1x16xf32>
          tpu.vector_store %arg17[%swap3A, %swap3A_203], %swap3A_206 {strides = array<i32>} : memref<64x128xf32, #tpu.memory_space<vmem>>, vector<1x16xf32>,
          %get3A_207 = arith.index_cast %scan3A_186 : i32 to index
          %get3A_208 = arith.constant 16 : index
          %get3A_209 = tpu.vector_load %arg16[%get3A_207, %get3A_208] {strides = array<i32>} : memref<64x128xf32, #tpu.memory_space<vmem>>, vector<1x16xf32>,
          %get3A_210 = vector.shape_cast %get3A_209 : vector<1x16xf32> to vector<16xf32>
          %get3A_211 = arith.index_cast %scan3A_186 : i32 to index
          %get3A_212 = arith.constant 16 : index
          %get3A_213 = tpu.vector_load %arg17[%get3A_211, %get3A_212] {strides = array<i32>} : memref<64x128xf32, #tpu.memory_space<vmem>>, vector<1x16xf32>,
          %get3A_214 = vector.shape_cast %get3A_213 : vector<1x16xf32> to vector<16xf32>
          %add3A_215 = arith.addf %get3A_210, %get3A_214 : vector<16xf32>
          %max3A_216 = arith.constant 0.000000e+00 : f32
          %max3A_217 = vector.broadcast %max3A_216 : f32 to vector<16xf32>
          %max3A_218 = arith.maximumf %add3A_215, %max3A_217 : vector<16xf32>
          %mul3A_219 = arith.mulf %max3A_218, %get3A_190 : vector<16xf32>
          %swap3A_220 = arith.index_cast %scan3A_186 : i32 to index
          %swap3A_221 = arith.constant 16 : index
          %swap3A_222 = tpu.vector_load %arg17[%swap3A_220, %swap3A_221] {strides = array<i32>} : memref<64x128xf32, #tpu.memory_space<vmem>>, vector<1x16xf32>,
          %swap3A_223 = vector.shape_cast %swap3A_222 : vector<1x16xf32> to vector<16xf32>
          %swap3A_224 = vector.shape_cast %mul3A_219 : vector<16xf32> to vector<1x16xf32>
          tpu.vector_store %arg17[%swap3A_220, %swap3A_221], %swap3A_224 {strides = array<i32>} : memref<64x128xf32, #tpu.memory_space<vmem>>, vector<1x16xf32>,
          %get3A_225 = arith.index_cast %scan3A_186 : i32 to index
          %get3A_226 = arith.constant 32 : index
          %get3A_227 = tpu.vector_load %arg16[%get3A_225, %get3A_226] {strides = array<i32>} : memref<64x128xf32, #tpu.memory_space<vmem>>, vector<1x16xf32>,
          %get3A_228 = vector.shape_cast %get3A_227 : vector<1x16xf32> to vector<16xf32>
          %get3A_229 = arith.index_cast %scan3A_186 : i32 to index
          %get3A_230 = arith.constant 32 : index
          %get3A_231 = tpu.vector_load %arg17[%get3A_229, %get3A_230] {strides = array<i32>} : memref<64x128xf32, #tpu.memory_space<vmem>>, vector<1x16xf32>,
          %get3A_232 = vector.shape_cast %get3A_231 : vector<1x16xf32> to vector<16xf32>
          %add3A_233 = arith.addf %get3A_228, %get3A_232 : vector<16xf32>
          %max3A_234 = arith.constant 0.000000e+00 : f32
          %max3A_235 = vector.broadcast %max3A_234 : f32 to vector<16xf32>
          %max3A_236 = arith.maximumf %add3A_233, %max3A_235 : vector<16xf32>
          %mul3A_237 = arith.mulf %max3A_236, %get3A_190 : vector<16xf32>
          %swap3A_238 = arith.index_cast %scan3A_186 : i32 to index
          %swap3A_239 = arith.constant 32 : index
          %swap3A_240 = tpu.vector_load %arg17[%swap3A_238, %swap3A_239] {strides = array<i32>} : memref<64x128xf32, #tpu.memory_space<vmem>>, vector<1x16xf32>,
          %swap3A_241 = vector.shape_cast %swap3A_240 : vector<1x16xf32> to vector<16xf32>
          %swap3A_242 = vector.shape_cast %mul3A_237 : vector<16xf32> to vector<1x16xf32>
          tpu.vector_store %arg17[%swap3A_238, %swap3A_239], %swap3A_242 {strides = array<i32>} : memref<64x128xf32, #tpu.memory_space<vmem>>, vector<1x16xf32>,
          %get3A_243 = arith.index_cast %scan3A_186 : i32 to index
          %get3A_244 = arith.constant 48 : index
          %get3A_245 = tpu.vector_load %arg16[%get3A_243, %get3A_244] {strides = array<i32>} : memref<64x128xf32, #tpu.memory_space<vmem>>, vector<1x16xf32>,
          %get3A_246 = vector.shape_cast %get3A_245 : vector<1x16xf32> to vector<16xf32>
          %get3A_247 = arith.index_cast %scan3A_186 : i32 to index
          %get3A_248 = arith.constant 48 : index
          %get3A_249 = tpu.vector_load %arg17[%get3A_247, %get3A_248] {strides = array<i32>} : memref<64x128xf32, #tpu.memory_space<vmem>>, vector<1x16xf32>,
          %get3A_250 = vector.shape_cast %get3A_249 : vector<1x16xf32> to vector<16xf32>
          %add3A_251 = arith.addf %get3A_246, %get3A_250 : vector<16xf32>
          %max3A_252 = arith.constant 0.000000e+00 : f32
          %max3A_253 = vector.broadcast %max3A_252 : f32 to vector<16xf32>
          %max3A_254 = arith.maximumf %add3A_251, %max3A_253 : vector<16xf32>
          %mul3A_255 = arith.mulf %max3A_254, %get3A_190 : vector<16xf32>
          %swap3A_256 = arith.index_cast %scan3A_186 : i32 to index
          %swap3A_257 = arith.constant 48 : index
          %swap3A_258 = tpu.vector_load %arg17[%swap3A_256, %swap3A_257] {strides = array<i32>} : memref<64x128xf32, #tpu.memory_space<vmem>>, vector<1x16xf32>,
          %swap3A_259 = vector.shape_cast %swap3A_258 : vector<1x16xf32> to vector<16xf32>
          %swap3A_260 = vector.shape_cast %mul3A_255 : vector<16xf32> to vector<1x16xf32>
          tpu.vector_store %arg17[%swap3A_256, %swap3A_257], %swap3A_260 {strides = array<i32>} : memref<64x128xf32, #tpu.memory_space<vmem>>, vector<1x16xf32>,
          %get3A_261 = arith.index_cast %scan3A_186 : i32 to index
          %get3A_262 = arith.constant 64 : index
          %get3A_263 = tpu.vector_load %arg16[%get3A_261, %get3A_262] {strides = array<i32>} : memref<64x128xf32, #tpu.memory_space<vmem>>, vector<1x16xf32>,
          %get3A_264 = vector.shape_cast %get3A_263 : vector<1x16xf32> to vector<16xf32>
          %get3A_265 = arith.index_cast %scan3A_186 : i32 to index
          %get3A_266 = arith.constant 64 : index
          %get3A_267 = tpu.vector_load %arg17[%get3A_265, %get3A_266] {strides = array<i32>} : memref<64x128xf32, #tpu.memory_space<vmem>>, vector<1x16xf32>,
          %get3A_268 = vector.shape_cast %get3A_267 : vector<1x16xf32> to vector<16xf32>
          %add3A_269 = arith.addf %get3A_264, %get3A_268 : vector<16xf32>
          %max3A_270 = arith.constant 0.000000e+00 : f32
          %max3A_271 = vector.broadcast %max3A_270 : f32 to vector<16xf32>
          %max3A_272 = arith.maximumf %add3A_269, %max3A_271 : vector<16xf32>
          %mul3A_273 = arith.mulf %max3A_272, %get3A_190 : vector<16xf32>
          %swap3A_274 = arith.index_cast %scan3A_186 : i32 to index
          %swap3A_275 = arith.constant 64 : index
          %swap3A_276 = tpu.vector_load %arg17[%swap3A_274, %swap3A_275] {strides = array<i32>} : memref<64x128xf32, #tpu.memory_space<vmem>>, vector<1x16xf32>,
          %swap3A_277 = vector.shape_cast %swap3A_276 : vector<1x16xf32> to vector<16xf32>
          %swap3A_278 = vector.shape_cast %mul3A_273 : vector<16xf32> to vector<1x16xf32>
          tpu.vector_store %arg17[%swap3A_274, %swap3A_275], %swap3A_278 {strides = array<i32>} : memref<64x128xf32, #tpu.memory_space<vmem>>, vector<1x16xf32>,
          %get3A_279 = arith.index_cast %scan3A_186 : i32 to index
          %get3A_280 = arith.constant 80 : index
          %get3A_281 = tpu.vector_load %arg16[%get3A_279, %get3A_280] {strides = array<i32>} : memref<64x128xf32, #tpu.memory_space<vmem>>, vector<1x16xf32>,
          %get3A_282 = vector.shape_cast %get3A_281 : vector<1x16xf32> to vector<16xf32>
          %get3A_283 = arith.index_cast %scan3A_186 : i32 to index
          %get3A_284 = arith.constant 80 : index
          %get3A_285 = tpu.vector_load %arg17[%get3A_283, %get3A_284] {strides = array<i32>} : memref<64x128xf32, #tpu.memory_space<vmem>>, vector<1x16xf32>,
          %get3A_286 = vector.shape_cast %get3A_285 : vector<1x16xf32> to vector<16xf32>
          %add3A_287 = arith.addf %get3A_282, %get3A_286 : vector<16xf32>
          %max3A_288 = arith.constant 0.000000e+00 : f32
          %max3A_289 = vector.broadcast %max3A_288 : f32 to vector<16xf32>
          %max3A_290 = arith.maximumf %add3A_287, %max3A_289 : vector<16xf32>
          %mul3A_291 = arith.mulf %max3A_290, %get3A_190 : vector<16xf32>
          %swap3A_292 = arith.index_cast %scan3A_186 : i32 to index
          %swap3A_293 = arith.constant 80 : index
          %swap3A_294 = tpu.vector_load %arg17[%swap3A_292, %swap3A_293] {strides = array<i32>} : memref<64x128xf32, #tpu.memory_space<vmem>>, vector<1x16xf32>,
          %swap3A_295 = vector.shape_cast %swap3A_294 : vector<1x16xf32> to vector<16xf32>
          %swap3A_296 = vector.shape_cast %mul3A_291 : vector<16xf32> to vector<1x16xf32>
          tpu.vector_store %arg17[%swap3A_292, %swap3A_293], %swap3A_296 {strides = array<i32>} : memref<64x128xf32, #tpu.memory_space<vmem>>, vector<1x16xf32>,
          %get3A_297 = arith.index_cast %scan3A_186 : i32 to index
          %get3A_298 = arith.constant 96 : index
          %get3A_299 = tpu.vector_load %arg16[%get3A_297, %get3A_298] {strides = array<i32>} : memref<64x128xf32, #tpu.memory_space<vmem>>, vector<1x16xf32>,
          %get3A_300 = vector.shape_cast %get3A_299 : vector<1x16xf32> to vector<16xf32>
          %get3A_301 = arith.index_cast %scan3A_186 : i32 to index
          %get3A_302 = arith.constant 96 : index
          %get3A_303 = tpu.vector_load %arg17[%get3A_301, %get3A_302] {strides = array<i32>} : memref<64x128xf32, #tpu.memory_space<vmem>>, vector<1x16xf32>,
          %get3A_304 = vector.shape_cast %get3A_303 : vector<1x16xf32> to vector<16xf32>
          %add3A_305 = arith.addf %get3A_300, %get3A_304 : vector<16xf32>
          %max3A_306 = arith.constant 0.000000e+00 : f32
          %max3A_307 = vector.broadcast %max3A_306 : f32 to vector<16xf32>
          %max3A_308 = arith.maximumf %add3A_305, %max3A_307 : vector<16xf32>
          %mul3A_309 = arith.mulf %max3A_308, %get3A_190 : vector<16xf32>
          %swap3A_310 = arith.index_cast %scan3A_186 : i32 to index
          %swap3A_311 = arith.constant 96 : index
          %swap3A_312 = tpu.vector_load %arg17[%swap3A_310, %swap3A_311] {strides = array<i32>} : memref<64x128xf32, #tpu.memory_space<vmem>>, vector<1x16xf32>,
          %swap3A_313 = vector.shape_cast %swap3A_312 : vector<1x16xf32> to vector<16xf32>
          %swap3A_314 = vector.shape_cast %mul3A_309 : vector<16xf32> to vector<1x16xf32>
          tpu.vector_store %arg17[%swap3A_310, %swap3A_311], %swap3A_314 {strides = array<i32>} : memref<64x128xf32, #tpu.memory_space<vmem>>, vector<1x16xf32>,
          %get3A_315 = arith.index_cast %scan3A_186 : i32 to index
          %get3A_316 = arith.constant 112 : index
          %get3A_317 = tpu.vector_load %arg16[%get3A_315, %get3A_316] {strides = array<i32>} : memref<64x128xf32, #tpu.memory_space<vmem>>, vector<1x16xf32>,
          %get3A_318 = vector.shape_cast %get3A_317 : vector<1x16xf32> to vector<16xf32>
          %get3A_319 = arith.index_cast %scan3A_186 : i32 to index
          %get3A_320 = arith.constant 112 : index
          %get3A_321 = tpu.vector_load %arg17[%get3A_319, %get3A_320] {strides = array<i32>} : memref<64x128xf32, #tpu.memory_space<vmem>>, vector<1x16xf32>,
          %get3A_322 = vector.shape_cast %get3A_321 : vector<1x16xf32> to vector<16xf32>
          %add3A_323 = arith.addf %get3A_318, %get3A_322 : vector<16xf32>
          %max3A_324 = arith.constant 0.000000e+00 : f32
          %max3A_325 = vector.broadcast %max3A_324 : f32 to vector<16xf32>
          %max3A_326 = arith.maximumf %add3A_323, %max3A_325 : vector<16xf32>
          %mul3A_327 = arith.mulf %max3A_326, %get3A_190 : vector<16xf32>
          %swap3A_328 = arith.index_cast %scan3A_186 : i32 to index
          %swap3A_329 = arith.constant 112 : index
          %swap3A_330 = tpu.vector_load %arg17[%swap3A_328, %swap3A_329] {strides = array<i32>} : memref<64x128xf32, #tpu.memory_space<vmem>>, vector<1x16xf32>,
          %swap3A_331 = vector.shape_cast %swap3A_330 : vector<1x16xf32> to vector<16xf32>
          %swap3A_332 = vector.shape_cast %mul3A_327 : vector<16xf32> to vector<1x16xf32>
          tpu.vector_store %arg17[%swap3A_328, %swap3A_329], %swap3A_332 {strides = array<i32>} : memref<64x128xf32, #tpu.memory_space<vmem>>, vector<1x16xf32>,
          %scan3A_333 = arith.constant 0 : i32
          scf.yield %scan3A_333 : i32
        }
        %scan3A_172 = arith.constant 64 : i32
        %dma_wait3A_173 = arith.constant 0 : i32
        %dma_wait3A_174 = tpu.memref_slice %arg5[%dma_wait3A_173] : memref<320000xi32, #tpu.memory_space<hbm>> -> memref<64xi32, #tpu.memory_space<hbm>>
        %dma_wait3A_175 = arith.constant 0 : i32
        %dma_wait3A_176 = tpu.memref_slice %arg5[%dma_wait3A_175] : memref<320000xi32, #tpu.memory_space<hbm>> -> memref<64xi32, #tpu.memory_space<hbm>>
        tpu.wait_dma2 semaphore(%arg25 : memref<!tpu.dma_semaphore, #tpu.memory_space<semaphore_mem>>) src(%dma_wait3A_176 : memref<64xi32, #tpu.memory_space<hbm>>) dst(%arg14 : memref<64xi32, #tpu.memory_space<vmem>>)
        %dma_start3A_177 = arith.constant 0 : i32
        %dma_start3A_178 = arith.constant 0 : i32
        %dma_start3A_179 = tpu.memref_slice %arg19[%dma_start3A_177, %dma_start3A_178] : memref<10000x128xf32, #tpu.memory_space<vmem_shared>> -> memref<10000x128xf32, #tpu.memory_space<vmem_shared>>
        tpu.enqueue_indirect_dma source(%arg17 : memref<64x128xf32, #tpu.memory_space<vmem>>) target(%dma_start3A_179 : memref<10000x128xf32, #tpu.memory_space<vmem_shared>>) offsets(%arg14 : memref<64xi32, #tpu.memory_space<vmem>>) semaphore(%arg27 : memref<!tpu.dma_semaphore, #tpu.memory_space<semaphore_mem>>) {add = true}
        %add3A_180 = arith.constant 2 : i32
        %add3A_181 = arith.addi %add3A_139, %add3A_180 : i32
        %lt3A_182 = arith.cmpi slt, %add3A_181, %select_n3A : i32
        %convert_element_type3A_183 = arith.extui %lt3A_182 : i1 to i32
        %cond3A_184 = arith.constant 0 : i32
        %cond3A_185 = arith.cmpi ne, %convert_element_type3A_183, %cond3A_184 : i32
        scf.if %cond3A_185 {
          %add3A_186 = arith.constant 2 : i32
          %add3A_187 = arith.addi %add3A_139, %add3A_186 : i32
          %mul3A_188 = arith.constant 16 : i32
          %mul3A_189 = arith.muli %add3A_187, %mul3A_188 : i32
          %add3A_190 = arith.addi %arg1, %mul3A_189 : i32
          %mul3A_191 = arith.constant 64 : i32
          %mul3A_192 = arith.muli %add3A_190, %mul3A_191 : i32
          %add3A_193 = arith.addi %mul3A_38, %mul3A_192 : i32
          %dma_start3A_194 = tpu.memref_slice %arg4[%add3A_193] : memref<320000xi32, #tpu.memory_space<hbm>> -> memref<64xi32, #tpu.memory_space<hbm>>
          %dma_start3A_195 = tpu.memref_slice %arg4[%add3A_193] : memref<320000xi32, #tpu.memory_space<hbm>> -> memref<64xi32, #tpu.memory_space<hbm>>
          tpu.enqueue_dma source(%dma_start3A_195 : memref<64xi32, #tpu.memory_space<hbm>>) target(%arg13 : memref<64xi32, #tpu.memory_space<vmem>>) target_semaphore(%arg21 : memref<!tpu.dma_semaphore, #tpu.memory_space<semaphore_mem>>)
        } else {
        }
      } else {
      }
      %while3A_144 = arith.constant 0 : i32
      scf.yield %while3A_144 : i32
    }
    %dma_wait3A_115 = arith.constant 0 : i32
    %dma_wait3A_116 = arith.constant 0 : i32
    %dma_wait3A_117 = tpu.memref_slice %arg19[%dma_wait3A_115, %dma_wait3A_116] : memref<10000x128xf32, #tpu.memory_space<vmem_shared>> -> memref<10000x128xf32, #tpu.memory_space<vmem_shared>>
    tpu.wait_indirect_dma semaphore(%arg26 : memref<!tpu.dma_semaphore, #tpu.memory_space<semaphore_mem>>) src(%arg12 : memref<64x128xf32, #tpu.memory_space<vmem>>) dst(%dma_wait3A_117 : memref<10000x128xf32, #tpu.memory_space<vmem_shared>>)
    %dma_wait3A_118 = arith.constant 0 : i32
    %dma_wait3A_119 = arith.constant 0 : i32
    %dma_wait3A_120 = tpu.memref_slice %arg19[%dma_wait3A_118, %dma_wait3A_119] : memref<10000x128xf32, #tpu.memory_space<vmem_shared>> -> memref<10000x128xf32, #tpu.memory_space<vmem_shared>>
    tpu.wait_indirect_dma semaphore(%arg27 : memref<!tpu.dma_semaphore, #tpu.memory_space<semaphore_mem>>) src(%arg17 : memref<64x128xf32, #tpu.memory_space<vmem>>) dst(%dma_wait3A_120 : memref<10000x128xf32, #tpu.memory_space<vmem_shared>>)
    %barrier3A_121 = arith.constant 0 : index
    tpu.barrier barrier_id(%barrier3A_121)
    "tpu.region"() ({
      %run_scoped3A = tpu.sem_alloc : memref<!tpu.dma_semaphore, #tpu.memory_space<semaphore_mem>>
      %dma_start3A_127 = arith.constant 0 : i32
      %dma_start3A_128 = tpu.memref_slice %arg7[%arg0, %mul3A_6, %dma_start3A_127] : memref<2x10000x128xf32, #tpu.memory_space<hbm>> -> memref<1x624x128xf32, #tpu.memory_space<hbm>>
      %dma_start3A_129 = tpu.memref_squeeze %dma_start3A_128 : memref<1x624x128xf32, #tpu.memory_space<hbm>> -> memref<624x128xf32, #tpu.memory_space<hbm>>
      %dma_start3A_130 = arith.constant 0 : i32
      %dma_start3A_131 = tpu.memref_slice %arg19[%mul3A_6, %dma_start3A_130] : memref<10000x128xf32, #tpu.memory_space<vmem_shared>> -> memref<624x128xf32, #tpu.memory_space<vmem_shared>>
      tpu.enqueue_dma source(%dma_start3A_131 : memref<624x128xf32, #tpu.memory_space<vmem_shared>>) target(%dma_start3A_129 : memref<624x128xf32, #tpu.memory_space<hbm>>) target_semaphore(%run_scoped3A : memref<!tpu.dma_semaphore, #tpu.memory_space<semaphore_mem>>)
      %dma_wait3A_132 = arith.constant 0 : i32
      %dma_wait3A_133 = tpu.memref_slice %arg7[%arg0, %mul3A_6, %dma_wait3A_132] : memref<2x10000x128xf32, #tpu.memory_space<hbm>> -> memref<1x624x128xf32, #tpu.memory_space<hbm>>
      %dma_wait3A_134 = tpu.memref_squeeze %dma_wait3A_133 : memref<1x624x128xf32, #tpu.memory_space<hbm>> -> memref<624x128xf32, #tpu.memory_space<hbm>>
      %dma_wait3A_135 = arith.constant 0 : i32
      %dma_wait3A_136 = tpu.memref_slice %arg19[%mul3A_6, %dma_wait3A_135] : memref<10000x128xf32, #tpu.memory_space<vmem_shared>> -> memref<624x128xf32, #tpu.memory_space<vmem_shared>>
      tpu.wait_dma2 semaphore(%run_scoped3A : memref<!tpu.dma_semaphore, #tpu.memory_space<semaphore_mem>>) src(%dma_wait3A_136 : memref<624x128xf32, #tpu.memory_space<vmem_shared>>) dst(%dma_wait3A_134 : memref<624x128xf32, #tpu.memory_space<hbm>>)
      tpu.yield
    }) : () -> ()
    %eq3A_122 = arith.constant 15 : i32
    %eq3A_123 = arith.cmpi eq, %arg1, %eq3A_122 : i32
    %convert_element_type3A_124 = arith.extui %eq3A_123 : i1 to i32
    %cond3A_125 = arith.constant 0 : i32
    %cond3A_126 = arith.cmpi ne, %convert_element_type3A_124, %cond3A_125 : i32
    scf.if %cond3A_126 {
      "tpu.region"() ({
        %run_scoped3A = tpu.sem_alloc : memref<!tpu.dma_semaphore, #tpu.memory_space<semaphore_mem>>
        %dma_start3A_127 = arith.constant 9984 : i32
        %dma_start3A_128 = arith.constant 0 : i32
        %dma_start3A_129 = tpu.memref_slice %arg7[%arg0, %dma_start3A_127, %dma_start3A_128] : memref<2x10000x128xf32, #tpu.memory_space<hbm>> -> memref<1x16x128xf32, #tpu.memory_space<hbm>>
        %dma_start3A_130 = tpu.memref_squeeze %dma_start3A_129 : memref<1x16x128xf32, #tpu.memory_space<hbm>> -> memref<16x128xf32, #tpu.memory_space<hbm>>
        %dma_start3A_131 = arith.constant 9984 : i32
        %dma_start3A_132 = arith.constant 0 : i32
        %dma_start3A_133 = tpu.memref_slice %arg19[%dma_start3A_131, %dma_start3A_132] : memref<10000x128xf32, #tpu.memory_space<vmem_shared>> -> memref<16x128xf32, #tpu.memory_space<vmem_shared>>
        tpu.enqueue_dma source(%dma_start3A_133 : memref<16x128xf32, #tpu.memory_space<vmem_shared>>) target(%dma_start3A_130 : memref<16x128xf32, #tpu.memory_space<hbm>>) target_semaphore(%run_scoped3A : memref<!tpu.dma_semaphore, #tpu.memory_space<semaphore_mem>>)
        %dma_wait3A_134 = arith.constant 9984 : i32
        %dma_wait3A_135 = arith.constant 0 : i32
        %dma_wait3A_136 = tpu.memref_slice %arg7[%arg0, %dma_wait3A_134, %dma_wait3A_135] : memref<2x10000x128xf32, #tpu.memory_space<hbm>> -> memref<1x16x128xf32, #tpu.memory_space<hbm>>
        %dma_wait3A_137 = tpu.memref_squeeze %dma_wait3A_136 : memref<1x16x128xf32, #tpu.memory_space<hbm>> -> memref<16x128xf32, #tpu.memory_space<hbm>>
        %dma_wait3A_138 = arith.constant 9984 : i32
        %dma_wait3A_139 = arith.constant 0 : i32
        %dma_wait3A_140 = tpu.memref_slice %arg19[%dma_wait3A_138, %dma_wait3A_139] : memref<10000x128xf32, #tpu.memory_space<vmem_shared>> -> memref<16x128xf32, #tpu.memory_space<vmem_shared>>
        tpu.wait_dma2 semaphore(%run_scoped3A : memref<!tpu.dma_semaphore, #tpu.memory_space<semaphore_mem>>) src(%dma_wait3A_140 : memref<16x128xf32, #tpu.memory_space<vmem_shared>>) dst(%dma_wait3A_137 : memref<16x128xf32, #tpu.memory_space<hbm>>)
        tpu.yield
      }) : () -> ()
    } else {
    }
    return
  }
}

#map = affine_map<(d0, d1) -> (0, 0)>
#map1 = affine_map<(d0, d1) -> (0)>
#map2 = affine_map<(d0, d1) -> (0, 0, 0)>
module attributes {stable_mosaic.version = 14 : i64} {
  func.func @_msg_agg_body(%arg0: i32, %arg1: i32, %arg2: memref<10000x128xf32, #tpu.memory_space<hbm>>, %arg3: memref<320000x128xf32, #tpu.memory_space<hbm>>, %arg4: memref<320000xi32, #tpu.memory_space<hbm>>, %arg5: memref<320000xi32, #tpu.memory_space<hbm>>, %arg6: memref<320000x16xf32, #tpu.memory_space<hbm>>, %arg7: memref<2x10000x128xf32, #tpu.memory_space<hbm>>, %arg8: memref<64xi32, #tpu.memory_space<vmem>>, %arg9: memref<64xi32, #tpu.memory_space<vmem>>, %arg10: memref<64x16xf32, #tpu.memory_space<vmem>>, %arg11: memref<64x128xf32, #tpu.memory_space<vmem>>, %arg12: memref<64x128xf32, #tpu.memory_space<vmem>>, %arg13: memref<64xi32, #tpu.memory_space<vmem>>, %arg14: memref<64xi32, #tpu.memory_space<vmem>>, %arg15: memref<64x16xf32, #tpu.memory_space<vmem>>, %arg16: memref<64x128xf32, #tpu.memory_space<vmem>>, %arg17: memref<64x128xf32, #tpu.memory_space<vmem>>, %arg18: memref<8x128xf32, #tpu.memory_space<vmem>>, %arg19: memref<10000x128xf32, #tpu.memory_space<vmem_shared>>, %arg20: memref<!tpu.dma_semaphore, #tpu.memory_space<semaphore_mem>>, %arg21: memref<!tpu.dma_semaphore, #tpu.memory_space<semaphore_mem>>, %arg22: memref<!tpu.dma_semaphore, #tpu.memory_space<semaphore_mem>>, %arg23: memref<!tpu.dma_semaphore, #tpu.memory_space<semaphore_mem>>, %arg24: memref<!tpu.dma_semaphore, #tpu.memory_space<semaphore_mem>>, %arg25: memref<!tpu.dma_semaphore, #tpu.memory_space<semaphore_mem>>, %arg26: memref<!tpu.dma_semaphore, #tpu.memory_space<semaphore_mem>>, %arg27: memref<!tpu.dma_semaphore, #tpu.memory_space<semaphore_mem>>, %arg28: memref<!tpu.dma_semaphore, #tpu.memory_space<semaphore_mem>>, %arg29: memref<!tpu.dma_semaphore, #tpu.memory_space<semaphore_mem>>) attributes {dimension_semantics = [#tpu.dimension_semantics<core_parallel>, #tpu.dimension_semantics<subcore_parallel>], iteration_bounds = array<i64: 2, 16>, scalar_prefetch = 0 : i64, scratch_operands = 22 : i64, tpu.core_type = #tpu.core_type<sc_vector_subcore>, window_params = [{transform_indices = #map}, {transform_indices = #map}, {transform_indices = #map1}, {transform_indices = #map1}, {transform_indices = #map}, {transform_indices = #map2}]} {
    %scan3A = arith.constant 0 : i32
    %scan3A_0 = arith.constant 0 : i32
    %scan3A_1 = arith.constant 8 : i32
    %scan3A_2 = arith.addi %scan3A_0, %scan3A_1 : i32
    %scan3A_3 = arith.constant 1 : i32
    %scan3A_4 = scf.for %scan3A_127 = %scan3A_0 to %scan3A_2 step %scan3A_3 iter_args(%scan3A_128 = %scan3A) -> (i32)  : i32 {
      %broadcast_in_dim3A = arith.constant 0.000000e+00 : f32
      %broadcast_in_dim3A_129 = vector.broadcast %broadcast_in_dim3A : f32 to vector<16xf32>
      %swap3A = arith.index_cast %scan3A_127 : i32 to index
      %swap3A_130 = arith.constant 0 : index
      %swap3A_131 = tpu.vector_load %arg18[%swap3A, %swap3A_130] {strides = array<i32>} : memref<8x128xf32, #tpu.memory_space<vmem>>, vector<1x16xf32>,
      %swap3A_132 = vector.shape_cast %swap3A_131 : vector<1x16xf32> to vector<16xf32>
      %swap3A_133 = vector.shape_cast %broadcast_in_dim3A_129 : vector<16xf32> to vector<1x16xf32>
      tpu.vector_store %arg18[%swap3A, %swap3A_130], %swap3A_133 {strides = array<i32>} : memref<8x128xf32, #tpu.memory_space<vmem>>, vector<1x16xf32>,
      %broadcast_in_dim3A_134 = arith.constant 0.000000e+00 : f32
      %broadcast_in_dim3A_135 = vector.broadcast %broadcast_in_dim3A_134 : f32 to vector<16xf32>
      %swap3A_136 = arith.index_cast %scan3A_127 : i32 to index
      %swap3A_137 = arith.constant 16 : index
      %swap3A_138 = tpu.vector_load %arg18[%swap3A_136, %swap3A_137] {strides = array<i32>} : memref<8x128xf32, #tpu.memory_space<vmem>>, vector<1x16xf32>,
      %swap3A_139 = vector.shape_cast %swap3A_138 : vector<1x16xf32> to vector<16xf32>
      %swap3A_140 = vector.shape_cast %broadcast_in_dim3A_135 : vector<16xf32> to vector<1x16xf32>
      tpu.vector_store %arg18[%swap3A_136, %swap3A_137], %swap3A_140 {strides = array<i32>} : memref<8x128xf32, #tpu.memory_space<vmem>>, vector<1x16xf32>,
      %broadcast_in_dim3A_141 = arith.constant 0.000000e+00 : f32
      %broadcast_in_dim3A_142 = vector.broadcast %broadcast_in_dim3A_141 : f32 to vector<16xf32>
      %swap3A_143 = arith.index_cast %scan3A_127 : i32 to index
      %swap3A_144 = arith.constant 32 : index
      %swap3A_145 = tpu.vector_load %arg18[%swap3A_143, %swap3A_144] {strides = array<i32>} : memref<8x128xf32, #tpu.memory_space<vmem>>, vector<1x16xf32>,
      %swap3A_146 = vector.shape_cast %swap3A_145 : vector<1x16xf32> to vector<16xf32>
      %swap3A_147 = vector.shape_cast %broadcast_in_dim3A_142 : vector<16xf32> to vector<1x16xf32>
      tpu.vector_store %arg18[%swap3A_143, %swap3A_144], %swap3A_147 {strides = array<i32>} : memref<8x128xf32, #tpu.memory_space<vmem>>, vector<1x16xf32>,
      %broadcast_in_dim3A_148 = arith.constant 0.000000e+00 : f32
      %broadcast_in_dim3A_149 = vector.broadcast %broadcast_in_dim3A_148 : f32 to vector<16xf32>
      %swap3A_150 = arith.index_cast %scan3A_127 : i32 to index
      %swap3A_151 = arith.constant 48 : index
      %swap3A_152 = tpu.vector_load %arg18[%swap3A_150, %swap3A_151] {strides = array<i32>} : memref<8x128xf32, #tpu.memory_space<vmem>>, vector<1x16xf32>,
      %swap3A_153 = vector.shape_cast %swap3A_152 : vector<1x16xf32> to vector<16xf32>
      %swap3A_154 = vector.shape_cast %broadcast_in_dim3A_149 : vector<16xf32> to vector<1x16xf32>
      tpu.vector_store %arg18[%swap3A_150, %swap3A_151], %swap3A_154 {strides = array<i32>} : memref<8x128xf32, #tpu.memory_space<vmem>>, vector<1x16xf32>,
      %broadcast_in_dim3A_155 = arith.constant 0.000000e+00 : f32
      %broadcast_in_dim3A_156 = vector.broadcast %broadcast_in_dim3A_155 : f32 to vector<16xf32>
      %swap3A_157 = arith.index_cast %scan3A_127 : i32 to index
      %swap3A_158 = arith.constant 64 : index
      %swap3A_159 = tpu.vector_load %arg18[%swap3A_157, %swap3A_158] {strides = array<i32>} : memref<8x128xf32, #tpu.memory_space<vmem>>, vector<1x16xf32>,
      %swap3A_160 = vector.shape_cast %swap3A_159 : vector<1x16xf32> to vector<16xf32>
      %swap3A_161 = vector.shape_cast %broadcast_in_dim3A_156 : vector<16xf32> to vector<1x16xf32>
      tpu.vector_store %arg18[%swap3A_157, %swap3A_158], %swap3A_161 {strides = array<i32>} : memref<8x128xf32, #tpu.memory_space<vmem>>, vector<1x16xf32>,
      %broadcast_in_dim3A_162 = arith.constant 0.000000e+00 : f32
      %broadcast_in_dim3A_163 = vector.broadcast %broadcast_in_dim3A_162 : f32 to vector<16xf32>
      %swap3A_164 = arith.index_cast %scan3A_127 : i32 to index
      %swap3A_165 = arith.constant 80 : index
      %swap3A_166 = tpu.vector_load %arg18[%swap3A_164, %swap3A_165] {strides = array<i32>} : memref<8x128xf32, #tpu.memory_space<vmem>>, vector<1x16xf32>,
      %swap3A_167 = vector.shape_cast %swap3A_166 : vector<1x16xf32> to vector<16xf32>
      %swap3A_168 = vector.shape_cast %broadcast_in_dim3A_163 : vector<16xf32> to vector<1x16xf32>
      tpu.vector_store %arg18[%swap3A_164, %swap3A_165], %swap3A_168 {strides = array<i32>} : memref<8x128xf32, #tpu.memory_space<vmem>>, vector<1x16xf32>,
      %broadcast_in_dim3A_169 = arith.constant 0.000000e+00 : f32
      %broadcast_in_dim3A_170 = vector.broadcast %broadcast_in_dim3A_169 : f32 to vector<16xf32>
      %swap3A_171 = arith.index_cast %scan3A_127 : i32 to index
      %swap3A_172 = arith.constant 96 : index
      %swap3A_173 = tpu.vector_load %arg18[%swap3A_171, %swap3A_172] {strides = array<i32>} : memref<8x128xf32, #tpu.memory_space<vmem>>, vector<1x16xf32>,
      %swap3A_174 = vector.shape_cast %swap3A_173 : vector<1x16xf32> to vector<16xf32>
      %swap3A_175 = vector.shape_cast %broadcast_in_dim3A_170 : vector<16xf32> to vector<1x16xf32>
      tpu.vector_store %arg18[%swap3A_171, %swap3A_172], %swap3A_175 {strides = array<i32>} : memref<8x128xf32, #tpu.memory_space<vmem>>, vector<1x16xf32>,
      %broadcast_in_dim3A_176 = arith.constant 0.000000e+00 : f32
      %broadcast_in_dim3A_177 = vector.broadcast %broadcast_in_dim3A_176 : f32 to vector<16xf32>
      %swap3A_178 = arith.index_cast %scan3A_127 : i32 to index
      %swap3A_179 = arith.constant 112 : index
      %swap3A_180 = tpu.vector_load %arg18[%swap3A_178, %swap3A_179] {strides = array<i32>} : memref<8x128xf32, #tpu.memory_space<vmem>>, vector<1x16xf32>,
      %swap3A_181 = vector.shape_cast %swap3A_180 : vector<1x16xf32> to vector<16xf32>
      %swap3A_182 = vector.shape_cast %broadcast_in_dim3A_177 : vector<16xf32> to vector<1x16xf32>
      tpu.vector_store %arg18[%swap3A_178, %swap3A_179], %swap3A_182 {strides = array<i32>} : memref<8x128xf32, #tpu.memory_space<vmem>>, vector<1x16xf32>,
      %scan3A_183 = arith.constant 0 : i32
      scf.yield %scan3A_183 : i32
    }
    %scan3A_5 = arith.constant 8 : i32
    %mul3A = arith.constant 624 : i32
    %mul3A_6 = arith.muli %arg1, %mul3A : i32
    %scan3A_7 = arith.constant 0 : i32
    %scan3A_8 = arith.constant 0 : i32
    %scan3A_9 = arith.constant 78 : i32
    %scan3A_10 = arith.addi %scan3A_8, %scan3A_9 : i32
    %scan3A_11 = arith.constant 1 : i32
    %scan3A_12 = scf.for %scan3A_127 = %scan3A_8 to %scan3A_10 step %scan3A_11 iter_args(%scan3A_128 = %scan3A_7) -> (i32)  : i32 {
      %mul3A_129 = arith.constant 8 : i32
      %mul3A_130 = arith.muli %scan3A_127, %mul3A_129 : i32
      %add3A_131 = arith.addi %mul3A_6, %mul3A_130 : i32
      "tpu.region"() ({
        %run_scoped3A = tpu.sem_alloc : memref<!tpu.dma_semaphore, #tpu.memory_space<semaphore_mem>>
        %dma_start3A_133 = arith.constant 0 : i32
        %dma_start3A_134 = tpu.memref_slice %arg19[%add3A_131, %dma_start3A_133] : memref<10000x128xf32, #tpu.memory_space<vmem_shared>> -> memref<8x128xf32, #tpu.memory_space<vmem_shared>>
        %dma_start3A_135 = arith.constant 0 : i32
        %dma_start3A_136 = tpu.memref_slice %arg19[%add3A_131, %dma_start3A_135] : memref<10000x128xf32, #tpu.memory_space<vmem_shared>> -> memref<8x128xf32, #tpu.memory_space<vmem_shared>>
        tpu.enqueue_dma source(%arg18 : memref<8x128xf32, #tpu.memory_space<vmem>>) target(%dma_start3A_136 : memref<8x128xf32, #tpu.memory_space<vmem_shared>>) target_semaphore(%run_scoped3A : memref<!tpu.dma_semaphore, #tpu.memory_space<semaphore_mem>>)
        %dma_wait3A_137 = arith.constant 0 : i32
        %dma_wait3A_138 = tpu.memref_slice %arg19[%add3A_131, %dma_wait3A_137] : memref<10000x128xf32, #tpu.memory_space<vmem_shared>> -> memref<8x128xf32, #tpu.memory_space<vmem_shared>>
        %dma_wait3A_139 = arith.constant 0 : i32
        %dma_wait3A_140 = tpu.memref_slice %arg19[%add3A_131, %dma_wait3A_139] : memref<10000x128xf32, #tpu.memory_space<vmem_shared>> -> memref<8x128xf32, #tpu.memory_space<vmem_shared>>
        tpu.wait_dma2 semaphore(%run_scoped3A : memref<!tpu.dma_semaphore, #tpu.memory_space<semaphore_mem>>) src(%arg18 : memref<8x128xf32, #tpu.memory_space<vmem>>) dst(%dma_wait3A_140 : memref<8x128xf32, #tpu.memory_space<vmem_shared>>)
        tpu.yield
      }) : () -> ()
      %scan3A_132 = arith.constant 0 : i32
      scf.yield %scan3A_132 : i32
    }
    %scan3A_13 = arith.constant 78 : i32
    %eq3A = arith.constant 15 : i32
    %eq3A_14 = arith.cmpi eq, %arg1, %eq3A : i32
    %convert_element_type3A = arith.extui %eq3A_14 : i1 to i32
    %cond3A = arith.constant 0 : i32
    %cond3A_15 = arith.cmpi ne, %convert_element_type3A, %cond3A : i32
    scf.if %cond3A_15 {
      "tpu.region"() ({
        %run_scoped3A = tpu.sem_alloc : memref<!tpu.dma_semaphore, #tpu.memory_space<semaphore_mem>>
        %dma_start3A_127 = arith.constant 9984 : i32
        %dma_start3A_128 = arith.constant 0 : i32
        %dma_start3A_129 = tpu.memref_slice %arg19[%dma_start3A_127, %dma_start3A_128] : memref<10000x128xf32, #tpu.memory_space<vmem_shared>> -> memref<8x128xf32, #tpu.memory_space<vmem_shared>>
        %dma_start3A_130 = arith.constant 9984 : i32
        %dma_start3A_131 = arith.constant 0 : i32
        %dma_start3A_132 = tpu.memref_slice %arg19[%dma_start3A_130, %dma_start3A_131] : memref<10000x128xf32, #tpu.memory_space<vmem_shared>> -> memref<8x128xf32, #tpu.memory_space<vmem_shared>>
        tpu.enqueue_dma source(%arg18 : memref<8x128xf32, #tpu.memory_space<vmem>>) target(%dma_start3A_132 : memref<8x128xf32, #tpu.memory_space<vmem_shared>>) target_semaphore(%run_scoped3A : memref<!tpu.dma_semaphore, #tpu.memory_space<semaphore_mem>>)
        %dma_wait3A_133 = arith.constant 9984 : i32
        %dma_wait3A_134 = arith.constant 0 : i32
        %dma_wait3A_135 = tpu.memref_slice %arg19[%dma_wait3A_133, %dma_wait3A_134] : memref<10000x128xf32, #tpu.memory_space<vmem_shared>> -> memref<8x128xf32, #tpu.memory_space<vmem_shared>>
        %dma_wait3A_136 = arith.constant 9984 : i32
        %dma_wait3A_137 = arith.constant 0 : i32
        %dma_wait3A_138 = tpu.memref_slice %arg19[%dma_wait3A_136, %dma_wait3A_137] : memref<10000x128xf32, #tpu.memory_space<vmem_shared>> -> memref<8x128xf32, #tpu.memory_space<vmem_shared>>
        tpu.wait_dma2 semaphore(%run_scoped3A : memref<!tpu.dma_semaphore, #tpu.memory_space<semaphore_mem>>) src(%arg18 : memref<8x128xf32, #tpu.memory_space<vmem>>) dst(%dma_wait3A_138 : memref<8x128xf32, #tpu.memory_space<vmem_shared>>)
        tpu.yield
      }) : () -> ()
      "tpu.region"() ({
        %run_scoped3A = tpu.sem_alloc : memref<!tpu.dma_semaphore, #tpu.memory_space<semaphore_mem>>
        %dma_start3A_127 = arith.constant 9992 : i32
        %dma_start3A_128 = arith.constant 0 : i32
        %dma_start3A_129 = tpu.memref_slice %arg19[%dma_start3A_127, %dma_start3A_128] : memref<10000x128xf32, #tpu.memory_space<vmem_shared>> -> memref<8x128xf32, #tpu.memory_space<vmem_shared>>
        %dma_start3A_130 = arith.constant 9992 : i32
        %dma_start3A_131 = arith.constant 0 : i32
        %dma_start3A_132 = tpu.memref_slice %arg19[%dma_start3A_130, %dma_start3A_131] : memref<10000x128xf32, #tpu.memory_space<vmem_shared>> -> memref<8x128xf32, #tpu.memory_space<vmem_shared>>
        tpu.enqueue_dma source(%arg18 : memref<8x128xf32, #tpu.memory_space<vmem>>) target(%dma_start3A_132 : memref<8x128xf32, #tpu.memory_space<vmem_shared>>) target_semaphore(%run_scoped3A : memref<!tpu.dma_semaphore, #tpu.memory_space<semaphore_mem>>)
        %dma_wait3A_133 = arith.constant 9992 : i32
        %dma_wait3A_134 = arith.constant 0 : i32
        %dma_wait3A_135 = tpu.memref_slice %arg19[%dma_wait3A_133, %dma_wait3A_134] : memref<10000x128xf32, #tpu.memory_space<vmem_shared>> -> memref<8x128xf32, #tpu.memory_space<vmem_shared>>
        %dma_wait3A_136 = arith.constant 9992 : i32
        %dma_wait3A_137 = arith.constant 0 : i32
        %dma_wait3A_138 = tpu.memref_slice %arg19[%dma_wait3A_136, %dma_wait3A_137] : memref<10000x128xf32, #tpu.memory_space<vmem_shared>> -> memref<8x128xf32, #tpu.memory_space<vmem_shared>>
        tpu.wait_dma2 semaphore(%run_scoped3A : memref<!tpu.dma_semaphore, #tpu.memory_space<semaphore_mem>>) src(%arg18 : memref<8x128xf32, #tpu.memory_space<vmem>>) dst(%dma_wait3A_138 : memref<8x128xf32, #tpu.memory_space<vmem_shared>>)
        tpu.yield
      }) : () -> ()
    } else {
    }
    %barrier3A = arith.constant 0 : index
    tpu.barrier barrier_id(%barrier3A)
    %sub3A = arith.constant 2500 : i32
    %sub3A_16 = arith.subi %sub3A, %arg1 : i32
    %add3A = arith.constant 16 : i32
    %add3A_17 = arith.addi %sub3A_16, %add3A : i32
    %sub3A_18 = arith.constant 1 : i32
    %sub3A_19 = arith.subi %add3A_17, %sub3A_18 : i32
    %jit3A = arith.constant 16 : i32
    %div3A = arith.divsi %sub3A_19, %jit3A : i32
    %sign3A = arith.constant 0 : i32
    %sign3A_20 = arith.cmpi sgt, %sub3A_19, %sign3A : i32
    %sign3A_21 = arith.extui %sign3A_20 : i1 to i32
    %sign3A_22 = arith.constant 0 : i32
    %sign3A_23 = arith.cmpi slt, %sub3A_19, %sign3A_22 : i32
    %sign3A_24 = arith.extui %sign3A_23 : i1 to i32
    %sign3A_25 = arith.subi %sign3A_21, %sign3A_24 : i32
    %sign3A_26 = arith.constant 0 : i32
    %sign3A_27 = arith.cmpi sgt, %jit3A, %sign3A_26 : i32
    %sign3A_28 = arith.extui %sign3A_27 : i1 to i32
    %sign3A_29 = arith.constant 0 : i32
    %sign3A_30 = arith.cmpi slt, %jit3A, %sign3A_29 : i32
    %sign3A_31 = arith.extui %sign3A_30 : i1 to i32
    %sign3A_32 = arith.subi %sign3A_28, %sign3A_31 : i32
    %ne3A = arith.cmpi ne, %sign3A_25, %sign3A_32 : i32
    %rem3A = arith.remsi %sub3A_19, %jit3A : i32
    %ne3A_33 = arith.constant 0 : i32
    %ne3A_34 = arith.cmpi ne, %rem3A, %ne3A_33 : i32
    %and3A = arith.andi %ne3A, %ne3A_34 : i1
    %sub3A_35 = arith.constant 1 : i32
    %sub3A_36 = arith.subi %div3A, %sub3A_35 : i32
    %select_n3A = arith.select %and3A, %sub3A_36, %div3A : i32
    %mul3A_37 = arith.constant 160000 : i32
    %mul3A_38 = arith.muli %arg0, %mul3A_37 : i32
    %add3A_39 = arith.constant 0 : i32
    %add3A_40 = arith.addi %arg1, %add3A_39 : i32
    %mul3A_41 = arith.constant 64 : i32
    %mul3A_42 = arith.muli %add3A_40, %mul3A_41 : i32
    %add3A_43 = arith.addi %mul3A_38, %mul3A_42 : i32
    %dma_start3A = tpu.memref_slice %arg4[%add3A_43] : memref<320000xi32, #tpu.memory_space<hbm>> -> memref<64xi32, #tpu.memory_space<hbm>>
    %dma_start3A_44 = tpu.memref_slice %arg4[%add3A_43] : memref<320000xi32, #tpu.memory_space<hbm>> -> memref<64xi32, #tpu.memory_space<hbm>>
    tpu.enqueue_dma source(%dma_start3A_44 : memref<64xi32, #tpu.memory_space<hbm>>) target(%arg8 : memref<64xi32, #tpu.memory_space<vmem>>) target_semaphore(%arg20 : memref<!tpu.dma_semaphore, #tpu.memory_space<semaphore_mem>>)
    %add3A_45 = arith.constant 0 : i32
    %add3A_46 = arith.addi %arg1, %add3A_45 : i32
    %mul3A_47 = arith.constant 64 : i32
    %mul3A_48 = arith.muli %add3A_46, %mul3A_47 : i32
    %add3A_49 = arith.addi %mul3A_38, %mul3A_48 : i32
    %dma_start3A_50 = arith.constant 0 : i32
    %dma_start3A_51 = tpu.memref_slice %arg6[%add3A_49, %dma_start3A_50] : memref<320000x16xf32, #tpu.memory_space<hbm>> -> memref<64x16xf32, #tpu.memory_space<hbm>>
    %dma_start3A_52 = arith.constant 0 : i32
    %dma_start3A_53 = tpu.memref_slice %arg6[%add3A_49, %dma_start3A_52] : memref<320000x16xf32, #tpu.memory_space<hbm>> -> memref<64x16xf32, #tpu.memory_space<hbm>>
    tpu.enqueue_dma source(%dma_start3A_53 : memref<64x16xf32, #tpu.memory_space<hbm>>) target(%arg10 : memref<64x16xf32, #tpu.memory_space<vmem>>) target_semaphore(%arg28 : memref<!tpu.dma_semaphore, #tpu.memory_space<semaphore_mem>>)
    %dma_start3A_54 = arith.constant 0 : i32
    %dma_start3A_55 = tpu.memref_slice %arg3[%add3A_49, %dma_start3A_54] : memref<320000x128xf32, #tpu.memory_space<hbm>> -> memref<64x128xf32, #tpu.memory_space<hbm>>
    %dma_start3A_56 = arith.constant 0 : i32
    %dma_start3A_57 = tpu.memref_slice %arg3[%add3A_49, %dma_start3A_56] : memref<320000x128xf32, #tpu.memory_space<hbm>> -> memref<64x128xf32, #tpu.memory_space<hbm>>
    tpu.enqueue_dma source(%dma_start3A_57 : memref<64x128xf32, #tpu.memory_space<hbm>>) target(%arg12 : memref<64x128xf32, #tpu.memory_space<vmem>>) target_semaphore(%arg28 : memref<!tpu.dma_semaphore, #tpu.memory_space<semaphore_mem>>)
    %add3A_58 = arith.constant 0 : i32
    %add3A_59 = arith.addi %arg1, %add3A_58 : i32
    %mul3A_60 = arith.constant 64 : i32
    %mul3A_61 = arith.muli %add3A_59, %mul3A_60 : i32
    %add3A_62 = arith.addi %mul3A_38, %mul3A_61 : i32
    %dma_start3A_63 = tpu.memref_slice %arg5[%add3A_62] : memref<320000xi32, #tpu.memory_space<hbm>> -> memref<64xi32, #tpu.memory_space<hbm>>
    %dma_start3A_64 = tpu.memref_slice %arg5[%add3A_62] : memref<320000xi32, #tpu.memory_space<hbm>> -> memref<64xi32, #tpu.memory_space<hbm>>
    tpu.enqueue_dma source(%dma_start3A_64 : memref<64xi32, #tpu.memory_space<hbm>>) target(%arg9 : memref<64xi32, #tpu.memory_space<vmem>>) target_semaphore(%arg24 : memref<!tpu.dma_semaphore, #tpu.memory_space<semaphore_mem>>)
    %dma_wait3A = arith.constant 0 : i32
    %dma_wait3A_65 = tpu.memref_slice %arg4[%dma_wait3A] : memref<320000xi32, #tpu.memory_space<hbm>> -> memref<64xi32, #tpu.memory_space<hbm>>
    %dma_wait3A_66 = arith.constant 0 : i32
    %dma_wait3A_67 = tpu.memref_slice %arg4[%dma_wait3A_66] : memref<320000xi32, #tpu.memory_space<hbm>> -> memref<64xi32, #tpu.memory_space<hbm>>
    tpu.wait_dma2 semaphore(%arg20 : memref<!tpu.dma_semaphore, #tpu.memory_space<semaphore_mem>>) src(%dma_wait3A_67 : memref<64xi32, #tpu.memory_space<hbm>>) dst(%arg8 : memref<64xi32, #tpu.memory_space<vmem>>)
    %dma_start3A_68 = arith.constant 0 : i32
    %dma_start3A_69 = arith.constant 0 : i32
    %dma_start3A_70 = tpu.memref_slice %arg2[%dma_start3A_68, %dma_start3A_69] : memref<10000x128xf32, #tpu.memory_space<hbm>> -> memref<10000x128xf32, #tpu.memory_space<hbm>>
    tpu.enqueue_indirect_dma source(%dma_start3A_70 : memref<10000x128xf32, #tpu.memory_space<hbm>>) target(%arg11 : memref<64x128xf32, #tpu.memory_space<vmem>>) offsets(%arg8 : memref<64xi32, #tpu.memory_space<vmem>>) semaphore(%arg22 : memref<!tpu.dma_semaphore, #tpu.memory_space<semaphore_mem>>)
    %add3A_71 = arith.constant 16 : i32
    %add3A_72 = arith.addi %arg1, %add3A_71 : i32
    %mul3A_73 = arith.constant 64 : i32
    %mul3A_74 = arith.muli %add3A_72, %mul3A_73 : i32
    %add3A_75 = arith.addi %mul3A_38, %mul3A_74 : i32
    %dma_start3A_76 = tpu.memref_slice %arg4[%add3A_75] : memref<320000xi32, #tpu.memory_space<hbm>> -> memref<64xi32, #tpu.memory_space<hbm>>
    %dma_start3A_77 = tpu.memref_slice %arg4[%add3A_75] : memref<320000xi32, #tpu.memory_space<hbm>> -> memref<64xi32, #tpu.memory_space<hbm>>
    tpu.enqueue_dma source(%dma_start3A_77 : memref<64xi32, #tpu.memory_space<hbm>>) target(%arg13 : memref<64xi32, #tpu.memory_space<vmem>>) target_semaphore(%arg21 : memref<!tpu.dma_semaphore, #tpu.memory_space<semaphore_mem>>)
    %add3A_78 = arith.constant 1 : i32
    %add3A_79 = arith.addi %select_n3A, %add3A_78 : i32
    %jit3A_80 = arith.constant 2 : i32
    %div3A_81 = arith.divsi %add3A_79, %jit3A_80 : i32
    %sign3A_82 = arith.constant 0 : i32
    %sign3A_83 = arith.cmpi sgt, %add3A_79, %sign3A_82 : i32
    %sign3A_84 = arith.extui %sign3A_83 : i1 to i32
    %sign3A_85 = arith.constant 0 : i32
    %sign3A_86 = arith.cmpi slt, %add3A_79, %sign3A_85 : i32
    %sign3A_87 = arith.extui %sign3A_86 : i1 to i32
    %sign3A_88 = arith.subi %sign3A_84, %sign3A_87 : i32
    %sign3A_89 = arith.constant 0 : i32
    %sign3A_90 = arith.cmpi sgt, %jit3A_80, %sign3A_89 : i32
    %sign3A_91 = arith.extui %sign3A_90 : i1 to i32
    %sign3A_92 = arith.constant 0 : i32
    %sign3A_93 = arith.cmpi slt, %jit3A_80, %sign3A_92 : i32
    %sign3A_94 = arith.extui %sign3A_93 : i1 to i32
    %sign3A_95 = arith.subi %sign3A_91, %sign3A_94 : i32
    %ne3A_96 = arith.cmpi ne, %sign3A_88, %sign3A_95 : i32
    %rem3A_97 = arith.remsi %add3A_79, %jit3A_80 : i32
    %ne3A_98 = arith.constant 0 : i32
    %ne3A_99 = arith.cmpi ne, %rem3A_97, %ne3A_98 : i32
    %and3A_100 = arith.andi %ne3A_96, %ne3A_99 : i1
    %sub3A_101 = arith.constant 1 : i32
    %sub3A_102 = arith.subi %div3A_81, %sub3A_101 : i32
    %select_n3A_103 = arith.select %and3A_100, %sub3A_102, %div3A_81 : i32
    %while3A = arith.constant 0 : i32
    %while3A_104 = arith.constant 0 : i32
    %while3A_105 = arith.subi %select_n3A_103, %while3A : i32
    %while3A_106 = arith.addi %while3A, %while3A_105 : i32
    %while3A_107 = arith.constant 1 : i32
    %while3A_108 = arith.divsi %while3A_105, %while3A_107 : i32
    %while3A_109 = arith.muli %while3A_108, %while3A_107 : i32
    %while3A_110 = arith.addi %while3A, %while3A_109 : i32
    %while3A_111 = arith.constant 1 : i32
    %while3A_112 = scf.for %while3A_127 = %while3A to %while3A_110 step %while3A_111 iter_args(%while3A_128 = %while3A_104) -> (i32)  : i32 {
      %mul3A_129 = arith.constant 2 : i32
      %mul3A_130 = arith.muli %while3A_127, %mul3A_129 : i32
      %add3A_131 = arith.constant 0 : i32
      %add3A_132 = arith.addi %mul3A_130, %add3A_131 : i32
      %lt3A = arith.cmpi slt, %add3A_132, %select_n3A : i32
      %convert_element_type3A_133 = arith.extui %lt3A : i1 to i32
      %cond3A_134 = arith.constant 0 : i32
      %cond3A_135 = arith.cmpi ne, %convert_element_type3A_133, %cond3A_134 : i32
      scf.if %cond3A_135 {
        %dma_wait3A_145 = arith.constant 0 : i32
        %dma_wait3A_146 = arith.constant 0 : i32
        %dma_wait3A_147 = tpu.memref_slice %arg2[%dma_wait3A_145, %dma_wait3A_146] : memref<10000x128xf32, #tpu.memory_space<hbm>> -> memref<10000x128xf32, #tpu.memory_space<hbm>>
        tpu.wait_indirect_dma semaphore(%arg22 : memref<!tpu.dma_semaphore, #tpu.memory_space<semaphore_mem>>) src(%dma_wait3A_147 : memref<10000x128xf32, #tpu.memory_space<hbm>>) dst(%arg11 : memref<64x128xf32, #tpu.memory_space<vmem>>)
        %add3A_148 = arith.constant 1 : i32
        %add3A_149 = arith.addi %add3A_132, %add3A_148 : i32
        %lt3A_150 = arith.cmpi slt, %add3A_149, %select_n3A : i32
        %convert_element_type3A_151 = arith.extui %lt3A_150 : i1 to i32
        %cond3A_152 = arith.constant 0 : i32
        %cond3A_153 = arith.cmpi ne, %convert_element_type3A_151, %cond3A_152 : i32
        scf.if %cond3A_153 {
          %dma_wait3A_186 = arith.constant 0 : i32
          %dma_wait3A_187 = tpu.memref_slice %arg4[%dma_wait3A_186] : memref<320000xi32, #tpu.memory_space<hbm>> -> memref<64xi32, #tpu.memory_space<hbm>>
          %dma_wait3A_188 = arith.constant 0 : i32
          %dma_wait3A_189 = tpu.memref_slice %arg4[%dma_wait3A_188] : memref<320000xi32, #tpu.memory_space<hbm>> -> memref<64xi32, #tpu.memory_space<hbm>>
          tpu.wait_dma2 semaphore(%arg21 : memref<!tpu.dma_semaphore, #tpu.memory_space<semaphore_mem>>) src(%dma_wait3A_189 : memref<64xi32, #tpu.memory_space<hbm>>) dst(%arg13 : memref<64xi32, #tpu.memory_space<vmem>>)
          %dma_start3A_190 = arith.constant 0 : i32
          %dma_start3A_191 = arith.constant 0 : i32
          %dma_start3A_192 = tpu.memref_slice %arg2[%dma_start3A_190, %dma_start3A_191] : memref<10000x128xf32, #tpu.memory_space<hbm>> -> memref<10000x128xf32, #tpu.memory_space<hbm>>
          tpu.enqueue_indirect_dma source(%dma_start3A_192 : memref<10000x128xf32, #tpu.memory_space<hbm>>) target(%arg16 : memref<64x128xf32, #tpu.memory_space<vmem>>) offsets(%arg13 : memref<64xi32, #tpu.memory_space<vmem>>) semaphore(%arg23 : memref<!tpu.dma_semaphore, #tpu.memory_space<semaphore_mem>>)
          %ge3A = arith.constant 1 : i32
          %ge3A_193 = arith.cmpi sge, %add3A_132, %ge3A : i32
          %convert_element_type3A_194 = arith.extui %ge3A_193 : i1 to i32
          %cond3A_195 = arith.constant 0 : i32
          %cond3A_196 = arith.cmpi ne, %convert_element_type3A_194, %cond3A_195 : i32
          scf.if %cond3A_196 {
            %dma_wait3A_223 = arith.constant 0 : i32
            %dma_wait3A_224 = arith.constant 0 : i32
            %dma_wait3A_225 = tpu.memref_slice %arg19[%dma_wait3A_223, %dma_wait3A_224] : memref<10000x128xf32, #tpu.memory_space<vmem_shared>> -> memref<10000x128xf32, #tpu.memory_space<vmem_shared>>
            tpu.wait_indirect_dma semaphore(%arg27 : memref<!tpu.dma_semaphore, #tpu.memory_space<semaphore_mem>>) src(%arg17 : memref<64x128xf32, #tpu.memory_space<vmem>>) dst(%dma_wait3A_225 : memref<10000x128xf32, #tpu.memory_space<vmem_shared>>)
          } else {
          }
          %add3A_197 = arith.constant 1 : i32
          %add3A_198 = arith.addi %add3A_132, %add3A_197 : i32
          %mul3A_199 = arith.constant 16 : i32
          %mul3A_200 = arith.muli %add3A_198, %mul3A_199 : i32
          %add3A_201 = arith.addi %arg1, %mul3A_200 : i32
          %mul3A_202 = arith.constant 64 : i32
          %mul3A_203 = arith.muli %add3A_201, %mul3A_202 : i32
          %add3A_204 = arith.addi %mul3A_38, %mul3A_203 : i32
          %dma_start3A_205 = tpu.memref_slice %arg5[%add3A_204] : memref<320000xi32, #tpu.memory_space<hbm>> -> memref<64xi32, #tpu.memory_space<hbm>>
          %dma_start3A_206 = tpu.memref_slice %arg5[%add3A_204] : memref<320000xi32, #tpu.memory_space<hbm>> -> memref<64xi32, #tpu.memory_space<hbm>>
          tpu.enqueue_dma source(%dma_start3A_206 : memref<64xi32, #tpu.memory_space<hbm>>) target(%arg14 : memref<64xi32, #tpu.memory_space<vmem>>) target_semaphore(%arg25 : memref<!tpu.dma_semaphore, #tpu.memory_space<semaphore_mem>>)
          %add3A_207 = arith.constant 1 : i32
          %add3A_208 = arith.addi %add3A_132, %add3A_207 : i32
          %mul3A_209 = arith.constant 16 : i32
          %mul3A_210 = arith.muli %add3A_208, %mul3A_209 : i32
          %add3A_211 = arith.addi %arg1, %mul3A_210 : i32
          %mul3A_212 = arith.constant 64 : i32
          %mul3A_213 = arith.muli %add3A_211, %mul3A_212 : i32
          %add3A_214 = arith.addi %mul3A_38, %mul3A_213 : i32
          %dma_start3A_215 = arith.constant 0 : i32
          %dma_start3A_216 = tpu.memref_slice %arg6[%add3A_214, %dma_start3A_215] : memref<320000x16xf32, #tpu.memory_space<hbm>> -> memref<64x16xf32, #tpu.memory_space<hbm>>
          %dma_start3A_217 = arith.constant 0 : i32
          %dma_start3A_218 = tpu.memref_slice %arg6[%add3A_214, %dma_start3A_217] : memref<320000x16xf32, #tpu.memory_space<hbm>> -> memref<64x16xf32, #tpu.memory_space<hbm>>
          tpu.enqueue_dma source(%dma_start3A_218 : memref<64x16xf32, #tpu.memory_space<hbm>>) target(%arg15 : memref<64x16xf32, #tpu.memory_space<vmem>>) target_semaphore(%arg29 : memref<!tpu.dma_semaphore, #tpu.memory_space<semaphore_mem>>)
          %dma_start3A_219 = arith.constant 0 : i32
          %dma_start3A_220 = tpu.memref_slice %arg3[%add3A_214, %dma_start3A_219] : memref<320000x128xf32, #tpu.memory_space<hbm>> -> memref<64x128xf32, #tpu.memory_space<hbm>>
          %dma_start3A_221 = arith.constant 0 : i32
          %dma_start3A_222 = tpu.memref_slice %arg3[%add3A_214, %dma_start3A_221] : memref<320000x128xf32, #tpu.memory_space<hbm>> -> memref<64x128xf32, #tpu.memory_space<hbm>>
          tpu.enqueue_dma source(%dma_start3A_222 : memref<64x128xf32, #tpu.memory_space<hbm>>) target(%arg17 : memref<64x128xf32, #tpu.memory_space<vmem>>) target_semaphore(%arg29 : memref<!tpu.dma_semaphore, #tpu.memory_space<semaphore_mem>>)
        } else {
        }
        %dma_wait3A_154 = arith.constant 0 : i32
        %dma_wait3A_155 = arith.constant 0 : i32
        %dma_wait3A_156 = tpu.memref_slice %arg6[%dma_wait3A_154, %dma_wait3A_155] : memref<320000x16xf32, #tpu.memory_space<hbm>> -> memref<64x16xf32, #tpu.memory_space<hbm>>
        %dma_wait3A_157 = arith.constant 0 : i32
        %dma_wait3A_158 = arith.constant 0 : i32
        %dma_wait3A_159 = tpu.memref_slice %arg6[%dma_wait3A_157, %dma_wait3A_158] : memref<320000x16xf32, #tpu.memory_space<hbm>> -> memref<64x16xf32, #tpu.memory_space<hbm>>
        tpu.wait_dma2 semaphore(%arg28 : memref<!tpu.dma_semaphore, #tpu.memory_space<semaphore_mem>>) src(%dma_wait3A_159 : memref<64x16xf32, #tpu.memory_space<hbm>>) dst(%arg10 : memref<64x16xf32, #tpu.memory_space<vmem>>)
        %dma_wait3A_160 = arith.constant 0 : i32
        %dma_wait3A_161 = arith.constant 0 : i32
        %dma_wait3A_162 = tpu.memref_slice %arg3[%dma_wait3A_160, %dma_wait3A_161] : memref<320000x128xf32, #tpu.memory_space<hbm>> -> memref<64x128xf32, #tpu.memory_space<hbm>>
        %dma_wait3A_163 = arith.constant 0 : i32
        %dma_wait3A_164 = arith.constant 0 : i32
        %dma_wait3A_165 = tpu.memref_slice %arg3[%dma_wait3A_163, %dma_wait3A_164] : memref<320000x128xf32, #tpu.memory_space<hbm>> -> memref<64x128xf32, #tpu.memory_space<hbm>>
        tpu.wait_dma2 semaphore(%arg28 : memref<!tpu.dma_semaphore, #tpu.memory_space<semaphore_mem>>) src(%dma_wait3A_165 : memref<64x128xf32, #tpu.memory_space<hbm>>) dst(%arg12 : memref<64x128xf32, #tpu.memory_space<vmem>>)
        %scan3A_166 = arith.constant 0 : i32
        %scan3A_167 = arith.constant 0 : i32
        %scan3A_168 = arith.constant 64 : i32
        %scan3A_169 = arith.addi %scan3A_167, %scan3A_168 : i32
        %scan3A_170 = arith.constant 1 : i32
        %scan3A_171 = scf.for %scan3A_186 = %scan3A_167 to %scan3A_169 step %scan3A_170 iter_args(%scan3A_187 = %scan3A_166) -> (i32)  : i32 {
          %get3A = arith.index_cast %scan3A_186 : i32 to index
          %get3A_188 = arith.constant 0 : index
          %get3A_189 = tpu.vector_load %arg10[%get3A, %get3A_188] {strides = array<i32>} : memref<64x16xf32, #tpu.memory_space<vmem>>, vector<1x16xf32>,
          %get3A_190 = vector.shape_cast %get3A_189 : vector<1x16xf32> to vector<16xf32>
          %get3A_191 = arith.index_cast %scan3A_186 : i32 to index
          %get3A_192 = arith.constant 0 : index
          %get3A_193 = tpu.vector_load %arg11[%get3A_191, %get3A_192] {strides = array<i32>} : memref<64x128xf32, #tpu.memory_space<vmem>>, vector<1x16xf32>,
          %get3A_194 = vector.shape_cast %get3A_193 : vector<1x16xf32> to vector<16xf32>
          %get3A_195 = arith.index_cast %scan3A_186 : i32 to index
          %get3A_196 = arith.constant 0 : index
          %get3A_197 = tpu.vector_load %arg12[%get3A_195, %get3A_196] {strides = array<i32>} : memref<64x128xf32, #tpu.memory_space<vmem>>, vector<1x16xf32>,
          %get3A_198 = vector.shape_cast %get3A_197 : vector<1x16xf32> to vector<16xf32>
          %add3A_199 = arith.addf %get3A_194, %get3A_198 : vector<16xf32>
          %max3A = arith.constant 0.000000e+00 : f32
          %max3A_200 = vector.broadcast %max3A : f32 to vector<16xf32>
          %max3A_201 = arith.maximumf %add3A_199, %max3A_200 : vector<16xf32>
          %mul3A_202 = arith.mulf %max3A_201, %get3A_190 : vector<16xf32>
          %swap3A = arith.index_cast %scan3A_186 : i32 to index
          %swap3A_203 = arith.constant 0 : index
          %swap3A_204 = tpu.vector_load %arg12[%swap3A, %swap3A_203] {strides = array<i32>} : memref<64x128xf32, #tpu.memory_space<vmem>>, vector<1x16xf32>,
          %swap3A_205 = vector.shape_cast %swap3A_204 : vector<1x16xf32> to vector<16xf32>
          %swap3A_206 = vector.shape_cast %mul3A_202 : vector<16xf32> to vector<1x16xf32>
          tpu.vector_store %arg12[%swap3A, %swap3A_203], %swap3A_206 {strides = array<i32>} : memref<64x128xf32, #tpu.memory_space<vmem>>, vector<1x16xf32>,
          %get3A_207 = arith.index_cast %scan3A_186 : i32 to index
          %get3A_208 = arith.constant 16 : index
          %get3A_209 = tpu.vector_load %arg11[%get3A_207, %get3A_208] {strides = array<i32>} : memref<64x128xf32, #tpu.memory_space<vmem>>, vector<1x16xf32>,
          %get3A_210 = vector.shape_cast %get3A_209 : vector<1x16xf32> to vector<16xf32>
          %get3A_211 = arith.index_cast %scan3A_186 : i32 to index
          %get3A_212 = arith.constant 16 : index
          %get3A_213 = tpu.vector_load %arg12[%get3A_211, %get3A_212] {strides = array<i32>} : memref<64x128xf32, #tpu.memory_space<vmem>>, vector<1x16xf32>,
          %get3A_214 = vector.shape_cast %get3A_213 : vector<1x16xf32> to vector<16xf32>
          %add3A_215 = arith.addf %get3A_210, %get3A_214 : vector<16xf32>
          %max3A_216 = arith.constant 0.000000e+00 : f32
          %max3A_217 = vector.broadcast %max3A_216 : f32 to vector<16xf32>
          %max3A_218 = arith.maximumf %add3A_215, %max3A_217 : vector<16xf32>
          %mul3A_219 = arith.mulf %max3A_218, %get3A_190 : vector<16xf32>
          %swap3A_220 = arith.index_cast %scan3A_186 : i32 to index
          %swap3A_221 = arith.constant 16 : index
          %swap3A_222 = tpu.vector_load %arg12[%swap3A_220, %swap3A_221] {strides = array<i32>} : memref<64x128xf32, #tpu.memory_space<vmem>>, vector<1x16xf32>,
          %swap3A_223 = vector.shape_cast %swap3A_222 : vector<1x16xf32> to vector<16xf32>
          %swap3A_224 = vector.shape_cast %mul3A_219 : vector<16xf32> to vector<1x16xf32>
          tpu.vector_store %arg12[%swap3A_220, %swap3A_221], %swap3A_224 {strides = array<i32>} : memref<64x128xf32, #tpu.memory_space<vmem>>, vector<1x16xf32>,
          %get3A_225 = arith.index_cast %scan3A_186 : i32 to index
          %get3A_226 = arith.constant 32 : index
          %get3A_227 = tpu.vector_load %arg11[%get3A_225, %get3A_226] {strides = array<i32>} : memref<64x128xf32, #tpu.memory_space<vmem>>, vector<1x16xf32>,
          %get3A_228 = vector.shape_cast %get3A_227 : vector<1x16xf32> to vector<16xf32>
          %get3A_229 = arith.index_cast %scan3A_186 : i32 to index
          %get3A_230 = arith.constant 32 : index
          %get3A_231 = tpu.vector_load %arg12[%get3A_229, %get3A_230] {strides = array<i32>} : memref<64x128xf32, #tpu.memory_space<vmem>>, vector<1x16xf32>,
          %get3A_232 = vector.shape_cast %get3A_231 : vector<1x16xf32> to vector<16xf32>
          %add3A_233 = arith.addf %get3A_228, %get3A_232 : vector<16xf32>
          %max3A_234 = arith.constant 0.000000e+00 : f32
          %max3A_235 = vector.broadcast %max3A_234 : f32 to vector<16xf32>
          %max3A_236 = arith.maximumf %add3A_233, %max3A_235 : vector<16xf32>
          %mul3A_237 = arith.mulf %max3A_236, %get3A_190 : vector<16xf32>
          %swap3A_238 = arith.index_cast %scan3A_186 : i32 to index
          %swap3A_239 = arith.constant 32 : index
          %swap3A_240 = tpu.vector_load %arg12[%swap3A_238, %swap3A_239] {strides = array<i32>} : memref<64x128xf32, #tpu.memory_space<vmem>>, vector<1x16xf32>,
          %swap3A_241 = vector.shape_cast %swap3A_240 : vector<1x16xf32> to vector<16xf32>
          %swap3A_242 = vector.shape_cast %mul3A_237 : vector<16xf32> to vector<1x16xf32>
          tpu.vector_store %arg12[%swap3A_238, %swap3A_239], %swap3A_242 {strides = array<i32>} : memref<64x128xf32, #tpu.memory_space<vmem>>, vector<1x16xf32>,
          %get3A_243 = arith.index_cast %scan3A_186 : i32 to index
          %get3A_244 = arith.constant 48 : index
          %get3A_245 = tpu.vector_load %arg11[%get3A_243, %get3A_244] {strides = array<i32>} : memref<64x128xf32, #tpu.memory_space<vmem>>, vector<1x16xf32>,
          %get3A_246 = vector.shape_cast %get3A_245 : vector<1x16xf32> to vector<16xf32>
          %get3A_247 = arith.index_cast %scan3A_186 : i32 to index
          %get3A_248 = arith.constant 48 : index
          %get3A_249 = tpu.vector_load %arg12[%get3A_247, %get3A_248] {strides = array<i32>} : memref<64x128xf32, #tpu.memory_space<vmem>>, vector<1x16xf32>,
          %get3A_250 = vector.shape_cast %get3A_249 : vector<1x16xf32> to vector<16xf32>
          %add3A_251 = arith.addf %get3A_246, %get3A_250 : vector<16xf32>
          %max3A_252 = arith.constant 0.000000e+00 : f32
          %max3A_253 = vector.broadcast %max3A_252 : f32 to vector<16xf32>
          %max3A_254 = arith.maximumf %add3A_251, %max3A_253 : vector<16xf32>
          %mul3A_255 = arith.mulf %max3A_254, %get3A_190 : vector<16xf32>
          %swap3A_256 = arith.index_cast %scan3A_186 : i32 to index
          %swap3A_257 = arith.constant 48 : index
          %swap3A_258 = tpu.vector_load %arg12[%swap3A_256, %swap3A_257] {strides = array<i32>} : memref<64x128xf32, #tpu.memory_space<vmem>>, vector<1x16xf32>,
          %swap3A_259 = vector.shape_cast %swap3A_258 : vector<1x16xf32> to vector<16xf32>
          %swap3A_260 = vector.shape_cast %mul3A_255 : vector<16xf32> to vector<1x16xf32>
          tpu.vector_store %arg12[%swap3A_256, %swap3A_257], %swap3A_260 {strides = array<i32>} : memref<64x128xf32, #tpu.memory_space<vmem>>, vector<1x16xf32>,
          %get3A_261 = arith.index_cast %scan3A_186 : i32 to index
          %get3A_262 = arith.constant 64 : index
          %get3A_263 = tpu.vector_load %arg11[%get3A_261, %get3A_262] {strides = array<i32>} : memref<64x128xf32, #tpu.memory_space<vmem>>, vector<1x16xf32>,
          %get3A_264 = vector.shape_cast %get3A_263 : vector<1x16xf32> to vector<16xf32>
          %get3A_265 = arith.index_cast %scan3A_186 : i32 to index
          %get3A_266 = arith.constant 64 : index
          %get3A_267 = tpu.vector_load %arg12[%get3A_265, %get3A_266] {strides = array<i32>} : memref<64x128xf32, #tpu.memory_space<vmem>>, vector<1x16xf32>,
          %get3A_268 = vector.shape_cast %get3A_267 : vector<1x16xf32> to vector<16xf32>
          %add3A_269 = arith.addf %get3A_264, %get3A_268 : vector<16xf32>
          %max3A_270 = arith.constant 0.000000e+00 : f32
          %max3A_271 = vector.broadcast %max3A_270 : f32 to vector<16xf32>
          %max3A_272 = arith.maximumf %add3A_269, %max3A_271 : vector<16xf32>
          %mul3A_273 = arith.mulf %max3A_272, %get3A_190 : vector<16xf32>
          %swap3A_274 = arith.index_cast %scan3A_186 : i32 to index
          %swap3A_275 = arith.constant 64 : index
          %swap3A_276 = tpu.vector_load %arg12[%swap3A_274, %swap3A_275] {strides = array<i32>} : memref<64x128xf32, #tpu.memory_space<vmem>>, vector<1x16xf32>,
          %swap3A_277 = vector.shape_cast %swap3A_276 : vector<1x16xf32> to vector<16xf32>
          %swap3A_278 = vector.shape_cast %mul3A_273 : vector<16xf32> to vector<1x16xf32>
          tpu.vector_store %arg12[%swap3A_274, %swap3A_275], %swap3A_278 {strides = array<i32>} : memref<64x128xf32, #tpu.memory_space<vmem>>, vector<1x16xf32>,
          %get3A_279 = arith.index_cast %scan3A_186 : i32 to index
          %get3A_280 = arith.constant 80 : index
          %get3A_281 = tpu.vector_load %arg11[%get3A_279, %get3A_280] {strides = array<i32>} : memref<64x128xf32, #tpu.memory_space<vmem>>, vector<1x16xf32>,
          %get3A_282 = vector.shape_cast %get3A_281 : vector<1x16xf32> to vector<16xf32>
          %get3A_283 = arith.index_cast %scan3A_186 : i32 to index
          %get3A_284 = arith.constant 80 : index
          %get3A_285 = tpu.vector_load %arg12[%get3A_283, %get3A_284] {strides = array<i32>} : memref<64x128xf32, #tpu.memory_space<vmem>>, vector<1x16xf32>,
          %get3A_286 = vector.shape_cast %get3A_285 : vector<1x16xf32> to vector<16xf32>
          %add3A_287 = arith.addf %get3A_282, %get3A_286 : vector<16xf32>
          %max3A_288 = arith.constant 0.000000e+00 : f32
          %max3A_289 = vector.broadcast %max3A_288 : f32 to vector<16xf32>
          %max3A_290 = arith.maximumf %add3A_287, %max3A_289 : vector<16xf32>
          %mul3A_291 = arith.mulf %max3A_290, %get3A_190 : vector<16xf32>
          %swap3A_292 = arith.index_cast %scan3A_186 : i32 to index
          %swap3A_293 = arith.constant 80 : index
          %swap3A_294 = tpu.vector_load %arg12[%swap3A_292, %swap3A_293] {strides = array<i32>} : memref<64x128xf32, #tpu.memory_space<vmem>>, vector<1x16xf32>,
          %swap3A_295 = vector.shape_cast %swap3A_294 : vector<1x16xf32> to vector<16xf32>
          %swap3A_296 = vector.shape_cast %mul3A_291 : vector<16xf32> to vector<1x16xf32>
          tpu.vector_store %arg12[%swap3A_292, %swap3A_293], %swap3A_296 {strides = array<i32>} : memref<64x128xf32, #tpu.memory_space<vmem>>, vector<1x16xf32>,
          %get3A_297 = arith.index_cast %scan3A_186 : i32 to index
          %get3A_298 = arith.constant 96 : index
          %get3A_299 = tpu.vector_load %arg11[%get3A_297, %get3A_298] {strides = array<i32>} : memref<64x128xf32, #tpu.memory_space<vmem>>, vector<1x16xf32>,
          %get3A_300 = vector.shape_cast %get3A_299 : vector<1x16xf32> to vector<16xf32>
          %get3A_301 = arith.index_cast %scan3A_186 : i32 to index
          %get3A_302 = arith.constant 96 : index
          %get3A_303 = tpu.vector_load %arg12[%get3A_301, %get3A_302] {strides = array<i32>} : memref<64x128xf32, #tpu.memory_space<vmem>>, vector<1x16xf32>,
          %get3A_304 = vector.shape_cast %get3A_303 : vector<1x16xf32> to vector<16xf32>
          %add3A_305 = arith.addf %get3A_300, %get3A_304 : vector<16xf32>
          %max3A_306 = arith.constant 0.000000e+00 : f32
          %max3A_307 = vector.broadcast %max3A_306 : f32 to vector<16xf32>
          %max3A_308 = arith.maximumf %add3A_305, %max3A_307 : vector<16xf32>
          %mul3A_309 = arith.mulf %max3A_308, %get3A_190 : vector<16xf32>
          %swap3A_310 = arith.index_cast %scan3A_186 : i32 to index
          %swap3A_311 = arith.constant 96 : index
          %swap3A_312 = tpu.vector_load %arg12[%swap3A_310, %swap3A_311] {strides = array<i32>} : memref<64x128xf32, #tpu.memory_space<vmem>>, vector<1x16xf32>,
          %swap3A_313 = vector.shape_cast %swap3A_312 : vector<1x16xf32> to vector<16xf32>
          %swap3A_314 = vector.shape_cast %mul3A_309 : vector<16xf32> to vector<1x16xf32>
          tpu.vector_store %arg12[%swap3A_310, %swap3A_311], %swap3A_314 {strides = array<i32>} : memref<64x128xf32, #tpu.memory_space<vmem>>, vector<1x16xf32>,
          %get3A_315 = arith.index_cast %scan3A_186 : i32 to index
          %get3A_316 = arith.constant 112 : index
          %get3A_317 = tpu.vector_load %arg11[%get3A_315, %get3A_316] {strides = array<i32>} : memref<64x128xf32, #tpu.memory_space<vmem>>, vector<1x16xf32>,
          %get3A_318 = vector.shape_cast %get3A_317 : vector<1x16xf32> to vector<16xf32>
          %get3A_319 = arith.index_cast %scan3A_186 : i32 to index
          %get3A_320 = arith.constant 112 : index
          %get3A_321 = tpu.vector_load %arg12[%get3A_319, %get3A_320] {strides = array<i32>} : memref<64x128xf32, #tpu.memory_space<vmem>>, vector<1x16xf32>,
          %get3A_322 = vector.shape_cast %get3A_321 : vector<1x16xf32> to vector<16xf32>
          %add3A_323 = arith.addf %get3A_318, %get3A_322 : vector<16xf32>
          %max3A_324 = arith.constant 0.000000e+00 : f32
          %max3A_325 = vector.broadcast %max3A_324 : f32 to vector<16xf32>
          %max3A_326 = arith.maximumf %add3A_323, %max3A_325 : vector<16xf32>
          %mul3A_327 = arith.mulf %max3A_326, %get3A_190 : vector<16xf32>
          %swap3A_328 = arith.index_cast %scan3A_186 : i32 to index
          %swap3A_329 = arith.constant 112 : index
          %swap3A_330 = tpu.vector_load %arg12[%swap3A_328, %swap3A_329] {strides = array<i32>} : memref<64x128xf32, #tpu.memory_space<vmem>>, vector<1x16xf32>,
          %swap3A_331 = vector.shape_cast %swap3A_330 : vector<1x16xf32> to vector<16xf32>
          %swap3A_332 = vector.shape_cast %mul3A_327 : vector<16xf32> to vector<1x16xf32>
          tpu.vector_store %arg12[%swap3A_328, %swap3A_329], %swap3A_332 {strides = array<i32>} : memref<64x128xf32, #tpu.memory_space<vmem>>, vector<1x16xf32>,
          %scan3A_333 = arith.constant 0 : i32
          scf.yield %scan3A_333 : i32
        }
        %scan3A_172 = arith.constant 64 : i32
        %dma_wait3A_173 = arith.constant 0 : i32
        %dma_wait3A_174 = tpu.memref_slice %arg5[%dma_wait3A_173] : memref<320000xi32, #tpu.memory_space<hbm>> -> memref<64xi32, #tpu.memory_space<hbm>>
        %dma_wait3A_175 = arith.constant 0 : i32
        %dma_wait3A_176 = tpu.memref_slice %arg5[%dma_wait3A_175] : memref<320000xi32, #tpu.memory_space<hbm>> -> memref<64xi32, #tpu.memory_space<hbm>>
        tpu.wait_dma2 semaphore(%arg24 : memref<!tpu.dma_semaphore, #tpu.memory_space<semaphore_mem>>) src(%dma_wait3A_176 : memref<64xi32, #tpu.memory_space<hbm>>) dst(%arg9 : memref<64xi32, #tpu.memory_space<vmem>>)
        %dma_start3A_177 = arith.constant 0 : i32
        %dma_start3A_178 = arith.constant 0 : i32
        %dma_start3A_179 = tpu.memref_slice %arg19[%dma_start3A_177, %dma_start3A_178] : memref<10000x128xf32, #tpu.memory_space<vmem_shared>> -> memref<10000x128xf32, #tpu.memory_space<vmem_shared>>
        tpu.enqueue_indirect_dma source(%arg12 : memref<64x128xf32, #tpu.memory_space<vmem>>) target(%dma_start3A_179 : memref<10000x128xf32, #tpu.memory_space<vmem_shared>>) offsets(%arg9 : memref<64xi32, #tpu.memory_space<vmem>>) semaphore(%arg26 : memref<!tpu.dma_semaphore, #tpu.memory_space<semaphore_mem>>) {add = true}
        %add3A_180 = arith.constant 2 : i32
        %add3A_181 = arith.addi %add3A_132, %add3A_180 : i32
        %lt3A_182 = arith.cmpi slt, %add3A_181, %select_n3A : i32
        %convert_element_type3A_183 = arith.extui %lt3A_182 : i1 to i32
        %cond3A_184 = arith.constant 0 : i32
        %cond3A_185 = arith.cmpi ne, %convert_element_type3A_183, %cond3A_184 : i32
        scf.if %cond3A_185 {
          %add3A_186 = arith.constant 2 : i32
          %add3A_187 = arith.addi %add3A_132, %add3A_186 : i32
          %mul3A_188 = arith.constant 16 : i32
          %mul3A_189 = arith.muli %add3A_187, %mul3A_188 : i32
          %add3A_190 = arith.addi %arg1, %mul3A_189 : i32
          %mul3A_191 = arith.constant 64 : i32
          %mul3A_192 = arith.muli %add3A_190, %mul3A_191 : i32
          %add3A_193 = arith.addi %mul3A_38, %mul3A_192 : i32
          %dma_start3A_194 = tpu.memref_slice %arg4[%add3A_193] : memref<320000xi32, #tpu.memory_space<hbm>> -> memref<64xi32, #tpu.memory_space<hbm>>
          %dma_start3A_195 = tpu.memref_slice %arg4[%add3A_193] : memref<320000xi32, #tpu.memory_space<hbm>> -> memref<64xi32, #tpu.memory_space<hbm>>
          tpu.enqueue_dma source(%dma_start3A_195 : memref<64xi32, #tpu.memory_space<hbm>>) target(%arg8 : memref<64xi32, #tpu.memory_space<vmem>>) target_semaphore(%arg20 : memref<!tpu.dma_semaphore, #tpu.memory_space<semaphore_mem>>)
        } else {
        }
      } else {
      }
      %mul3A_136 = arith.constant 2 : i32
      %mul3A_137 = arith.muli %while3A_127, %mul3A_136 : i32
      %add3A_138 = arith.constant 1 : i32
      %add3A_139 = arith.addi %mul3A_137, %add3A_138 : i32
      %lt3A_140 = arith.cmpi slt, %add3A_139, %select_n3A : i32
      %convert_element_type3A_141 = arith.extui %lt3A_140 : i1 to i32
      %cond3A_142 = arith.constant 0 : i32
      %cond3A_143 = arith.cmpi ne, %convert_element_type3A_141, %cond3A_142 : i32
      scf.if %cond3A_143 {
        %dma_wait3A_145 = arith.constant 0 : i32
        %dma_wait3A_146 = arith.constant 0 : i32
        %dma_wait3A_147 = tpu.memref_slice %arg2[%dma_wait3A_145, %dma_wait3A_146] : memref<10000x128xf32, #tpu.memory_space<hbm>> -> memref<10000x128xf32, #tpu.memory_space<hbm>>
        tpu.wait_indirect_dma semaphore(%arg23 : memref<!tpu.dma_semaphore, #tpu.memory_space<semaphore_mem>>) src(%dma_wait3A_147 : memref<10000x128xf32, #tpu.memory_space<hbm>>) dst(%arg16 : memref<64x128xf32, #tpu.memory_space<vmem>>)
        %add3A_148 = arith.constant 1 : i32
        %add3A_149 = arith.addi %add3A_139, %add3A_148 : i32
        %lt3A_150 = arith.cmpi slt, %add3A_149, %select_n3A : i32
        %convert_element_type3A_151 = arith.extui %lt3A_150 : i1 to i32
        %cond3A_152 = arith.constant 0 : i32
        %cond3A_153 = arith.cmpi ne, %convert_element_type3A_151, %cond3A_152 : i32
        scf.if %cond3A_153 {
          %dma_wait3A_186 = arith.constant 0 : i32
          %dma_wait3A_187 = tpu.memref_slice %arg4[%dma_wait3A_186] : memref<320000xi32, #tpu.memory_space<hbm>> -> memref<64xi32, #tpu.memory_space<hbm>>
          %dma_wait3A_188 = arith.constant 0 : i32
          %dma_wait3A_189 = tpu.memref_slice %arg4[%dma_wait3A_188] : memref<320000xi32, #tpu.memory_space<hbm>> -> memref<64xi32, #tpu.memory_space<hbm>>
          tpu.wait_dma2 semaphore(%arg20 : memref<!tpu.dma_semaphore, #tpu.memory_space<semaphore_mem>>) src(%dma_wait3A_189 : memref<64xi32, #tpu.memory_space<hbm>>) dst(%arg8 : memref<64xi32, #tpu.memory_space<vmem>>)
          %dma_start3A_190 = arith.constant 0 : i32
          %dma_start3A_191 = arith.constant 0 : i32
          %dma_start3A_192 = tpu.memref_slice %arg2[%dma_start3A_190, %dma_start3A_191] : memref<10000x128xf32, #tpu.memory_space<hbm>> -> memref<10000x128xf32, #tpu.memory_space<hbm>>
          tpu.enqueue_indirect_dma source(%dma_start3A_192 : memref<10000x128xf32, #tpu.memory_space<hbm>>) target(%arg11 : memref<64x128xf32, #tpu.memory_space<vmem>>) offsets(%arg8 : memref<64xi32, #tpu.memory_space<vmem>>) semaphore(%arg22 : memref<!tpu.dma_semaphore, #tpu.memory_space<semaphore_mem>>)
          %ge3A = arith.constant 1 : i32
          %ge3A_193 = arith.cmpi sge, %add3A_139, %ge3A : i32
          %convert_element_type3A_194 = arith.extui %ge3A_193 : i1 to i32
          %cond3A_195 = arith.constant 0 : i32
          %cond3A_196 = arith.cmpi ne, %convert_element_type3A_194, %cond3A_195 : i32
          scf.if %cond3A_196 {
            %dma_wait3A_223 = arith.constant 0 : i32
            %dma_wait3A_224 = arith.constant 0 : i32
            %dma_wait3A_225 = tpu.memref_slice %arg19[%dma_wait3A_223, %dma_wait3A_224] : memref<10000x128xf32, #tpu.memory_space<vmem_shared>> -> memref<10000x128xf32, #tpu.memory_space<vmem_shared>>
            tpu.wait_indirect_dma semaphore(%arg26 : memref<!tpu.dma_semaphore, #tpu.memory_space<semaphore_mem>>) src(%arg12 : memref<64x128xf32, #tpu.memory_space<vmem>>) dst(%dma_wait3A_225 : memref<10000x128xf32, #tpu.memory_space<vmem_shared>>)
          } else {
          }
          %add3A_197 = arith.constant 1 : i32
          %add3A_198 = arith.addi %add3A_139, %add3A_197 : i32
          %mul3A_199 = arith.constant 16 : i32
          %mul3A_200 = arith.muli %add3A_198, %mul3A_199 : i32
          %add3A_201 = arith.addi %arg1, %mul3A_200 : i32
          %mul3A_202 = arith.constant 64 : i32
          %mul3A_203 = arith.muli %add3A_201, %mul3A_202 : i32
          %add3A_204 = arith.addi %mul3A_38, %mul3A_203 : i32
          %dma_start3A_205 = tpu.memref_slice %arg5[%add3A_204] : memref<320000xi32, #tpu.memory_space<hbm>> -> memref<64xi32, #tpu.memory_space<hbm>>
          %dma_start3A_206 = tpu.memref_slice %arg5[%add3A_204] : memref<320000xi32, #tpu.memory_space<hbm>> -> memref<64xi32, #tpu.memory_space<hbm>>
          tpu.enqueue_dma source(%dma_start3A_206 : memref<64xi32, #tpu.memory_space<hbm>>) target(%arg9 : memref<64xi32, #tpu.memory_space<vmem>>) target_semaphore(%arg24 : memref<!tpu.dma_semaphore, #tpu.memory_space<semaphore_mem>>)
          %add3A_207 = arith.constant 1 : i32
          %add3A_208 = arith.addi %add3A_139, %add3A_207 : i32
          %mul3A_209 = arith.constant 16 : i32
          %mul3A_210 = arith.muli %add3A_208, %mul3A_209 : i32
          %add3A_211 = arith.addi %arg1, %mul3A_210 : i32
          %mul3A_212 = arith.constant 64 : i32
          %mul3A_213 = arith.muli %add3A_211, %mul3A_212 : i32
          %add3A_214 = arith.addi %mul3A_38, %mul3A_213 : i32
          %dma_start3A_215 = arith.constant 0 : i32
          %dma_start3A_216 = tpu.memref_slice %arg6[%add3A_214, %dma_start3A_215] : memref<320000x16xf32, #tpu.memory_space<hbm>> -> memref<64x16xf32, #tpu.memory_space<hbm>>
          %dma_start3A_217 = arith.constant 0 : i32
          %dma_start3A_218 = tpu.memref_slice %arg6[%add3A_214, %dma_start3A_217] : memref<320000x16xf32, #tpu.memory_space<hbm>> -> memref<64x16xf32, #tpu.memory_space<hbm>>
          tpu.enqueue_dma source(%dma_start3A_218 : memref<64x16xf32, #tpu.memory_space<hbm>>) target(%arg10 : memref<64x16xf32, #tpu.memory_space<vmem>>) target_semaphore(%arg28 : memref<!tpu.dma_semaphore, #tpu.memory_space<semaphore_mem>>)
          %dma_start3A_219 = arith.constant 0 : i32
          %dma_start3A_220 = tpu.memref_slice %arg3[%add3A_214, %dma_start3A_219] : memref<320000x128xf32, #tpu.memory_space<hbm>> -> memref<64x128xf32, #tpu.memory_space<hbm>>
          %dma_start3A_221 = arith.constant 0 : i32
          %dma_start3A_222 = tpu.memref_slice %arg3[%add3A_214, %dma_start3A_221] : memref<320000x128xf32, #tpu.memory_space<hbm>> -> memref<64x128xf32, #tpu.memory_space<hbm>>
          tpu.enqueue_dma source(%dma_start3A_222 : memref<64x128xf32, #tpu.memory_space<hbm>>) target(%arg12 : memref<64x128xf32, #tpu.memory_space<vmem>>) target_semaphore(%arg28 : memref<!tpu.dma_semaphore, #tpu.memory_space<semaphore_mem>>)
        } else {
        }
        %dma_wait3A_154 = arith.constant 0 : i32
        %dma_wait3A_155 = arith.constant 0 : i32
        %dma_wait3A_156 = tpu.memref_slice %arg6[%dma_wait3A_154, %dma_wait3A_155] : memref<320000x16xf32, #tpu.memory_space<hbm>> -> memref<64x16xf32, #tpu.memory_space<hbm>>
        %dma_wait3A_157 = arith.constant 0 : i32
        %dma_wait3A_158 = arith.constant 0 : i32
        %dma_wait3A_159 = tpu.memref_slice %arg6[%dma_wait3A_157, %dma_wait3A_158] : memref<320000x16xf32, #tpu.memory_space<hbm>> -> memref<64x16xf32, #tpu.memory_space<hbm>>
        tpu.wait_dma2 semaphore(%arg29 : memref<!tpu.dma_semaphore, #tpu.memory_space<semaphore_mem>>) src(%dma_wait3A_159 : memref<64x16xf32, #tpu.memory_space<hbm>>) dst(%arg15 : memref<64x16xf32, #tpu.memory_space<vmem>>)
        %dma_wait3A_160 = arith.constant 0 : i32
        %dma_wait3A_161 = arith.constant 0 : i32
        %dma_wait3A_162 = tpu.memref_slice %arg3[%dma_wait3A_160, %dma_wait3A_161] : memref<320000x128xf32, #tpu.memory_space<hbm>> -> memref<64x128xf32, #tpu.memory_space<hbm>>
        %dma_wait3A_163 = arith.constant 0 : i32
        %dma_wait3A_164 = arith.constant 0 : i32
        %dma_wait3A_165 = tpu.memref_slice %arg3[%dma_wait3A_163, %dma_wait3A_164] : memref<320000x128xf32, #tpu.memory_space<hbm>> -> memref<64x128xf32, #tpu.memory_space<hbm>>
        tpu.wait_dma2 semaphore(%arg29 : memref<!tpu.dma_semaphore, #tpu.memory_space<semaphore_mem>>) src(%dma_wait3A_165 : memref<64x128xf32, #tpu.memory_space<hbm>>) dst(%arg17 : memref<64x128xf32, #tpu.memory_space<vmem>>)
        %scan3A_166 = arith.constant 0 : i32
        %scan3A_167 = arith.constant 0 : i32
        %scan3A_168 = arith.constant 64 : i32
        %scan3A_169 = arith.addi %scan3A_167, %scan3A_168 : i32
        %scan3A_170 = arith.constant 1 : i32
        %scan3A_171 = scf.for %scan3A_186 = %scan3A_167 to %scan3A_169 step %scan3A_170 iter_args(%scan3A_187 = %scan3A_166) -> (i32)  : i32 {
          %get3A = arith.index_cast %scan3A_186 : i32 to index
          %get3A_188 = arith.constant 0 : index
          %get3A_189 = tpu.vector_load %arg15[%get3A, %get3A_188] {strides = array<i32>} : memref<64x16xf32, #tpu.memory_space<vmem>>, vector<1x16xf32>,
          %get3A_190 = vector.shape_cast %get3A_189 : vector<1x16xf32> to vector<16xf32>
          %get3A_191 = arith.index_cast %scan3A_186 : i32 to index
          %get3A_192 = arith.constant 0 : index
          %get3A_193 = tpu.vector_load %arg16[%get3A_191, %get3A_192] {strides = array<i32>} : memref<64x128xf32, #tpu.memory_space<vmem>>, vector<1x16xf32>,
          %get3A_194 = vector.shape_cast %get3A_193 : vector<1x16xf32> to vector<16xf32>
          %get3A_195 = arith.index_cast %scan3A_186 : i32 to index
          %get3A_196 = arith.constant 0 : index
          %get3A_197 = tpu.vector_load %arg17[%get3A_195, %get3A_196] {strides = array<i32>} : memref<64x128xf32, #tpu.memory_space<vmem>>, vector<1x16xf32>,
          %get3A_198 = vector.shape_cast %get3A_197 : vector<1x16xf32> to vector<16xf32>
          %add3A_199 = arith.addf %get3A_194, %get3A_198 : vector<16xf32>
          %max3A = arith.constant 0.000000e+00 : f32
          %max3A_200 = vector.broadcast %max3A : f32 to vector<16xf32>
          %max3A_201 = arith.maximumf %add3A_199, %max3A_200 : vector<16xf32>
          %mul3A_202 = arith.mulf %max3A_201, %get3A_190 : vector<16xf32>
          %swap3A = arith.index_cast %scan3A_186 : i32 to index
          %swap3A_203 = arith.constant 0 : index
          %swap3A_204 = tpu.vector_load %arg17[%swap3A, %swap3A_203] {strides = array<i32>} : memref<64x128xf32, #tpu.memory_space<vmem>>, vector<1x16xf32>,
          %swap3A_205 = vector.shape_cast %swap3A_204 : vector<1x16xf32> to vector<16xf32>
          %swap3A_206 = vector.shape_cast %mul3A_202 : vector<16xf32> to vector<1x16xf32>
          tpu.vector_store %arg17[%swap3A, %swap3A_203], %swap3A_206 {strides = array<i32>} : memref<64x128xf32, #tpu.memory_space<vmem>>, vector<1x16xf32>,
          %get3A_207 = arith.index_cast %scan3A_186 : i32 to index
          %get3A_208 = arith.constant 16 : index
          %get3A_209 = tpu.vector_load %arg16[%get3A_207, %get3A_208] {strides = array<i32>} : memref<64x128xf32, #tpu.memory_space<vmem>>, vector<1x16xf32>,
          %get3A_210 = vector.shape_cast %get3A_209 : vector<1x16xf32> to vector<16xf32>
          %get3A_211 = arith.index_cast %scan3A_186 : i32 to index
          %get3A_212 = arith.constant 16 : index
          %get3A_213 = tpu.vector_load %arg17[%get3A_211, %get3A_212] {strides = array<i32>} : memref<64x128xf32, #tpu.memory_space<vmem>>, vector<1x16xf32>,
          %get3A_214 = vector.shape_cast %get3A_213 : vector<1x16xf32> to vector<16xf32>
          %add3A_215 = arith.addf %get3A_210, %get3A_214 : vector<16xf32>
          %max3A_216 = arith.constant 0.000000e+00 : f32
          %max3A_217 = vector.broadcast %max3A_216 : f32 to vector<16xf32>
          %max3A_218 = arith.maximumf %add3A_215, %max3A_217 : vector<16xf32>
          %mul3A_219 = arith.mulf %max3A_218, %get3A_190 : vector<16xf32>
          %swap3A_220 = arith.index_cast %scan3A_186 : i32 to index
          %swap3A_221 = arith.constant 16 : index
          %swap3A_222 = tpu.vector_load %arg17[%swap3A_220, %swap3A_221] {strides = array<i32>} : memref<64x128xf32, #tpu.memory_space<vmem>>, vector<1x16xf32>,
          %swap3A_223 = vector.shape_cast %swap3A_222 : vector<1x16xf32> to vector<16xf32>
          %swap3A_224 = vector.shape_cast %mul3A_219 : vector<16xf32> to vector<1x16xf32>
          tpu.vector_store %arg17[%swap3A_220, %swap3A_221], %swap3A_224 {strides = array<i32>} : memref<64x128xf32, #tpu.memory_space<vmem>>, vector<1x16xf32>,
          %get3A_225 = arith.index_cast %scan3A_186 : i32 to index
          %get3A_226 = arith.constant 32 : index
          %get3A_227 = tpu.vector_load %arg16[%get3A_225, %get3A_226] {strides = array<i32>} : memref<64x128xf32, #tpu.memory_space<vmem>>, vector<1x16xf32>,
          %get3A_228 = vector.shape_cast %get3A_227 : vector<1x16xf32> to vector<16xf32>
          %get3A_229 = arith.index_cast %scan3A_186 : i32 to index
          %get3A_230 = arith.constant 32 : index
          %get3A_231 = tpu.vector_load %arg17[%get3A_229, %get3A_230] {strides = array<i32>} : memref<64x128xf32, #tpu.memory_space<vmem>>, vector<1x16xf32>,
          %get3A_232 = vector.shape_cast %get3A_231 : vector<1x16xf32> to vector<16xf32>
          %add3A_233 = arith.addf %get3A_228, %get3A_232 : vector<16xf32>
          %max3A_234 = arith.constant 0.000000e+00 : f32
          %max3A_235 = vector.broadcast %max3A_234 : f32 to vector<16xf32>
          %max3A_236 = arith.maximumf %add3A_233, %max3A_235 : vector<16xf32>
          %mul3A_237 = arith.mulf %max3A_236, %get3A_190 : vector<16xf32>
          %swap3A_238 = arith.index_cast %scan3A_186 : i32 to index
          %swap3A_239 = arith.constant 32 : index
          %swap3A_240 = tpu.vector_load %arg17[%swap3A_238, %swap3A_239] {strides = array<i32>} : memref<64x128xf32, #tpu.memory_space<vmem>>, vector<1x16xf32>,
          %swap3A_241 = vector.shape_cast %swap3A_240 : vector<1x16xf32> to vector<16xf32>
          %swap3A_242 = vector.shape_cast %mul3A_237 : vector<16xf32> to vector<1x16xf32>
          tpu.vector_store %arg17[%swap3A_238, %swap3A_239], %swap3A_242 {strides = array<i32>} : memref<64x128xf32, #tpu.memory_space<vmem>>, vector<1x16xf32>,
          %get3A_243 = arith.index_cast %scan3A_186 : i32 to index
          %get3A_244 = arith.constant 48 : index
          %get3A_245 = tpu.vector_load %arg16[%get3A_243, %get3A_244] {strides = array<i32>} : memref<64x128xf32, #tpu.memory_space<vmem>>, vector<1x16xf32>,
          %get3A_246 = vector.shape_cast %get3A_245 : vector<1x16xf32> to vector<16xf32>
          %get3A_247 = arith.index_cast %scan3A_186 : i32 to index
          %get3A_248 = arith.constant 48 : index
          %get3A_249 = tpu.vector_load %arg17[%get3A_247, %get3A_248] {strides = array<i32>} : memref<64x128xf32, #tpu.memory_space<vmem>>, vector<1x16xf32>,
          %get3A_250 = vector.shape_cast %get3A_249 : vector<1x16xf32> to vector<16xf32>
          %add3A_251 = arith.addf %get3A_246, %get3A_250 : vector<16xf32>
          %max3A_252 = arith.constant 0.000000e+00 : f32
          %max3A_253 = vector.broadcast %max3A_252 : f32 to vector<16xf32>
          %max3A_254 = arith.maximumf %add3A_251, %max3A_253 : vector<16xf32>
          %mul3A_255 = arith.mulf %max3A_254, %get3A_190 : vector<16xf32>
          %swap3A_256 = arith.index_cast %scan3A_186 : i32 to index
          %swap3A_257 = arith.constant 48 : index
          %swap3A_258 = tpu.vector_load %arg17[%swap3A_256, %swap3A_257] {strides = array<i32>} : memref<64x128xf32, #tpu.memory_space<vmem>>, vector<1x16xf32>,
          %swap3A_259 = vector.shape_cast %swap3A_258 : vector<1x16xf32> to vector<16xf32>
          %swap3A_260 = vector.shape_cast %mul3A_255 : vector<16xf32> to vector<1x16xf32>
          tpu.vector_store %arg17[%swap3A_256, %swap3A_257], %swap3A_260 {strides = array<i32>} : memref<64x128xf32, #tpu.memory_space<vmem>>, vector<1x16xf32>,
          %get3A_261 = arith.index_cast %scan3A_186 : i32 to index
          %get3A_262 = arith.constant 64 : index
          %get3A_263 = tpu.vector_load %arg16[%get3A_261, %get3A_262] {strides = array<i32>} : memref<64x128xf32, #tpu.memory_space<vmem>>, vector<1x16xf32>,
          %get3A_264 = vector.shape_cast %get3A_263 : vector<1x16xf32> to vector<16xf32>
          %get3A_265 = arith.index_cast %scan3A_186 : i32 to index
          %get3A_266 = arith.constant 64 : index
          %get3A_267 = tpu.vector_load %arg17[%get3A_265, %get3A_266] {strides = array<i32>} : memref<64x128xf32, #tpu.memory_space<vmem>>, vector<1x16xf32>,
          %get3A_268 = vector.shape_cast %get3A_267 : vector<1x16xf32> to vector<16xf32>
          %add3A_269 = arith.addf %get3A_264, %get3A_268 : vector<16xf32>
          %max3A_270 = arith.constant 0.000000e+00 : f32
          %max3A_271 = vector.broadcast %max3A_270 : f32 to vector<16xf32>
          %max3A_272 = arith.maximumf %add3A_269, %max3A_271 : vector<16xf32>
          %mul3A_273 = arith.mulf %max3A_272, %get3A_190 : vector<16xf32>
          %swap3A_274 = arith.index_cast %scan3A_186 : i32 to index
          %swap3A_275 = arith.constant 64 : index
          %swap3A_276 = tpu.vector_load %arg17[%swap3A_274, %swap3A_275] {strides = array<i32>} : memref<64x128xf32, #tpu.memory_space<vmem>>, vector<1x16xf32>,
          %swap3A_277 = vector.shape_cast %swap3A_276 : vector<1x16xf32> to vector<16xf32>
          %swap3A_278 = vector.shape_cast %mul3A_273 : vector<16xf32> to vector<1x16xf32>
          tpu.vector_store %arg17[%swap3A_274, %swap3A_275], %swap3A_278 {strides = array<i32>} : memref<64x128xf32, #tpu.memory_space<vmem>>, vector<1x16xf32>,
          %get3A_279 = arith.index_cast %scan3A_186 : i32 to index
          %get3A_280 = arith.constant 80 : index
          %get3A_281 = tpu.vector_load %arg16[%get3A_279, %get3A_280] {strides = array<i32>} : memref<64x128xf32, #tpu.memory_space<vmem>>, vector<1x16xf32>,
          %get3A_282 = vector.shape_cast %get3A_281 : vector<1x16xf32> to vector<16xf32>
          %get3A_283 = arith.index_cast %scan3A_186 : i32 to index
          %get3A_284 = arith.constant 80 : index
          %get3A_285 = tpu.vector_load %arg17[%get3A_283, %get3A_284] {strides = array<i32>} : memref<64x128xf32, #tpu.memory_space<vmem>>, vector<1x16xf32>,
          %get3A_286 = vector.shape_cast %get3A_285 : vector<1x16xf32> to vector<16xf32>
          %add3A_287 = arith.addf %get3A_282, %get3A_286 : vector<16xf32>
          %max3A_288 = arith.constant 0.000000e+00 : f32
          %max3A_289 = vector.broadcast %max3A_288 : f32 to vector<16xf32>
          %max3A_290 = arith.maximumf %add3A_287, %max3A_289 : vector<16xf32>
          %mul3A_291 = arith.mulf %max3A_290, %get3A_190 : vector<16xf32>
          %swap3A_292 = arith.index_cast %scan3A_186 : i32 to index
          %swap3A_293 = arith.constant 80 : index
          %swap3A_294 = tpu.vector_load %arg17[%swap3A_292, %swap3A_293] {strides = array<i32>} : memref<64x128xf32, #tpu.memory_space<vmem>>, vector<1x16xf32>,
          %swap3A_295 = vector.shape_cast %swap3A_294 : vector<1x16xf32> to vector<16xf32>
          %swap3A_296 = vector.shape_cast %mul3A_291 : vector<16xf32> to vector<1x16xf32>
          tpu.vector_store %arg17[%swap3A_292, %swap3A_293], %swap3A_296 {strides = array<i32>} : memref<64x128xf32, #tpu.memory_space<vmem>>, vector<1x16xf32>,
          %get3A_297 = arith.index_cast %scan3A_186 : i32 to index
          %get3A_298 = arith.constant 96 : index
          %get3A_299 = tpu.vector_load %arg16[%get3A_297, %get3A_298] {strides = array<i32>} : memref<64x128xf32, #tpu.memory_space<vmem>>, vector<1x16xf32>,
          %get3A_300 = vector.shape_cast %get3A_299 : vector<1x16xf32> to vector<16xf32>
          %get3A_301 = arith.index_cast %scan3A_186 : i32 to index
          %get3A_302 = arith.constant 96 : index
          %get3A_303 = tpu.vector_load %arg17[%get3A_301, %get3A_302] {strides = array<i32>} : memref<64x128xf32, #tpu.memory_space<vmem>>, vector<1x16xf32>,
          %get3A_304 = vector.shape_cast %get3A_303 : vector<1x16xf32> to vector<16xf32>
          %add3A_305 = arith.addf %get3A_300, %get3A_304 : vector<16xf32>
          %max3A_306 = arith.constant 0.000000e+00 : f32
          %max3A_307 = vector.broadcast %max3A_306 : f32 to vector<16xf32>
          %max3A_308 = arith.maximumf %add3A_305, %max3A_307 : vector<16xf32>
          %mul3A_309 = arith.mulf %max3A_308, %get3A_190 : vector<16xf32>
          %swap3A_310 = arith.index_cast %scan3A_186 : i32 to index
          %swap3A_311 = arith.constant 96 : index
          %swap3A_312 = tpu.vector_load %arg17[%swap3A_310, %swap3A_311] {strides = array<i32>} : memref<64x128xf32, #tpu.memory_space<vmem>>, vector<1x16xf32>,
          %swap3A_313 = vector.shape_cast %swap3A_312 : vector<1x16xf32> to vector<16xf32>
          %swap3A_314 = vector.shape_cast %mul3A_309 : vector<16xf32> to vector<1x16xf32>
          tpu.vector_store %arg17[%swap3A_310, %swap3A_311], %swap3A_314 {strides = array<i32>} : memref<64x128xf32, #tpu.memory_space<vmem>>, vector<1x16xf32>,
          %get3A_315 = arith.index_cast %scan3A_186 : i32 to index
          %get3A_316 = arith.constant 112 : index
          %get3A_317 = tpu.vector_load %arg16[%get3A_315, %get3A_316] {strides = array<i32>} : memref<64x128xf32, #tpu.memory_space<vmem>>, vector<1x16xf32>,
          %get3A_318 = vector.shape_cast %get3A_317 : vector<1x16xf32> to vector<16xf32>
          %get3A_319 = arith.index_cast %scan3A_186 : i32 to index
          %get3A_320 = arith.constant 112 : index
          %get3A_321 = tpu.vector_load %arg17[%get3A_319, %get3A_320] {strides = array<i32>} : memref<64x128xf32, #tpu.memory_space<vmem>>, vector<1x16xf32>,
          %get3A_322 = vector.shape_cast %get3A_321 : vector<1x16xf32> to vector<16xf32>
          %add3A_323 = arith.addf %get3A_318, %get3A_322 : vector<16xf32>
          %max3A_324 = arith.constant 0.000000e+00 : f32
          %max3A_325 = vector.broadcast %max3A_324 : f32 to vector<16xf32>
          %max3A_326 = arith.maximumf %add3A_323, %max3A_325 : vector<16xf32>
          %mul3A_327 = arith.mulf %max3A_326, %get3A_190 : vector<16xf32>
          %swap3A_328 = arith.index_cast %scan3A_186 : i32 to index
          %swap3A_329 = arith.constant 112 : index
          %swap3A_330 = tpu.vector_load %arg17[%swap3A_328, %swap3A_329] {strides = array<i32>} : memref<64x128xf32, #tpu.memory_space<vmem>>, vector<1x16xf32>,
          %swap3A_331 = vector.shape_cast %swap3A_330 : vector<1x16xf32> to vector<16xf32>
          %swap3A_332 = vector.shape_cast %mul3A_327 : vector<16xf32> to vector<1x16xf32>
          tpu.vector_store %arg17[%swap3A_328, %swap3A_329], %swap3A_332 {strides = array<i32>} : memref<64x128xf32, #tpu.memory_space<vmem>>, vector<1x16xf32>,
          %scan3A_333 = arith.constant 0 : i32
          scf.yield %scan3A_333 : i32
        }
        %scan3A_172 = arith.constant 64 : i32
        %dma_wait3A_173 = arith.constant 0 : i32
        %dma_wait3A_174 = tpu.memref_slice %arg5[%dma_wait3A_173] : memref<320000xi32, #tpu.memory_space<hbm>> -> memref<64xi32, #tpu.memory_space<hbm>>
        %dma_wait3A_175 = arith.constant 0 : i32
        %dma_wait3A_176 = tpu.memref_slice %arg5[%dma_wait3A_175] : memref<320000xi32, #tpu.memory_space<hbm>> -> memref<64xi32, #tpu.memory_space<hbm>>
        tpu.wait_dma2 semaphore(%arg25 : memref<!tpu.dma_semaphore, #tpu.memory_space<semaphore_mem>>) src(%dma_wait3A_176 : memref<64xi32, #tpu.memory_space<hbm>>) dst(%arg14 : memref<64xi32, #tpu.memory_space<vmem>>)
        %dma_start3A_177 = arith.constant 0 : i32
        %dma_start3A_178 = arith.constant 0 : i32
        %dma_start3A_179 = tpu.memref_slice %arg19[%dma_start3A_177, %dma_start3A_178] : memref<10000x128xf32, #tpu.memory_space<vmem_shared>> -> memref<10000x128xf32, #tpu.memory_space<vmem_shared>>
        tpu.enqueue_indirect_dma source(%arg17 : memref<64x128xf32, #tpu.memory_space<vmem>>) target(%dma_start3A_179 : memref<10000x128xf32, #tpu.memory_space<vmem_shared>>) offsets(%arg14 : memref<64xi32, #tpu.memory_space<vmem>>) semaphore(%arg27 : memref<!tpu.dma_semaphore, #tpu.memory_space<semaphore_mem>>) {add = true}
        %add3A_180 = arith.constant 2 : i32
        %add3A_181 = arith.addi %add3A_139, %add3A_180 : i32
        %lt3A_182 = arith.cmpi slt, %add3A_181, %select_n3A : i32
        %convert_element_type3A_183 = arith.extui %lt3A_182 : i1 to i32
        %cond3A_184 = arith.constant 0 : i32
        %cond3A_185 = arith.cmpi ne, %convert_element_type3A_183, %cond3A_184 : i32
        scf.if %cond3A_185 {
          %add3A_186 = arith.constant 2 : i32
          %add3A_187 = arith.addi %add3A_139, %add3A_186 : i32
          %mul3A_188 = arith.constant 16 : i32
          %mul3A_189 = arith.muli %add3A_187, %mul3A_188 : i32
          %add3A_190 = arith.addi %arg1, %mul3A_189 : i32
          %mul3A_191 = arith.constant 64 : i32
          %mul3A_192 = arith.muli %add3A_190, %mul3A_191 : i32
          %add3A_193 = arith.addi %mul3A_38, %mul3A_192 : i32
          %dma_start3A_194 = tpu.memref_slice %arg4[%add3A_193] : memref<320000xi32, #tpu.memory_space<hbm>> -> memref<64xi32, #tpu.memory_space<hbm>>
          %dma_start3A_195 = tpu.memref_slice %arg4[%add3A_193] : memref<320000xi32, #tpu.memory_space<hbm>> -> memref<64xi32, #tpu.memory_space<hbm>>
          tpu.enqueue_dma source(%dma_start3A_195 : memref<64xi32, #tpu.memory_space<hbm>>) target(%arg13 : memref<64xi32, #tpu.memory_space<vmem>>) target_semaphore(%arg21 : memref<!tpu.dma_semaphore, #tpu.memory_space<semaphore_mem>>)
        } else {
        }
      } else {
      }
      %while3A_144 = arith.constant 0 : i32
      scf.yield %while3A_144 : i32
    }
    %while3A_113 = arith.constant 1 : i32
    %while3A_114 = scf.for %while3A_127 = %while3A_110 to %while3A_106 step %while3A_113 iter_args(%while3A_128 = %while3A_112) -> (i32)  : i32 {
      %mul3A_129 = arith.constant 2 : i32
      %mul3A_130 = arith.muli %while3A_127, %mul3A_129 : i32
      %add3A_131 = arith.constant 0 : i32
      %add3A_132 = arith.addi %mul3A_130, %add3A_131 : i32
      %lt3A = arith.cmpi slt, %add3A_132, %select_n3A : i32
      %convert_element_type3A_133 = arith.extui %lt3A : i1 to i32
      %cond3A_134 = arith.constant 0 : i32
      %cond3A_135 = arith.cmpi ne, %convert_element_type3A_133, %cond3A_134 : i32
      scf.if %cond3A_135 {
        %dma_wait3A_145 = arith.constant 0 : i32
        %dma_wait3A_146 = arith.constant 0 : i32
        %dma_wait3A_147 = tpu.memref_slice %arg2[%dma_wait3A_145, %dma_wait3A_146] : memref<10000x128xf32, #tpu.memory_space<hbm>> -> memref<10000x128xf32, #tpu.memory_space<hbm>>
        tpu.wait_indirect_dma semaphore(%arg22 : memref<!tpu.dma_semaphore, #tpu.memory_space<semaphore_mem>>) src(%dma_wait3A_147 : memref<10000x128xf32, #tpu.memory_space<hbm>>) dst(%arg11 : memref<64x128xf32, #tpu.memory_space<vmem>>)
        %add3A_148 = arith.constant 1 : i32
        %add3A_149 = arith.addi %add3A_132, %add3A_148 : i32
        %lt3A_150 = arith.cmpi slt, %add3A_149, %select_n3A : i32
        %convert_element_type3A_151 = arith.extui %lt3A_150 : i1 to i32
        %cond3A_152 = arith.constant 0 : i32
        %cond3A_153 = arith.cmpi ne, %convert_element_type3A_151, %cond3A_152 : i32
        scf.if %cond3A_153 {
          %dma_wait3A_186 = arith.constant 0 : i32
          %dma_wait3A_187 = tpu.memref_slice %arg4[%dma_wait3A_186] : memref<320000xi32, #tpu.memory_space<hbm>> -> memref<64xi32, #tpu.memory_space<hbm>>
          %dma_wait3A_188 = arith.constant 0 : i32
          %dma_wait3A_189 = tpu.memref_slice %arg4[%dma_wait3A_188] : memref<320000xi32, #tpu.memory_space<hbm>> -> memref<64xi32, #tpu.memory_space<hbm>>
          tpu.wait_dma2 semaphore(%arg21 : memref<!tpu.dma_semaphore, #tpu.memory_space<semaphore_mem>>) src(%dma_wait3A_189 : memref<64xi32, #tpu.memory_space<hbm>>) dst(%arg13 : memref<64xi32, #tpu.memory_space<vmem>>)
          %dma_start3A_190 = arith.constant 0 : i32
          %dma_start3A_191 = arith.constant 0 : i32
          %dma_start3A_192 = tpu.memref_slice %arg2[%dma_start3A_190, %dma_start3A_191] : memref<10000x128xf32, #tpu.memory_space<hbm>> -> memref<10000x128xf32, #tpu.memory_space<hbm>>
          tpu.enqueue_indirect_dma source(%dma_start3A_192 : memref<10000x128xf32, #tpu.memory_space<hbm>>) target(%arg16 : memref<64x128xf32, #tpu.memory_space<vmem>>) offsets(%arg13 : memref<64xi32, #tpu.memory_space<vmem>>) semaphore(%arg23 : memref<!tpu.dma_semaphore, #tpu.memory_space<semaphore_mem>>)
          %ge3A = arith.constant 1 : i32
          %ge3A_193 = arith.cmpi sge, %add3A_132, %ge3A : i32
          %convert_element_type3A_194 = arith.extui %ge3A_193 : i1 to i32
          %cond3A_195 = arith.constant 0 : i32
          %cond3A_196 = arith.cmpi ne, %convert_element_type3A_194, %cond3A_195 : i32
          scf.if %cond3A_196 {
            %dma_wait3A_223 = arith.constant 0 : i32
            %dma_wait3A_224 = arith.constant 0 : i32
            %dma_wait3A_225 = tpu.memref_slice %arg19[%dma_wait3A_223, %dma_wait3A_224] : memref<10000x128xf32, #tpu.memory_space<vmem_shared>> -> memref<10000x128xf32, #tpu.memory_space<vmem_shared>>
            tpu.wait_indirect_dma semaphore(%arg27 : memref<!tpu.dma_semaphore, #tpu.memory_space<semaphore_mem>>) src(%arg17 : memref<64x128xf32, #tpu.memory_space<vmem>>) dst(%dma_wait3A_225 : memref<10000x128xf32, #tpu.memory_space<vmem_shared>>)
          } else {
          }
          %add3A_197 = arith.constant 1 : i32
          %add3A_198 = arith.addi %add3A_132, %add3A_197 : i32
          %mul3A_199 = arith.constant 16 : i32
          %mul3A_200 = arith.muli %add3A_198, %mul3A_199 : i32
          %add3A_201 = arith.addi %arg1, %mul3A_200 : i32
          %mul3A_202 = arith.constant 64 : i32
          %mul3A_203 = arith.muli %add3A_201, %mul3A_202 : i32
          %add3A_204 = arith.addi %mul3A_38, %mul3A_203 : i32
          %dma_start3A_205 = tpu.memref_slice %arg5[%add3A_204] : memref<320000xi32, #tpu.memory_space<hbm>> -> memref<64xi32, #tpu.memory_space<hbm>>
          %dma_start3A_206 = tpu.memref_slice %arg5[%add3A_204] : memref<320000xi32, #tpu.memory_space<hbm>> -> memref<64xi32, #tpu.memory_space<hbm>>
          tpu.enqueue_dma source(%dma_start3A_206 : memref<64xi32, #tpu.memory_space<hbm>>) target(%arg14 : memref<64xi32, #tpu.memory_space<vmem>>) target_semaphore(%arg25 : memref<!tpu.dma_semaphore, #tpu.memory_space<semaphore_mem>>)
          %add3A_207 = arith.constant 1 : i32
          %add3A_208 = arith.addi %add3A_132, %add3A_207 : i32
          %mul3A_209 = arith.constant 16 : i32
          %mul3A_210 = arith.muli %add3A_208, %mul3A_209 : i32
          %add3A_211 = arith.addi %arg1, %mul3A_210 : i32
          %mul3A_212 = arith.constant 64 : i32
          %mul3A_213 = arith.muli %add3A_211, %mul3A_212 : i32
          %add3A_214 = arith.addi %mul3A_38, %mul3A_213 : i32
          %dma_start3A_215 = arith.constant 0 : i32
          %dma_start3A_216 = tpu.memref_slice %arg6[%add3A_214, %dma_start3A_215] : memref<320000x16xf32, #tpu.memory_space<hbm>> -> memref<64x16xf32, #tpu.memory_space<hbm>>
          %dma_start3A_217 = arith.constant 0 : i32
          %dma_start3A_218 = tpu.memref_slice %arg6[%add3A_214, %dma_start3A_217] : memref<320000x16xf32, #tpu.memory_space<hbm>> -> memref<64x16xf32, #tpu.memory_space<hbm>>
          tpu.enqueue_dma source(%dma_start3A_218 : memref<64x16xf32, #tpu.memory_space<hbm>>) target(%arg15 : memref<64x16xf32, #tpu.memory_space<vmem>>) target_semaphore(%arg29 : memref<!tpu.dma_semaphore, #tpu.memory_space<semaphore_mem>>)
          %dma_start3A_219 = arith.constant 0 : i32
          %dma_start3A_220 = tpu.memref_slice %arg3[%add3A_214, %dma_start3A_219] : memref<320000x128xf32, #tpu.memory_space<hbm>> -> memref<64x128xf32, #tpu.memory_space<hbm>>
          %dma_start3A_221 = arith.constant 0 : i32
          %dma_start3A_222 = tpu.memref_slice %arg3[%add3A_214, %dma_start3A_221] : memref<320000x128xf32, #tpu.memory_space<hbm>> -> memref<64x128xf32, #tpu.memory_space<hbm>>
          tpu.enqueue_dma source(%dma_start3A_222 : memref<64x128xf32, #tpu.memory_space<hbm>>) target(%arg17 : memref<64x128xf32, #tpu.memory_space<vmem>>) target_semaphore(%arg29 : memref<!tpu.dma_semaphore, #tpu.memory_space<semaphore_mem>>)
        } else {
        }
        %dma_wait3A_154 = arith.constant 0 : i32
        %dma_wait3A_155 = arith.constant 0 : i32
        %dma_wait3A_156 = tpu.memref_slice %arg6[%dma_wait3A_154, %dma_wait3A_155] : memref<320000x16xf32, #tpu.memory_space<hbm>> -> memref<64x16xf32, #tpu.memory_space<hbm>>
        %dma_wait3A_157 = arith.constant 0 : i32
        %dma_wait3A_158 = arith.constant 0 : i32
        %dma_wait3A_159 = tpu.memref_slice %arg6[%dma_wait3A_157, %dma_wait3A_158] : memref<320000x16xf32, #tpu.memory_space<hbm>> -> memref<64x16xf32, #tpu.memory_space<hbm>>
        tpu.wait_dma2 semaphore(%arg28 : memref<!tpu.dma_semaphore, #tpu.memory_space<semaphore_mem>>) src(%dma_wait3A_159 : memref<64x16xf32, #tpu.memory_space<hbm>>) dst(%arg10 : memref<64x16xf32, #tpu.memory_space<vmem>>)
        %dma_wait3A_160 = arith.constant 0 : i32
        %dma_wait3A_161 = arith.constant 0 : i32
        %dma_wait3A_162 = tpu.memref_slice %arg3[%dma_wait3A_160, %dma_wait3A_161] : memref<320000x128xf32, #tpu.memory_space<hbm>> -> memref<64x128xf32, #tpu.memory_space<hbm>>
        %dma_wait3A_163 = arith.constant 0 : i32
        %dma_wait3A_164 = arith.constant 0 : i32
        %dma_wait3A_165 = tpu.memref_slice %arg3[%dma_wait3A_163, %dma_wait3A_164] : memref<320000x128xf32, #tpu.memory_space<hbm>> -> memref<64x128xf32, #tpu.memory_space<hbm>>
        tpu.wait_dma2 semaphore(%arg28 : memref<!tpu.dma_semaphore, #tpu.memory_space<semaphore_mem>>) src(%dma_wait3A_165 : memref<64x128xf32, #tpu.memory_space<hbm>>) dst(%arg12 : memref<64x128xf32, #tpu.memory_space<vmem>>)
        %scan3A_166 = arith.constant 0 : i32
        %scan3A_167 = arith.constant 0 : i32
        %scan3A_168 = arith.constant 64 : i32
        %scan3A_169 = arith.addi %scan3A_167, %scan3A_168 : i32
        %scan3A_170 = arith.constant 1 : i32
        %scan3A_171 = scf.for %scan3A_186 = %scan3A_167 to %scan3A_169 step %scan3A_170 iter_args(%scan3A_187 = %scan3A_166) -> (i32)  : i32 {
          %get3A = arith.index_cast %scan3A_186 : i32 to index
          %get3A_188 = arith.constant 0 : index
          %get3A_189 = tpu.vector_load %arg10[%get3A, %get3A_188] {strides = array<i32>} : memref<64x16xf32, #tpu.memory_space<vmem>>, vector<1x16xf32>,
          %get3A_190 = vector.shape_cast %get3A_189 : vector<1x16xf32> to vector<16xf32>
          %get3A_191 = arith.index_cast %scan3A_186 : i32 to index
          %get3A_192 = arith.constant 0 : index
          %get3A_193 = tpu.vector_load %arg11[%get3A_191, %get3A_192] {strides = array<i32>} : memref<64x128xf32, #tpu.memory_space<vmem>>, vector<1x16xf32>,
          %get3A_194 = vector.shape_cast %get3A_193 : vector<1x16xf32> to vector<16xf32>
          %get3A_195 = arith.index_cast %scan3A_186 : i32 to index
          %get3A_196 = arith.constant 0 : index
          %get3A_197 = tpu.vector_load %arg12[%get3A_195, %get3A_196] {strides = array<i32>} : memref<64x128xf32, #tpu.memory_space<vmem>>, vector<1x16xf32>,
          %get3A_198 = vector.shape_cast %get3A_197 : vector<1x16xf32> to vector<16xf32>
          %add3A_199 = arith.addf %get3A_194, %get3A_198 : vector<16xf32>
          %max3A = arith.constant 0.000000e+00 : f32
          %max3A_200 = vector.broadcast %max3A : f32 to vector<16xf32>
          %max3A_201 = arith.maximumf %add3A_199, %max3A_200 : vector<16xf32>
          %mul3A_202 = arith.mulf %max3A_201, %get3A_190 : vector<16xf32>
          %swap3A = arith.index_cast %scan3A_186 : i32 to index
          %swap3A_203 = arith.constant 0 : index
          %swap3A_204 = tpu.vector_load %arg12[%swap3A, %swap3A_203] {strides = array<i32>} : memref<64x128xf32, #tpu.memory_space<vmem>>, vector<1x16xf32>,
          %swap3A_205 = vector.shape_cast %swap3A_204 : vector<1x16xf32> to vector<16xf32>
          %swap3A_206 = vector.shape_cast %mul3A_202 : vector<16xf32> to vector<1x16xf32>
          tpu.vector_store %arg12[%swap3A, %swap3A_203], %swap3A_206 {strides = array<i32>} : memref<64x128xf32, #tpu.memory_space<vmem>>, vector<1x16xf32>,
          %get3A_207 = arith.index_cast %scan3A_186 : i32 to index
          %get3A_208 = arith.constant 16 : index
          %get3A_209 = tpu.vector_load %arg11[%get3A_207, %get3A_208] {strides = array<i32>} : memref<64x128xf32, #tpu.memory_space<vmem>>, vector<1x16xf32>,
          %get3A_210 = vector.shape_cast %get3A_209 : vector<1x16xf32> to vector<16xf32>
          %get3A_211 = arith.index_cast %scan3A_186 : i32 to index
          %get3A_212 = arith.constant 16 : index
          %get3A_213 = tpu.vector_load %arg12[%get3A_211, %get3A_212] {strides = array<i32>} : memref<64x128xf32, #tpu.memory_space<vmem>>, vector<1x16xf32>,
          %get3A_214 = vector.shape_cast %get3A_213 : vector<1x16xf32> to vector<16xf32>
          %add3A_215 = arith.addf %get3A_210, %get3A_214 : vector<16xf32>
          %max3A_216 = arith.constant 0.000000e+00 : f32
          %max3A_217 = vector.broadcast %max3A_216 : f32 to vector<16xf32>
          %max3A_218 = arith.maximumf %add3A_215, %max3A_217 : vector<16xf32>
          %mul3A_219 = arith.mulf %max3A_218, %get3A_190 : vector<16xf32>
          %swap3A_220 = arith.index_cast %scan3A_186 : i32 to index
          %swap3A_221 = arith.constant 16 : index
          %swap3A_222 = tpu.vector_load %arg12[%swap3A_220, %swap3A_221] {strides = array<i32>} : memref<64x128xf32, #tpu.memory_space<vmem>>, vector<1x16xf32>,
          %swap3A_223 = vector.shape_cast %swap3A_222 : vector<1x16xf32> to vector<16xf32>
          %swap3A_224 = vector.shape_cast %mul3A_219 : vector<16xf32> to vector<1x16xf32>
          tpu.vector_store %arg12[%swap3A_220, %swap3A_221], %swap3A_224 {strides = array<i32>} : memref<64x128xf32, #tpu.memory_space<vmem>>, vector<1x16xf32>,
          %get3A_225 = arith.index_cast %scan3A_186 : i32 to index
          %get3A_226 = arith.constant 32 : index
          %get3A_227 = tpu.vector_load %arg11[%get3A_225, %get3A_226] {strides = array<i32>} : memref<64x128xf32, #tpu.memory_space<vmem>>, vector<1x16xf32>,
          %get3A_228 = vector.shape_cast %get3A_227 : vector<1x16xf32> to vector<16xf32>
          %get3A_229 = arith.index_cast %scan3A_186 : i32 to index
          %get3A_230 = arith.constant 32 : index
          %get3A_231 = tpu.vector_load %arg12[%get3A_229, %get3A_230] {strides = array<i32>} : memref<64x128xf32, #tpu.memory_space<vmem>>, vector<1x16xf32>,
          %get3A_232 = vector.shape_cast %get3A_231 : vector<1x16xf32> to vector<16xf32>
          %add3A_233 = arith.addf %get3A_228, %get3A_232 : vector<16xf32>
          %max3A_234 = arith.constant 0.000000e+00 : f32
          %max3A_235 = vector.broadcast %max3A_234 : f32 to vector<16xf32>
          %max3A_236 = arith.maximumf %add3A_233, %max3A_235 : vector<16xf32>
          %mul3A_237 = arith.mulf %max3A_236, %get3A_190 : vector<16xf32>
          %swap3A_238 = arith.index_cast %scan3A_186 : i32 to index
          %swap3A_239 = arith.constant 32 : index
          %swap3A_240 = tpu.vector_load %arg12[%swap3A_238, %swap3A_239] {strides = array<i32>} : memref<64x128xf32, #tpu.memory_space<vmem>>, vector<1x16xf32>,
          %swap3A_241 = vector.shape_cast %swap3A_240 : vector<1x16xf32> to vector<16xf32>
          %swap3A_242 = vector.shape_cast %mul3A_237 : vector<16xf32> to vector<1x16xf32>
          tpu.vector_store %arg12[%swap3A_238, %swap3A_239], %swap3A_242 {strides = array<i32>} : memref<64x128xf32, #tpu.memory_space<vmem>>, vector<1x16xf32>,
          %get3A_243 = arith.index_cast %scan3A_186 : i32 to index
          %get3A_244 = arith.constant 48 : index
          %get3A_245 = tpu.vector_load %arg11[%get3A_243, %get3A_244] {strides = array<i32>} : memref<64x128xf32, #tpu.memory_space<vmem>>, vector<1x16xf32>,
          %get3A_246 = vector.shape_cast %get3A_245 : vector<1x16xf32> to vector<16xf32>
          %get3A_247 = arith.index_cast %scan3A_186 : i32 to index
          %get3A_248 = arith.constant 48 : index
          %get3A_249 = tpu.vector_load %arg12[%get3A_247, %get3A_248] {strides = array<i32>} : memref<64x128xf32, #tpu.memory_space<vmem>>, vector<1x16xf32>,
          %get3A_250 = vector.shape_cast %get3A_249 : vector<1x16xf32> to vector<16xf32>
          %add3A_251 = arith.addf %get3A_246, %get3A_250 : vector<16xf32>
          %max3A_252 = arith.constant 0.000000e+00 : f32
          %max3A_253 = vector.broadcast %max3A_252 : f32 to vector<16xf32>
          %max3A_254 = arith.maximumf %add3A_251, %max3A_253 : vector<16xf32>
          %mul3A_255 = arith.mulf %max3A_254, %get3A_190 : vector<16xf32>
          %swap3A_256 = arith.index_cast %scan3A_186 : i32 to index
          %swap3A_257 = arith.constant 48 : index
          %swap3A_258 = tpu.vector_load %arg12[%swap3A_256, %swap3A_257] {strides = array<i32>} : memref<64x128xf32, #tpu.memory_space<vmem>>, vector<1x16xf32>,
          %swap3A_259 = vector.shape_cast %swap3A_258 : vector<1x16xf32> to vector<16xf32>
          %swap3A_260 = vector.shape_cast %mul3A_255 : vector<16xf32> to vector<1x16xf32>
          tpu.vector_store %arg12[%swap3A_256, %swap3A_257], %swap3A_260 {strides = array<i32>} : memref<64x128xf32, #tpu.memory_space<vmem>>, vector<1x16xf32>,
          %get3A_261 = arith.index_cast %scan3A_186 : i32 to index
          %get3A_262 = arith.constant 64 : index
          %get3A_263 = tpu.vector_load %arg11[%get3A_261, %get3A_262] {strides = array<i32>} : memref<64x128xf32, #tpu.memory_space<vmem>>, vector<1x16xf32>,
          %get3A_264 = vector.shape_cast %get3A_263 : vector<1x16xf32> to vector<16xf32>
          %get3A_265 = arith.index_cast %scan3A_186 : i32 to index
          %get3A_266 = arith.constant 64 : index
          %get3A_267 = tpu.vector_load %arg12[%get3A_265, %get3A_266] {strides = array<i32>} : memref<64x128xf32, #tpu.memory_space<vmem>>, vector<1x16xf32>,
          %get3A_268 = vector.shape_cast %get3A_267 : vector<1x16xf32> to vector<16xf32>
          %add3A_269 = arith.addf %get3A_264, %get3A_268 : vector<16xf32>
          %max3A_270 = arith.constant 0.000000e+00 : f32
          %max3A_271 = vector.broadcast %max3A_270 : f32 to vector<16xf32>
          %max3A_272 = arith.maximumf %add3A_269, %max3A_271 : vector<16xf32>
          %mul3A_273 = arith.mulf %max3A_272, %get3A_190 : vector<16xf32>
          %swap3A_274 = arith.index_cast %scan3A_186 : i32 to index
          %swap3A_275 = arith.constant 64 : index
          %swap3A_276 = tpu.vector_load %arg12[%swap3A_274, %swap3A_275] {strides = array<i32>} : memref<64x128xf32, #tpu.memory_space<vmem>>, vector<1x16xf32>,
          %swap3A_277 = vector.shape_cast %swap3A_276 : vector<1x16xf32> to vector<16xf32>
          %swap3A_278 = vector.shape_cast %mul3A_273 : vector<16xf32> to vector<1x16xf32>
          tpu.vector_store %arg12[%swap3A_274, %swap3A_275], %swap3A_278 {strides = array<i32>} : memref<64x128xf32, #tpu.memory_space<vmem>>, vector<1x16xf32>,
          %get3A_279 = arith.index_cast %scan3A_186 : i32 to index
          %get3A_280 = arith.constant 80 : index
          %get3A_281 = tpu.vector_load %arg11[%get3A_279, %get3A_280] {strides = array<i32>} : memref<64x128xf32, #tpu.memory_space<vmem>>, vector<1x16xf32>,
          %get3A_282 = vector.shape_cast %get3A_281 : vector<1x16xf32> to vector<16xf32>
          %get3A_283 = arith.index_cast %scan3A_186 : i32 to index
          %get3A_284 = arith.constant 80 : index
          %get3A_285 = tpu.vector_load %arg12[%get3A_283, %get3A_284] {strides = array<i32>} : memref<64x128xf32, #tpu.memory_space<vmem>>, vector<1x16xf32>,
          %get3A_286 = vector.shape_cast %get3A_285 : vector<1x16xf32> to vector<16xf32>
          %add3A_287 = arith.addf %get3A_282, %get3A_286 : vector<16xf32>
          %max3A_288 = arith.constant 0.000000e+00 : f32
          %max3A_289 = vector.broadcast %max3A_288 : f32 to vector<16xf32>
          %max3A_290 = arith.maximumf %add3A_287, %max3A_289 : vector<16xf32>
          %mul3A_291 = arith.mulf %max3A_290, %get3A_190 : vector<16xf32>
          %swap3A_292 = arith.index_cast %scan3A_186 : i32 to index
          %swap3A_293 = arith.constant 80 : index
          %swap3A_294 = tpu.vector_load %arg12[%swap3A_292, %swap3A_293] {strides = array<i32>} : memref<64x128xf32, #tpu.memory_space<vmem>>, vector<1x16xf32>,
          %swap3A_295 = vector.shape_cast %swap3A_294 : vector<1x16xf32> to vector<16xf32>
          %swap3A_296 = vector.shape_cast %mul3A_291 : vector<16xf32> to vector<1x16xf32>
          tpu.vector_store %arg12[%swap3A_292, %swap3A_293], %swap3A_296 {strides = array<i32>} : memref<64x128xf32, #tpu.memory_space<vmem>>, vector<1x16xf32>,
          %get3A_297 = arith.index_cast %scan3A_186 : i32 to index
          %get3A_298 = arith.constant 96 : index
          %get3A_299 = tpu.vector_load %arg11[%get3A_297, %get3A_298] {strides = array<i32>} : memref<64x128xf32, #tpu.memory_space<vmem>>, vector<1x16xf32>,
          %get3A_300 = vector.shape_cast %get3A_299 : vector<1x16xf32> to vector<16xf32>
          %get3A_301 = arith.index_cast %scan3A_186 : i32 to index
          %get3A_302 = arith.constant 96 : index
          %get3A_303 = tpu.vector_load %arg12[%get3A_301, %get3A_302] {strides = array<i32>} : memref<64x128xf32, #tpu.memory_space<vmem>>, vector<1x16xf32>,
          %get3A_304 = vector.shape_cast %get3A_303 : vector<1x16xf32> to vector<16xf32>
          %add3A_305 = arith.addf %get3A_300, %get3A_304 : vector<16xf32>
          %max3A_306 = arith.constant 0.000000e+00 : f32
          %max3A_307 = vector.broadcast %max3A_306 : f32 to vector<16xf32>
          %max3A_308 = arith.maximumf %add3A_305, %max3A_307 : vector<16xf32>
          %mul3A_309 = arith.mulf %max3A_308, %get3A_190 : vector<16xf32>
          %swap3A_310 = arith.index_cast %scan3A_186 : i32 to index
          %swap3A_311 = arith.constant 96 : index
          %swap3A_312 = tpu.vector_load %arg12[%swap3A_310, %swap3A_311] {strides = array<i32>} : memref<64x128xf32, #tpu.memory_space<vmem>>, vector<1x16xf32>,
          %swap3A_313 = vector.shape_cast %swap3A_312 : vector<1x16xf32> to vector<16xf32>
          %swap3A_314 = vector.shape_cast %mul3A_309 : vector<16xf32> to vector<1x16xf32>
          tpu.vector_store %arg12[%swap3A_310, %swap3A_311], %swap3A_314 {strides = array<i32>} : memref<64x128xf32, #tpu.memory_space<vmem>>, vector<1x16xf32>,
          %get3A_315 = arith.index_cast %scan3A_186 : i32 to index
          %get3A_316 = arith.constant 112 : index
          %get3A_317 = tpu.vector_load %arg11[%get3A_315, %get3A_316] {strides = array<i32>} : memref<64x128xf32, #tpu.memory_space<vmem>>, vector<1x16xf32>,
          %get3A_318 = vector.shape_cast %get3A_317 : vector<1x16xf32> to vector<16xf32>
          %get3A_319 = arith.index_cast %scan3A_186 : i32 to index
          %get3A_320 = arith.constant 112 : index
          %get3A_321 = tpu.vector_load %arg12[%get3A_319, %get3A_320] {strides = array<i32>} : memref<64x128xf32, #tpu.memory_space<vmem>>, vector<1x16xf32>,
          %get3A_322 = vector.shape_cast %get3A_321 : vector<1x16xf32> to vector<16xf32>
          %add3A_323 = arith.addf %get3A_318, %get3A_322 : vector<16xf32>
          %max3A_324 = arith.constant 0.000000e+00 : f32
          %max3A_325 = vector.broadcast %max3A_324 : f32 to vector<16xf32>
          %max3A_326 = arith.maximumf %add3A_323, %max3A_325 : vector<16xf32>
          %mul3A_327 = arith.mulf %max3A_326, %get3A_190 : vector<16xf32>
          %swap3A_328 = arith.index_cast %scan3A_186 : i32 to index
          %swap3A_329 = arith.constant 112 : index
          %swap3A_330 = tpu.vector_load %arg12[%swap3A_328, %swap3A_329] {strides = array<i32>} : memref<64x128xf32, #tpu.memory_space<vmem>>, vector<1x16xf32>,
          %swap3A_331 = vector.shape_cast %swap3A_330 : vector<1x16xf32> to vector<16xf32>
          %swap3A_332 = vector.shape_cast %mul3A_327 : vector<16xf32> to vector<1x16xf32>
          tpu.vector_store %arg12[%swap3A_328, %swap3A_329], %swap3A_332 {strides = array<i32>} : memref<64x128xf32, #tpu.memory_space<vmem>>, vector<1x16xf32>,
          %scan3A_333 = arith.constant 0 : i32
          scf.yield %scan3A_333 : i32
        }
        %scan3A_172 = arith.constant 64 : i32
        %dma_wait3A_173 = arith.constant 0 : i32
        %dma_wait3A_174 = tpu.memref_slice %arg5[%dma_wait3A_173] : memref<320000xi32, #tpu.memory_space<hbm>> -> memref<64xi32, #tpu.memory_space<hbm>>
        %dma_wait3A_175 = arith.constant 0 : i32
        %dma_wait3A_176 = tpu.memref_slice %arg5[%dma_wait3A_175] : memref<320000xi32, #tpu.memory_space<hbm>> -> memref<64xi32, #tpu.memory_space<hbm>>
        tpu.wait_dma2 semaphore(%arg24 : memref<!tpu.dma_semaphore, #tpu.memory_space<semaphore_mem>>) src(%dma_wait3A_176 : memref<64xi32, #tpu.memory_space<hbm>>) dst(%arg9 : memref<64xi32, #tpu.memory_space<vmem>>)
        %dma_start3A_177 = arith.constant 0 : i32
        %dma_start3A_178 = arith.constant 0 : i32
        %dma_start3A_179 = tpu.memref_slice %arg19[%dma_start3A_177, %dma_start3A_178] : memref<10000x128xf32, #tpu.memory_space<vmem_shared>> -> memref<10000x128xf32, #tpu.memory_space<vmem_shared>>
        tpu.enqueue_indirect_dma source(%arg12 : memref<64x128xf32, #tpu.memory_space<vmem>>) target(%dma_start3A_179 : memref<10000x128xf32, #tpu.memory_space<vmem_shared>>) offsets(%arg9 : memref<64xi32, #tpu.memory_space<vmem>>) semaphore(%arg26 : memref<!tpu.dma_semaphore, #tpu.memory_space<semaphore_mem>>) {add = true}
        %add3A_180 = arith.constant 2 : i32
        %add3A_181 = arith.addi %add3A_132, %add3A_180 : i32
        %lt3A_182 = arith.cmpi slt, %add3A_181, %select_n3A : i32
        %convert_element_type3A_183 = arith.extui %lt3A_182 : i1 to i32
        %cond3A_184 = arith.constant 0 : i32
        %cond3A_185 = arith.cmpi ne, %convert_element_type3A_183, %cond3A_184 : i32
        scf.if %cond3A_185 {
          %add3A_186 = arith.constant 2 : i32
          %add3A_187 = arith.addi %add3A_132, %add3A_186 : i32
          %mul3A_188 = arith.constant 16 : i32
          %mul3A_189 = arith.muli %add3A_187, %mul3A_188 : i32
          %add3A_190 = arith.addi %arg1, %mul3A_189 : i32
          %mul3A_191 = arith.constant 64 : i32
          %mul3A_192 = arith.muli %add3A_190, %mul3A_191 : i32
          %add3A_193 = arith.addi %mul3A_38, %mul3A_192 : i32
          %dma_start3A_194 = tpu.memref_slice %arg4[%add3A_193] : memref<320000xi32, #tpu.memory_space<hbm>> -> memref<64xi32, #tpu.memory_space<hbm>>
          %dma_start3A_195 = tpu.memref_slice %arg4[%add3A_193] : memref<320000xi32, #tpu.memory_space<hbm>> -> memref<64xi32, #tpu.memory_space<hbm>>
          tpu.enqueue_dma source(%dma_start3A_195 : memref<64xi32, #tpu.memory_space<hbm>>) target(%arg8 : memref<64xi32, #tpu.memory_space<vmem>>) target_semaphore(%arg20 : memref<!tpu.dma_semaphore, #tpu.memory_space<semaphore_mem>>)
        } else {
        }
      } else {
      }
      %mul3A_136 = arith.constant 2 : i32
      %mul3A_137 = arith.muli %while3A_127, %mul3A_136 : i32
      %add3A_138 = arith.constant 1 : i32
      %add3A_139 = arith.addi %mul3A_137, %add3A_138 : i32
      %lt3A_140 = arith.cmpi slt, %add3A_139, %select_n3A : i32
      %convert_element_type3A_141 = arith.extui %lt3A_140 : i1 to i32
      %cond3A_142 = arith.constant 0 : i32
      %cond3A_143 = arith.cmpi ne, %convert_element_type3A_141, %cond3A_142 : i32
      scf.if %cond3A_143 {
        %dma_wait3A_145 = arith.constant 0 : i32
        %dma_wait3A_146 = arith.constant 0 : i32
        %dma_wait3A_147 = tpu.memref_slice %arg2[%dma_wait3A_145, %dma_wait3A_146] : memref<10000x128xf32, #tpu.memory_space<hbm>> -> memref<10000x128xf32, #tpu.memory_space<hbm>>
        tpu.wait_indirect_dma semaphore(%arg23 : memref<!tpu.dma_semaphore, #tpu.memory_space<semaphore_mem>>) src(%dma_wait3A_147 : memref<10000x128xf32, #tpu.memory_space<hbm>>) dst(%arg16 : memref<64x128xf32, #tpu.memory_space<vmem>>)
        %add3A_148 = arith.constant 1 : i32
        %add3A_149 = arith.addi %add3A_139, %add3A_148 : i32
        %lt3A_150 = arith.cmpi slt, %add3A_149, %select_n3A : i32
        %convert_element_type3A_151 = arith.extui %lt3A_150 : i1 to i32
        %cond3A_152 = arith.constant 0 : i32
        %cond3A_153 = arith.cmpi ne, %convert_element_type3A_151, %cond3A_152 : i32
        scf.if %cond3A_153 {
          %dma_wait3A_186 = arith.constant 0 : i32
          %dma_wait3A_187 = tpu.memref_slice %arg4[%dma_wait3A_186] : memref<320000xi32, #tpu.memory_space<hbm>> -> memref<64xi32, #tpu.memory_space<hbm>>
          %dma_wait3A_188 = arith.constant 0 : i32
          %dma_wait3A_189 = tpu.memref_slice %arg4[%dma_wait3A_188] : memref<320000xi32, #tpu.memory_space<hbm>> -> memref<64xi32, #tpu.memory_space<hbm>>
          tpu.wait_dma2 semaphore(%arg20 : memref<!tpu.dma_semaphore, #tpu.memory_space<semaphore_mem>>) src(%dma_wait3A_189 : memref<64xi32, #tpu.memory_space<hbm>>) dst(%arg8 : memref<64xi32, #tpu.memory_space<vmem>>)
          %dma_start3A_190 = arith.constant 0 : i32
          %dma_start3A_191 = arith.constant 0 : i32
          %dma_start3A_192 = tpu.memref_slice %arg2[%dma_start3A_190, %dma_start3A_191] : memref<10000x128xf32, #tpu.memory_space<hbm>> -> memref<10000x128xf32, #tpu.memory_space<hbm>>
          tpu.enqueue_indirect_dma source(%dma_start3A_192 : memref<10000x128xf32, #tpu.memory_space<hbm>>) target(%arg11 : memref<64x128xf32, #tpu.memory_space<vmem>>) offsets(%arg8 : memref<64xi32, #tpu.memory_space<vmem>>) semaphore(%arg22 : memref<!tpu.dma_semaphore, #tpu.memory_space<semaphore_mem>>)
          %ge3A = arith.constant 1 : i32
          %ge3A_193 = arith.cmpi sge, %add3A_139, %ge3A : i32
          %convert_element_type3A_194 = arith.extui %ge3A_193 : i1 to i32
          %cond3A_195 = arith.constant 0 : i32
          %cond3A_196 = arith.cmpi ne, %convert_element_type3A_194, %cond3A_195 : i32
          scf.if %cond3A_196 {
            %dma_wait3A_223 = arith.constant 0 : i32
            %dma_wait3A_224 = arith.constant 0 : i32
            %dma_wait3A_225 = tpu.memref_slice %arg19[%dma_wait3A_223, %dma_wait3A_224] : memref<10000x128xf32, #tpu.memory_space<vmem_shared>> -> memref<10000x128xf32, #tpu.memory_space<vmem_shared>>
            tpu.wait_indirect_dma semaphore(%arg26 : memref<!tpu.dma_semaphore, #tpu.memory_space<semaphore_mem>>) src(%arg12 : memref<64x128xf32, #tpu.memory_space<vmem>>) dst(%dma_wait3A_225 : memref<10000x128xf32, #tpu.memory_space<vmem_shared>>)
          } else {
          }
          %add3A_197 = arith.constant 1 : i32
          %add3A_198 = arith.addi %add3A_139, %add3A_197 : i32
          %mul3A_199 = arith.constant 16 : i32
          %mul3A_200 = arith.muli %add3A_198, %mul3A_199 : i32
          %add3A_201 = arith.addi %arg1, %mul3A_200 : i32
          %mul3A_202 = arith.constant 64 : i32
          %mul3A_203 = arith.muli %add3A_201, %mul3A_202 : i32
          %add3A_204 = arith.addi %mul3A_38, %mul3A_203 : i32
          %dma_start3A_205 = tpu.memref_slice %arg5[%add3A_204] : memref<320000xi32, #tpu.memory_space<hbm>> -> memref<64xi32, #tpu.memory_space<hbm>>
          %dma_start3A_206 = tpu.memref_slice %arg5[%add3A_204] : memref<320000xi32, #tpu.memory_space<hbm>> -> memref<64xi32, #tpu.memory_space<hbm>>
          tpu.enqueue_dma source(%dma_start3A_206 : memref<64xi32, #tpu.memory_space<hbm>>) target(%arg9 : memref<64xi32, #tpu.memory_space<vmem>>) target_semaphore(%arg24 : memref<!tpu.dma_semaphore, #tpu.memory_space<semaphore_mem>>)
          %add3A_207 = arith.constant 1 : i32
          %add3A_208 = arith.addi %add3A_139, %add3A_207 : i32
          %mul3A_209 = arith.constant 16 : i32
          %mul3A_210 = arith.muli %add3A_208, %mul3A_209 : i32
          %add3A_211 = arith.addi %arg1, %mul3A_210 : i32
          %mul3A_212 = arith.constant 64 : i32
          %mul3A_213 = arith.muli %add3A_211, %mul3A_212 : i32
          %add3A_214 = arith.addi %mul3A_38, %mul3A_213 : i32
          %dma_start3A_215 = arith.constant 0 : i32
          %dma_start3A_216 = tpu.memref_slice %arg6[%add3A_214, %dma_start3A_215] : memref<320000x16xf32, #tpu.memory_space<hbm>> -> memref<64x16xf32, #tpu.memory_space<hbm>>
          %dma_start3A_217 = arith.constant 0 : i32
          %dma_start3A_218 = tpu.memref_slice %arg6[%add3A_214, %dma_start3A_217] : memref<320000x16xf32, #tpu.memory_space<hbm>> -> memref<64x16xf32, #tpu.memory_space<hbm>>
          tpu.enqueue_dma source(%dma_start3A_218 : memref<64x16xf32, #tpu.memory_space<hbm>>) target(%arg10 : memref<64x16xf32, #tpu.memory_space<vmem>>) target_semaphore(%arg28 : memref<!tpu.dma_semaphore, #tpu.memory_space<semaphore_mem>>)
          %dma_start3A_219 = arith.constant 0 : i32
          %dma_start3A_220 = tpu.memref_slice %arg3[%add3A_214, %dma_start3A_219] : memref<320000x128xf32, #tpu.memory_space<hbm>> -> memref<64x128xf32, #tpu.memory_space<hbm>>
          %dma_start3A_221 = arith.constant 0 : i32
          %dma_start3A_222 = tpu.memref_slice %arg3[%add3A_214, %dma_start3A_221] : memref<320000x128xf32, #tpu.memory_space<hbm>> -> memref<64x128xf32, #tpu.memory_space<hbm>>
          tpu.enqueue_dma source(%dma_start3A_222 : memref<64x128xf32, #tpu.memory_space<hbm>>) target(%arg12 : memref<64x128xf32, #tpu.memory_space<vmem>>) target_semaphore(%arg28 : memref<!tpu.dma_semaphore, #tpu.memory_space<semaphore_mem>>)
        } else {
        }
        %dma_wait3A_154 = arith.constant 0 : i32
        %dma_wait3A_155 = arith.constant 0 : i32
        %dma_wait3A_156 = tpu.memref_slice %arg6[%dma_wait3A_154, %dma_wait3A_155] : memref<320000x16xf32, #tpu.memory_space<hbm>> -> memref<64x16xf32, #tpu.memory_space<hbm>>
        %dma_wait3A_157 = arith.constant 0 : i32
        %dma_wait3A_158 = arith.constant 0 : i32
        %dma_wait3A_159 = tpu.memref_slice %arg6[%dma_wait3A_157, %dma_wait3A_158] : memref<320000x16xf32, #tpu.memory_space<hbm>> -> memref<64x16xf32, #tpu.memory_space<hbm>>
        tpu.wait_dma2 semaphore(%arg29 : memref<!tpu.dma_semaphore, #tpu.memory_space<semaphore_mem>>) src(%dma_wait3A_159 : memref<64x16xf32, #tpu.memory_space<hbm>>) dst(%arg15 : memref<64x16xf32, #tpu.memory_space<vmem>>)
        %dma_wait3A_160 = arith.constant 0 : i32
        %dma_wait3A_161 = arith.constant 0 : i32
        %dma_wait3A_162 = tpu.memref_slice %arg3[%dma_wait3A_160, %dma_wait3A_161] : memref<320000x128xf32, #tpu.memory_space<hbm>> -> memref<64x128xf32, #tpu.memory_space<hbm>>
        %dma_wait3A_163 = arith.constant 0 : i32
        %dma_wait3A_164 = arith.constant 0 : i32
        %dma_wait3A_165 = tpu.memref_slice %arg3[%dma_wait3A_163, %dma_wait3A_164] : memref<320000x128xf32, #tpu.memory_space<hbm>> -> memref<64x128xf32, #tpu.memory_space<hbm>>
        tpu.wait_dma2 semaphore(%arg29 : memref<!tpu.dma_semaphore, #tpu.memory_space<semaphore_mem>>) src(%dma_wait3A_165 : memref<64x128xf32, #tpu.memory_space<hbm>>) dst(%arg17 : memref<64x128xf32, #tpu.memory_space<vmem>>)
        %scan3A_166 = arith.constant 0 : i32
        %scan3A_167 = arith.constant 0 : i32
        %scan3A_168 = arith.constant 64 : i32
        %scan3A_169 = arith.addi %scan3A_167, %scan3A_168 : i32
        %scan3A_170 = arith.constant 1 : i32
        %scan3A_171 = scf.for %scan3A_186 = %scan3A_167 to %scan3A_169 step %scan3A_170 iter_args(%scan3A_187 = %scan3A_166) -> (i32)  : i32 {
          %get3A = arith.index_cast %scan3A_186 : i32 to index
          %get3A_188 = arith.constant 0 : index
          %get3A_189 = tpu.vector_load %arg15[%get3A, %get3A_188] {strides = array<i32>} : memref<64x16xf32, #tpu.memory_space<vmem>>, vector<1x16xf32>,
          %get3A_190 = vector.shape_cast %get3A_189 : vector<1x16xf32> to vector<16xf32>
          %get3A_191 = arith.index_cast %scan3A_186 : i32 to index
          %get3A_192 = arith.constant 0 : index
          %get3A_193 = tpu.vector_load %arg16[%get3A_191, %get3A_192] {strides = array<i32>} : memref<64x128xf32, #tpu.memory_space<vmem>>, vector<1x16xf32>,
          %get3A_194 = vector.shape_cast %get3A_193 : vector<1x16xf32> to vector<16xf32>
          %get3A_195 = arith.index_cast %scan3A_186 : i32 to index
          %get3A_196 = arith.constant 0 : index
          %get3A_197 = tpu.vector_load %arg17[%get3A_195, %get3A_196] {strides = array<i32>} : memref<64x128xf32, #tpu.memory_space<vmem>>, vector<1x16xf32>,
          %get3A_198 = vector.shape_cast %get3A_197 : vector<1x16xf32> to vector<16xf32>
          %add3A_199 = arith.addf %get3A_194, %get3A_198 : vector<16xf32>
          %max3A = arith.constant 0.000000e+00 : f32
          %max3A_200 = vector.broadcast %max3A : f32 to vector<16xf32>
          %max3A_201 = arith.maximumf %add3A_199, %max3A_200 : vector<16xf32>
          %mul3A_202 = arith.mulf %max3A_201, %get3A_190 : vector<16xf32>
          %swap3A = arith.index_cast %scan3A_186 : i32 to index
          %swap3A_203 = arith.constant 0 : index
          %swap3A_204 = tpu.vector_load %arg17[%swap3A, %swap3A_203] {strides = array<i32>} : memref<64x128xf32, #tpu.memory_space<vmem>>, vector<1x16xf32>,
          %swap3A_205 = vector.shape_cast %swap3A_204 : vector<1x16xf32> to vector<16xf32>
          %swap3A_206 = vector.shape_cast %mul3A_202 : vector<16xf32> to vector<1x16xf32>
          tpu.vector_store %arg17[%swap3A, %swap3A_203], %swap3A_206 {strides = array<i32>} : memref<64x128xf32, #tpu.memory_space<vmem>>, vector<1x16xf32>,
          %get3A_207 = arith.index_cast %scan3A_186 : i32 to index
          %get3A_208 = arith.constant 16 : index
          %get3A_209 = tpu.vector_load %arg16[%get3A_207, %get3A_208] {strides = array<i32>} : memref<64x128xf32, #tpu.memory_space<vmem>>, vector<1x16xf32>,
          %get3A_210 = vector.shape_cast %get3A_209 : vector<1x16xf32> to vector<16xf32>
          %get3A_211 = arith.index_cast %scan3A_186 : i32 to index
          %get3A_212 = arith.constant 16 : index
          %get3A_213 = tpu.vector_load %arg17[%get3A_211, %get3A_212] {strides = array<i32>} : memref<64x128xf32, #tpu.memory_space<vmem>>, vector<1x16xf32>,
          %get3A_214 = vector.shape_cast %get3A_213 : vector<1x16xf32> to vector<16xf32>
          %add3A_215 = arith.addf %get3A_210, %get3A_214 : vector<16xf32>
          %max3A_216 = arith.constant 0.000000e+00 : f32
          %max3A_217 = vector.broadcast %max3A_216 : f32 to vector<16xf32>
          %max3A_218 = arith.maximumf %add3A_215, %max3A_217 : vector<16xf32>
          %mul3A_219 = arith.mulf %max3A_218, %get3A_190 : vector<16xf32>
          %swap3A_220 = arith.index_cast %scan3A_186 : i32 to index
          %swap3A_221 = arith.constant 16 : index
          %swap3A_222 = tpu.vector_load %arg17[%swap3A_220, %swap3A_221] {strides = array<i32>} : memref<64x128xf32, #tpu.memory_space<vmem>>, vector<1x16xf32>,
          %swap3A_223 = vector.shape_cast %swap3A_222 : vector<1x16xf32> to vector<16xf32>
          %swap3A_224 = vector.shape_cast %mul3A_219 : vector<16xf32> to vector<1x16xf32>
          tpu.vector_store %arg17[%swap3A_220, %swap3A_221], %swap3A_224 {strides = array<i32>} : memref<64x128xf32, #tpu.memory_space<vmem>>, vector<1x16xf32>,
          %get3A_225 = arith.index_cast %scan3A_186 : i32 to index
          %get3A_226 = arith.constant 32 : index
          %get3A_227 = tpu.vector_load %arg16[%get3A_225, %get3A_226] {strides = array<i32>} : memref<64x128xf32, #tpu.memory_space<vmem>>, vector<1x16xf32>,
          %get3A_228 = vector.shape_cast %get3A_227 : vector<1x16xf32> to vector<16xf32>
          %get3A_229 = arith.index_cast %scan3A_186 : i32 to index
          %get3A_230 = arith.constant 32 : index
          %get3A_231 = tpu.vector_load %arg17[%get3A_229, %get3A_230] {strides = array<i32>} : memref<64x128xf32, #tpu.memory_space<vmem>>, vector<1x16xf32>,
          %get3A_232 = vector.shape_cast %get3A_231 : vector<1x16xf32> to vector<16xf32>
          %add3A_233 = arith.addf %get3A_228, %get3A_232 : vector<16xf32>
          %max3A_234 = arith.constant 0.000000e+00 : f32
          %max3A_235 = vector.broadcast %max3A_234 : f32 to vector<16xf32>
          %max3A_236 = arith.maximumf %add3A_233, %max3A_235 : vector<16xf32>
          %mul3A_237 = arith.mulf %max3A_236, %get3A_190 : vector<16xf32>
          %swap3A_238 = arith.index_cast %scan3A_186 : i32 to index
          %swap3A_239 = arith.constant 32 : index
          %swap3A_240 = tpu.vector_load %arg17[%swap3A_238, %swap3A_239] {strides = array<i32>} : memref<64x128xf32, #tpu.memory_space<vmem>>, vector<1x16xf32>,
          %swap3A_241 = vector.shape_cast %swap3A_240 : vector<1x16xf32> to vector<16xf32>
          %swap3A_242 = vector.shape_cast %mul3A_237 : vector<16xf32> to vector<1x16xf32>
          tpu.vector_store %arg17[%swap3A_238, %swap3A_239], %swap3A_242 {strides = array<i32>} : memref<64x128xf32, #tpu.memory_space<vmem>>, vector<1x16xf32>,
          %get3A_243 = arith.index_cast %scan3A_186 : i32 to index
          %get3A_244 = arith.constant 48 : index
          %get3A_245 = tpu.vector_load %arg16[%get3A_243, %get3A_244] {strides = array<i32>} : memref<64x128xf32, #tpu.memory_space<vmem>>, vector<1x16xf32>,
          %get3A_246 = vector.shape_cast %get3A_245 : vector<1x16xf32> to vector<16xf32>
          %get3A_247 = arith.index_cast %scan3A_186 : i32 to index
          %get3A_248 = arith.constant 48 : index
          %get3A_249 = tpu.vector_load %arg17[%get3A_247, %get3A_248] {strides = array<i32>} : memref<64x128xf32, #tpu.memory_space<vmem>>, vector<1x16xf32>,
          %get3A_250 = vector.shape_cast %get3A_249 : vector<1x16xf32> to vector<16xf32>
          %add3A_251 = arith.addf %get3A_246, %get3A_250 : vector<16xf32>
          %max3A_252 = arith.constant 0.000000e+00 : f32
          %max3A_253 = vector.broadcast %max3A_252 : f32 to vector<16xf32>
          %max3A_254 = arith.maximumf %add3A_251, %max3A_253 : vector<16xf32>
          %mul3A_255 = arith.mulf %max3A_254, %get3A_190 : vector<16xf32>
          %swap3A_256 = arith.index_cast %scan3A_186 : i32 to index
          %swap3A_257 = arith.constant 48 : index
          %swap3A_258 = tpu.vector_load %arg17[%swap3A_256, %swap3A_257] {strides = array<i32>} : memref<64x128xf32, #tpu.memory_space<vmem>>, vector<1x16xf32>,
          %swap3A_259 = vector.shape_cast %swap3A_258 : vector<1x16xf32> to vector<16xf32>
          %swap3A_260 = vector.shape_cast %mul3A_255 : vector<16xf32> to vector<1x16xf32>
          tpu.vector_store %arg17[%swap3A_256, %swap3A_257], %swap3A_260 {strides = array<i32>} : memref<64x128xf32, #tpu.memory_space<vmem>>, vector<1x16xf32>,
          %get3A_261 = arith.index_cast %scan3A_186 : i32 to index
          %get3A_262 = arith.constant 64 : index
          %get3A_263 = tpu.vector_load %arg16[%get3A_261, %get3A_262] {strides = array<i32>} : memref<64x128xf32, #tpu.memory_space<vmem>>, vector<1x16xf32>,
          %get3A_264 = vector.shape_cast %get3A_263 : vector<1x16xf32> to vector<16xf32>
          %get3A_265 = arith.index_cast %scan3A_186 : i32 to index
          %get3A_266 = arith.constant 64 : index
          %get3A_267 = tpu.vector_load %arg17[%get3A_265, %get3A_266] {strides = array<i32>} : memref<64x128xf32, #tpu.memory_space<vmem>>, vector<1x16xf32>,
          %get3A_268 = vector.shape_cast %get3A_267 : vector<1x16xf32> to vector<16xf32>
          %add3A_269 = arith.addf %get3A_264, %get3A_268 : vector<16xf32>
          %max3A_270 = arith.constant 0.000000e+00 : f32
          %max3A_271 = vector.broadcast %max3A_270 : f32 to vector<16xf32>
          %max3A_272 = arith.maximumf %add3A_269, %max3A_271 : vector<16xf32>
          %mul3A_273 = arith.mulf %max3A_272, %get3A_190 : vector<16xf32>
          %swap3A_274 = arith.index_cast %scan3A_186 : i32 to index
          %swap3A_275 = arith.constant 64 : index
          %swap3A_276 = tpu.vector_load %arg17[%swap3A_274, %swap3A_275] {strides = array<i32>} : memref<64x128xf32, #tpu.memory_space<vmem>>, vector<1x16xf32>,
          %swap3A_277 = vector.shape_cast %swap3A_276 : vector<1x16xf32> to vector<16xf32>
          %swap3A_278 = vector.shape_cast %mul3A_273 : vector<16xf32> to vector<1x16xf32>
          tpu.vector_store %arg17[%swap3A_274, %swap3A_275], %swap3A_278 {strides = array<i32>} : memref<64x128xf32, #tpu.memory_space<vmem>>, vector<1x16xf32>,
          %get3A_279 = arith.index_cast %scan3A_186 : i32 to index
          %get3A_280 = arith.constant 80 : index
          %get3A_281 = tpu.vector_load %arg16[%get3A_279, %get3A_280] {strides = array<i32>} : memref<64x128xf32, #tpu.memory_space<vmem>>, vector<1x16xf32>,
          %get3A_282 = vector.shape_cast %get3A_281 : vector<1x16xf32> to vector<16xf32>
          %get3A_283 = arith.index_cast %scan3A_186 : i32 to index
          %get3A_284 = arith.constant 80 : index
          %get3A_285 = tpu.vector_load %arg17[%get3A_283, %get3A_284] {strides = array<i32>} : memref<64x128xf32, #tpu.memory_space<vmem>>, vector<1x16xf32>,
          %get3A_286 = vector.shape_cast %get3A_285 : vector<1x16xf32> to vector<16xf32>
          %add3A_287 = arith.addf %get3A_282, %get3A_286 : vector<16xf32>
          %max3A_288 = arith.constant 0.000000e+00 : f32
          %max3A_289 = vector.broadcast %max3A_288 : f32 to vector<16xf32>
          %max3A_290 = arith.maximumf %add3A_287, %max3A_289 : vector<16xf32>
          %mul3A_291 = arith.mulf %max3A_290, %get3A_190 : vector<16xf32>
          %swap3A_292 = arith.index_cast %scan3A_186 : i32 to index
          %swap3A_293 = arith.constant 80 : index
          %swap3A_294 = tpu.vector_load %arg17[%swap3A_292, %swap3A_293] {strides = array<i32>} : memref<64x128xf32, #tpu.memory_space<vmem>>, vector<1x16xf32>,
          %swap3A_295 = vector.shape_cast %swap3A_294 : vector<1x16xf32> to vector<16xf32>
          %swap3A_296 = vector.shape_cast %mul3A_291 : vector<16xf32> to vector<1x16xf32>
          tpu.vector_store %arg17[%swap3A_292, %swap3A_293], %swap3A_296 {strides = array<i32>} : memref<64x128xf32, #tpu.memory_space<vmem>>, vector<1x16xf32>,
          %get3A_297 = arith.index_cast %scan3A_186 : i32 to index
          %get3A_298 = arith.constant 96 : index
          %get3A_299 = tpu.vector_load %arg16[%get3A_297, %get3A_298] {strides = array<i32>} : memref<64x128xf32, #tpu.memory_space<vmem>>, vector<1x16xf32>,
          %get3A_300 = vector.shape_cast %get3A_299 : vector<1x16xf32> to vector<16xf32>
          %get3A_301 = arith.index_cast %scan3A_186 : i32 to index
          %get3A_302 = arith.constant 96 : index
          %get3A_303 = tpu.vector_load %arg17[%get3A_301, %get3A_302] {strides = array<i32>} : memref<64x128xf32, #tpu.memory_space<vmem>>, vector<1x16xf32>,
          %get3A_304 = vector.shape_cast %get3A_303 : vector<1x16xf32> to vector<16xf32>
          %add3A_305 = arith.addf %get3A_300, %get3A_304 : vector<16xf32>
          %max3A_306 = arith.constant 0.000000e+00 : f32
          %max3A_307 = vector.broadcast %max3A_306 : f32 to vector<16xf32>
          %max3A_308 = arith.maximumf %add3A_305, %max3A_307 : vector<16xf32>
          %mul3A_309 = arith.mulf %max3A_308, %get3A_190 : vector<16xf32>
          %swap3A_310 = arith.index_cast %scan3A_186 : i32 to index
          %swap3A_311 = arith.constant 96 : index
          %swap3A_312 = tpu.vector_load %arg17[%swap3A_310, %swap3A_311] {strides = array<i32>} : memref<64x128xf32, #tpu.memory_space<vmem>>, vector<1x16xf32>,
          %swap3A_313 = vector.shape_cast %swap3A_312 : vector<1x16xf32> to vector<16xf32>
          %swap3A_314 = vector.shape_cast %mul3A_309 : vector<16xf32> to vector<1x16xf32>
          tpu.vector_store %arg17[%swap3A_310, %swap3A_311], %swap3A_314 {strides = array<i32>} : memref<64x128xf32, #tpu.memory_space<vmem>>, vector<1x16xf32>,
          %get3A_315 = arith.index_cast %scan3A_186 : i32 to index
          %get3A_316 = arith.constant 112 : index
          %get3A_317 = tpu.vector_load %arg16[%get3A_315, %get3A_316] {strides = array<i32>} : memref<64x128xf32, #tpu.memory_space<vmem>>, vector<1x16xf32>,
          %get3A_318 = vector.shape_cast %get3A_317 : vector<1x16xf32> to vector<16xf32>
          %get3A_319 = arith.index_cast %scan3A_186 : i32 to index
          %get3A_320 = arith.constant 112 : index
          %get3A_321 = tpu.vector_load %arg17[%get3A_319, %get3A_320] {strides = array<i32>} : memref<64x128xf32, #tpu.memory_space<vmem>>, vector<1x16xf32>,
          %get3A_322 = vector.shape_cast %get3A_321 : vector<1x16xf32> to vector<16xf32>
          %add3A_323 = arith.addf %get3A_318, %get3A_322 : vector<16xf32>
          %max3A_324 = arith.constant 0.000000e+00 : f32
          %max3A_325 = vector.broadcast %max3A_324 : f32 to vector<16xf32>
          %max3A_326 = arith.maximumf %add3A_323, %max3A_325 : vector<16xf32>
          %mul3A_327 = arith.mulf %max3A_326, %get3A_190 : vector<16xf32>
          %swap3A_328 = arith.index_cast %scan3A_186 : i32 to index
          %swap3A_329 = arith.constant 112 : index
          %swap3A_330 = tpu.vector_load %arg17[%swap3A_328, %swap3A_329] {strides = array<i32>} : memref<64x128xf32, #tpu.memory_space<vmem>>, vector<1x16xf32>,
          %swap3A_331 = vector.shape_cast %swap3A_330 : vector<1x16xf32> to vector<16xf32>
          %swap3A_332 = vector.shape_cast %mul3A_327 : vector<16xf32> to vector<1x16xf32>
          tpu.vector_store %arg17[%swap3A_328, %swap3A_329], %swap3A_332 {strides = array<i32>} : memref<64x128xf32, #tpu.memory_space<vmem>>, vector<1x16xf32>,
          %scan3A_333 = arith.constant 0 : i32
          scf.yield %scan3A_333 : i32
        }
        %scan3A_172 = arith.constant 64 : i32
        %dma_wait3A_173 = arith.constant 0 : i32
        %dma_wait3A_174 = tpu.memref_slice %arg5[%dma_wait3A_173] : memref<320000xi32, #tpu.memory_space<hbm>> -> memref<64xi32, #tpu.memory_space<hbm>>
        %dma_wait3A_175 = arith.constant 0 : i32
        %dma_wait3A_176 = tpu.memref_slice %arg5[%dma_wait3A_175] : memref<320000xi32, #tpu.memory_space<hbm>> -> memref<64xi32, #tpu.memory_space<hbm>>
        tpu.wait_dma2 semaphore(%arg25 : memref<!tpu.dma_semaphore, #tpu.memory_space<semaphore_mem>>) src(%dma_wait3A_176 : memref<64xi32, #tpu.memory_space<hbm>>) dst(%arg14 : memref<64xi32, #tpu.memory_space<vmem>>)
        %dma_start3A_177 = arith.constant 0 : i32
        %dma_start3A_178 = arith.constant 0 : i32
        %dma_start3A_179 = tpu.memref_slice %arg19[%dma_start3A_177, %dma_start3A_178] : memref<10000x128xf32, #tpu.memory_space<vmem_shared>> -> memref<10000x128xf32, #tpu.memory_space<vmem_shared>>
        tpu.enqueue_indirect_dma source(%arg17 : memref<64x128xf32, #tpu.memory_space<vmem>>) target(%dma_start3A_179 : memref<10000x128xf32, #tpu.memory_space<vmem_shared>>) offsets(%arg14 : memref<64xi32, #tpu.memory_space<vmem>>) semaphore(%arg27 : memref<!tpu.dma_semaphore, #tpu.memory_space<semaphore_mem>>) {add = true}
        %add3A_180 = arith.constant 2 : i32
        %add3A_181 = arith.addi %add3A_139, %add3A_180 : i32
        %lt3A_182 = arith.cmpi slt, %add3A_181, %select_n3A : i32
        %convert_element_type3A_183 = arith.extui %lt3A_182 : i1 to i32
        %cond3A_184 = arith.constant 0 : i32
        %cond3A_185 = arith.cmpi ne, %convert_element_type3A_183, %cond3A_184 : i32
        scf.if %cond3A_185 {
          %add3A_186 = arith.constant 2 : i32
          %add3A_187 = arith.addi %add3A_139, %add3A_186 : i32
          %mul3A_188 = arith.constant 16 : i32
          %mul3A_189 = arith.muli %add3A_187, %mul3A_188 : i32
          %add3A_190 = arith.addi %arg1, %mul3A_189 : i32
          %mul3A_191 = arith.constant 64 : i32
          %mul3A_192 = arith.muli %add3A_190, %mul3A_191 : i32
          %add3A_193 = arith.addi %mul3A_38, %mul3A_192 : i32
          %dma_start3A_194 = tpu.memref_slice %arg4[%add3A_193] : memref<320000xi32, #tpu.memory_space<hbm>> -> memref<64xi32, #tpu.memory_space<hbm>>
          %dma_start3A_195 = tpu.memref_slice %arg4[%add3A_193] : memref<320000xi32, #tpu.memory_space<hbm>> -> memref<64xi32, #tpu.memory_space<hbm>>
          tpu.enqueue_dma source(%dma_start3A_195 : memref<64xi32, #tpu.memory_space<hbm>>) target(%arg13 : memref<64xi32, #tpu.memory_space<vmem>>) target_semaphore(%arg21 : memref<!tpu.dma_semaphore, #tpu.memory_space<semaphore_mem>>)
        } else {
        }
      } else {
      }
      %while3A_144 = arith.constant 0 : i32
      scf.yield %while3A_144 : i32
    }
    %dma_wait3A_115 = arith.constant 0 : i32
    %dma_wait3A_116 = arith.constant 0 : i32
    %dma_wait3A_117 = tpu.memref_slice %arg19[%dma_wait3A_115, %dma_wait3A_116] : memref<10000x128xf32, #tpu.memory_space<vmem_shared>> -> memref<10000x128xf32, #tpu.memory_space<vmem_shared>>
    tpu.wait_indirect_dma semaphore(%arg26 : memref<!tpu.dma_semaphore, #tpu.memory_space<semaphore_mem>>) src(%arg12 : memref<64x128xf32, #tpu.memory_space<vmem>>) dst(%dma_wait3A_117 : memref<10000x128xf32, #tpu.memory_space<vmem_shared>>)
    %dma_wait3A_118 = arith.constant 0 : i32
    %dma_wait3A_119 = arith.constant 0 : i32
    %dma_wait3A_120 = tpu.memref_slice %arg19[%dma_wait3A_118, %dma_wait3A_119] : memref<10000x128xf32, #tpu.memory_space<vmem_shared>> -> memref<10000x128xf32, #tpu.memory_space<vmem_shared>>
    tpu.wait_indirect_dma semaphore(%arg27 : memref<!tpu.dma_semaphore, #tpu.memory_space<semaphore_mem>>) src(%arg17 : memref<64x128xf32, #tpu.memory_space<vmem>>) dst(%dma_wait3A_120 : memref<10000x128xf32, #tpu.memory_space<vmem_shared>>)
    %barrier3A_121 = arith.constant 0 : index
    tpu.barrier barrier_id(%barrier3A_121)
    "tpu.region"() ({
      %run_scoped3A = tpu.sem_alloc : memref<!tpu.dma_semaphore, #tpu.memory_space<semaphore_mem>>
      %dma_start3A_127 = arith.constant 0 : i32
      %dma_start3A_128 = tpu.memref_slice %arg7[%arg0, %mul3A_6, %dma_start3A_127] : memref<2x10000x128xf32, #tpu.memory_space<hbm>> -> memref<1x624x128xf32, #tpu.memory_space<hbm>>
      %dma_start3A_129 = tpu.memref_squeeze %dma_start3A_128 : memref<1x624x128xf32, #tpu.memory_space<hbm>> -> memref<624x128xf32, #tpu.memory_space<hbm>>
      %dma_start3A_130 = arith.constant 0 : i32
      %dma_start3A_131 = tpu.memref_slice %arg19[%mul3A_6, %dma_start3A_130] : memref<10000x128xf32, #tpu.memory_space<vmem_shared>> -> memref<624x128xf32, #tpu.memory_space<vmem_shared>>
      tpu.enqueue_dma source(%dma_start3A_131 : memref<624x128xf32, #tpu.memory_space<vmem_shared>>) target(%dma_start3A_129 : memref<624x128xf32, #tpu.memory_space<hbm>>) target_semaphore(%run_scoped3A : memref<!tpu.dma_semaphore, #tpu.memory_space<semaphore_mem>>)
      %dma_wait3A_132 = arith.constant 0 : i32
      %dma_wait3A_133 = tpu.memref_slice %arg7[%arg0, %mul3A_6, %dma_wait3A_132] : memref<2x10000x128xf32, #tpu.memory_space<hbm>> -> memref<1x624x128xf32, #tpu.memory_space<hbm>>
      %dma_wait3A_134 = tpu.memref_squeeze %dma_wait3A_133 : memref<1x624x128xf32, #tpu.memory_space<hbm>> -> memref<624x128xf32, #tpu.memory_space<hbm>>
      %dma_wait3A_135 = arith.constant 0 : i32
      %dma_wait3A_136 = tpu.memref_slice %arg19[%mul3A_6, %dma_wait3A_135] : memref<10000x128xf32, #tpu.memory_space<vmem_shared>> -> memref<624x128xf32, #tpu.memory_space<vmem_shared>>
      tpu.wait_dma2 semaphore(%run_scoped3A : memref<!tpu.dma_semaphore, #tpu.memory_space<semaphore_mem>>) src(%dma_wait3A_136 : memref<624x128xf32, #tpu.memory_space<vmem_shared>>) dst(%dma_wait3A_134 : memref<624x128xf32, #tpu.memory_space<hbm>>)
      tpu.yield
    }) : () -> ()
    %eq3A_122 = arith.constant 15 : i32
    %eq3A_123 = arith.cmpi eq, %arg1, %eq3A_122 : i32
    %convert_element_type3A_124 = arith.extui %eq3A_123 : i1 to i32
    %cond3A_125 = arith.constant 0 : i32
    %cond3A_126 = arith.cmpi ne, %convert_element_type3A_124, %cond3A_125 : i32
    scf.if %cond3A_126 {
      "tpu.region"() ({
        %run_scoped3A = tpu.sem_alloc : memref<!tpu.dma_semaphore, #tpu.memory_space<semaphore_mem>>
        %dma_start3A_127 = arith.constant 9984 : i32
        %dma_start3A_128 = arith.constant 0 : i32
        %dma_start3A_129 = tpu.memref_slice %arg7[%arg0, %dma_start3A_127, %dma_start3A_128] : memref<2x10000x128xf32, #tpu.memory_space<hbm>> -> memref<1x16x128xf32, #tpu.memory_space<hbm>>
        %dma_start3A_130 = tpu.memref_squeeze %dma_start3A_129 : memref<1x16x128xf32, #tpu.memory_space<hbm>> -> memref<16x128xf32, #tpu.memory_space<hbm>>
        %dma_start3A_131 = arith.constant 9984 : i32
        %dma_start3A_132 = arith.constant 0 : i32
        %dma_start3A_133 = tpu.memref_slice %arg19[%dma_start3A_131, %dma_start3A_132] : memref<10000x128xf32, #tpu.memory_space<vmem_shared>> -> memref<16x128xf32, #tpu.memory_space<vmem_shared>>
        tpu.enqueue_dma source(%dma_start3A_133 : memref<16x128xf32, #tpu.memory_space<vmem_shared>>) target(%dma_start3A_130 : memref<16x128xf32, #tpu.memory_space<hbm>>) target_semaphore(%run_scoped3A : memref<!tpu.dma_semaphore, #tpu.memory_space<semaphore_mem>>)
        %dma_wait3A_134 = arith.constant 9984 : i32
        %dma_wait3A_135 = arith.constant 0 : i32
        %dma_wait3A_136 = tpu.memref_slice %arg7[%arg0, %dma_wait3A_134, %dma_wait3A_135] : memref<2x10000x128xf32, #tpu.memory_space<hbm>> -> memref<1x16x128xf32, #tpu.memory_space<hbm>>
        %dma_wait3A_137 = tpu.memref_squeeze %dma_wait3A_136 : memref<1x16x128xf32, #tpu.memory_space<hbm>> -> memref<16x128xf32, #tpu.memory_space<hbm>>
        %dma_wait3A_138 = arith.constant 9984 : i32
        %dma_wait3A_139 = arith.constant 0 : i32
        %dma_wait3A_140 = tpu.memref_slice %arg19[%dma_wait3A_138, %dma_wait3A_139] : memref<10000x128xf32, #tpu.memory_space<vmem_shared>> -> memref<16x128xf32, #tpu.memory_space<vmem_shared>>
        tpu.wait_dma2 semaphore(%run_scoped3A : memref<!tpu.dma_semaphore, #tpu.memory_space<semaphore_mem>>) src(%dma_wait3A_140 : memref<16x128xf32, #tpu.memory_space<vmem_shared>>) dst(%dma_wait3A_137 : memref<16x128xf32, #tpu.memory_space<hbm>>)
        tpu.yield
      }) : () -> ()
    } else {
    }
    return
  }
}

module attributes {stable_mosaic.version = 14 : i64} {
  func.func @_edge_mlp1_body(%arg0: i32, %arg1: memref<2000x16xf32, #tpu.memory_space<vmem>>, %arg2: memref<2000x1xf32, #tpu.memory_space<vmem>>, %arg3: memref<16x128xf32, #tpu.memory_space<vmem>>, %arg4: memref<1x128xf32, #tpu.memory_space<vmem>>, %arg5: memref<128x128xf32, #tpu.memory_space<vmem>>, %arg6: memref<1x128xf32, #tpu.memory_space<vmem>>, %arg7: memref<2000x128xf32, #tpu.memory_space<vmem>>, %arg8: memref<2000x16xf32, #tpu.memory_space<vmem>>) attributes {dimension_semantics = [#tpu.dimension_semantics<arbitrary>], iteration_bounds = array<i64: 160>, scalar_prefetch = 0 : i64, scratch_operands = 0 : i64, tpu.core_type = #tpu.core_type<tc>, window_params = [{transform_indices = @transform_0, window_bounds = array<i64: 2000, 16>}, {transform_indices = @transform_1, window_bounds = array<i64: 2000, 1>}, {pipeline_mode = #tpu.pipeline_mode<synchronous>, transform_indices = @transform_2, window_bounds = array<i64: 16, 128>}, {pipeline_mode = #tpu.pipeline_mode<synchronous>, transform_indices = @transform_3, window_bounds = array<i64: 1, 128>}, {pipeline_mode = #tpu.pipeline_mode<synchronous>, transform_indices = @transform_4, window_bounds = array<i64: 128, 128>}, {pipeline_mode = #tpu.pipeline_mode<synchronous>, transform_indices = @transform_5, window_bounds = array<i64: 1, 128>}, {transform_indices = @transform_6, window_bounds = array<i64: 2000, 128>}, {transform_indices = @transform_7, window_bounds = array<i64: 2000, 16>}]} {
    %get3A = arith.constant 0 : index
    %get3A_0 = arith.constant 0 : index
    %get3A_1 = vector.load %arg1[%get3A, %get3A_0] : memref<2000x16xf32, #tpu.memory_space<vmem>>, vector<2000x16xf32>
    %get3A_2 = arith.constant 0 : index
    %get3A_3 = arith.constant 0 : index
    %get3A_4 = vector.load %arg3[%get3A_2, %get3A_3] : memref<16x128xf32, #tpu.memory_space<vmem>>, vector<16x128xf32>
    %dot_general3A = arith.constant dense<0.000000e+00> : vector<2000x128xf32>
    %dot_general3A_5 = tpu.matmul %get3A_1, %get3A_4, %dot_general3A {dimension_numbers = #tpu.dot_dimension_numbers<[1], [0], [0], [1], [0, 0, 1, 1], [], []>, transpose_lhs_hint = false} : vector<2000x16xf32>, vector<16x128xf32>, vector<2000x128xf32> -> vector<2000x128xf32>
    %get3A_6 = arith.constant 0 : index
    %get3A_7 = arith.constant 0 : index
    %get3A_8 = vector.load %arg4[%get3A_6, %get3A_7] : memref<1x128xf32, #tpu.memory_space<vmem>>, vector<1x128xf32>
    %add3A = vector.broadcast %get3A_8 : vector<1x128xf32> to vector<2000x128xf32>
    %add3A_9 = arith.addf %dot_general3A_5, %add3A : vector<2000x128xf32>
    %max3A = arith.constant 0.000000e+00 : f32
    %max3A_10 = vector.broadcast %max3A : f32 to vector<2000x128xf32>
    %max3A_11 = arith.maximumf %add3A_9, %max3A_10 : vector<2000x128xf32>
    %get3A_12 = arith.constant 0 : index
    %get3A_13 = arith.constant 0 : index
    %get3A_14 = vector.load %arg5[%get3A_12, %get3A_13] : memref<128x128xf32, #tpu.memory_space<vmem>>, vector<128x128xf32>
    %dot_general3A_15 = arith.constant dense<0.000000e+00> : vector<2000x128xf32>
    %dot_general3A_16 = tpu.matmul %max3A_11, %get3A_14, %dot_general3A_15 {dimension_numbers = #tpu.dot_dimension_numbers<[1], [0], [0], [1], [0, 0, 1, 1], [], []>, transpose_lhs_hint = false} : vector<2000x128xf32>, vector<128x128xf32>, vector<2000x128xf32> -> vector<2000x128xf32>
    %get3A_17 = arith.constant 0 : index
    %get3A_18 = arith.constant 0 : index
    %get3A_19 = vector.load %arg6[%get3A_17, %get3A_18] : memref<1x128xf32, #tpu.memory_space<vmem>>, vector<1x128xf32>
    %add3A_20 = vector.broadcast %get3A_19 : vector<1x128xf32> to vector<2000x128xf32>
    %add3A_21 = arith.addf %dot_general3A_16, %add3A_20 : vector<2000x128xf32>
    %swap3A = arith.constant 0 : index
    %swap3A_22 = arith.constant 0 : index
    %swap3A_23 = vector.load %arg7[%swap3A, %swap3A_22] : memref<2000x128xf32, #tpu.memory_space<vmem>>, vector<2000x128xf32>
    tpu.vector_store %arg7[%swap3A, %swap3A_22], %add3A_21 {strides = array<i32>} : memref<2000x128xf32, #tpu.memory_space<vmem>>, vector<2000x128xf32>,
    %get3A_24 = arith.constant 0 : index
    %get3A_25 = arith.constant 0 : index
    %get3A_26 = vector.load %arg2[%get3A_24, %get3A_25] : memref<2000x1xf32, #tpu.memory_space<vmem>>, vector<2000x1xf32>
    %broadcast_in_dim3A = vector.shape_cast %get3A_26 : vector<2000x1xf32> to vector<2000x1xf32>
    %broadcast_in_dim3A_27 = vector.broadcast %broadcast_in_dim3A : vector<2000x1xf32> to vector<2000x16xf32>
    %swap3A_28 = arith.constant 0 : index
    %swap3A_29 = arith.constant 0 : index
    %swap3A_30 = vector.load %arg8[%swap3A_28, %swap3A_29] : memref<2000x16xf32, #tpu.memory_space<vmem>>, vector<2000x16xf32>
    tpu.vector_store %arg8[%swap3A_28, %swap3A_29], %broadcast_in_dim3A_27 {strides = array<i32>} : memref<2000x16xf32, #tpu.memory_space<vmem>>, vector<2000x16xf32>,
    return
  }
  func.func @transform_0(%arg0: i32) -> (i32, i32) {
    %c0_i32 = arith.constant 0 : i32
    %c0_i32_0 = arith.constant 0 : i32
    return %arg0, %c0_i32 : i32, i32
  }
  func.func @transform_1(%arg0: i32) -> (i32, i32) {
    %c0_i32 = arith.constant 0 : i32
    %c0_i32_0 = arith.constant 0 : i32
    return %arg0, %c0_i32 : i32, i32
  }
  func.func @transform_2(%arg0: i32) -> (i32, i32) {
    %c0_i32 = arith.constant 0 : i32
    %c0_i32_0 = arith.constant 0 : i32
    %c0_i32_1 = arith.constant 0 : i32
    return %c0_i32, %c0_i32_0 : i32, i32
  }
  func.func @transform_3(%arg0: i32) -> (i32, i32) {
    %c0_i32 = arith.constant 0 : i32
    %c0_i32_0 = arith.constant 0 : i32
    %c0_i32_1 = arith.constant 0 : i32
    return %c0_i32, %c0_i32_0 : i32, i32
  }
  func.func @transform_4(%arg0: i32) -> (i32, i32) {
    %c0_i32 = arith.constant 0 : i32
    %c0_i32_0 = arith.constant 0 : i32
    %c0_i32_1 = arith.constant 0 : i32
    return %c0_i32, %c0_i32_0 : i32, i32
  }
  func.func @transform_5(%arg0: i32) -> (i32, i32) {
    %c0_i32 = arith.constant 0 : i32
    %c0_i32_0 = arith.constant 0 : i32
    %c0_i32_1 = arith.constant 0 : i32
    return %c0_i32, %c0_i32_0 : i32, i32
  }
  func.func @transform_6(%arg0: i32) -> (i32, i32) {
    %c0_i32 = arith.constant 0 : i32
    %c0_i32_0 = arith.constant 0 : i32
    return %arg0, %c0_i32 : i32, i32
  }
  func.func @transform_7(%arg0: i32) -> (i32, i32) {
    %c0_i32 = arith.constant 0 : i32
    %c0_i32_0 = arith.constant 0 : i32
    return %arg0, %c0_i32 : i32, i32
  }
}

module attributes {stable_mosaic.version = 14 : i64} {
  func.func @_edge_mlp2_body(%arg0: i32, %arg1: memref<2000x16xf32, #tpu.memory_space<vmem>>, %arg2: memref<2x16x128xf32, #tpu.memory_space<vmem>>, %arg3: memref<2x1x128xf32, #tpu.memory_space<vmem>>, %arg4: memref<2x128x128xf32, #tpu.memory_space<vmem>>, %arg5: memref<2x1x128xf32, #tpu.memory_space<vmem>>, %arg6: memref<2000x128xf32, #tpu.memory_space<vmem>>, %arg7: memref<2000x128xf32, #tpu.memory_space<vmem>>) attributes {dimension_semantics = [#tpu.dimension_semantics<arbitrary>], iteration_bounds = array<i64: 160>, scalar_prefetch = 0 : i64, scratch_operands = 0 : i64, tpu.core_type = #tpu.core_type<tc>, window_params = [{transform_indices = @transform_0, window_bounds = array<i64: 2000, 16>}, {pipeline_mode = #tpu.pipeline_mode<synchronous>, transform_indices = @transform_1, window_bounds = array<i64: 2, 16, 128>}, {pipeline_mode = #tpu.pipeline_mode<synchronous>, transform_indices = @transform_2, window_bounds = array<i64: 2, 1, 128>}, {pipeline_mode = #tpu.pipeline_mode<synchronous>, transform_indices = @transform_3, window_bounds = array<i64: 2, 128, 128>}, {pipeline_mode = #tpu.pipeline_mode<synchronous>, transform_indices = @transform_4, window_bounds = array<i64: 2, 1, 128>}, {transform_indices = @transform_5, window_bounds = array<i64: 2000, 128>}, {transform_indices = @transform_6, window_bounds = array<i64: 2000, 128>}]} {
    %get3A = arith.constant 0 : index
    %get3A_0 = arith.constant 0 : index
    %get3A_1 = vector.load %arg1[%get3A, %get3A_0] : memref<2000x16xf32, #tpu.memory_space<vmem>>, vector<2000x16xf32>
    %get3A_2 = arith.constant 0 : index
    %get3A_3 = arith.constant 0 : index
    %get3A_4 = arith.constant 0 : index
    %get3A_5 = vector.load %arg2[%get3A_2, %get3A_3, %get3A_4] : memref<2x16x128xf32, #tpu.memory_space<vmem>>, vector<1x16x128xf32>
    %get3A_6 = vector.shape_cast %get3A_5 : vector<1x16x128xf32> to vector<16x128xf32>
    %dot_general3A = arith.constant dense<0.000000e+00> : vector<2000x128xf32>
    %dot_general3A_7 = tpu.matmul %get3A_1, %get3A_6, %dot_general3A {dimension_numbers = #tpu.dot_dimension_numbers<[1], [0], [0], [1], [0, 0, 1, 1], [], []>, transpose_lhs_hint = false} : vector<2000x16xf32>, vector<16x128xf32>, vector<2000x128xf32> -> vector<2000x128xf32>
    %get3A_8 = arith.constant 0 : index
    %get3A_9 = arith.constant 0 : index
    %get3A_10 = arith.constant 0 : index
    %get3A_11 = vector.load %arg3[%get3A_8, %get3A_9, %get3A_10] : memref<2x1x128xf32, #tpu.memory_space<vmem>>, vector<1x1x128xf32>
    %get3A_12 = vector.shape_cast %get3A_11 : vector<1x1x128xf32> to vector<1x128xf32>
    %add3A = vector.broadcast %get3A_12 : vector<1x128xf32> to vector<2000x128xf32>
    %add3A_13 = arith.addf %dot_general3A_7, %add3A : vector<2000x128xf32>
    %max3A = arith.constant 0.000000e+00 : f32
    %max3A_14 = vector.broadcast %max3A : f32 to vector<2000x128xf32>
    %max3A_15 = arith.maximumf %add3A_13, %max3A_14 : vector<2000x128xf32>
    %get3A_16 = arith.constant 0 : index
    %get3A_17 = arith.constant 0 : index
    %get3A_18 = arith.constant 0 : index
    %get3A_19 = vector.load %arg4[%get3A_16, %get3A_17, %get3A_18] : memref<2x128x128xf32, #tpu.memory_space<vmem>>, vector<1x128x128xf32>
    %get3A_20 = vector.shape_cast %get3A_19 : vector<1x128x128xf32> to vector<128x128xf32>
    %dot_general3A_21 = arith.constant dense<0.000000e+00> : vector<2000x128xf32>
    %dot_general3A_22 = tpu.matmul %max3A_15, %get3A_20, %dot_general3A_21 {dimension_numbers = #tpu.dot_dimension_numbers<[1], [0], [0], [1], [0, 0, 1, 1], [], []>, transpose_lhs_hint = false} : vector<2000x128xf32>, vector<128x128xf32>, vector<2000x128xf32> -> vector<2000x128xf32>
    %get3A_23 = arith.constant 0 : index
    %get3A_24 = arith.constant 0 : index
    %get3A_25 = arith.constant 0 : index
    %get3A_26 = vector.load %arg5[%get3A_23, %get3A_24, %get3A_25] : memref<2x1x128xf32, #tpu.memory_space<vmem>>, vector<1x1x128xf32>
    %get3A_27 = vector.shape_cast %get3A_26 : vector<1x1x128xf32> to vector<1x128xf32>
    %add3A_28 = vector.broadcast %get3A_27 : vector<1x128xf32> to vector<2000x128xf32>
    %add3A_29 = arith.addf %dot_general3A_22, %add3A_28 : vector<2000x128xf32>
    %swap3A = arith.constant 0 : index
    %swap3A_30 = arith.constant 0 : index
    %swap3A_31 = vector.load %arg6[%swap3A, %swap3A_30] : memref<2000x128xf32, #tpu.memory_space<vmem>>, vector<2000x128xf32>
    tpu.vector_store %arg6[%swap3A, %swap3A_30], %add3A_29 {strides = array<i32>} : memref<2000x128xf32, #tpu.memory_space<vmem>>, vector<2000x128xf32>,
    %get3A_32 = arith.constant 1 : index
    %get3A_33 = arith.constant 0 : index
    %get3A_34 = arith.constant 0 : index
    %get3A_35 = vector.load %arg2[%get3A_32, %get3A_33, %get3A_34] : memref<2x16x128xf32, #tpu.memory_space<vmem>>, vector<1x16x128xf32>
    %get3A_36 = vector.shape_cast %get3A_35 : vector<1x16x128xf32> to vector<16x128xf32>
    %dot_general3A_37 = arith.constant dense<0.000000e+00> : vector<2000x128xf32>
    %dot_general3A_38 = tpu.matmul %get3A_1, %get3A_36, %dot_general3A_37 {dimension_numbers = #tpu.dot_dimension_numbers<[1], [0], [0], [1], [0, 0, 1, 1], [], []>, transpose_lhs_hint = false} : vector<2000x16xf32>, vector<16x128xf32>, vector<2000x128xf32> -> vector<2000x128xf32>
    %get3A_39 = arith.constant 1 : index
    %get3A_40 = arith.constant 0 : index
    %get3A_41 = arith.constant 0 : index
    %get3A_42 = vector.load %arg3[%get3A_39, %get3A_40, %get3A_41] : memref<2x1x128xf32, #tpu.memory_space<vmem>>, vector<1x1x128xf32>
    %get3A_43 = vector.shape_cast %get3A_42 : vector<1x1x128xf32> to vector<1x128xf32>
    %add3A_44 = vector.broadcast %get3A_43 : vector<1x128xf32> to vector<2000x128xf32>
    %add3A_45 = arith.addf %dot_general3A_38, %add3A_44 : vector<2000x128xf32>
    %max3A_46 = arith.constant 0.000000e+00 : f32
    %max3A_47 = vector.broadcast %max3A_46 : f32 to vector<2000x128xf32>
    %max3A_48 = arith.maximumf %add3A_45, %max3A_47 : vector<2000x128xf32>
    %get3A_49 = arith.constant 1 : index
    %get3A_50 = arith.constant 0 : index
    %get3A_51 = arith.constant 0 : index
    %get3A_52 = vector.load %arg4[%get3A_49, %get3A_50, %get3A_51] : memref<2x128x128xf32, #tpu.memory_space<vmem>>, vector<1x128x128xf32>
    %get3A_53 = vector.shape_cast %get3A_52 : vector<1x128x128xf32> to vector<128x128xf32>
    %dot_general3A_54 = arith.constant dense<0.000000e+00> : vector<2000x128xf32>
    %dot_general3A_55 = tpu.matmul %max3A_48, %get3A_53, %dot_general3A_54 {dimension_numbers = #tpu.dot_dimension_numbers<[1], [0], [0], [1], [0, 0, 1, 1], [], []>, transpose_lhs_hint = false} : vector<2000x128xf32>, vector<128x128xf32>, vector<2000x128xf32> -> vector<2000x128xf32>
    %get3A_56 = arith.constant 1 : index
    %get3A_57 = arith.constant 0 : index
    %get3A_58 = arith.constant 0 : index
    %get3A_59 = vector.load %arg5[%get3A_56, %get3A_57, %get3A_58] : memref<2x1x128xf32, #tpu.memory_space<vmem>>, vector<1x1x128xf32>
    %get3A_60 = vector.shape_cast %get3A_59 : vector<1x1x128xf32> to vector<1x128xf32>
    %add3A_61 = vector.broadcast %get3A_60 : vector<1x128xf32> to vector<2000x128xf32>
    %add3A_62 = arith.addf %dot_general3A_55, %add3A_61 : vector<2000x128xf32>
    %swap3A_63 = arith.constant 0 : index
    %swap3A_64 = arith.constant 0 : index
    %swap3A_65 = vector.load %arg7[%swap3A_63, %swap3A_64] : memref<2000x128xf32, #tpu.memory_space<vmem>>, vector<2000x128xf32>
    tpu.vector_store %arg7[%swap3A_63, %swap3A_64], %add3A_62 {strides = array<i32>} : memref<2000x128xf32, #tpu.memory_space<vmem>>, vector<2000x128xf32>,
    return
  }
  func.func @transform_0(%arg0: i32) -> (i32, i32) {
    %c0_i32 = arith.constant 0 : i32
    %c0_i32_0 = arith.constant 0 : i32
    return %arg0, %c0_i32 : i32, i32
  }
  func.func @transform_1(%arg0: i32) -> (i32, i32, i32) {
    %c0_i32 = arith.constant 0 : i32
    %c0_i32_0 = arith.constant 0 : i32
    %c0_i32_1 = arith.constant 0 : i32
    %c0_i32_2 = arith.constant 0 : i32
    return %c0_i32, %c0_i32_0, %c0_i32_1 : i32, i32, i32
  }
  func.func @transform_2(%arg0: i32) -> (i32, i32, i32) {
    %c0_i32 = arith.constant 0 : i32
    %c0_i32_0 = arith.constant 0 : i32
    %c0_i32_1 = arith.constant 0 : i32
    %c0_i32_2 = arith.constant 0 : i32
    return %c0_i32, %c0_i32_0, %c0_i32_1 : i32, i32, i32
  }
  func.func @transform_3(%arg0: i32) -> (i32, i32, i32) {
    %c0_i32 = arith.constant 0 : i32
    %c0_i32_0 = arith.constant 0 : i32
    %c0_i32_1 = arith.constant 0 : i32
    %c0_i32_2 = arith.constant 0 : i32
    return %c0_i32, %c0_i32_0, %c0_i32_1 : i32, i32, i32
  }
  func.func @transform_4(%arg0: i32) -> (i32, i32, i32) {
    %c0_i32 = arith.constant 0 : i32
    %c0_i32_0 = arith.constant 0 : i32
    %c0_i32_1 = arith.constant 0 : i32
    %c0_i32_2 = arith.constant 0 : i32
    return %c0_i32, %c0_i32_0, %c0_i32_1 : i32, i32, i32
  }
  func.func @transform_5(%arg0: i32) -> (i32, i32) {
    %c0_i32 = arith.constant 0 : i32
    %c0_i32_0 = arith.constant 0 : i32
    return %arg0, %c0_i32 : i32, i32
  }
  func.func @transform_6(%arg0: i32) -> (i32, i32) {
    %c0_i32 = arith.constant 0 : i32
    %c0_i32_0 = arith.constant 0 : i32
    return %arg0, %c0_i32 : i32, i32
  }
}

module attributes {stable_mosaic.version = 14 : i64} {
  func.func @_node_update_body(%arg0: memref<10000x128xf32, #tpu.memory_space<vmem>>, %arg1: memref<2x10000x128xf32, #tpu.memory_space<vmem>>, %arg2: memref<1x1xf32, #tpu.memory_space<vmem>>, %arg3: memref<128x128xf32, #tpu.memory_space<vmem>>, %arg4: memref<1x128xf32, #tpu.memory_space<vmem>>, %arg5: memref<128x128xf32, #tpu.memory_space<vmem>>, %arg6: memref<1x128xf32, #tpu.memory_space<vmem>>, %arg7: memref<1x128xf32, #tpu.memory_space<vmem>>, %arg8: memref<1x128xf32, #tpu.memory_space<vmem>>, %arg9: memref<10000x128xf32, #tpu.memory_space<vmem>>) attributes {dimension_semantics = [], scalar_prefetch = 0 : i64, scratch_operands = 0 : i64, tpu.core_type = #tpu.core_type<tc>} {
    %get3A = arith.constant 0 : index
    %get3A_0 = arith.constant 0 : index
    %get3A_1 = arith.constant 0 : index
    %get3A_2 = vector.load %arg1[%get3A, %get3A_0, %get3A_1] : memref<2x10000x128xf32, #tpu.memory_space<vmem>>, vector<1x10000x128xf32>
    %get3A_3 = vector.shape_cast %get3A_2 : vector<1x10000x128xf32> to vector<10000x128xf32>
    %get3A_4 = arith.constant 1 : index
    %get3A_5 = arith.constant 0 : index
    %get3A_6 = arith.constant 0 : index
    %get3A_7 = vector.load %arg1[%get3A_4, %get3A_5, %get3A_6] : memref<2x10000x128xf32, #tpu.memory_space<vmem>>, vector<1x10000x128xf32>
    %get3A_8 = vector.shape_cast %get3A_7 : vector<1x10000x128xf32> to vector<10000x128xf32>
    %add3A = arith.addf %get3A_3, %get3A_8 : vector<10000x128xf32>
    %get3A_9 = arith.constant 0 : index
    %get3A_10 = arith.constant 0 : index
    %get3A_11 = vector.load %arg2[%get3A_9, %get3A_10] : memref<1x1xf32, #tpu.memory_space<vmem>>, vector<1x1xf32>
    %get3A_12 = vector.extract %get3A_11[0, 0] : f32 from vector<1x1xf32>
    %add3A_13 = arith.constant 1.000000e+00 : f32
    %add3A_14 = arith.addf %add3A_13, %get3A_12 : f32
    %get3A_15 = arith.constant 0 : index
    %get3A_16 = arith.constant 0 : index
    %get3A_17 = vector.load %arg0[%get3A_15, %get3A_16] : memref<10000x128xf32, #tpu.memory_space<vmem>>, vector<10000x128xf32>
    %mul3A = vector.broadcast %add3A_14 : f32 to vector<10000x128xf32>
    %mul3A_18 = arith.mulf %mul3A, %get3A_17 : vector<10000x128xf32>
    %add3A_19 = arith.addf %mul3A_18, %add3A : vector<10000x128xf32>
    %get3A_20 = arith.constant 0 : index
    %get3A_21 = arith.constant 0 : index
    %get3A_22 = vector.load %arg3[%get3A_20, %get3A_21] : memref<128x128xf32, #tpu.memory_space<vmem>>, vector<128x128xf32>
    %dot_general3A = arith.constant dense<0.000000e+00> : vector<10000x128xf32>
    %dot_general3A_23 = tpu.matmul %add3A_19, %get3A_22, %dot_general3A {dimension_numbers = #tpu.dot_dimension_numbers<[1], [0], [0], [1], [0, 0, 1, 1], [], []>, transpose_lhs_hint = false} : vector<10000x128xf32>, vector<128x128xf32>, vector<10000x128xf32> -> vector<10000x128xf32>
    %get3A_24 = arith.constant 0 : index
    %get3A_25 = arith.constant 0 : index
    %get3A_26 = vector.load %arg4[%get3A_24, %get3A_25] : memref<1x128xf32, #tpu.memory_space<vmem>>, vector<1x128xf32>
    %add3A_27 = vector.broadcast %get3A_26 : vector<1x128xf32> to vector<10000x128xf32>
    %add3A_28 = arith.addf %dot_general3A_23, %add3A_27 : vector<10000x128xf32>
    %max3A = arith.constant 0.000000e+00 : f32
    %max3A_29 = vector.broadcast %max3A : f32 to vector<10000x128xf32>
    %max3A_30 = arith.maximumf %add3A_28, %max3A_29 : vector<10000x128xf32>
    %get3A_31 = arith.constant 0 : index
    %get3A_32 = arith.constant 0 : index
    %get3A_33 = vector.load %arg5[%get3A_31, %get3A_32] : memref<128x128xf32, #tpu.memory_space<vmem>>, vector<128x128xf32>
    %dot_general3A_34 = arith.constant dense<0.000000e+00> : vector<10000x128xf32>
    %dot_general3A_35 = tpu.matmul %max3A_30, %get3A_33, %dot_general3A_34 {dimension_numbers = #tpu.dot_dimension_numbers<[1], [0], [0], [1], [0, 0, 1, 1], [], []>, transpose_lhs_hint = false} : vector<10000x128xf32>, vector<128x128xf32>, vector<10000x128xf32> -> vector<10000x128xf32>
    %get3A_36 = arith.constant 0 : index
    %get3A_37 = arith.constant 0 : index
    %get3A_38 = vector.load %arg6[%get3A_36, %get3A_37] : memref<1x128xf32, #tpu.memory_space<vmem>>, vector<1x128xf32>
    %add3A_39 = vector.broadcast %get3A_38 : vector<1x128xf32> to vector<10000x128xf32>
    %add3A_40 = arith.addf %dot_general3A_35, %add3A_39 : vector<10000x128xf32>
    %reduce_sum3A = arith.constant dense<0.000000e+00> : vector<128xf32>
    %reduce_sum3A_41 = vector.multi_reduction <add>, %add3A_40, %reduce_sum3A [0] : vector<10000x128xf32> to vector<128xf32>
    %broadcast_in_dim3A = vector.shape_cast %reduce_sum3A_41 : vector<128xf32> to vector<1x128xf32>
    %div3A = arith.constant 1.000000e+04 : f32
    %div3A_42 = vector.broadcast %div3A : f32 to vector<1x128xf32>
    %div3A_43 = arith.divf %broadcast_in_dim3A, %div3A_42 : vector<1x128xf32>
    %sub3A = vector.broadcast %div3A_43 : vector<1x128xf32> to vector<10000x128xf32>
    %sub3A_44 = arith.subf %add3A_40, %sub3A : vector<10000x128xf32>
    %integer_pow3A = arith.mulf %sub3A_44, %sub3A_44 : vector<10000x128xf32>
    %reduce_sum3A_45 = arith.constant dense<0.000000e+00> : vector<128xf32>
    %reduce_sum3A_46 = vector.multi_reduction <add>, %integer_pow3A, %reduce_sum3A_45 [0] : vector<10000x128xf32> to vector<128xf32>
    %broadcast_in_dim3A_47 = vector.shape_cast %reduce_sum3A_46 : vector<128xf32> to vector<1x128xf32>
    %div3A_48 = arith.constant 1.000000e+04 : f32
    %div3A_49 = vector.broadcast %div3A_48 : f32 to vector<1x128xf32>
    %div3A_50 = arith.divf %broadcast_in_dim3A_47, %div3A_49 : vector<1x128xf32>
    %sub3A_51 = vector.broadcast %div3A_43 : vector<1x128xf32> to vector<10000x128xf32>
    %sub3A_52 = arith.subf %add3A_40, %sub3A_51 : vector<10000x128xf32>
    %add3A_53 = arith.constant 9.99999974E-6 : f32
    %add3A_54 = vector.broadcast %add3A_53 : f32 to vector<1x128xf32>
    %add3A_55 = arith.addf %div3A_50, %add3A_54 : vector<1x128xf32>
    %sqrt3A = math.sqrt %add3A_55 : vector<1x128xf32>
    %div3A_56 = vector.broadcast %sqrt3A : vector<1x128xf32> to vector<10000x128xf32>
    %div3A_57 = arith.divf %sub3A_52, %div3A_56 : vector<10000x128xf32>
    %get3A_58 = arith.constant 0 : index
    %get3A_59 = arith.constant 0 : index
    %get3A_60 = vector.load %arg7[%get3A_58, %get3A_59] : memref<1x128xf32, #tpu.memory_space<vmem>>, vector<1x128xf32>
    %mul3A_61 = vector.broadcast %get3A_60 : vector<1x128xf32> to vector<10000x128xf32>
    %mul3A_62 = arith.mulf %div3A_57, %mul3A_61 : vector<10000x128xf32>
    %get3A_63 = arith.constant 0 : index
    %get3A_64 = arith.constant 0 : index
    %get3A_65 = vector.load %arg8[%get3A_63, %get3A_64] : memref<1x128xf32, #tpu.memory_space<vmem>>, vector<1x128xf32>
    %add3A_66 = vector.broadcast %get3A_65 : vector<1x128xf32> to vector<10000x128xf32>
    %add3A_67 = arith.addf %mul3A_62, %add3A_66 : vector<10000x128xf32>
    %max3A_68 = arith.constant 0.000000e+00 : f32
    %max3A_69 = vector.broadcast %max3A_68 : f32 to vector<10000x128xf32>
    %max3A_70 = arith.maximumf %add3A_67, %max3A_69 : vector<10000x128xf32>
    %swap3A = arith.constant 0 : index
    %swap3A_71 = arith.constant 0 : index
    %swap3A_72 = vector.load %arg9[%swap3A, %swap3A_71] : memref<10000x128xf32, #tpu.memory_space<vmem>>, vector<10000x128xf32>
    tpu.vector_store %arg9[%swap3A, %swap3A_71], %max3A_70 {strides = array<i32>} : memref<10000x128xf32, #tpu.memory_space<vmem>>, vector<10000x128xf32>,
    return
  }
}

module attributes {stable_mosaic.version = 14 : i64} {
  func.func @_pool_head_body(%arg0: memref<10000x128xf32, #tpu.memory_space<vmem>>, %arg1: memref<10000x1xi32, #tpu.memory_space<vmem>>, %arg2: memref<128x128xf32, #tpu.memory_space<vmem>>, %arg3: memref<1x128xf32, #tpu.memory_space<vmem>>, %arg4: memref<128x128xf32, #tpu.memory_space<vmem>>, %arg5: memref<1x128xf32, #tpu.memory_space<vmem>>, %arg6: memref<128x128xf32, #tpu.memory_space<vmem>>, %arg7: memref<1x128xf32, #tpu.memory_space<vmem>>, %arg8: memref<128x1xf32, #tpu.memory_space<vmem>>, %arg9: memref<1x1xf32, #tpu.memory_space<vmem>>, %arg10: memref<64x1xf32, #tpu.memory_space<vmem>>) attributes {dimension_semantics = [], scalar_prefetch = 0 : i64, scratch_operands = 0 : i64, tpu.core_type = #tpu.core_type<tc>} {
    %iota3A = tpu.iota {dimensions = array<i32: 1>} : vector<10000x64xi32>
    %get3A = arith.constant 0 : index
    %get3A_0 = arith.constant 0 : index
    %get3A_1 = vector.load %arg1[%get3A, %get3A_0] : memref<10000x1xi32, #tpu.memory_space<vmem>>, vector<10000x1xi32>
    %eq3A = vector.broadcast %get3A_1 : vector<10000x1xi32> to vector<10000x64xi32>
    %eq3A_2 = arith.cmpi eq, %eq3A, %iota3A : vector<10000x64xi32>
    %convert_element_type3A = arith.extui %eq3A_2 : vector<10000x64xi1> to vector<10000x64xi32>
    %convert_element_type3A_3 = arith.sitofp %convert_element_type3A : vector<10000x64xi32> to vector<10000x64xf32>
    %reduce_sum3A = arith.constant dense<0.000000e+00> : vector<64xf32>
    %reduce_sum3A_4 = vector.multi_reduction <add>, %convert_element_type3A_3, %reduce_sum3A [0] : vector<10000x64xf32> to vector<64xf32>
    %broadcast_in_dim3A = vector.shape_cast %reduce_sum3A_4 : vector<64xf32> to vector<1x64xf32>
    %get3A_5 = arith.constant 0 : index
    %get3A_6 = arith.constant 0 : index
    %get3A_7 = vector.load %arg0[%get3A_5, %get3A_6] : memref<10000x128xf32, #tpu.memory_space<vmem>>, vector<10000x128xf32>
    %dot_general3A = arith.constant dense<0.000000e+00> : vector<64x128xf32>
    %dot_general3A_8 = tpu.matmul %convert_element_type3A_3, %get3A_7, %dot_general3A {dimension_numbers = #tpu.dot_dimension_numbers<[0], [0], [1], [1], [0, 1, 1, 1], [], []>, transpose_lhs_hint = false} : vector<10000x64xf32>, vector<10000x128xf32>, vector<64x128xf32> -> vector<64x128xf32>
    %max3A = arith.constant 1.000000e+00 : f32
    %max3A_9 = vector.broadcast %max3A : f32 to vector<1x64xf32>
    %max3A_10 = arith.maximumf %broadcast_in_dim3A, %max3A_9 : vector<1x64xf32>
    %reshape3A = vector.shape_cast %max3A_10 : vector<1x64xf32> to vector<64x1xf32>
    %div3A = vector.broadcast %reshape3A : vector<64x1xf32> to vector<64x128xf32>
    %div3A_11 = arith.divf %dot_general3A_8, %div3A : vector<64x128xf32>
    %get3A_12 = arith.constant 0 : index
    %get3A_13 = arith.constant 0 : index
    %get3A_14 = vector.load %arg2[%get3A_12, %get3A_13] : memref<128x128xf32, #tpu.memory_space<vmem>>, vector<128x128xf32>
    %dot_general3A_15 = arith.constant dense<0.000000e+00> : vector<64x128xf32>
    %dot_general3A_16 = tpu.matmul %div3A_11, %get3A_14, %dot_general3A_15 {dimension_numbers = #tpu.dot_dimension_numbers<[1], [0], [0], [1], [0, 0, 1, 1], [], []>, transpose_lhs_hint = false} : vector<64x128xf32>, vector<128x128xf32>, vector<64x128xf32> -> vector<64x128xf32>
    %get3A_17 = arith.constant 0 : index
    %get3A_18 = arith.constant 0 : index
    %get3A_19 = vector.load %arg3[%get3A_17, %get3A_18] : memref<1x128xf32, #tpu.memory_space<vmem>>, vector<1x128xf32>
    %add3A = vector.broadcast %get3A_19 : vector<1x128xf32> to vector<64x128xf32>
    %add3A_20 = arith.addf %dot_general3A_16, %add3A : vector<64x128xf32>
    %max3A_21 = arith.constant 0.000000e+00 : f32
    %max3A_22 = vector.broadcast %max3A_21 : f32 to vector<64x128xf32>
    %max3A_23 = arith.maximumf %add3A_20, %max3A_22 : vector<64x128xf32>
    %get3A_24 = arith.constant 0 : index
    %get3A_25 = arith.constant 0 : index
    %get3A_26 = vector.load %arg4[%get3A_24, %get3A_25] : memref<128x128xf32, #tpu.memory_space<vmem>>, vector<128x128xf32>
    %dot_general3A_27 = arith.constant dense<0.000000e+00> : vector<64x128xf32>
    %dot_general3A_28 = tpu.matmul %max3A_23, %get3A_26, %dot_general3A_27 {dimension_numbers = #tpu.dot_dimension_numbers<[1], [0], [0], [1], [0, 0, 1, 1], [], []>, transpose_lhs_hint = false} : vector<64x128xf32>, vector<128x128xf32>, vector<64x128xf32> -> vector<64x128xf32>
    %get3A_29 = arith.constant 0 : index
    %get3A_30 = arith.constant 0 : index
    %get3A_31 = vector.load %arg5[%get3A_29, %get3A_30] : memref<1x128xf32, #tpu.memory_space<vmem>>, vector<1x128xf32>
    %add3A_32 = vector.broadcast %get3A_31 : vector<1x128xf32> to vector<64x128xf32>
    %add3A_33 = arith.addf %dot_general3A_28, %add3A_32 : vector<64x128xf32>
    %max3A_34 = arith.constant 0.000000e+00 : f32
    %max3A_35 = vector.broadcast %max3A_34 : f32 to vector<64x128xf32>
    %max3A_36 = arith.maximumf %add3A_33, %max3A_35 : vector<64x128xf32>
    %get3A_37 = arith.constant 0 : index
    %get3A_38 = arith.constant 0 : index
    %get3A_39 = vector.load %arg6[%get3A_37, %get3A_38] : memref<128x128xf32, #tpu.memory_space<vmem>>, vector<128x128xf32>
    %dot_general3A_40 = arith.constant dense<0.000000e+00> : vector<64x128xf32>
    %dot_general3A_41 = tpu.matmul %max3A_36, %get3A_39, %dot_general3A_40 {dimension_numbers = #tpu.dot_dimension_numbers<[1], [0], [0], [1], [0, 0, 1, 1], [], []>, transpose_lhs_hint = false} : vector<64x128xf32>, vector<128x128xf32>, vector<64x128xf32> -> vector<64x128xf32>
    %get3A_42 = arith.constant 0 : index
    %get3A_43 = arith.constant 0 : index
    %get3A_44 = vector.load %arg7[%get3A_42, %get3A_43] : memref<1x128xf32, #tpu.memory_space<vmem>>, vector<1x128xf32>
    %add3A_45 = vector.broadcast %get3A_44 : vector<1x128xf32> to vector<64x128xf32>
    %add3A_46 = arith.addf %dot_general3A_41, %add3A_45 : vector<64x128xf32>
    %max3A_47 = arith.constant 0.000000e+00 : f32
    %max3A_48 = vector.broadcast %max3A_47 : f32 to vector<64x128xf32>
    %max3A_49 = arith.maximumf %add3A_46, %max3A_48 : vector<64x128xf32>
    %get3A_50 = arith.constant 0 : index
    %get3A_51 = arith.constant 0 : index
    %get3A_52 = vector.load %arg8[%get3A_50, %get3A_51] : memref<128x1xf32, #tpu.memory_space<vmem>>, vector<128x1xf32>
    %dot_general3A_53 = arith.constant dense<0.000000e+00> : vector<64x1xf32>
    %dot_general3A_54 = tpu.matmul %max3A_49, %get3A_52, %dot_general3A_53 {dimension_numbers = #tpu.dot_dimension_numbers<[1], [0], [0], [1], [0, 0, 1, 1], [], []>, transpose_lhs_hint = false} : vector<64x128xf32>, vector<128x1xf32>, vector<64x1xf32> -> vector<64x1xf32>
    %get3A_55 = arith.constant 0 : index
    %get3A_56 = arith.constant 0 : index
    %get3A_57 = vector.load %arg9[%get3A_55, %get3A_56] : memref<1x1xf32, #tpu.memory_space<vmem>>, vector<1x1xf32>
    %add3A_58 = vector.broadcast %get3A_57 : vector<1x1xf32> to vector<64x1xf32>
    %add3A_59 = arith.addf %dot_general3A_54, %add3A_58 : vector<64x1xf32>
    %swap3A = arith.constant 0 : index
    %swap3A_60 = arith.constant 0 : index
    %swap3A_61 = vector.load %arg10[%swap3A, %swap3A_60] : memref<64x1xf32, #tpu.memory_space<vmem>>, vector<64x1xf32>
    tpu.vector_store %arg10[%swap3A, %swap3A_60], %add3A_59 {strides = array<i32>} : memref<64x1xf32, #tpu.memory_space<vmem>>, vector<64x1xf32>,
    return
  }
}

</mosaic_0001>

<sc_bundles>
// kernel: kernel.11.cloned.1.call-start
scs
__scs_entry_jumppad:
0x0: {  	(pc) =	sbr.rel $0x88, $3  }
0x1: {  	(tag) =	ssettag $0x0;
	lr =	simm.s32 $0x1  }
0x2: {  	[smem:$0x3F73] =	sst lr;
	_ =	strace $0xD0000000  }
0x3: {  	_ = 	snop  }
0x4: {  	_ = 	snop  }
0x5: {  	_ = 	snop  }
0x6: {  	_ = 	snop  }
0x7: {  	_ = 	snop  }
__scs_overlays_trampoline_lowered:
0x8: {  	[smem:$0x3F82] =	sst s0  }
0x9: {  	[smem:$0x3F83] =	sst s1  }
0xa: {  	[smem:$0x3F84] =	sst s2  }
0xb: {  	[smem:$0x3F85] =	sst s3  }
0xc: {  	[smem:$0x3F86] =	sst s4  }
0xd: {  	[smem:$0x3F87] =	sst s5  }
0xe: {  	[smem:$0x3F88] =	sst s6  }
0xf: {  	[smem:$0x3F89] =	sst s7  }
0x10: {  	[smem:$0x3F8A] =	sst s8  }
0x11: {  	[smem:$0x3F8B] =	sst s9;
	s0 =	simm.s32 @!p0 $0x0  }
0x12: {  	s1 =	sld [smem:$0x3F71];
	s0 =	simm.s32 @p0 $0x1  }
0x13: {  	[smem:$0x3F8C] =	sst s0;
	s0 =	simm.s32 @!p1 $0x0  }
0x14: {  	s2 =	sld [smem:$0x3F70];
	s0 =	simm.s32 @p1 $0x1  }
0x15: {  	[smem:$0x3F8D] =	sst s0;
	s0 =	simm.s32 @!p2 $0x0  }
0x16: {  	s3 =	sld [smem:$0x3FDB];
	s0 =	simm.s32 @p2 $0x1  }
0x17: {  	s4 =	simm.s32 $0x1BF5;
	[smem:$0x3F8F] =	sst s0  }
0x18: {  	s0 =	sld [smem:$0x3F72];
	_ =	swait.ge [sflag:s4], $0x0  }
0x19: {  	s7 =	sld [smem:$0x3F73]  }
0x1a: {  	s8 =	sadd.s32 $0xFFFFE003, lr  }
0x1b: {  	s9 =	sadd.s32 $0xFFFFFEF7, lr;
	s5 =	simm.s32 $0xFFFFFFFF;
	p2 =	slt.u32 s8, $0xFFFFF086  }
0x1c: {  	p1 =	slt.u32 s9, $0xF7A;
	s5 =	simm.s32 @!p2 $0x0  }
0x1d: {  	s5 =	simm.s32 @p1 $0x1;
	p0 =	seq.s32 s7, s2  }
0x1e: {  	s7 =	smul.u32 @!p0 $0xF7A, s2;
	p2 =	seq.s32 @!p0 s5, $0x0  }
0x1f: {  	s9 =	smul.u32 $0xF7A, s1;
	s8 =	simm.s32 @!p0 $0x1BF5;
	p2 =	por !p2, p0  }
0x20: {  	[sflag:s8] =	ssyncset.s32 @!p0 $0xFFFFF086;
	s6 =	sadd.s32 @!p0 s3, s7;
	s7 =	simm.s32 @!p0 $0x108  }
0x21: {  	s3 =	sadd.s32 s3, s9;
	s6 =	sadd.s32 @!p0 $0x88, s6;
	s7 =	simm.s32 @p2 $0x1082  }
0x22: {  	[simem:s7], [sflag:s8] =	dma.local @!p0 [hbm:s6], $0xF7A  }
0x23: {  	s9 =	sor.u32 $0xD0000000, s2;
	s6 =	simm.s32 $0x108;
	_ =	swait.ge @!p0 [sflag:s8], $0x0  }
0x24: {  	s3 =	sadd.s32 $0x88, s3;
	s6 =	simm.s32 @!p1 $0x1082;
	[sflag:s4] =	ssyncset.s32 $0xFFFFF086  }
0x25: {  	[simem:s6], [sflag:s4] =	dma.local [hbm:s3], $0xF7A  }
0x26: {  	[smem:$0x3F73] =	sst s1;
	(tag) =	ssettag s2;
	_ =	strace s9  }
0x27: {  	s1 =	sld [smem:$0x3F83]  }
0x28: {  	s2 =	sld [smem:$0x3F84]  }
0x29: {  	s4 =	sld [smem:$0x3F86]  }
0x2a: {  	p0 =	seq.s32 s5, $0x0;
	s5 =	sld [smem:$0x3F87]  }
0x2b: {  	s6 =	sld [smem:$0x3F88]  }
0x2c: {  	s7 =	sld [smem:$0x3F89]  }
0x2d: {  	s3 =	simm.s32 $0x108;
	s8 =	sld [smem:$0x3F8A]  }
0x2e: {  	s3 =	simm.s32 @!p0 $0x1082;
	s9 =	sld [smem:$0x3F8B]  }
0x2f: {  	lr =	sadd.s32 s0, s3;
	s0 =	sld [smem:$0x3F82]  }
0x30: {  	s3 =	sld [smem:$0x3F85]  }
0x31: {  	[smem:$0x3F8E] =	sst s10  }
0x32: {  	s10 =	sld [smem:$0x3F8C];
	_ =	sdelay $0x3  }
0x33: {  	p0 =	seq.s32 s10, $0x1;
	s10 =	sld [smem:$0x3F8E];
	_ =	sdelay $0x3  }
0x34: {  	[smem:$0x3F8E] =	sst s10  }
0x35: {  	s10 =	sld [smem:$0x3F8D];
	_ =	sdelay $0x3  }
0x36: {  	p1 =	seq.s32 s10, $0x1;
	s10 =	sld [smem:$0x3F8E];
	_ =	sdelay $0x3  }
0x37: {  	[smem:$0x3F8E] =	sst s10  }
0x38: {  	s10 =	sld [smem:$0x3F8F]  }
0x39: {  	_ = 	snop;
	(pc) =	sbr.ind lr, $3  }
0x3a: {  	_ = 	snop  }
0x3b: {  	_ = 	snop  }
0x3c: {  	p2 =	seq.s32 s10, $0x1;
	s10 =	sld [smem:$0x3F8E]  }
0x3d: {  	_ =	shalt  }
0x3e: {  	_ =	shalt  }
0x3f: {  	_ =	shalt  }
0x40: {  	_ =	shalt  }
0x41: {  	_ =	shalt  }
0x42: {  	_ =	shalt  }
0x43: {  	_ =	shalt  }
0x44: {  	_ =	shalt  }
0x45: {  	_ =	shalt  }
0x46: {  	_ =	shalt  }
0x47: {  	_ =	shalt  }
0x48: {  	_ =	shalt  }
0x49: {  	_ =	shalt  }
0x4a: {  	_ =	shalt  }
0x4b: {  	_ =	shalt  }
0x4c: {  	_ =	shalt  }
0x4d: {  	_ =	shalt  }
0x4e: {  	_ =	shalt  }
0x4f: {  	_ =	shalt  }
0x50: {  	_ =	shalt  }
0x51: {  	_ =	shalt  }
0x52: {  	_ =	shalt  }
0x53: {  	_ =	shalt  }
0x54: {  	_ =	shalt  }
0x55: {  	_ =	shalt  }
0x56: {  	_ =	shalt  }
0x57: {  	_ =	shalt  }
0x58: {  	_ =	shalt  }
0x59: {  	_ =	shalt  }
0x5a: {  	_ =	shalt  }
0x5b: {  	_ =	shalt  }
0x5c: {  	_ =	shalt  }
0x5d: {  	_ =	shalt  }
0x5e: {  	_ =	shalt  }
0x5f: {  	_ =	shalt  }
0x60: {  	_ =	shalt  }
0x61: {  	_ =	shalt  }
0x62: {  	_ =	shalt  }
0x63: {  	_ =	shalt  }
0x64: {  	_ =	shalt  }
0x65: {  	_ =	shalt  }
0x66: {  	_ =	shalt  }
0x67: {  	_ =	shalt  }
0x68: {  	_ =	shalt  }
0x69: {  	_ =	shalt  }
0x6a: {  	_ =	shalt  }
0x6b: {  	_ =	shalt  }
0x6c: {  	_ =	shalt  }
0x6d: {  	_ =	shalt  }
0x6e: {  	_ =	shalt  }
0x6f: {  	_ =	shalt  }
0x70: {  	_ =	shalt  }
0x71: {  	_ =	shalt  }
0x72: {  	_ =	shalt  }
0x73: {  	_ =	shalt  }
0x74: {  	_ =	shalt  }
0x75: {  	_ =	shalt  }
0x76: {  	_ =	shalt  }
0x77: {  	_ =	shalt  }
0x78: {  	_ =	shalt  }
0x79: {  	_ =	shalt  }
0x7a: {  	_ =	shalt  }
0x7b: {  	_ =	shalt  }
0x7c: {  	_ =	shalt  }
0x7d: {  	_ =	shalt  }
0x7e: {  	_ =	shalt  }
0x7f: {  	_ =	shalt  }
0x80: {  	_ =	shalt  }
0x81: {  	_ =	shalt  }
0x82: {  	_ =	shalt  }
0x83: {  	_ =	shalt  }
0x84: {  	_ =	shalt  }
0x85: {  	_ =	shalt  }
0x86: {  	_ =	shalt  }
0x87: {  	_ =	shalt  }
.Lfunc_end0:
.L_simem_size_0:
called_computation_lowered:
.L_overlay_start_0:
0x88: {  	s2 =	sld [smem:$0x3FD9]  }
0x89: {  	s3 =	sld [smem:$0x3FFE];
	_ =	sdelay $0x1  }
0x8a: {  	s1 =	srdreg.scid  }
0x8b: {  	s0 =	sand.u32 $0x1, s1  }
0x8c: {  	s17 =	sshll.u32 s0, $0xA;
	s2 =	sadd.s32 s3, s2  }
0x8d: {  	s2 =	sadd.s32 s2, s17  }
0x8e: {  	[smem:$0x3F9A] =	sst s2  }
0x8f: {  	_ = 	snop  }
0x90: {  	s2 =	sld [smem:$0x3FC9];
	(tm) =	ssettm $0x1  }
0x91: {  	s18 =	sld [smem:$0x3FFB];
	_ =	sdelay $0x3  }
0x92: {  	_ =	strace s18  }
0x93: {  	s3 =	sld [smem:$0x3FFC];
	_ =	sdelay $0x3  }
0x94: {  	_ =	strace s3  }
0x95: {  	s3 =	sld [smem:$0x3FFD];
	_ =	sdelay $0x3  }
0x96: {  	_ =	strace s3  }
0x97: {  	_ =	strace $0x8FFFFFFF  }
0x98: {  	s19 =	sld [smem:$0x3FDB];
	_ =	sdelay $0x1  }
0x99: {  	s4 =	simm.s32 $_scs_section_size  }
0x9a: {  	s5 =	simm.s32 $_size__tile_overlayer_lowered;
	s6 =	simm.s32 $_tile_overlayer_lowered  }
0x9b: {  	s22 =	simm.s32 $0x1BFF;
	s21 =	sshll.u32 s6, $0x1;
	s3 =	sadd.s32 s4, s19  }
0x9c: {  	s7 =	simm.s32 $0x0;
	s20 =	sshll.u32 s5, $0x1;
	s5 =	sadd.s32 s21, s3  }
0x9d: {  	[timem:s7], [sflag:s22] =	dma.local [hbm:s5], s20  }
0x9e: {  	_ =	swait.ge [sflag:s22], s20  }
0x9f: {  	s4 =	ssub.s32 $0x0, s20;
	[sflag:s22] =	ssyncset.done $0x0  }
0xa0: {  	[sflag:s22] =	ssyncadd.s32 s4;
	_ =	sdelay $0x1  }
0xa1: {  	s23 =	simm.s32 $0x1B8B  }
0xa2: {  	_ =	swait.ge [sflag:s23], $0x1  }
0xa3: {  	[sflag:s23] =	ssyncset.done $0x0  }
0xa4: {  	s25 =	simm.s32 $0x1B8E;
	s24 =	sld [smem:$0x3FFE];
	[sflag:s23] =	ssyncadd.s32 $0xFFFFFFFF  }
0xa5: {  	s26 =	simm.s32 $execute0_lowered;
	[smem:$0x3FD2] =	sst s25  }
0xa6: {  	s5 =	sshll.u32 s26, $0x1;
	_ =	strace $0x80000046;
	[dreg:$0x1] =	wrdreg $0xFFFFFFFF  }
0xa7: {  	s28 =	simm.s32 $_size_execute0_lowered;
	s3 =	sadd.s32 s3, s5;
	[dreg:$0x0] =	wrdreg $0x0  }
0xa8: {  	s5 =	sshll.u32 s28, $0x1;
	[dreg:$0x2] =	wrdreg s3  }
0xa9: {  	[dreg:$0x3] =	wrdreg s5  }
0xaa: {  	[dreg:$0x4] =	wrdreg $0xC0  }
0xab: {  	_ =	task [dreg:s7], $0x5FFFF  }
0xac: {  	[dreg:$0x1] =	wrdreg $0xFFFFFFFF  }
0xad: {  	[dreg:$0x0] =	wrdreg $0x60  }
0xae: {  	[dreg:$0x2] =	wrdreg s2  }
0xaf: {  	[dreg:$0x3] =	wrdreg s24  }
0xb0: {  	[dreg:$0x4] =	wrdreg $0xC6000  }
0xb1: {  	[dreg:$0x5] =	wrdreg $0x9  }
0xb2: {  	_ =	task.clear_ibuf [dreg:s7], $0x6FFFF;
	_ =	strace $0x90000046  }
0xb3: {  	s29 =	simm.s32 $0x9;
	_ =	strace $0x80000048  }
0xb4: {  	_ =	swait.ge [sflag:s29], $0x1  }
0xb5: {  	[sflag:s29] =	ssyncadd.s32 $0xFFFFFFFF  }
0xb6: {  	_ =	strace $0x90000048  }
0xb7: {  	_ =	sfence  }
0xb8: {  	s30 =	sld [smem:$0x0];
	_ =	sdelay $0x2  }
0xb9: {  	s31 =	sshll.u32 s1, $0xD;
	s1 =	sshrl.u32 s1, $0x2  }
0xba: {  	s3 =	sand.u32 $0x4000, s31;
	s1 =	sadd.s32 s1, s30  }
0xbb: {  	s0 =	sor.u32 s3, s0;
	s1 =	sshll.u32 s1, $0x11  }
0xbc: {  	s0 =	sor.u32 s1, s0  }
0xbd: {  	s0 =	sadd.s32 $0x8F2B, s0  }
0xbe: {  	[sflag:s0] =	ssyncadd.remote.s32 $0x1  }
0xbf: {  	_ =	sfence.sel $0xFFFF  }
0xc0: {  	[dreg:$0x0] =	wrdreg $0xFFFFFFFF;
	(pc) =	sbr.abs _section_cstart, $3  }
0xc1: {  	[dreg:$0x1] =	wrdreg $0xFFFFFFFF  }
0xc2: {  	_ =	task.clear_ibuf [dreg:s7], $0x2FFFF;
	_ =	strace $0x9FFFFFFF  }
0xc3: {  	(tm) =	ssettm $0x7FFFFFFF  }
tec
execute0_lowered:
.L_overlay_start_1:
0x0: {  	(tag) =	ssettag $0x1  }
0x1: {  	s1 =	rddreg [dreg:$0x0]  }
0x2: {  	s0 =	rddreg [dreg:$0x1]  }
0x3: {  	s2 =	rddreg [dreg:$0x2];
	s3 =	simm.s32 $0x0;
	s4 =	srdreg.scid  }
0x4: {  	s18 =	stileid.u32;
	s29 =	simm.s32 $0x4100;
	s28 =	simm.s32 $0x9  }
0x5: {  	[smem:$0x7FF] =	sst s3;
	s5 =	sadd.s32 $0x9DDE00, s0;
	s6 =	sadd.s32 $0x9D4000, s0  }
0x6: {  	s30 =	simm.s32 $0x80;
	s7 =	sadd.s32 $0x9CA200, s0;
	s8 =	sadd.s32 $0xEBFE00, s0  }
0x7: {  	s4 =	sand.u32 $0x1, s4;
	s9 =	smul.u32 $0x4E000, s18;
	s0 =	sadd.s32 $0x4E8200, s0  }
0x8: {  	s14 =	sshll.u32 s18, $0x6;
	s22 =	sadd.s32 $0x138000, s2;
	s24 =	ssub.s32 $0x9D3, s18  }
0x9: {  	s25 =	sadd.s32 $0x138400, s2;
	s17 =	smul.u32 $0x13800, s18;
	p0 =	sne.s32 s18, $0xF  }
0xa: {  	s18 =	simm.s32 $0x6180;
	_ =	strace $0x80000047;
	[dreg:$0x4] =	wrdreg s14  }
0xb: {  	s10 =	ssub.s32 $0x2, s4;
	s11 =	smul.u32 $0x27100, s4;
	[dreg:$0x6] =	wrdreg s25  }
0xc: {  	s4 =	smul.u32 $0x138800, s4;
	s12 =	sshrl.u32 s10, $0x1;
	s9 =	sshrl.u32 s9, $0x2  }
0xd: {  	[dreg:$0x5] =	wrdreg s22;
	s13 =	ssub.s32 s10, s12;
	s10 =	sadd.s32 s9, s2  }
0xe: {  	s11 =	sadd.s32 s14, s11;
	s14 =	sshrl.u32 s24, $0x4;
	s24 =	sadd.s32 s17, s4  }
0xf: {  	s4 =	sshrl.u32 s4, $0x3;
	s17 =	simm.s32 $0x6;
	s15 =	sshrl.u32 s11, $0x3  }
0x10: {  	s31 =	sshll.u32 s11, $0x4;
	s16 =	sadd.s32 $0x400, s11;
	s23 =	sadd.s32 $0x1, s14  }
0x11: {  	s25 =	sshrl.u32 s24, $0x3;
	s4 =	sadd.s32 s0, s4;
	s26 =	sadd.s32 s6, s15  }
0x12: {  	s19 =	sadd.s32 s8, s31;
	s16 =	sshrl.u32 s16, $0x3;
	s9 =	sadd.s32 s5, s31  }
0x13: {  	s20 =	sadd.s32 s7, s15;
	s0 =	sadd.s32 s0, s25;
	[dreg:$0x7] =	wrdreg s26  }
0x14: {  	s31 =	smax.u32 s13, $0x1;
	s25 =	simm.s32 $0xC200;
	[dreg:$0x8] =	wrdreg s19  }
0x15: {  	s13 =	simm.s32 $0x5;
	s15 =	simm.s32 $0x4;
	[dreg:$0x9] =	wrdreg s9  }
.Ltmp0:
0x16: {  	[dreg:$0xa] =	wrdreg s20;
	s21 =	sadd.s32 s6, s16;
	(pc) =	sbr.rel .LBB2_1-.Ltmp0, $4  }
0x17: {  	s20 =	sshrl.u32 s23, $0x1;
	[dreg:$0xc] =	wrdreg s0;
	s26 =	sadd.s32 $0x27000, s4  }
0x18: {  	[dreg:$0xe] =	wrdreg s31;
	s0 =	simm.s32 $0x40;
	s4 =	simm.s32 $0x3  }
0x19: {  	s16 =	simm.s32 $0xA;
	s9 =	simm.s32 $0xA200;
	[dreg:$0xb] =	wrdreg s21  }
0x1a: {  	v0 =	vimm.f32 $0.0e+00;
	s21 =	sadd.s32 $0xFFFFFFFF, s14;
	[dreg:$0xd] =	wrdreg s26;
	s26 =	simm.s32 $0xB  }
.LBB2_13:
0x1b: {  	s12 =	simm.s32 $0x7  }
0x1c: {  	_ =	swait.ge [sflag:s12], $0x2000  }
0x1d: {  	[sflag:s12] =	ssyncset.done $0x0  }
0x1e: {  	s23 =	simm.s32 $0x8;
	[sflag:s12] =	ssyncadd.s32 $0xFFFFE000  }
0x1f: {  	_ =	swait.ge [sflag:s23], $0x2000  }
0x20: {  	[sflag:s23] =	ssyncset.done $0x0  }
0x21: {  	[sflag:s23] =	ssyncadd.s32 $0xFFFFE000  }
0x22: {  	[bflag:$0x0] =	sbarrier.arrive $0xFFFF  }
0x23: {  	s24 =	rddreg [dreg:$0x4]  }
0x24: {  	s19 =	sshrl.u32 s10, $0x3;
	s22 =	rddreg [dreg:$0xc];
	s12 =	sor.u32 $0x1C0B, s24  }
0x25: {  	[hbm:s22], [sflag:s12] =	dma.local [spmem:s19], $0x2700  }
0x26: {  	_ =	swait.ge [sflag:s26], $0x2700  }
0x27: {  	[sflag:s26] =	ssyncset.done $0x0;
	s22 =	rddreg [dreg:$0x5]  }
0x28: {  	s23 =	rddreg [dreg:$0xd];
	[sflag:s26] =	ssyncadd.s32 $0xFFFFD900;
	s19 =	sshrl.u32 @!p0 s22, $0x3  }
0x29: {  	[hbm:s23], [sflag:s12] =	dma.local @!p0 [spmem:s19], $0x100  }
0x2a: {  	s12 =	simm.s32 @!p0 $0xB  }
0x2b: {  	_ =	swait.ge @!p0 [sflag:s12], $0x100  }
0x2c: {  	s3 =	sadd.s32 $0x1, s3;
	s31 =	rddreg [dreg:$0xe]  }
0x2d: {  	p1 =	sne.s32 s3, s31  }
.Ltmp1:
0x2e: {  	_ = 	snop;
	(pc) =	sbr.rel @!p1 .LBB2_14-.Ltmp1, $3  }
0x2f: {  	_ =	sdelay $0x1  }
0x30: {  	[sflag:s12] =	ssyncset.done @!p0 $0x0  }
0x31: {  	[sflag:s12] =	ssyncadd.s32 @!p0 $0xFFFFFF00  }
.LBB2_1:
0x32: {  	[tilespmem:$0xC200] =	vst v0  }
0x33: {  	[tilespmem:$0xC210] =	vst v0  }
0x34: {  	[tilespmem:$0xC220] =	vst v0  }
0x35: {  	[tilespmem:$0xC230] =	vst v0  }
0x36: {  	[tilespmem:$0xC240] =	vst v0  }
0x37: {  	[tilespmem:$0xC250] =	vst v0  }
0x38: {  	[tilespmem:$0xC260] =	vst v0  }
0x39: {  	[tilespmem:$0xC270] =	vst v0  }
0x3a: {  	[tilespmem:$0xC280] =	vst v0  }
0x3b: {  	[tilespmem:$0xC290] =	vst v0  }
0x3c: {  	[tilespmem:$0xC2A0] =	vst v0  }
0x3d: {  	[tilespmem:$0xC2B0] =	vst v0  }
0x3e: {  	[tilespmem:$0xC2C0] =	vst v0  }
0x3f: {  	[tilespmem:$0xC2D0] =	vst v0  }
0x40: {  	[tilespmem:$0xC2E0] =	vst v0  }
0x41: {  	[tilespmem:$0xC2F0] =	vst v0  }
0x42: {  	[tilespmem:$0xC300] =	vst v0  }
0x43: {  	[tilespmem:$0xC310] =	vst v0  }
0x44: {  	[tilespmem:$0xC320] =	vst v0  }
0x45: {  	[tilespmem:$0xC330] =	vst v0  }
0x46: {  	[tilespmem:$0xC340] =	vst v0  }
0x47: {  	[tilespmem:$0xC350] =	vst v0  }
0x48: {  	[tilespmem:$0xC360] =	vst v0  }
0x49: {  	[tilespmem:$0xC370] =	vst v0  }
0x4a: {  	[tilespmem:$0xC380] =	vst v0  }
0x4b: {  	[tilespmem:$0xC390] =	vst v0  }
0x4c: {  	[tilespmem:$0xC3A0] =	vst v0  }
0x4d: {  	[tilespmem:$0xC3B0] =	vst v0  }
0x4e: {  	[tilespmem:$0xC3C0] =	vst v0  }
0x4f: {  	[tilespmem:$0xC3D0] =	vst v0  }
0x50: {  	[tilespmem:$0xC3E0] =	vst v0  }
0x51: {  	[tilespmem:$0xC3F0] =	vst v0  }
0x52: {  	[tilespmem:$0xC400] =	vst v0  }
0x53: {  	[tilespmem:$0xC410] =	vst v0  }
0x54: {  	[tilespmem:$0xC420] =	vst v0  }
0x55: {  	[tilespmem:$0xC430] =	vst v0  }
0x56: {  	[tilespmem:$0xC440] =	vst v0  }
0x57: {  	[tilespmem:$0xC450] =	vst v0  }
0x58: {  	[tilespmem:$0xC460] =	vst v0  }
0x59: {  	[tilespmem:$0xC470] =	vst v0  }
0x5a: {  	[tilespmem:$0xC480] =	vst v0  }
0x5b: {  	[tilespmem:$0xC490] =	vst v0  }
0x5c: {  	[tilespmem:$0xC4A0] =	vst v0  }
0x5d: {  	[tilespmem:$0xC4B0] =	vst v0  }
0x5e: {  	[tilespmem:$0xC4C0] =	vst v0  }
0x5f: {  	[tilespmem:$0xC4D0] =	vst v0  }
0x60: {  	[tilespmem:$0xC4E0] =	vst v0  }
0x61: {  	[tilespmem:$0xC4F0] =	vst v0  }
0x62: {  	[tilespmem:$0xC500] =	vst v0  }
0x63: {  	[tilespmem:$0xC510] =	vst v0  }
0x64: {  	[tilespmem:$0xC520] =	vst v0  }
0x65: {  	[tilespmem:$0xC530] =	vst v0  }
0x66: {  	[tilespmem:$0xC540] =	vst v0  }
0x67: {  	[tilespmem:$0xC550] =	vst v0  }
0x68: {  	[tilespmem:$0xC560] =	vst v0  }
0x69: {  	[tilespmem:$0xC570] =	vst v0  }
0x6a: {  	[tilespmem:$0xC580] =	vst v0  }
0x6b: {  	[tilespmem:$0xC590] =	vst v0  }
0x6c: {  	[tilespmem:$0xC5A0] =	vst v0  }
0x6d: {  	[tilespmem:$0xC5B0] =	vst v0  }
0x6e: {  	[tilespmem:$0xC5C0] =	vst v0  }
0x6f: {  	[tilespmem:$0xC5D0] =	vst v0  }
0x70: {  	[tilespmem:$0xC5E0] =	vst v0  }
0x71: {  	[tilespmem:$0xC5F0] =	vst v0;
	s19 =	sadd.s32 $0x0, s10  }
0x72: {  	[spmem:s19] =	stream.linear.scatter [tilespmem:s25], [sflag:$0xB], $0x400, $0x38;
	[tilespmem:$0x1FE80] =	vst v63  }
0x73: {  	s19 =	simm.s32 $0x1000;
	_ =	swait.ge [sflag:s26], $0x400  }
.LBB2_2:
0x74: {  	s23 =	sshra.s32 s19, $0x2;
	[sflag:s26] =	ssyncset.done $0x0;
	p1 =	sne.s32 s19, $0x4D000  }
.Ltmp2:
0x75: {  	s23 =	sadd.s32 s23, s10;
	[sflag:s26] =	ssyncadd.s32 $0xFFFFFC00;
	(pc) =	sbr.rel @p1 .LBB2_2-.Ltmp2, $3  }
0x76: {  	[spmem:s23] =	stream.linear.scatter [tilespmem:s25], [sflag:$0xB], $0x400, $0x38;
	[tilespmem:$0x1FE80] =	vst v63  }
0x77: {  	s19 =	sadd.s32 $0x1000, s19;
	_ =	sdelay $0x1  }
0x78: {  	_ =	swait.ge [sflag:s26], $0x400  }
0x79: {  	[sflag:s26] =	ssyncset.done $0x0  }
0x7a: {  	s19 =	simm.s32 @!p0 $0xC200;
	s23 =	simm.s32 @!p0 $0xB;
	[sflag:s26] =	ssyncadd.s32 $0xFFFFFC00  }
0x7b: {  	[spmem:s22] =	stream.linear.scatter @!p0 [tilespmem:s19], [sflag:$0xB], $0x400, $0x38;
	[tilespmem:$0x1FE80] =	vst v63  }
0x7c: {  	_ =	swait.ge @!p0 [sflag:s23], $0x400  }
0x7d: {  	[sflag:s23] =	ssyncset.done @!p0 $0x0  }
0x7e: {  	s12 =	rddreg [dreg:$0x6];
	[sflag:s23] =	ssyncadd.s32 @!p0 $0xFFFFFC00  }
0x7f: {  	[spmem:s12] =	stream.linear.scatter @!p0 [tilespmem:s19], [sflag:$0xB], $0x400, $0x38;
	[tilespmem:$0x1FE80] =	vst v63  }
0x80: {  	_ =	swait.ge @!p0 [sflag:s23], $0x400  }
0x81: {  	[sflag:s23] =	ssyncset.done @!p0 $0x0  }
0x82: {  	[sflag:s23] =	ssyncadd.s32 @!p0 $0xFFFFFC00  }
0x83: {  	[bflag:$0x0] =	sbarrier.arrive $0xFFFF  }
0x84: {  	s23 =	simm.s32 $0x0;
	s31 =	rddreg [dreg:$0x7]  }
0x85: {  	[tilespmem:s23], [sflag:$0x1] =	stream.linear.gather [hbm4b:s31+s23], $0x40, $0x38;
	[tilespmem:$0x1FE80] =	vst v63  }
0x86: {  	s22 =	simm.s32 $0x100;
	s19 =	rddreg [dreg:$0x8]  }
0x87: {  	[tilespmem:s22], [sflag:$0x9] =	stream.linear.gather [hbm4b:s19+s23], $0x2000, $0x38;
	[tilespmem:$0x1FE80] =	vst v63  }
0x88: {  	s24 =	rddreg [dreg:$0x9]  }
0x89: {  	[tilespmem:s29], [sflag:$0x9] =	stream.linear.gather [hbm4b:s24+s23], $0x2000, $0x38;
	[tilespmem:$0x1FE80] =	vst v63  }
0x8a: {  	s31 =	rddreg [dreg:$0xa];
	s19 =	simm.s32 $0x1  }
0x8b: {  	[tilespmem:s30], [sflag:$0x5] =	stream.linear.gather [hbm4b:s31+s23], $0x40, $0x38;
	[tilespmem:$0x1FE80] =	vst v63  }
0x8c: {  	_ =	swait.ge [sflag:s19], $0x40  }
.Ltmp3:
0x8d: {  	[sflag:s19] =	ssyncset.done $0x0;
	(pc) =	sbr.rel .LBB2_4-.Ltmp3, $4  }
0x8e: {  	s22 =	simm.s32 $0x2100;
	[sflag:s19] =	ssyncadd.s32 $0xFFFFFFC0  }
0x8f: {  	[tilespmem:s22], [sflag:$0x3] =	stream.indirect.gather [hbm4b:s1+s0], $0x80, s23, s0, $0xb8;
	[tilespmem:$0x1FE80] =	vst v63  }
0x90: {  	s31 =	simm.s32 $0x6100;
	s24 =	rddreg [dreg:$0xb]  }
0x91: {  	[tilespmem:s31], [sflag:$0x2] =	stream.linear.gather [hbm4b:s24+s23], $0x40, $0x38;
	[tilespmem:$0x1FE80] =	vst v63  }
.LBB2_12:
0x92: {  	s23 =	sadd.s32 $0x1, s23  }
0x93: {  	p1 =	sne.s32 s23, s20  }
.Ltmp4:
0x94: {  	_ = 	snop;
	(pc) =	sbr.rel @!p1 .LBB2_13-.Ltmp4, $1  }
0x95: {  	_ =	sdelay $0x3  }
.LBB2_4:
0x96: {  	s24 =	sshll.u32 s23, $0x1  }
0x97: {  	p1 =	sge.u32 s24, s14  }
.Ltmp5:
0x98: {  	_ = 	snop;
	(pc) =	sbr.rel @p1 .LBB2_8-.Ltmp5, $1  }
0x99: {  	_ =	sdelay $0x3  }
0x9a: {  	_ =	swait.ge [sflag:s4], $0x2000;
	s19 =	sor.u32 $0x1, s24  }
0x9b: {  	[sflag:s4] =	ssyncset.done $0x0;
	p1 =	sge.u32 s19, s14  }
0x9c: {  	[sflag:s4] =	ssyncadd.s32 $0xFFFFE000;
	s31 =	simm.s32 @!p1 $0x2  }
0x9d: {  	s22 =	simm.s32 @!p1 $0x6100;
	_ =	swait.ge @!p1 [sflag:s31], $0x40  }
0x9e: {  	s12 =	simm.s32 @!p1 $0x8200;
	p2 =	seq.s32 @!p1 s23, $0x0;
	[sflag:s31] =	ssyncset.done @!p1 $0x0  }
0x9f: {  	p2 =	por p2, p1;
	[sflag:s31] =	ssyncadd.s32 @!p1 $0xFFFFFFC0;
	s31 =	simm.s32 @!p1 $0x40  }
0xa0: {  	[tilespmem:s12], [sflag:$0x4] =	stream.indirect.gather @!p1 [hbm4b:s1+s31], $0x80, s22, s31, $0xb8;
	[tilespmem:$0x1FE80] =	vst v63  }
0xa1: {  	s12 =	simm.s32 @!p2 $0x8  }
0xa2: {  	s19 =	sshll.u32 @!p1 s19, $0xA;
	_ =	swait.ge @!p2 [sflag:s12], $0x2000  }
0xa3: {  	s19 =	sadd.s32 @!p1 s19, s11;
	[sflag:s12] =	ssyncset.done @!p2 $0x0  }
0xa4: {  	[sflag:s12] =	ssyncadd.s32 @!p2 $0xFFFFE000;
	s12 =	sshrl.u32 @!p1 s19, $0x3  }
0xa5: {  	s22 =	simm.s32 @!p1 $0x0;
	s31 =	simm.s32 @!p1 $0x6180;
	s12 =	sadd.s32 @!p1 s7, s12  }
0xa6: {  	[tilespmem:s31], [sflag:$0x6] =	stream.linear.gather @!p1 [hbm4b:s12+s22], $0x40, $0x38;
	[tilespmem:$0x1FE80] =	vst v63  }
0xa7: {  	s12 =	sshll.u32 @!p1 s19, $0x4  }
0xa8: {  	s31 =	simm.s32 @!p1 $0x6200;
	s19 =	sadd.s32 @!p1 s8, s12  }
0xa9: {  	[tilespmem:s31], [sflag:$0xA] =	stream.linear.gather @!p1 [hbm4b:s19+s22], $0x2000, $0x38;
	[tilespmem:$0x1FE80] =	vst v63  }
0xaa: {  	s12 =	sadd.s32 @!p1 s5, s12;
	s19 =	simm.s32 @!p1 $0xA200  }
0xab: {  	[tilespmem:s19], [sflag:$0xA] =	stream.linear.gather @!p1 [hbm4b:s12+s22], $0x2000, $0x38;
	[tilespmem:$0x1FE80] =	vst v63  }
0xac: {  	_ =	swait.ge [sflag:s28], $0x2000  }
0xad: {  	[sflag:s28] =	ssyncset.done $0x0  }
0xae: {  	[sflag:s28] =	ssyncadd.s32 $0xFFFFE000  }
0xaf: {  	_ =	swait.ge [sflag:s28], $0x2000  }
0xb0: {  	[sflag:s28] =	ssyncset.done $0x0  }
0xb1: {  	s31 =	simm.s32 $0x0;
	[sflag:s28] =	ssyncadd.s32 $0xFFFFE000  }
0xb2: {  	v1 =	vld [tilespmem:s31+$0x100]  }
0xb3: {  	v8 =	vld [tilespmem:s31+$0x2100]  }
0xb4: {  	v13 =	vld [tilespmem:s31+$0x2110]  }
0xb5: {  	v7 =	vld [tilespmem:s31+$0x2120]  }
0xb6: {  	v6 =	vld [tilespmem:s31+$0x2130]  }
0xb7: {  	v5 =	vld [tilespmem:s31+$0x2140]  }
0xb8: {  	v4 =	vld [tilespmem:s31+$0x2150]  }
0xb9: {  	v3 =	vld [tilespmem:s31+$0x2160]  }
0xba: {  	v2 =	vld [tilespmem:s31+$0x2170]  }
0xbb: {  	v14 =	vld [tilespmem:s31+$0x4100]  }
0xbc: {  	v15 =	vld [tilespmem:s31+$0x4110]  }
0xbd: {  	v12 =	vld [tilespmem:s31+$0x4120]  }
0xbe: {  	v11 =	vld [tilespmem:s31+$0x4130]  }
0xbf: {  	v10 =	vld [tilespmem:s31+$0x4140]  }
0xc0: {  	v9 =	vld [tilespmem:s31+$0x4150];
	v14 =	vadd.f32 v14, v8  }
0xc1: {  	s19 =	simm.s32 $0x200;
	v13 =	vadd.f32 v15, v13;
	v8 =	vld [tilespmem:s31+$0x4160]  }
.LBB2_6:
0xc2: {  	s12 =	sshra.s32 s19, $0x2;
	p1 =	sne.s32 s19, $0x7E00;
	v14 =	vmax.f32 v14, $0.0e+00;
	v7 =	vadd.f32 v12, v7;
	v12 =	vld [tilespmem:s31+$0x4170]  }
0xc3: {  	v15 =	vld [tilespmem:s12+$0x100];
	v14 =	vmul.f32 v14, v1;
	v13 =	vmax.f32 v13, $0.0e+00;
	v6 =	vadd.f32 v11, v6  }
0xc4: {  	v16 =	vld [tilespmem:s12+$0x2100];
	v11 =	vmul.f32 v13, v1;
	v7 =	vmax.f32 v7, $0.0e+00;
	v5 =	vadd.f32 v10, v5  }
0xc5: {  	v13 =	vld [tilespmem:s12+$0x2110];
	[tilespmem:s31+$0x4100] =	vst v14;
	v10 =	vmul.f32 v7, v1;
	v6 =	vmax.f32 v6, $0.0e+00;
	v4 =	vadd.f32 v9, v4  }
0xc6: {  	v7 =	vld [tilespmem:s12+$0x2120];
	[tilespmem:s31+$0x4110] =	vst v11;
	v9 =	vmul.f32 v6, v1;
	v5 =	vmax.f32 v5, $0.0e+00;
	v3 =	vadd.f32 v8, v3  }
0xc7: {  	v6 =	vld [tilespmem:s12+$0x2130];
	[tilespmem:s31+$0x4120] =	vst v10;
	v8 =	vmul.f32 v5, v1;
	v4 =	vmax.f32 v4, $0.0e+00;
	v2 =	vadd.f32 v12, v2  }
0xc8: {  	v5 =	vld [tilespmem:s12+$0x2140];
	[tilespmem:s31+$0x4130] =	vst v9;
	v9 =	vmul.f32 v4, v1;
	v3 =	vmax.f32 v3, $0.0e+00  }
0xc9: {  	v4 =	vld [tilespmem:s12+$0x2150];
	[tilespmem:s31+$0x4140] =	vst v8;
	v8 =	vmul.f32 v3, v1;
	v2 =	vmax.f32 v2, $0.0e+00  }
0xca: {  	v3 =	vld [tilespmem:s12+$0x2160];
	[tilespmem:s31+$0x4150] =	vst v9;
	v9 =	vmul.f32 v2, v1;
	v1 =	vmov v15  }
0xcb: {  	v2 =	vld [tilespmem:s12+$0x2170];
	[tilespmem:s31+$0x4160] =	vst v8  }
0xcc: {  	v8 =	vld [tilespmem:s12+$0x4100];
	[tilespmem:s31+$0x4170] =	vst v9;
	s31 =	smov.u32 s12  }
0xcd: {  	v15 =	vld [tilespmem:s31+$0x4110]  }
.Ltmp6:
0xce: {  	v12 =	vld [tilespmem:s31+$0x4120];
	(pc) =	sbr.rel @p1 .LBB2_6-.Ltmp6, $4  }
0xcf: {  	v11 =	vld [tilespmem:s31+$0x4130]  }
0xd0: {  	v10 =	vld [tilespmem:s31+$0x4140]  }
0xd1: {  	v14 =	vadd.f32 v8, v16;
	v9 =	vld [tilespmem:s31+$0x4150]  }
0xd2: {  	s19 =	sadd.s32 $0x200, s19;
	v13 =	vadd.f32 v15, v13;
	v8 =	vld [tilespmem:s31+$0x4160]  }
0xd3: {  	v14 =	vmax.f32 v14, $0.0e+00;
	v7 =	vadd.f32 v12, v7;
	v62 =	vld [tilespmem:s31+$0x4170]  }
0xd4: {  	v14 =	vmul.f32 v14, v1;
	v13 =	vmax.f32 v13, $0.0e+00;
	v6 =	vadd.f32 v11, v6  }
0xd5: {  	v63 =	vmul.f32 v13, v1;
	v7 =	vmax.f32 v7, $0.0e+00;
	v5 =	vadd.f32 v10, v5  }
0xd6: {  	[tilespmem:s31+$0x4100] =	vst v14;
	v7 =	vmul.f32 v7, v1;
	v6 =	vmax.f32 v6, $0.0e+00;
	v4 =	vadd.f32 v9, v4  }
0xd7: {  	[tilespmem:s31+$0x4110] =	vst v63;
	v6 =	vmul.f32 v6, v1;
	v5 =	vmax.f32 v5, $0.0e+00;
	v3 =	vadd.f32 v8, v3  }
0xd8: {  	[tilespmem:s31+$0x4120] =	vst v7;
	v5 =	vmul.f32 v5, v1;
	v4 =	vmax.f32 v4, $0.0e+00;
	v2 =	vadd.f32 v62, v2  }
0xd9: {  	[tilespmem:s31+$0x4130] =	vst v6;
	v4 =	vmul.f32 v4, v1;
	v3 =	vmax.f32 v3, $0.0e+00  }
0xda: {  	[tilespmem:s31+$0x4140] =	vst v5;
	v3 =	vmul.f32 v3, v1;
	v2 =	vmax.f32 v2, $0.0e+00  }
0xdb: {  	[tilespmem:s31+$0x4150] =	vst v4;
	v1 =	vmul.f32 v2, v1  }
0xdc: {  	s12 =	sadd.s32 $0x2, s24;
	[tilespmem:s31+$0x4160] =	vst v3  }
0xdd: {  	p1 =	sge.u32 s12, s14;
	[tilespmem:s31+$0x4170] =	vst v1  }
0xde: {  	s12 =	sshll.u32 @!p1 s12, $0xA;
	_ =	swait.ge [sflag:s13], $0x40  }
0xdf: {  	s12 =	sadd.s32 @!p1 s12, s11;
	[sflag:s13] =	ssyncset.done $0x0  }
0xe0: {  	s12 =	sshrl.u32 @!p1 s12, $0x3;
	[sflag:s13] =	ssyncadd.s32 $0xFFFFFFC0  }
0xe1: {  	[spmem:s2] =	stream.indirect.scatter.add.f32 [tilespmem:s29], [sflag:$0x7], $0x80, s30, s0, $0xb8;
	[tilespmem:$0x1FE80] =	vst v63  }
0xe2: {  	s19 =	simm.s32 @!p1 $0x0;
	s12 =	sadd.s32 @!p1 s6, s12  }
0xe3: {  	[tilespmem:s19], [sflag:$0x1] =	stream.linear.gather @!p1 [hbm4b:s12+s19], $0x40, $0x38;
	[tilespmem:$0x1FE80] =	vst v63  }
.LBB2_8:
0xe4: {  	p1 =	sge.u32 s24, s21  }
.Ltmp7:
0xe5: {  	_ = 	snop;
	(pc) =	sbr.rel @p1 .LBB2_12-.Ltmp7, $1  }
0xe6: {  	_ =	sdelay $0x3  }
0xe7: {  	_ =	swait.ge [sflag:s15], $0x2000;
	s12 =	sadd.s32 $0x2, s24  }
0xe8: {  	[sflag:s15] =	ssyncset.done $0x0;
	p1 =	sge.u32 s12, s14  }
0xe9: {  	[sflag:s15] =	ssyncadd.s32 $0xFFFFE000;
	s19 =	simm.s32 @!p1 $0x1  }
0xea: {  	_ =	swait.ge @!p1 [sflag:s19], $0x40  }
0xeb: {  	s22 =	simm.s32 @!p1 $0x0;
	[sflag:s19] =	ssyncset.done @!p1 $0x0  }
0xec: {  	s31 =	simm.s32 @!p1 $0x2100;
	[sflag:s19] =	ssyncadd.s32 @!p1 $0xFFFFFFC0;
	s19 =	simm.s32 @!p1 $0x40  }
0xed: {  	[tilespmem:s31], [sflag:$0x3] =	stream.indirect.gather @!p1 [hbm4b:s1+s19], $0x80, s22, s19, $0xb8;
	[tilespmem:$0x1FE80] =	vst v63  }
0xee: {  	s12 =	sshll.u32 @!p1 s12, $0xA;
	s19 =	simm.s32 @!p1 $0x7  }
0xef: {  	s12 =	sadd.s32 @!p1 s12, s11;
	_ =	swait.ge @!p1 [sflag:s19], $0x2000  }
0xf0: {  	s31 =	sshrl.u32 @!p1 s12, $0x3;
	s12 =	sshll.u32 @!p1 s12, $0x4;
	[sflag:s19] =	ssyncset.done @!p1 $0x0  }
0xf1: {  	[sflag:s19] =	ssyncadd.s32 @!p1 $0xFFFFE000;
	s19 =	sadd.s32 @!p1 s7, s31;
	s31 =	simm.s32 @!p1 $0x80  }
0xf2: {  	[tilespmem:s31], [sflag:$0x5] =	stream.linear.gather @!p1 [hbm4b:s19+s22], $0x40, $0x38;
	[tilespmem:$0x1FE80] =	vst v63  }
0xf3: {  	s19 =	sadd.s32 @!p1 s8, s12;
	s31 =	simm.s32 @!p1 $0x100  }
0xf4: {  	[tilespmem:s31], [sflag:$0x9] =	stream.linear.gather @!p1 [hbm4b:s19+s22], $0x2000, $0x38;
	[tilespmem:$0x1FE80] =	vst v63  }
0xf5: {  	s12 =	sadd.s32 @!p1 s5, s12;
	s19 =	simm.s32 @!p1 $0x4100  }
0xf6: {  	[tilespmem:s19], [sflag:$0x9] =	stream.linear.gather @!p1 [hbm4b:s12+s22], $0x2000, $0x38;
	[tilespmem:$0x1FE80] =	vst v63  }
0xf7: {  	_ =	swait.ge [sflag:s16], $0x2000  }
0xf8: {  	[sflag:s16] =	ssyncset.done $0x0  }
0xf9: {  	[sflag:s16] =	ssyncadd.s32 $0xFFFFE000  }
0xfa: {  	_ =	swait.ge [sflag:s16], $0x2000  }
0xfb: {  	[sflag:s16] =	ssyncset.done $0x0  }
0xfc: {  	s31 =	simm.s32 $0x0;
	[sflag:s16] =	ssyncadd.s32 $0xFFFFE000  }
0xfd: {  	v1 =	vld [tilespmem:s31+$0x6200]  }
0xfe: {  	v8 =	vld [tilespmem:s31+$0x8200]  }
0xff: {  	v13 =	vld [tilespmem:s31+$0x8210]  }
0x100: {  	v7 =	vld [tilespmem:s31+$0x8220]  }
0x101: {  	v6 =	vld [tilespmem:s31+$0x8230]  }
0x102: {  	v5 =	vld [tilespmem:s31+$0x8240]  }
0x103: {  	v4 =	vld [tilespmem:s31+$0x8250]  }
0x104: {  	v3 =	vld [tilespmem:s31+$0x8260]  }
0x105: {  	v2 =	vld [tilespmem:s31+$0x8270]  }
0x106: {  	v14 =	vld [tilespmem:s31+$0xA200]  }
0x107: {  	v15 =	vld [tilespmem:s31+$0xA210]  }
0x108: {  	v12 =	vld [tilespmem:s31+$0xA220]  }
0x109: {  	v11 =	vld [tilespmem:s31+$0xA230]  }
0x10a: {  	v10 =	vld [tilespmem:s31+$0xA240]  }
0x10b: {  	v9 =	vld [tilespmem:s31+$0xA250];
	v14 =	vadd.f32 v14, v8  }
0x10c: {  	s19 =	simm.s32 $0x200;
	v13 =	vadd.f32 v15, v13;
	v8 =	vld [tilespmem:s31+$0xA260]  }
.LBB2_10:
0x10d: {  	s12 =	sshra.s32 s19, $0x2;
	p1 =	sne.s32 s19, $0x7E00;
	v14 =	vmax.f32 v14, $0.0e+00;
	v7 =	vadd.f32 v12, v7;
	v12 =	vld [tilespmem:s31+$0xA270]  }
0x10e: {  	v15 =	vld [tilespmem:s12+$0x6200];
	v14 =	vmul.f32 v14, v1;
	v13 =	vmax.f32 v13, $0.0e+00;
	v6 =	vadd.f32 v11, v6  }
0x10f: {  	v16 =	vld [tilespmem:s12+$0x8200];
	v11 =	vmul.f32 v13, v1;
	v7 =	vmax.f32 v7, $0.0e+00;
	v5 =	vadd.f32 v10, v5  }
0x110: {  	v13 =	vld [tilespmem:s12+$0x8210];
	[tilespmem:s31+$0xA200] =	vst v14;
	v10 =	vmul.f32 v7, v1;
	v6 =	vmax.f32 v6, $0.0e+00;
	v4 =	vadd.f32 v9, v4  }
0x111: {  	v7 =	vld [tilespmem:s12+$0x8220];
	[tilespmem:s31+$0xA210] =	vst v11;
	v9 =	vmul.f32 v6, v1;
	v5 =	vmax.f32 v5, $0.0e+00;
	v3 =	vadd.f32 v8, v3  }
0x112: {  	v6 =	vld [tilespmem:s12+$0x8230];
	[tilespmem:s31+$0xA220] =	vst v10;
	v8 =	vmul.f32 v5, v1;
	v4 =	vmax.f32 v4, $0.0e+00;
	v2 =	vadd.f32 v12, v2  }
0x113: {  	v5 =	vld [tilespmem:s12+$0x8240];
	[tilespmem:s31+$0xA230] =	vst v9;
	v9 =	vmul.f32 v4, v1;
	v3 =	vmax.f32 v3, $0.0e+00  }
0x114: {  	v4 =	vld [tilespmem:s12+$0x8250];
	[tilespmem:s31+$0xA240] =	vst v8;
	v8 =	vmul.f32 v3, v1;
	v2 =	vmax.f32 v2, $0.0e+00  }
0x115: {  	v3 =	vld [tilespmem:s12+$0x8260];
	[tilespmem:s31+$0xA250] =	vst v9;
	v9 =	vmul.f32 v2, v1;
	v1 =	vmov v15  }
0x116: {  	v2 =	vld [tilespmem:s12+$0x8270];
	[tilespmem:s31+$0xA260] =	vst v8  }
0x117: {  	v8 =	vld [tilespmem:s12+$0xA200];
	[tilespmem:s31+$0xA270] =	vst v9;
	s31 =	smov.u32 s12  }
0x118: {  	v15 =	vld [tilespmem:s31+$0xA210]  }
.Ltmp8:
0x119: {  	v12 =	vld [tilespmem:s31+$0xA220];
	(pc) =	sbr.rel @p1 .LBB2_10-.Ltmp8, $4  }
0x11a: {  	v11 =	vld [tilespmem:s31+$0xA230]  }
0x11b: {  	v10 =	vld [tilespmem:s31+$0xA240]  }
0x11c: {  	v14 =	vadd.f32 v8, v16;
	v9 =	vld [tilespmem:s31+$0xA250]  }
0x11d: {  	s19 =	sadd.s32 $0x200, s19;
	v13 =	vadd.f32 v15, v13;
	v8 =	vld [tilespmem:s31+$0xA260]  }
0x11e: {  	v14 =	vmax.f32 v14, $0.0e+00;
	v7 =	vadd.f32 v12, v7;
	v62 =	vld [tilespmem:s31+$0xA270]  }
0x11f: {  	v14 =	vmul.f32 v14, v1;
	v13 =	vmax.f32 v13, $0.0e+00;
	v6 =	vadd.f32 v11, v6  }
0x120: {  	v63 =	vmul.f32 v13, v1;
	v7 =	vmax.f32 v7, $0.0e+00;
	v5 =	vadd.f32 v10, v5  }
0x121: {  	[tilespmem:s31+$0xA200] =	vst v14;
	v7 =	vmul.f32 v7, v1;
	v6 =	vmax.f32 v6, $0.0e+00;
	v4 =	vadd.f32 v9, v4  }
0x122: {  	[tilespmem:s31+$0xA210] =	vst v63;
	v6 =	vmul.f32 v6, v1;
	v5 =	vmax.f32 v5, $0.0e+00;
	v3 =	vadd.f32 v8, v3  }
0x123: {  	[tilespmem:s31+$0xA220] =	vst v7;
	v5 =	vmul.f32 v5, v1;
	v4 =	vmax.f32 v4, $0.0e+00;
	v2 =	vadd.f32 v62, v2  }
0x124: {  	[tilespmem:s31+$0xA230] =	vst v6;
	v4 =	vmul.f32 v4, v1;
	v3 =	vmax.f32 v3, $0.0e+00  }
0x125: {  	[tilespmem:s31+$0xA240] =	vst v5;
	v3 =	vmul.f32 v3, v1;
	v2 =	vmax.f32 v2, $0.0e+00  }
0x126: {  	[tilespmem:s31+$0xA250] =	vst v4;
	v1 =	vmul.f32 v2, v1  }
0x127: {  	s12 =	sadd.s32 $0x3, s24;
	[tilespmem:s31+$0xA260] =	vst v3  }
0x128: {  	p1 =	sge.u32 s12, s14;
	[tilespmem:s31+$0xA270] =	vst v1  }
0x129: {  	s12 =	sshll.u32 @!p1 s12, $0xA;
	_ =	swait.ge [sflag:s17], $0x40  }
.Ltmp9:
0x12a: {  	s12 =	sadd.s32 @!p1 s12, s11;
	[sflag:s17] =	ssyncset.done $0x0;
	(pc) =	sbr.rel .LBB2_12-.Ltmp9, $4  }
0x12b: {  	s12 =	sshrl.u32 @!p1 s12, $0x3;
	[sflag:s17] =	ssyncadd.s32 $0xFFFFFFC0  }
0x12c: {  	[spmem:s2] =	stream.indirect.scatter.add.f32 [tilespmem:s9], [sflag:$0x8], $0x80, s18, s0, $0xb8;
	[tilespmem:$0x1FE80] =	vst v63  }
0x12d: {  	s19 =	simm.s32 @!p1 $0x0;
	s22 =	simm.s32 @!p1 $0x6100;
	s12 =	sadd.s32 @!p1 s6, s12  }
0x12e: {  	[tilespmem:s22], [sflag:$0x2] =	stream.linear.gather @!p1 [hbm4b:s12+s19], $0x40, $0x38;
	[tilespmem:$0x1FE80] =	vst v63  }
.LBB2_14:
0x12f: {  	_ =	sfence.sel $0x180000  }
0x130: {  	[bflag:$0x0] =	sbarrier.arrive $0xFFFF  }
0x131: {  	_ =	strace $0x90000047  }
0x132: {  	s0 =	stileid.u32;
	[bflag:$0x2] =	sbarrier.arrive $0xFFFF  }
0x133: {  	p0 =	sne.s32 s0, $0x0;
	s0 =	rddreg [dreg:$0x3]  }
0x134: {  	s0 =	sadd.s32 @!p0 $0x100000, s0  }
0x135: {  	[sflag:s0] =	ssyncadd.tile.s32 @!p0 $0x1;
	_ =	shalt  }
.Lfunc_end2:
_tile_overlayer_lowered:
.L_overlay_start_2:
0x136: {  	(tag) =	ssettag $0x2  }
0x137: {  	s0 =	rddreg [dreg:$0x0];
	s2 =	stileid.u32  }
0x138: {  	s1 =	rddreg [dreg:$0x1];
	p0 =	sne.s32 s2, $0x0  }
0x139: {  	s3 =	rddreg [dreg:$0x2];
	[bflag:$0x3] =	sbarrier.arrive $0xFFFF;
	s2 =	simm.s32 @!p0 $0x1C0B  }
0x13a: {  	[timem:s3], [sflag:s2] =	dma.local @!p0 [hbm:s0], s1  }
0x13b: {  	s0 =	simm.s32 @!p0 $0xB  }
0x13c: {  	_ =	swait.ge @!p0 [sflag:s0], s1  }
0x13d: {  	s1 =	ssub.s32 @!p0 $0x0, s1;
	[sflag:s0] =	ssyncset.done @!p0 $0x0  }
0x13e: {  	[sflag:s0] =	ssyncadd.s32 @!p0 s1  }
0x13f: {  	[bflag:$0x3] =	sbarrier.arrive $0xFFFF  }
0x140: {  	_ =	shalt  }

// kernel: kernel.14.cloned.1.call-start
scs
__scs_entry_jumppad:
0x0: {  	(pc) =	sbr.rel $0x88, $3  }
0x1: {  	(tag) =	ssettag $0x0;
	lr =	simm.s32 $0x1  }
0x2: {  	[smem:$0x3F73] =	sst lr;
	_ =	strace $0xD0000000  }
0x3: {  	_ = 	snop  }
0x4: {  	_ = 	snop  }
0x5: {  	_ = 	snop  }
0x6: {  	_ = 	snop  }
0x7: {  	_ = 	snop  }
__scs_overlays_trampoline_lowered:
0x8: {  	[smem:$0x3F82] =	sst s0  }
0x9: {  	[smem:$0x3F83] =	sst s1  }
0xa: {  	[smem:$0x3F84] =	sst s2  }
0xb: {  	[smem:$0x3F85] =	sst s3  }
0xc: {  	[smem:$0x3F86] =	sst s4  }
0xd: {  	[smem:$0x3F87] =	sst s5  }
0xe: {  	[smem:$0x3F88] =	sst s6  }
0xf: {  	[smem:$0x3F89] =	sst s7  }
0x10: {  	[smem:$0x3F8A] =	sst s8  }
0x11: {  	[smem:$0x3F8B] =	sst s9;
	s0 =	simm.s32 @!p0 $0x0  }
0x12: {  	s1 =	sld [smem:$0x3F71];
	s0 =	simm.s32 @p0 $0x1  }
0x13: {  	[smem:$0x3F8C] =	sst s0;
	s0 =	simm.s32 @!p1 $0x0  }
0x14: {  	s2 =	sld [smem:$0x3F70];
	s0 =	simm.s32 @p1 $0x1  }
0x15: {  	[smem:$0x3F8D] =	sst s0;
	s0 =	simm.s32 @!p2 $0x0  }
0x16: {  	s3 =	sld [smem:$0x3FDB];
	s0 =	simm.s32 @p2 $0x1  }
0x17: {  	s4 =	simm.s32 $0x1BF5;
	[smem:$0x3F8F] =	sst s0  }
0x18: {  	s0 =	sld [smem:$0x3F72];
	_ =	swait.ge [sflag:s4], $0x0  }
0x19: {  	s7 =	sld [smem:$0x3F73]  }
0x1a: {  	s8 =	sadd.s32 $0xFFFFE003, lr  }
0x1b: {  	s9 =	sadd.s32 $0xFFFFFEF7, lr;
	s5 =	simm.s32 $0xFFFFFFFF;
	p2 =	slt.u32 s8, $0xFFFFF086  }
0x1c: {  	p1 =	slt.u32 s9, $0xF7A;
	s5 =	simm.s32 @!p2 $0x0  }
0x1d: {  	s5 =	simm.s32 @p1 $0x1;
	p0 =	seq.s32 s7, s2  }
0x1e: {  	s7 =	smul.u32 @!p0 $0xF7A, s2;
	p2 =	seq.s32 @!p0 s5, $0x0  }
0x1f: {  	s9 =	smul.u32 $0xF7A, s1;
	s8 =	simm.s32 @!p0 $0x1BF5;
	p2 =	por !p2, p0  }
0x20: {  	[sflag:s8] =	ssyncset.s32 @!p0 $0xFFFFF086;
	s6 =	sadd.s32 @!p0 s3, s7;
	s7 =	simm.s32 @!p0 $0x108  }
0x21: {  	s3 =	sadd.s32 s3, s9;
	s6 =	sadd.s32 @!p0 $0x88, s6;
	s7 =	simm.s32 @p2 $0x1082  }
0x22: {  	[simem:s7], [sflag:s8] =	dma.local @!p0 [hbm:s6], $0xF7A  }
0x23: {  	s9 =	sor.u32 $0xD0000000, s2;
	s6 =	simm.s32 $0x108;
	_ =	swait.ge @!p0 [sflag:s8], $0x0  }
0x24: {  	s3 =	sadd.s32 $0x88, s3;
	s6 =	simm.s32 @!p1 $0x1082;
	[sflag:s4] =	ssyncset.s32 $0xFFFFF086  }
0x25: {  	[simem:s6], [sflag:s4] =	dma.local [hbm:s3], $0xF7A  }
0x26: {  	[smem:$0x3F73] =	sst s1;
	(tag) =	ssettag s2;
	_ =	strace s9  }
0x27: {  	s1 =	sld [smem:$0x3F83]  }
0x28: {  	s2 =	sld [smem:$0x3F84]  }
0x29: {  	s4 =	sld [smem:$0x3F86]  }
0x2a: {  	p0 =	seq.s32 s5, $0x0;
	s5 =	sld [smem:$0x3F87]  }
0x2b: {  	s6 =	sld [smem:$0x3F88]  }
0x2c: {  	s7 =	sld [smem:$0x3F89]  }
0x2d: {  	s3 =	simm.s32 $0x108;
	s8 =	sld [smem:$0x3F8A]  }
0x2e: {  	s3 =	simm.s32 @!p0 $0x1082;
	s9 =	sld [smem:$0x3F8B]  }
0x2f: {  	lr =	sadd.s32 s0, s3;
	s0 =	sld [smem:$0x3F82]  }
0x30: {  	s3 =	sld [smem:$0x3F85]  }
0x31: {  	[smem:$0x3F8E] =	sst s10  }
0x32: {  	s10 =	sld [smem:$0x3F8C];
	_ =	sdelay $0x3  }
0x33: {  	p0 =	seq.s32 s10, $0x1;
	s10 =	sld [smem:$0x3F8E];
	_ =	sdelay $0x3  }
0x34: {  	[smem:$0x3F8E] =	sst s10  }
0x35: {  	s10 =	sld [smem:$0x3F8D];
	_ =	sdelay $0x3  }
0x36: {  	p1 =	seq.s32 s10, $0x1;
	s10 =	sld [smem:$0x3F8E];
	_ =	sdelay $0x3  }
0x37: {  	[smem:$0x3F8E] =	sst s10  }
0x38: {  	s10 =	sld [smem:$0x3F8F]  }
0x39: {  	_ = 	snop;
	(pc) =	sbr.ind lr, $3  }
0x3a: {  	_ = 	snop  }
0x3b: {  	_ = 	snop  }
0x3c: {  	p2 =	seq.s32 s10, $0x1;
	s10 =	sld [smem:$0x3F8E]  }
0x3d: {  	_ =	shalt  }
0x3e: {  	_ =	shalt  }
0x3f: {  	_ =	shalt  }
0x40: {  	_ =	shalt  }
0x41: {  	_ =	shalt  }
0x42: {  	_ =	shalt  }
0x43: {  	_ =	shalt  }
0x44: {  	_ =	shalt  }
0x45: {  	_ =	shalt  }
0x46: {  	_ =	shalt  }
0x47: {  	_ =	shalt  }
0x48: {  	_ =	shalt  }
0x49: {  	_ =	shalt  }
0x4a: {  	_ =	shalt  }
0x4b: {  	_ =	shalt  }
0x4c: {  	_ =	shalt  }
0x4d: {  	_ =	shalt  }
0x4e: {  	_ =	shalt  }
0x4f: {  	_ =	shalt  }
0x50: {  	_ =	shalt  }
0x51: {  	_ =	shalt  }
0x52: {  	_ =	shalt  }
0x53: {  	_ =	shalt  }
0x54: {  	_ =	shalt  }
0x55: {  	_ =	shalt  }
0x56: {  	_ =	shalt  }
0x57: {  	_ =	shalt  }
0x58: {  	_ =	shalt  }
0x59: {  	_ =	shalt  }
0x5a: {  	_ =	shalt  }
0x5b: {  	_ =	shalt  }
0x5c: {  	_ =	shalt  }
0x5d: {  	_ =	shalt  }
0x5e: {  	_ =	shalt  }
0x5f: {  	_ =	shalt  }
0x60: {  	_ =	shalt  }
0x61: {  	_ =	shalt  }
0x62: {  	_ =	shalt  }
0x63: {  	_ =	shalt  }
0x64: {  	_ =	shalt  }
0x65: {  	_ =	shalt  }
0x66: {  	_ =	shalt  }
0x67: {  	_ =	shalt  }
0x68: {  	_ =	shalt  }
0x69: {  	_ =	shalt  }
0x6a: {  	_ =	shalt  }
0x6b: {  	_ =	shalt  }
0x6c: {  	_ =	shalt  }
0x6d: {  	_ =	shalt  }
0x6e: {  	_ =	shalt  }
0x6f: {  	_ =	shalt  }
0x70: {  	_ =	shalt  }
0x71: {  	_ =	shalt  }
0x72: {  	_ =	shalt  }
0x73: {  	_ =	shalt  }
0x74: {  	_ =	shalt  }
0x75: {  	_ =	shalt  }
0x76: {  	_ =	shalt  }
0x77: {  	_ =	shalt  }
0x78: {  	_ =	shalt  }
0x79: {  	_ =	shalt  }
0x7a: {  	_ =	shalt  }
0x7b: {  	_ =	shalt  }
0x7c: {  	_ =	shalt  }
0x7d: {  	_ =	shalt  }
0x7e: {  	_ =	shalt  }
0x7f: {  	_ =	shalt  }
0x80: {  	_ =	shalt  }
0x81: {  	_ =	shalt  }
0x82: {  	_ =	shalt  }
0x83: {  	_ =	shalt  }
0x84: {  	_ =	shalt  }
0x85: {  	_ =	shalt  }
0x86: {  	_ =	shalt  }
0x87: {  	_ =	shalt  }
.Lfunc_end0:
.L_simem_size_0:
called_computation.1_lowered:
.L_overlay_start_0:
0x88: {  	s2 =	sld [smem:$0x3FD9]  }
0x89: {  	s3 =	sld [smem:$0x3FFE];
	_ =	sdelay $0x1  }
0x8a: {  	s1 =	srdreg.scid  }
0x8b: {  	s0 =	sand.u32 $0x1, s1  }
0x8c: {  	s16 =	sshll.u32 s0, $0xA;
	s2 =	sadd.s32 s3, s2  }
0x8d: {  	s2 =	sadd.s32 s2, s16  }
0x8e: {  	[smem:$0x3F9A] =	sst s2  }
0x8f: {  	_ = 	snop  }
0x90: {  	(tm) =	ssettm $0x1  }
0x91: {  	s17 =	sld [smem:$0x3FFB];
	_ =	sdelay $0x3  }
0x92: {  	_ =	strace s17  }
0x93: {  	s2 =	sld [smem:$0x3FFC];
	_ =	sdelay $0x3  }
0x94: {  	_ =	strace s2  }
0x95: {  	s2 =	sld [smem:$0x3FFD];
	_ =	sdelay $0x3  }
0x96: {  	_ =	strace s2  }
0x97: {  	_ =	strace $0x8FFFFFFF  }
0x98: {  	s18 =	sld [smem:$0x3FDB];
	_ =	sdelay $0x1  }
0x99: {  	s19 =	simm.s32 $_scs_section_size  }
0x9a: {  	s4 =	simm.s32 $_size__tile_overlayer_lowered;
	s5 =	simm.s32 $_tile_overlayer_lowered  }
0x9b: {  	s22 =	simm.s32 $0x1BFF;
	s21 =	sshll.u32 s5, $0x1;
	s2 =	sadd.s32 s19, s18  }
0x9c: {  	s6 =	simm.s32 $0x0;
	s20 =	sshll.u32 s4, $0x1;
	s4 =	sadd.s32 s21, s2  }
0x9d: {  	[timem:s6], [sflag:s22] =	dma.local [hbm:s4], s20  }
0x9e: {  	_ =	swait.ge [sflag:s22], s20  }
0x9f: {  	s3 =	ssub.s32 $0x0, s20;
	[sflag:s22] =	ssyncset.done $0x0  }
0xa0: {  	[sflag:s22] =	ssyncadd.s32 s3;
	_ =	sdelay $0x1  }
0xa1: {  	s23 =	simm.s32 $0x1B8B  }
0xa2: {  	_ =	swait.ge [sflag:s23], $0x1  }
0xa3: {  	[sflag:s23] =	ssyncset.done $0x0  }
0xa4: {  	s25 =	simm.s32 $0x1B8E;
	s24 =	sld [smem:$0x3FFE];
	[sflag:s23] =	ssyncadd.s32 $0xFFFFFFFF  }
0xa5: {  	s26 =	simm.s32 $execute0_lowered;
	[smem:$0x3FD2] =	sst s25  }
0xa6: {  	s4 =	sshll.u32 s26, $0x1;
	_ =	strace $0x80000049;
	[dreg:$0x1] =	wrdreg $0xFFFFFFFF  }
0xa7: {  	s28 =	simm.s32 $_size_execute0_lowered;
	s2 =	sadd.s32 s2, s4;
	[dreg:$0x0] =	wrdreg $0x0  }
0xa8: {  	s4 =	sshll.u32 s28, $0x1;
	[dreg:$0x2] =	wrdreg s2  }
0xa9: {  	[dreg:$0x3] =	wrdreg s4  }
0xaa: {  	[dreg:$0x4] =	wrdreg $0xC0  }
0xab: {  	_ =	task [dreg:s6], $0x5FFFF  }
0xac: {  	[dreg:$0x1] =	wrdreg $0xFFFFFFFF  }
0xad: {  	[dreg:$0x0] =	wrdreg $0x60  }
0xae: {  	[dreg:$0x2] =	wrdreg s24  }
0xaf: {  	[dreg:$0x3] =	wrdreg $0xC6000  }
0xb0: {  	[dreg:$0x4] =	wrdreg $0x9  }
0xb1: {  	_ =	task.clear_ibuf [dreg:s6], $0x5FFFF;
	_ =	strace $0x90000049  }
0xb2: {  	s29 =	simm.s32 $0x9;
	_ =	strace $0x8000004B  }
0xb3: {  	_ =	swait.ge [sflag:s29], $0x1  }
0xb4: {  	[sflag:s29] =	ssyncadd.s32 $0xFFFFFFFF  }
0xb5: {  	_ =	strace $0x9000004B  }
0xb6: {  	_ =	sfence  }
0xb7: {  	s30 =	sld [smem:$0x0];
	_ =	sdelay $0x2  }
0xb8: {  	s31 =	sshll.u32 s1, $0xD;
	s1 =	sshrl.u32 s1, $0x2  }
0xb9: {  	s3 =	sand.u32 $0x4000, s31;
	s1 =	sadd.s32 s1, s30  }
0xba: {  	s0 =	sor.u32 s3, s0;
	s1 =	sshll.u32 s1, $0x11  }
0xbb: {  	s0 =	sor.u32 s1, s0  }
0xbc: {  	s0 =	sadd.s32 $0x8F2B, s0  }
0xbd: {  	[sflag:s0] =	ssyncadd.remote.s32 $0x1  }
0xbe: {  	_ =	sfence.sel $0xFFFF  }
0xbf: {  	[dreg:$0x0] =	wrdreg $0xFFFFFFFF;
	(pc) =	sbr.abs _section_cstart, $3  }
0xc0: {  	[dreg:$0x1] =	wrdreg $0xFFFFFFFF  }
0xc1: {  	_ =	task.clear_ibuf [dreg:s6], $0x2FFFF;
	_ =	strace $0x9FFFFFFF  }
0xc2: {  	(tm) =	ssettm $0x7FFFFFFF  }
0xc3: {  	_ =	shalt  }
tec
execute0_lowered:
.L_overlay_start_1:
0x0: {  	(tag) =	ssettag $0x1  }
0x1: {  	s0 =	rddreg [dreg:$0x0]  }
0x2: {  	s1 =	rddreg [dreg:$0x1]  }
0x3: {  	s2 =	simm.s32 $0x0;
	s4 =	srdreg.scid;
	s18 =	stileid.u32  }
0x4: {  	s29 =	simm.s32 $0x4100;
	s28 =	simm.s32 $0x9;
	s3 =	sadd.s32 $0x9DDE00, s0  }
0x5: {  	[smem:$0x7FF] =	sst s2;
	s5 =	sadd.s32 $0x13A1E00, s0;
	s6 =	sadd.s32 $0x9D4000, s0  }
0x6: {  	s30 =	simm.s32 $0x80;
	s7 =	sadd.s32 $0x9CA200, s0;
	s8 =	sadd.s32 $0xEBFE00, s0  }
0x7: {  	s4 =	sand.u32 $0x1, s4;
	s9 =	smul.u32 $0x4E000, s18;
	s0 =	sadd.s32 $0xA05000, s0  }
0x8: {  	s14 =	sshll.u32 s18, $0x6;
	s22 =	sadd.s32 $0x138000, s1;
	s24 =	ssub.s32 $0x9D3, s18  }
0x9: {  	s25 =	sadd.s32 $0x138400, s1;
	s17 =	smul.u32 $0x13800, s18;
	p0 =	sne.s32 s18, $0xF  }
0xa: {  	s18 =	simm.s32 $0x6180;
	_ =	strace $0x8000004A;
	[dreg:$0x3] =	wrdreg s14  }
0xb: {  	s10 =	ssub.s32 $0x2, s4;
	s11 =	smul.u32 $0x27100, s4;
	[dreg:$0x5] =	wrdreg s25  }
0xc: {  	s4 =	smul.u32 $0x138800, s4;
	s12 =	sshrl.u32 s10, $0x1;
	s9 =	sshrl.u32 s9, $0x2  }
0xd: {  	[dreg:$0x4] =	wrdreg s22;
	s13 =	ssub.s32 s10, s12;
	s10 =	sadd.s32 s9, s1  }
0xe: {  	s11 =	sadd.s32 s14, s11;
	s14 =	sshrl.u32 s24, $0x4;
	s24 =	sadd.s32 s17, s4  }
0xf: {  	s4 =	sshrl.u32 s4, $0x3;
	s17 =	simm.s32 $0x6;
	s15 =	sshrl.u32 s11, $0x3  }
0x10: {  	s31 =	sshll.u32 s11, $0x4;
	s16 =	sadd.s32 $0x400, s11;
	s23 =	sadd.s32 $0x1, s14  }
0x11: {  	s25 =	sshrl.u32 s24, $0x3;
	s4 =	sadd.s32 s0, s4;
	s26 =	sadd.s32 s6, s15  }
0x12: {  	s19 =	sadd.s32 s8, s31;
	s16 =	sshrl.u32 s16, $0x3;
	s9 =	sadd.s32 s5, s31  }
0x13: {  	s20 =	sadd.s32 s7, s15;
	s0 =	sadd.s32 s0, s25;
	[dreg:$0x6] =	wrdreg s26  }
0x14: {  	s31 =	smax.u32 s13, $0x1;
	s25 =	simm.s32 $0xC200;
	[dreg:$0x7] =	wrdreg s19  }
0x15: {  	s13 =	simm.s32 $0x5;
	s15 =	simm.s32 $0x4;
	[dreg:$0x8] =	wrdreg s9  }
.Ltmp0:
0x16: {  	[dreg:$0x9] =	wrdreg s20;
	s21 =	sadd.s32 s6, s16;
	(pc) =	sbr.rel .LBB2_1-.Ltmp0, $4  }
0x17: {  	s20 =	sshrl.u32 s23, $0x1;
	[dreg:$0xb] =	wrdreg s0;
	s26 =	sadd.s32 $0x27000, s4  }
0x18: {  	[dreg:$0xd] =	wrdreg s31;
	s0 =	simm.s32 $0x40;
	s4 =	simm.s32 $0x3  }
0x19: {  	s16 =	simm.s32 $0xA;
	s9 =	simm.s32 $0xA200;
	[dreg:$0xa] =	wrdreg s21  }
0x1a: {  	v0 =	vimm.f32 $0.0e+00;
	s21 =	sadd.s32 $0xFFFFFFFF, s14;
	[dreg:$0xc] =	wrdreg s26;
	s26 =	simm.s32 $0xB  }
.LBB2_13:
0x1b: {  	s12 =	simm.s32 $0x7  }
0x1c: {  	_ =	swait.ge [sflag:s12], $0x2000  }
0x1d: {  	[sflag:s12] =	ssyncset.done $0x0  }
0x1e: {  	s23 =	simm.s32 $0x8;
	[sflag:s12] =	ssyncadd.s32 $0xFFFFE000  }
0x1f: {  	_ =	swait.ge [sflag:s23], $0x2000  }
0x20: {  	[sflag:s23] =	ssyncset.done $0x0  }
0x21: {  	[sflag:s23] =	ssyncadd.s32 $0xFFFFE000  }
0x22: {  	[bflag:$0x0] =	sbarrier.arrive $0xFFFF  }
0x23: {  	s24 =	rddreg [dreg:$0x3]  }
0x24: {  	s19 =	sshrl.u32 s10, $0x3;
	s22 =	rddreg [dreg:$0xb];
	s12 =	sor.u32 $0x1C0B, s24  }
0x25: {  	[hbm:s22], [sflag:s12] =	dma.local [spmem:s19], $0x2700  }
0x26: {  	_ =	swait.ge [sflag:s26], $0x2700  }
0x27: {  	[sflag:s26] =	ssyncset.done $0x0;
	s22 =	rddreg [dreg:$0x4]  }
0x28: {  	s23 =	rddreg [dreg:$0xc];
	[sflag:s26] =	ssyncadd.s32 $0xFFFFD900;
	s19 =	sshrl.u32 @!p0 s22, $0x3  }
0x29: {  	[hbm:s23], [sflag:s12] =	dma.local @!p0 [spmem:s19], $0x100  }
0x2a: {  	s12 =	simm.s32 @!p0 $0xB  }
0x2b: {  	_ =	swait.ge @!p0 [sflag:s12], $0x100  }
0x2c: {  	s2 =	sadd.s32 $0x1, s2;
	s31 =	rddreg [dreg:$0xd]  }
0x2d: {  	p1 =	sne.s32 s2, s31  }
.Ltmp1:
0x2e: {  	_ = 	snop;
	(pc) =	sbr.rel @!p1 .LBB2_14-.Ltmp1, $3  }
0x2f: {  	_ =	sdelay $0x1  }
0x30: {  	[sflag:s12] =	ssyncset.done @!p0 $0x0  }
0x31: {  	[sflag:s12] =	ssyncadd.s32 @!p0 $0xFFFFFF00  }
.LBB2_1:
0x32: {  	[tilespmem:$0xC200] =	vst v0  }
0x33: {  	[tilespmem:$0xC210] =	vst v0  }
0x34: {  	[tilespmem:$0xC220] =	vst v0  }
0x35: {  	[tilespmem:$0xC230] =	vst v0  }
0x36: {  	[tilespmem:$0xC240] =	vst v0  }
0x37: {  	[tilespmem:$0xC250] =	vst v0  }
0x38: {  	[tilespmem:$0xC260] =	vst v0  }
0x39: {  	[tilespmem:$0xC270] =	vst v0  }
0x3a: {  	[tilespmem:$0xC280] =	vst v0  }
0x3b: {  	[tilespmem:$0xC290] =	vst v0  }
0x3c: {  	[tilespmem:$0xC2A0] =	vst v0  }
0x3d: {  	[tilespmem:$0xC2B0] =	vst v0  }
0x3e: {  	[tilespmem:$0xC2C0] =	vst v0  }
0x3f: {  	[tilespmem:$0xC2D0] =	vst v0  }
0x40: {  	[tilespmem:$0xC2E0] =	vst v0  }
0x41: {  	[tilespmem:$0xC2F0] =	vst v0  }
0x42: {  	[tilespmem:$0xC300] =	vst v0  }
0x43: {  	[tilespmem:$0xC310] =	vst v0  }
0x44: {  	[tilespmem:$0xC320] =	vst v0  }
0x45: {  	[tilespmem:$0xC330] =	vst v0  }
0x46: {  	[tilespmem:$0xC340] =	vst v0  }
0x47: {  	[tilespmem:$0xC350] =	vst v0  }
0x48: {  	[tilespmem:$0xC360] =	vst v0  }
0x49: {  	[tilespmem:$0xC370] =	vst v0  }
0x4a: {  	[tilespmem:$0xC380] =	vst v0  }
0x4b: {  	[tilespmem:$0xC390] =	vst v0  }
0x4c: {  	[tilespmem:$0xC3A0] =	vst v0  }
0x4d: {  	[tilespmem:$0xC3B0] =	vst v0  }
0x4e: {  	[tilespmem:$0xC3C0] =	vst v0  }
0x4f: {  	[tilespmem:$0xC3D0] =	vst v0  }
0x50: {  	[tilespmem:$0xC3E0] =	vst v0  }
0x51: {  	[tilespmem:$0xC3F0] =	vst v0  }
0x52: {  	[tilespmem:$0xC400] =	vst v0  }
0x53: {  	[tilespmem:$0xC410] =	vst v0  }
0x54: {  	[tilespmem:$0xC420] =	vst v0  }
0x55: {  	[tilespmem:$0xC430] =	vst v0  }
0x56: {  	[tilespmem:$0xC440] =	vst v0  }
0x57: {  	[tilespmem:$0xC450] =	vst v0  }
0x58: {  	[tilespmem:$0xC460] =	vst v0  }
0x59: {  	[tilespmem:$0xC470] =	vst v0  }
0x5a: {  	[tilespmem:$0xC480] =	vst v0  }
0x5b: {  	[tilespmem:$0xC490] =	vst v0  }
0x5c: {  	[tilespmem:$0xC4A0] =	vst v0  }
0x5d: {  	[tilespmem:$0xC4B0] =	vst v0  }
0x5e: {  	[tilespmem:$0xC4C0] =	vst v0  }
0x5f: {  	[tilespmem:$0xC4D0] =	vst v0  }
0x60: {  	[tilespmem:$0xC4E0] =	vst v0  }
0x61: {  	[tilespmem:$0xC4F0] =	vst v0  }
0x62: {  	[tilespmem:$0xC500] =	vst v0  }
0x63: {  	[tilespmem:$0xC510] =	vst v0  }
0x64: {  	[tilespmem:$0xC520] =	vst v0  }
0x65: {  	[tilespmem:$0xC530] =	vst v0  }
0x66: {  	[tilespmem:$0xC540] =	vst v0  }
0x67: {  	[tilespmem:$0xC550] =	vst v0  }
0x68: {  	[tilespmem:$0xC560] =	vst v0  }
0x69: {  	[tilespmem:$0xC570] =	vst v0  }
0x6a: {  	[tilespmem:$0xC580] =	vst v0  }
0x6b: {  	[tilespmem:$0xC590] =	vst v0  }
0x6c: {  	[tilespmem:$0xC5A0] =	vst v0  }
0x6d: {  	[tilespmem:$0xC5B0] =	vst v0  }
0x6e: {  	[tilespmem:$0xC5C0] =	vst v0  }
0x6f: {  	[tilespmem:$0xC5D0] =	vst v0  }
0x70: {  	[tilespmem:$0xC5E0] =	vst v0  }
0x71: {  	[tilespmem:$0xC5F0] =	vst v0;
	s19 =	sadd.s32 $0x0, s10  }
0x72: {  	[spmem:s19] =	stream.linear.scatter [tilespmem:s25], [sflag:$0xB], $0x400, $0x38;
	[tilespmem:$0x1FE80] =	vst v63  }
0x73: {  	s19 =	simm.s32 $0x1000;
	_ =	swait.ge [sflag:s26], $0x400  }
.LBB2_2:
0x74: {  	s23 =	sshra.s32 s19, $0x2;
	[sflag:s26] =	ssyncset.done $0x0;
	p1 =	sne.s32 s19, $0x4D000  }
.Ltmp2:
0x75: {  	s23 =	sadd.s32 s23, s10;
	[sflag:s26] =	ssyncadd.s32 $0xFFFFFC00;
	(pc) =	sbr.rel @p1 .LBB2_2-.Ltmp2, $3  }
0x76: {  	[spmem:s23] =	stream.linear.scatter [tilespmem:s25], [sflag:$0xB], $0x400, $0x38;
	[tilespmem:$0x1FE80] =	vst v63  }
0x77: {  	s19 =	sadd.s32 $0x1000, s19;
	_ =	sdelay $0x1  }
0x78: {  	_ =	swait.ge [sflag:s26], $0x400  }
0x79: {  	[sflag:s26] =	ssyncset.done $0x0  }
0x7a: {  	s19 =	simm.s32 @!p0 $0xC200;
	s23 =	simm.s32 @!p0 $0xB;
	[sflag:s26] =	ssyncadd.s32 $0xFFFFFC00  }
0x7b: {  	[spmem:s22] =	stream.linear.scatter @!p0 [tilespmem:s19], [sflag:$0xB], $0x400, $0x38;
	[tilespmem:$0x1FE80] =	vst v63  }
0x7c: {  	_ =	swait.ge @!p0 [sflag:s23], $0x400  }
0x7d: {  	[sflag:s23] =	ssyncset.done @!p0 $0x0  }
0x7e: {  	s12 =	rddreg [dreg:$0x5];
	[sflag:s23] =	ssyncadd.s32 @!p0 $0xFFFFFC00  }
0x7f: {  	[spmem:s12] =	stream.linear.scatter @!p0 [tilespmem:s19], [sflag:$0xB], $0x400, $0x38;
	[tilespmem:$0x1FE80] =	vst v63  }
0x80: {  	_ =	swait.ge @!p0 [sflag:s23], $0x400  }
0x81: {  	[sflag:s23] =	ssyncset.done @!p0 $0x0  }
0x82: {  	[sflag:s23] =	ssyncadd.s32 @!p0 $0xFFFFFC00  }
0x83: {  	[bflag:$0x0] =	sbarrier.arrive $0xFFFF  }
0x84: {  	s23 =	simm.s32 $0x0;
	s31 =	rddreg [dreg:$0x6]  }
0x85: {  	[tilespmem:s23], [sflag:$0x1] =	stream.linear.gather [hbm4b:s31+s23], $0x40, $0x38;
	[tilespmem:$0x1FE80] =	vst v63  }
0x86: {  	s22 =	simm.s32 $0x100;
	s19 =	rddreg [dreg:$0x7]  }
0x87: {  	[tilespmem:s22], [sflag:$0x9] =	stream.linear.gather [hbm4b:s19+s23], $0x2000, $0x38;
	[tilespmem:$0x1FE80] =	vst v63  }
0x88: {  	s24 =	rddreg [dreg:$0x8]  }
0x89: {  	[tilespmem:s29], [sflag:$0x9] =	stream.linear.gather [hbm4b:s24+s23], $0x2000, $0x38;
	[tilespmem:$0x1FE80] =	vst v63  }
0x8a: {  	s31 =	rddreg [dreg:$0x9];
	s19 =	simm.s32 $0x1  }
0x8b: {  	[tilespmem:s30], [sflag:$0x5] =	stream.linear.gather [hbm4b:s31+s23], $0x40, $0x38;
	[tilespmem:$0x1FE80] =	vst v63  }
0x8c: {  	_ =	swait.ge [sflag:s19], $0x40  }
.Ltmp3:
0x8d: {  	[sflag:s19] =	ssyncset.done $0x0;
	(pc) =	sbr.rel .LBB2_4-.Ltmp3, $4  }
0x8e: {  	s22 =	simm.s32 $0x2100;
	[sflag:s19] =	ssyncadd.s32 $0xFFFFFFC0  }
0x8f: {  	[tilespmem:s22], [sflag:$0x3] =	stream.indirect.gather [hbm4b:s3+s0], $0x80, s23, s0, $0xb8;
	[tilespmem:$0x1FE80] =	vst v63  }
0x90: {  	s31 =	simm.s32 $0x6100;
	s24 =	rddreg [dreg:$0xa]  }
0x91: {  	[tilespmem:s31], [sflag:$0x2] =	stream.linear.gather [hbm4b:s24+s23], $0x40, $0x38;
	[tilespmem:$0x1FE80] =	vst v63  }
.LBB2_12:
0x92: {  	s23 =	sadd.s32 $0x1, s23  }
0x93: {  	p1 =	sne.s32 s23, s20  }
.Ltmp4:
0x94: {  	_ = 	snop;
	(pc) =	sbr.rel @!p1 .LBB2_13-.Ltmp4, $1  }
0x95: {  	_ =	sdelay $0x3  }
.LBB2_4:
0x96: {  	s24 =	sshll.u32 s23, $0x1  }
0x97: {  	p1 =	sge.u32 s24, s14  }
.Ltmp5:
0x98: {  	_ = 	snop;
	(pc) =	sbr.rel @p1 .LBB2_8-.Ltmp5, $1  }
0x99: {  	_ =	sdelay $0x3  }
0x9a: {  	_ =	swait.ge [sflag:s4], $0x2000;
	s19 =	sor.u32 $0x1, s24  }
0x9b: {  	[sflag:s4] =	ssyncset.done $0x0;
	p1 =	sge.u32 s19, s14  }
0x9c: {  	[sflag:s4] =	ssyncadd.s32 $0xFFFFE000;
	s31 =	simm.s32 @!p1 $0x2  }
0x9d: {  	s22 =	simm.s32 @!p1 $0x6100;
	_ =	swait.ge @!p1 [sflag:s31], $0x40  }
0x9e: {  	s12 =	simm.s32 @!p1 $0x8200;
	p2 =	seq.s32 @!p1 s23, $0x0;
	[sflag:s31] =	ssyncset.done @!p1 $0x0  }
0x9f: {  	p2 =	por p2, p1;
	[sflag:s31] =	ssyncadd.s32 @!p1 $0xFFFFFFC0;
	s31 =	simm.s32 @!p1 $0x40  }
0xa0: {  	[tilespmem:s12], [sflag:$0x4] =	stream.indirect.gather @!p1 [hbm4b:s3+s31], $0x80, s22, s31, $0xb8;
	[tilespmem:$0x1FE80] =	vst v63  }
0xa1: {  	s12 =	simm.s32 @!p2 $0x8  }
0xa2: {  	s19 =	sshll.u32 @!p1 s19, $0xA;
	_ =	swait.ge @!p2 [sflag:s12], $0x2000  }
0xa3: {  	s19 =	sadd.s32 @!p1 s19, s11;
	[sflag:s12] =	ssyncset.done @!p2 $0x0  }
0xa4: {  	[sflag:s12] =	ssyncadd.s32 @!p2 $0xFFFFE000;
	s12 =	sshrl.u32 @!p1 s19, $0x3  }
0xa5: {  	s22 =	simm.s32 @!p1 $0x0;
	s31 =	simm.s32 @!p1 $0x6180;
	s12 =	sadd.s32 @!p1 s7, s12  }
0xa6: {  	[tilespmem:s31], [sflag:$0x6] =	stream.linear.gather @!p1 [hbm4b:s12+s22], $0x40, $0x38;
	[tilespmem:$0x1FE80] =	vst v63  }
0xa7: {  	s12 =	sshll.u32 @!p1 s19, $0x4  }
0xa8: {  	s31 =	simm.s32 @!p1 $0x6200;
	s19 =	sadd.s32 @!p1 s8, s12  }
0xa9: {  	[tilespmem:s31], [sflag:$0xA] =	stream.linear.gather @!p1 [hbm4b:s19+s22], $0x2000, $0x38;
	[tilespmem:$0x1FE80] =	vst v63  }
0xaa: {  	s12 =	sadd.s32 @!p1 s5, s12;
	s19 =	simm.s32 @!p1 $0xA200  }
0xab: {  	[tilespmem:s19], [sflag:$0xA] =	stream.linear.gather @!p1 [hbm4b:s12+s22], $0x2000, $0x38;
	[tilespmem:$0x1FE80] =	vst v63  }
0xac: {  	_ =	swait.ge [sflag:s28], $0x2000  }
0xad: {  	[sflag:s28] =	ssyncset.done $0x0  }
0xae: {  	[sflag:s28] =	ssyncadd.s32 $0xFFFFE000  }
0xaf: {  	_ =	swait.ge [sflag:s28], $0x2000  }
0xb0: {  	[sflag:s28] =	ssyncset.done $0x0  }
0xb1: {  	s31 =	simm.s32 $0x0;
	[sflag:s28] =	ssyncadd.s32 $0xFFFFE000  }
0xb2: {  	v1 =	vld [tilespmem:s31+$0x100]  }
0xb3: {  	v8 =	vld [tilespmem:s31+$0x2100]  }
0xb4: {  	v13 =	vld [tilespmem:s31+$0x2110]  }
0xb5: {  	v7 =	vld [tilespmem:s31+$0x2120]  }
0xb6: {  	v6 =	vld [tilespmem:s31+$0x2130]  }
0xb7: {  	v5 =	vld [tilespmem:s31+$0x2140]  }
0xb8: {  	v4 =	vld [tilespmem:s31+$0x2150]  }
0xb9: {  	v3 =	vld [tilespmem:s31+$0x2160]  }
0xba: {  	v2 =	vld [tilespmem:s31+$0x2170]  }
0xbb: {  	v14 =	vld [tilespmem:s31+$0x4100]  }
0xbc: {  	v15 =	vld [tilespmem:s31+$0x4110]  }
0xbd: {  	v12 =	vld [tilespmem:s31+$0x4120]  }
0xbe: {  	v11 =	vld [tilespmem:s31+$0x4130]  }
0xbf: {  	v10 =	vld [tilespmem:s31+$0x4140]  }
0xc0: {  	v9 =	vld [tilespmem:s31+$0x4150];
	v14 =	vadd.f32 v14, v8  }
0xc1: {  	s19 =	simm.s32 $0x200;
	v13 =	vadd.f32 v15, v13;
	v8 =	vld [tilespmem:s31+$0x4160]  }
.LBB2_6:
0xc2: {  	s12 =	sshra.s32 s19, $0x2;
	p1 =	sne.s32 s19, $0x7E00;
	v14 =	vmax.f32 v14, $0.0e+00;
	v7 =	vadd.f32 v12, v7;
	v12 =	vld [tilespmem:s31+$0x4170]  }
0xc3: {  	v15 =	vld [tilespmem:s12+$0x100];
	v14 =	vmul.f32 v14, v1;
	v13 =	vmax.f32 v13, $0.0e+00;
	v6 =	vadd.f32 v11, v6  }
0xc4: {  	v16 =	vld [tilespmem:s12+$0x2100];
	v11 =	vmul.f32 v13, v1;
	v7 =	vmax.f32 v7, $0.0e+00;
	v5 =	vadd.f32 v10, v5  }
0xc5: {  	v13 =	vld [tilespmem:s12+$0x2110];
	[tilespmem:s31+$0x4100] =	vst v14;
	v10 =	vmul.f32 v7, v1;
	v6 =	vmax.f32 v6, $0.0e+00;
	v4 =	vadd.f32 v9, v4  }
0xc6: {  	v7 =	vld [tilespmem:s12+$0x2120];
	[tilespmem:s31+$0x4110] =	vst v11;
	v9 =	vmul.f32 v6, v1;
	v5 =	vmax.f32 v5, $0.0e+00;
	v3 =	vadd.f32 v8, v3  }
0xc7: {  	v6 =	vld [tilespmem:s12+$0x2130];
	[tilespmem:s31+$0x4120] =	vst v10;
	v8 =	vmul.f32 v5, v1;
	v4 =	vmax.f32 v4, $0.0e+00;
	v2 =	vadd.f32 v12, v2  }
0xc8: {  	v5 =	vld [tilespmem:s12+$0x2140];
	[tilespmem:s31+$0x4130] =	vst v9;
	v9 =	vmul.f32 v4, v1;
	v3 =	vmax.f32 v3, $0.0e+00  }
0xc9: {  	v4 =	vld [tilespmem:s12+$0x2150];
	[tilespmem:s31+$0x4140] =	vst v8;
	v8 =	vmul.f32 v3, v1;
	v2 =	vmax.f32 v2, $0.0e+00  }
0xca: {  	v3 =	vld [tilespmem:s12+$0x2160];
	[tilespmem:s31+$0x4150] =	vst v9;
	v9 =	vmul.f32 v2, v1;
	v1 =	vmov v15  }
0xcb: {  	v2 =	vld [tilespmem:s12+$0x2170];
	[tilespmem:s31+$0x4160] =	vst v8  }
0xcc: {  	v8 =	vld [tilespmem:s12+$0x4100];
	[tilespmem:s31+$0x4170] =	vst v9;
	s31 =	smov.u32 s12  }
0xcd: {  	v15 =	vld [tilespmem:s31+$0x4110]  }
.Ltmp6:
0xce: {  	v12 =	vld [tilespmem:s31+$0x4120];
	(pc) =	sbr.rel @p1 .LBB2_6-.Ltmp6, $4  }
0xcf: {  	v11 =	vld [tilespmem:s31+$0x4130]  }
0xd0: {  	v10 =	vld [tilespmem:s31+$0x4140]  }
0xd1: {  	v14 =	vadd.f32 v8, v16;
	v9 =	vld [tilespmem:s31+$0x4150]  }
0xd2: {  	s19 =	sadd.s32 $0x200, s19;
	v13 =	vadd.f32 v15, v13;
	v8 =	vld [tilespmem:s31+$0x4160]  }
0xd3: {  	v14 =	vmax.f32 v14, $0.0e+00;
	v7 =	vadd.f32 v12, v7;
	v62 =	vld [tilespmem:s31+$0x4170]  }
0xd4: {  	v14 =	vmul.f32 v14, v1;
	v13 =	vmax.f32 v13, $0.0e+00;
	v6 =	vadd.f32 v11, v6  }
0xd5: {  	v63 =	vmul.f32 v13, v1;
	v7 =	vmax.f32 v7, $0.0e+00;
	v5 =	vadd.f32 v10, v5  }
0xd6: {  	[tilespmem:s31+$0x4100] =	vst v14;
	v7 =	vmul.f32 v7, v1;
	v6 =	vmax.f32 v6, $0.0e+00;
	v4 =	vadd.f32 v9, v4  }
0xd7: {  	[tilespmem:s31+$0x4110] =	vst v63;
	v6 =	vmul.f32 v6, v1;
	v5 =	vmax.f32 v5, $0.0e+00;
	v3 =	vadd.f32 v8, v3  }
0xd8: {  	[tilespmem:s31+$0x4120] =	vst v7;
	v5 =	vmul.f32 v5, v1;
	v4 =	vmax.f32 v4, $0.0e+00;
	v2 =	vadd.f32 v62, v2  }
0xd9: {  	[tilespmem:s31+$0x4130] =	vst v6;
	v4 =	vmul.f32 v4, v1;
	v3 =	vmax.f32 v3, $0.0e+00  }
0xda: {  	[tilespmem:s31+$0x4140] =	vst v5;
	v3 =	vmul.f32 v3, v1;
	v2 =	vmax.f32 v2, $0.0e+00  }
0xdb: {  	[tilespmem:s31+$0x4150] =	vst v4;
	v1 =	vmul.f32 v2, v1  }
0xdc: {  	s12 =	sadd.s32 $0x2, s24;
	[tilespmem:s31+$0x4160] =	vst v3  }
0xdd: {  	p1 =	sge.u32 s12, s14;
	[tilespmem:s31+$0x4170] =	vst v1  }
0xde: {  	s12 =	sshll.u32 @!p1 s12, $0xA;
	_ =	swait.ge [sflag:s13], $0x40  }
0xdf: {  	s12 =	sadd.s32 @!p1 s12, s11;
	[sflag:s13] =	ssyncset.done $0x0  }
0xe0: {  	s12 =	sshrl.u32 @!p1 s12, $0x3;
	[sflag:s13] =	ssyncadd.s32 $0xFFFFFFC0  }
0xe1: {  	[spmem:s1] =	stream.indirect.scatter.add.f32 [tilespmem:s29], [sflag:$0x7], $0x80, s30, s0, $0xb8;
	[tilespmem:$0x1FE80] =	vst v63  }
0xe2: {  	s19 =	simm.s32 @!p1 $0x0;
	s12 =	sadd.s32 @!p1 s6, s12  }
0xe3: {  	[tilespmem:s19], [sflag:$0x1] =	stream.linear.gather @!p1 [hbm4b:s12+s19], $0x40, $0x38;
	[tilespmem:$0x1FE80] =	vst v63  }
.LBB2_8:
0xe4: {  	p1 =	sge.u32 s24, s21  }
.Ltmp7:
0xe5: {  	_ = 	snop;
	(pc) =	sbr.rel @p1 .LBB2_12-.Ltmp7, $1  }
0xe6: {  	_ =	sdelay $0x3  }
0xe7: {  	_ =	swait.ge [sflag:s15], $0x2000;
	s12 =	sadd.s32 $0x2, s24  }
0xe8: {  	[sflag:s15] =	ssyncset.done $0x0;
	p1 =	sge.u32 s12, s14  }
0xe9: {  	[sflag:s15] =	ssyncadd.s32 $0xFFFFE000;
	s19 =	simm.s32 @!p1 $0x1  }
0xea: {  	_ =	swait.ge @!p1 [sflag:s19], $0x40  }
0xeb: {  	s22 =	simm.s32 @!p1 $0x0;
	[sflag:s19] =	ssyncset.done @!p1 $0x0  }
0xec: {  	s31 =	simm.s32 @!p1 $0x2100;
	[sflag:s19] =	ssyncadd.s32 @!p1 $0xFFFFFFC0;
	s19 =	simm.s32 @!p1 $0x40  }
0xed: {  	[tilespmem:s31], [sflag:$0x3] =	stream.indirect.gather @!p1 [hbm4b:s3+s19], $0x80, s22, s19, $0xb8;
	[tilespmem:$0x1FE80] =	vst v63  }
0xee: {  	s12 =	sshll.u32 @!p1 s12, $0xA;
	s19 =	simm.s32 @!p1 $0x7  }
0xef: {  	s12 =	sadd.s32 @!p1 s12, s11;
	_ =	swait.ge @!p1 [sflag:s19], $0x2000  }
0xf0: {  	s31 =	sshrl.u32 @!p1 s12, $0x3;
	s12 =	sshll.u32 @!p1 s12, $0x4;
	[sflag:s19] =	ssyncset.done @!p1 $0x0  }
0xf1: {  	[sflag:s19] =	ssyncadd.s32 @!p1 $0xFFFFE000;
	s19 =	sadd.s32 @!p1 s7, s31;
	s31 =	simm.s32 @!p1 $0x80  }
0xf2: {  	[tilespmem:s31], [sflag:$0x5] =	stream.linear.gather @!p1 [hbm4b:s19+s22], $0x40, $0x38;
	[tilespmem:$0x1FE80] =	vst v63  }
0xf3: {  	s19 =	sadd.s32 @!p1 s8, s12;
	s31 =	simm.s32 @!p1 $0x100  }
0xf4: {  	[tilespmem:s31], [sflag:$0x9] =	stream.linear.gather @!p1 [hbm4b:s19+s22], $0x2000, $0x38;
	[tilespmem:$0x1FE80] =	vst v63  }
0xf5: {  	s12 =	sadd.s32 @!p1 s5, s12;
	s19 =	simm.s32 @!p1 $0x4100  }
0xf6: {  	[tilespmem:s19], [sflag:$0x9] =	stream.linear.gather @!p1 [hbm4b:s12+s22], $0x2000, $0x38;
	[tilespmem:$0x1FE80] =	vst v63  }
0xf7: {  	_ =	swait.ge [sflag:s16], $0x2000  }
0xf8: {  	[sflag:s16] =	ssyncset.done $0x0  }
0xf9: {  	[sflag:s16] =	ssyncadd.s32 $0xFFFFE000  }
0xfa: {  	_ =	swait.ge [sflag:s16], $0x2000  }
0xfb: {  	[sflag:s16] =	ssyncset.done $0x0  }
0xfc: {  	s31 =	simm.s32 $0x0;
	[sflag:s16] =	ssyncadd.s32 $0xFFFFE000  }
0xfd: {  	v1 =	vld [tilespmem:s31+$0x6200]  }
0xfe: {  	v8 =	vld [tilespmem:s31+$0x8200]  }
0xff: {  	v13 =	vld [tilespmem:s31+$0x8210]  }
0x100: {  	v7 =	vld [tilespmem:s31+$0x8220]  }
0x101: {  	v6 =	vld [tilespmem:s31+$0x8230]  }
0x102: {  	v5 =	vld [tilespmem:s31+$0x8240]  }
0x103: {  	v4 =	vld [tilespmem:s31+$0x8250]  }
0x104: {  	v3 =	vld [tilespmem:s31+$0x8260]  }
0x105: {  	v2 =	vld [tilespmem:s31+$0x8270]  }
0x106: {  	v14 =	vld [tilespmem:s31+$0xA200]  }
0x107: {  	v15 =	vld [tilespmem:s31+$0xA210]  }
0x108: {  	v12 =	vld [tilespmem:s31+$0xA220]  }
0x109: {  	v11 =	vld [tilespmem:s31+$0xA230]  }
0x10a: {  	v10 =	vld [tilespmem:s31+$0xA240]  }
0x10b: {  	v9 =	vld [tilespmem:s31+$0xA250];
	v14 =	vadd.f32 v14, v8  }
0x10c: {  	s19 =	simm.s32 $0x200;
	v13 =	vadd.f32 v15, v13;
	v8 =	vld [tilespmem:s31+$0xA260]  }
.LBB2_10:
0x10d: {  	s12 =	sshra.s32 s19, $0x2;
	p1 =	sne.s32 s19, $0x7E00;
	v14 =	vmax.f32 v14, $0.0e+00;
	v7 =	vadd.f32 v12, v7;
	v12 =	vld [tilespmem:s31+$0xA270]  }
0x10e: {  	v15 =	vld [tilespmem:s12+$0x6200];
	v14 =	vmul.f32 v14, v1;
	v13 =	vmax.f32 v13, $0.0e+00;
	v6 =	vadd.f32 v11, v6  }
0x10f: {  	v16 =	vld [tilespmem:s12+$0x8200];
	v11 =	vmul.f32 v13, v1;
	v7 =	vmax.f32 v7, $0.0e+00;
	v5 =	vadd.f32 v10, v5  }
0x110: {  	v13 =	vld [tilespmem:s12+$0x8210];
	[tilespmem:s31+$0xA200] =	vst v14;
	v10 =	vmul.f32 v7, v1;
	v6 =	vmax.f32 v6, $0.0e+00;
	v4 =	vadd.f32 v9, v4  }
0x111: {  	v7 =	vld [tilespmem:s12+$0x8220];
	[tilespmem:s31+$0xA210] =	vst v11;
	v9 =	vmul.f32 v6, v1;
	v5 =	vmax.f32 v5, $0.0e+00;
	v3 =	vadd.f32 v8, v3  }
0x112: {  	v6 =	vld [tilespmem:s12+$0x8230];
	[tilespmem:s31+$0xA220] =	vst v10;
	v8 =	vmul.f32 v5, v1;
	v4 =	vmax.f32 v4, $0.0e+00;
	v2 =	vadd.f32 v12, v2  }
0x113: {  	v5 =	vld [tilespmem:s12+$0x8240];
	[tilespmem:s31+$0xA230] =	vst v9;
	v9 =	vmul.f32 v4, v1;
	v3 =	vmax.f32 v3, $0.0e+00  }
0x114: {  	v4 =	vld [tilespmem:s12+$0x8250];
	[tilespmem:s31+$0xA240] =	vst v8;
	v8 =	vmul.f32 v3, v1;
	v2 =	vmax.f32 v2, $0.0e+00  }
0x115: {  	v3 =	vld [tilespmem:s12+$0x8260];
	[tilespmem:s31+$0xA250] =	vst v9;
	v9 =	vmul.f32 v2, v1;
	v1 =	vmov v15  }
0x116: {  	v2 =	vld [tilespmem:s12+$0x8270];
	[tilespmem:s31+$0xA260] =	vst v8  }
0x117: {  	v8 =	vld [tilespmem:s12+$0xA200];
	[tilespmem:s31+$0xA270] =	vst v9;
	s31 =	smov.u32 s12  }
0x118: {  	v15 =	vld [tilespmem:s31+$0xA210]  }
.Ltmp8:
0x119: {  	v12 =	vld [tilespmem:s31+$0xA220];
	(pc) =	sbr.rel @p1 .LBB2_10-.Ltmp8, $4  }
0x11a: {  	v11 =	vld [tilespmem:s31+$0xA230]  }
0x11b: {  	v10 =	vld [tilespmem:s31+$0xA240]  }
0x11c: {  	v14 =	vadd.f32 v8, v16;
	v9 =	vld [tilespmem:s31+$0xA250]  }
0x11d: {  	s19 =	sadd.s32 $0x200, s19;
	v13 =	vadd.f32 v15, v13;
	v8 =	vld [tilespmem:s31+$0xA260]  }
0x11e: {  	v14 =	vmax.f32 v14, $0.0e+00;
	v7 =	vadd.f32 v12, v7;
	v62 =	vld [tilespmem:s31+$0xA270]  }
0x11f: {  	v14 =	vmul.f32 v14, v1;
	v13 =	vmax.f32 v13, $0.0e+00;
	v6 =	vadd.f32 v11, v6  }
0x120: {  	v63 =	vmul.f32 v13, v1;
	v7 =	vmax.f32 v7, $0.0e+00;
	v5 =	vadd.f32 v10, v5  }
0x121: {  	[tilespmem:s31+$0xA200] =	vst v14;
	v7 =	vmul.f32 v7, v1;
	v6 =	vmax.f32 v6, $0.0e+00;
	v4 =	vadd.f32 v9, v4  }
0x122: {  	[tilespmem:s31+$0xA210] =	vst v63;
	v6 =	vmul.f32 v6, v1;
	v5 =	vmax.f32 v5, $0.0e+00;
	v3 =	vadd.f32 v8, v3  }
0x123: {  	[tilespmem:s31+$0xA220] =	vst v7;
	v5 =	vmul.f32 v5, v1;
	v4 =	vmax.f32 v4, $0.0e+00;
	v2 =	vadd.f32 v62, v2  }
0x124: {  	[tilespmem:s31+$0xA230] =	vst v6;
	v4 =	vmul.f32 v4, v1;
	v3 =	vmax.f32 v3, $0.0e+00  }
0x125: {  	[tilespmem:s31+$0xA240] =	vst v5;
	v3 =	vmul.f32 v3, v1;
	v2 =	vmax.f32 v2, $0.0e+00  }
0x126: {  	[tilespmem:s31+$0xA250] =	vst v4;
	v1 =	vmul.f32 v2, v1  }
0x127: {  	s12 =	sadd.s32 $0x3, s24;
	[tilespmem:s31+$0xA260] =	vst v3  }
0x128: {  	p1 =	sge.u32 s12, s14;
	[tilespmem:s31+$0xA270] =	vst v1  }
0x129: {  	s12 =	sshll.u32 @!p1 s12, $0xA;
	_ =	swait.ge [sflag:s17], $0x40  }
.Ltmp9:
0x12a: {  	s12 =	sadd.s32 @!p1 s12, s11;
	[sflag:s17] =	ssyncset.done $0x0;
	(pc) =	sbr.rel .LBB2_12-.Ltmp9, $4  }
0x12b: {  	s12 =	sshrl.u32 @!p1 s12, $0x3;
	[sflag:s17] =	ssyncadd.s32 $0xFFFFFFC0  }
0x12c: {  	[spmem:s1] =	stream.indirect.scatter.add.f32 [tilespmem:s9], [sflag:$0x8], $0x80, s18, s0, $0xb8;
	[tilespmem:$0x1FE80] =	vst v63  }
0x12d: {  	s19 =	simm.s32 @!p1 $0x0;
	s22 =	simm.s32 @!p1 $0x6100;
	s12 =	sadd.s32 @!p1 s6, s12  }
0x12e: {  	[tilespmem:s22], [sflag:$0x2] =	stream.linear.gather @!p1 [hbm4b:s12+s19], $0x40, $0x38;
	[tilespmem:$0x1FE80] =	vst v63  }
.LBB2_14:
0x12f: {  	_ =	sfence.sel $0x180000  }
0x130: {  	[bflag:$0x0] =	sbarrier.arrive $0xFFFF  }
0x131: {  	_ =	strace $0x9000004A  }
0x132: {  	s0 =	stileid.u32;
	[bflag:$0x2] =	sbarrier.arrive $0xFFFF  }
0x133: {  	p0 =	sne.s32 s0, $0x0;
	s0 =	rddreg [dreg:$0x2]  }
0x134: {  	s0 =	sadd.s32 @!p0 $0x100000, s0  }
0x135: {  	[sflag:s0] =	ssyncadd.tile.s32 @!p0 $0x1;
	_ =	shalt  }
.Lfunc_end2:
_tile_overlayer_lowered:
.L_overlay_start_2:
0x136: {  	(tag) =	ssettag $0x2  }
0x137: {  	s0 =	rddreg [dreg:$0x0];
	s2 =	stileid.u32  }
0x138: {  	s1 =	rddreg [dreg:$0x1];
	p0 =	sne.s32 s2, $0x0  }
0x139: {  	s3 =	rddreg [dreg:$0x2];
	[bflag:$0x3] =	sbarrier.arrive $0xFFFF;
	s2 =	simm.s32 @!p0 $0x1C0B  }
0x13a: {  	[timem:s3], [sflag:s2] =	dma.local @!p0 [hbm:s0], s1  }
0x13b: {  	s0 =	simm.s32 @!p0 $0xB  }
0x13c: {  	_ =	swait.ge @!p0 [sflag:s0], s1  }
0x13d: {  	s1 =	ssub.s32 @!p0 $0x0, s1;
	[sflag:s0] =	ssyncset.done @!p0 $0x0  }
0x13e: {  	[sflag:s0] =	ssyncadd.s32 @!p0 s1  }
0x13f: {  	[bflag:$0x3] =	sbarrier.arrive $0xFFFF  }
0x140: {  	_ =	shalt  }

// kernel: kernel.17.cloned.1.call-start
scs
__scs_entry_jumppad:
0x0: {  	(pc) =	sbr.rel $0x88, $3  }
0x1: {  	(tag) =	ssettag $0x0;
	lr =	simm.s32 $0x1  }
0x2: {  	[smem:$0x3F73] =	sst lr;
	_ =	strace $0xD0000000  }
0x3: {  	_ = 	snop  }
0x4: {  	_ = 	snop  }
0x5: {  	_ = 	snop  }
0x6: {  	_ = 	snop  }
0x7: {  	_ = 	snop  }
__scs_overlays_trampoline_lowered:
0x8: {  	[smem:$0x3F82] =	sst s0  }
0x9: {  	[smem:$0x3F83] =	sst s1  }
0xa: {  	[smem:$0x3F84] =	sst s2  }
0xb: {  	[smem:$0x3F85] =	sst s3  }
0xc: {  	[smem:$0x3F86] =	sst s4  }
0xd: {  	[smem:$0x3F87] =	sst s5  }
0xe: {  	[smem:$0x3F88] =	sst s6  }
0xf: {  	[smem:$0x3F89] =	sst s7  }
0x10: {  	[smem:$0x3F8A] =	sst s8  }
0x11: {  	[smem:$0x3F8B] =	sst s9;
	s0 =	simm.s32 @!p0 $0x0  }
0x12: {  	s1 =	sld [smem:$0x3F71];
	s0 =	simm.s32 @p0 $0x1  }
0x13: {  	[smem:$0x3F8C] =	sst s0;
	s0 =	simm.s32 @!p1 $0x0  }
0x14: {  	s2 =	sld [smem:$0x3F70];
	s0 =	simm.s32 @p1 $0x1  }
0x15: {  	[smem:$0x3F8D] =	sst s0;
	s0 =	simm.s32 @!p2 $0x0  }
0x16: {  	s3 =	sld [smem:$0x3FDB];
	s0 =	simm.s32 @p2 $0x1  }
0x17: {  	s4 =	simm.s32 $0x1BF5;
	[smem:$0x3F8F] =	sst s0  }
0x18: {  	s0 =	sld [smem:$0x3F72];
	_ =	swait.ge [sflag:s4], $0x0  }
0x19: {  	s7 =	sld [smem:$0x3F73]  }
0x1a: {  	s8 =	sadd.s32 $0xFFFFE003, lr  }
0x1b: {  	s9 =	sadd.s32 $0xFFFFFEF7, lr;
	s5 =	simm.s32 $0xFFFFFFFF;
	p2 =	slt.u32 s8, $0xFFFFF086  }
0x1c: {  	p1 =	slt.u32 s9, $0xF7A;
	s5 =	simm.s32 @!p2 $0x0  }
0x1d: {  	s5 =	simm.s32 @p1 $0x1;
	p0 =	seq.s32 s7, s2  }
0x1e: {  	s7 =	smul.u32 @!p0 $0xF7A, s2;
	p2 =	seq.s32 @!p0 s5, $0x0  }
0x1f: {  	s9 =	smul.u32 $0xF7A, s1;
	s8 =	simm.s32 @!p0 $0x1BF5;
	p2 =	por !p2, p0  }
0x20: {  	[sflag:s8] =	ssyncset.s32 @!p0 $0xFFFFF086;
	s6 =	sadd.s32 @!p0 s3, s7;
	s7 =	simm.s32 @!p0 $0x108  }
0x21: {  	s3 =	sadd.s32 s3, s9;
	s6 =	sadd.s32 @!p0 $0x88, s6;
	s7 =	simm.s32 @p2 $0x1082  }
0x22: {  	[simem:s7], [sflag:s8] =	dma.local @!p0 [hbm:s6], $0xF7A  }
0x23: {  	s9 =	sor.u32 $0xD0000000, s2;
	s6 =	simm.s32 $0x108;
	_ =	swait.ge @!p0 [sflag:s8], $0x0  }
0x24: {  	s3 =	sadd.s32 $0x88, s3;
	s6 =	simm.s32 @!p1 $0x1082;
	[sflag:s4] =	ssyncset.s32 $0xFFFFF086  }
0x25: {  	[simem:s6], [sflag:s4] =	dma.local [hbm:s3], $0xF7A  }
0x26: {  	[smem:$0x3F73] =	sst s1;
	(tag) =	ssettag s2;
	_ =	strace s9  }
0x27: {  	s1 =	sld [smem:$0x3F83]  }
0x28: {  	s2 =	sld [smem:$0x3F84]  }
0x29: {  	s4 =	sld [smem:$0x3F86]  }
0x2a: {  	p0 =	seq.s32 s5, $0x0;
	s5 =	sld [smem:$0x3F87]  }
0x2b: {  	s6 =	sld [smem:$0x3F88]  }
0x2c: {  	s7 =	sld [smem:$0x3F89]  }
0x2d: {  	s3 =	simm.s32 $0x108;
	s8 =	sld [smem:$0x3F8A]  }
0x2e: {  	s3 =	simm.s32 @!p0 $0x1082;
	s9 =	sld [smem:$0x3F8B]  }
0x2f: {  	lr =	sadd.s32 s0, s3;
	s0 =	sld [smem:$0x3F82]  }
0x30: {  	s3 =	sld [smem:$0x3F85]  }
0x31: {  	[smem:$0x3F8E] =	sst s10  }
0x32: {  	s10 =	sld [smem:$0x3F8C];
	_ =	sdelay $0x3  }
0x33: {  	p0 =	seq.s32 s10, $0x1;
	s10 =	sld [smem:$0x3F8E];
	_ =	sdelay $0x3  }
0x34: {  	[smem:$0x3F8E] =	sst s10  }
0x35: {  	s10 =	sld [smem:$0x3F8D];
	_ =	sdelay $0x3  }
0x36: {  	p1 =	seq.s32 s10, $0x1;
	s10 =	sld [smem:$0x3F8E];
	_ =	sdelay $0x3  }
0x37: {  	[smem:$0x3F8E] =	sst s10  }
0x38: {  	s10 =	sld [smem:$0x3F8F]  }
0x39: {  	_ = 	snop;
	(pc) =	sbr.ind lr, $3  }
0x3a: {  	_ = 	snop  }
0x3b: {  	_ = 	snop  }
0x3c: {  	p2 =	seq.s32 s10, $0x1;
	s10 =	sld [smem:$0x3F8E]  }
0x3d: {  	_ =	shalt  }
0x3e: {  	_ =	shalt  }
0x3f: {  	_ =	shalt  }
0x40: {  	_ =	shalt  }
0x41: {  	_ =	shalt  }
0x42: {  	_ =	shalt  }
0x43: {  	_ =	shalt  }
0x44: {  	_ =	shalt  }
0x45: {  	_ =	shalt  }
0x46: {  	_ =	shalt  }
0x47: {  	_ =	shalt  }
0x48: {  	_ =	shalt  }
0x49: {  	_ =	shalt  }
0x4a: {  	_ =	shalt  }
0x4b: {  	_ =	shalt  }
0x4c: {  	_ =	shalt  }
0x4d: {  	_ =	shalt  }
0x4e: {  	_ =	shalt  }
0x4f: {  	_ =	shalt  }
0x50: {  	_ =	shalt  }
0x51: {  	_ =	shalt  }
0x52: {  	_ =	shalt  }
0x53: {  	_ =	shalt  }
0x54: {  	_ =	shalt  }
0x55: {  	_ =	shalt  }
0x56: {  	_ =	shalt  }
0x57: {  	_ =	shalt  }
0x58: {  	_ =	shalt  }
0x59: {  	_ =	shalt  }
0x5a: {  	_ =	shalt  }
0x5b: {  	_ =	shalt  }
0x5c: {  	_ =	shalt  }
0x5d: {  	_ =	shalt  }
0x5e: {  	_ =	shalt  }
0x5f: {  	_ =	shalt  }
0x60: {  	_ =	shalt  }
0x61: {  	_ =	shalt  }
0x62: {  	_ =	shalt  }
0x63: {  	_ =	shalt  }
0x64: {  	_ =	shalt  }
0x65: {  	_ =	shalt  }
0x66: {  	_ =	shalt  }
0x67: {  	_ =	shalt  }
0x68: {  	_ =	shalt  }
0x69: {  	_ =	shalt  }
0x6a: {  	_ =	shalt  }
0x6b: {  	_ =	shalt  }
0x6c: {  	_ =	shalt  }
0x6d: {  	_ =	shalt  }
0x6e: {  	_ =	shalt  }
0x6f: {  	_ =	shalt  }
0x70: {  	_ =	shalt  }
0x71: {  	_ =	shalt  }
0x72: {  	_ =	shalt  }
0x73: {  	_ =	shalt  }
0x74: {  	_ =	shalt  }
0x75: {  	_ =	shalt  }
0x76: {  	_ =	shalt  }
0x77: {  	_ =	shalt  }
0x78: {  	_ =	shalt  }
0x79: {  	_ =	shalt  }
0x7a: {  	_ =	shalt  }
0x7b: {  	_ =	shalt  }
0x7c: {  	_ =	shalt  }
0x7d: {  	_ =	shalt  }
0x7e: {  	_ =	shalt  }
0x7f: {  	_ =	shalt  }
0x80: {  	_ =	shalt  }
0x81: {  	_ =	shalt  }
0x82: {  	_ =	shalt  }
0x83: {  	_ =	shalt  }
0x84: {  	_ =	shalt  }
0x85: {  	_ =	shalt  }
0x86: {  	_ =	shalt  }
0x87: {  	_ =	shalt  }
.Lfunc_end0:
.L_simem_size_0:
called_computation.2_lowered:
.L_overlay_start_0:
0x88: {  	s2 =	sld [smem:$0x3FD9]  }
0x89: {  	s3 =	sld [smem:$0x3FFE];
	_ =	sdelay $0x1  }
0x8a: {  	s1 =	srdreg.scid  }
0x8b: {  	s0 =	sand.u32 $0x1, s1  }
0x8c: {  	s16 =	sshll.u32 s0, $0xA;
	s2 =	sadd.s32 s3, s2  }
0x8d: {  	s2 =	sadd.s32 s2, s16  }
0x8e: {  	[smem:$0x3F9A] =	sst s2  }
0x8f: {  	_ = 	snop  }
0x90: {  	(tm) =	ssettm $0x1  }
0x91: {  	s17 =	sld [smem:$0x3FFB];
	_ =	sdelay $0x3  }
0x92: {  	_ =	strace s17  }
0x93: {  	s2 =	sld [smem:$0x3FFC];
	_ =	sdelay $0x3  }
0x94: {  	_ =	strace s2  }
0x95: {  	s2 =	sld [smem:$0x3FFD];
	_ =	sdelay $0x3  }
0x96: {  	_ =	strace s2  }
0x97: {  	_ =	strace $0x8FFFFFFF  }
0x98: {  	s18 =	sld [smem:$0x3FDB];
	_ =	sdelay $0x1  }
0x99: {  	s19 =	simm.s32 $_scs_section_size  }
0x9a: {  	s4 =	simm.s32 $_size__tile_overlayer_lowered;
	s5 =	simm.s32 $_tile_overlayer_lowered  }
0x9b: {  	s22 =	simm.s32 $0x1BFF;
	s21 =	sshll.u32 s5, $0x1;
	s2 =	sadd.s32 s19, s18  }
0x9c: {  	s6 =	simm.s32 $0x0;
	s20 =	sshll.u32 s4, $0x1;
	s4 =	sadd.s32 s21, s2  }
0x9d: {  	[timem:s6], [sflag:s22] =	dma.local [hbm:s4], s20  }
0x9e: {  	_ =	swait.ge [sflag:s22], s20  }
0x9f: {  	s3 =	ssub.s32 $0x0, s20;
	[sflag:s22] =	ssyncset.done $0x0  }
0xa0: {  	[sflag:s22] =	ssyncadd.s32 s3;
	_ =	sdelay $0x1  }
0xa1: {  	s23 =	simm.s32 $0x1B8B  }
0xa2: {  	_ =	swait.ge [sflag:s23], $0x1  }
0xa3: {  	[sflag:s23] =	ssyncset.done $0x0  }
0xa4: {  	s25 =	simm.s32 $0x1B8E;
	s24 =	sld [smem:$0x3FFE];
	[sflag:s23] =	ssyncadd.s32 $0xFFFFFFFF  }
0xa5: {  	s26 =	simm.s32 $execute0_lowered;
	[smem:$0x3FD2] =	sst s25  }
0xa6: {  	s4 =	sshll.u32 s26, $0x1;
	_ =	strace $0x8000004C;
	[dreg:$0x1] =	wrdreg $0xFFFFFFFF  }
0xa7: {  	s28 =	simm.s32 $_size_execute0_lowered;
	s2 =	sadd.s32 s2, s4;
	[dreg:$0x0] =	wrdreg $0x0  }
0xa8: {  	s4 =	sshll.u32 s28, $0x1;
	[dreg:$0x2] =	wrdreg s2  }
0xa9: {  	[dreg:$0x3] =	wrdreg s4  }
0xaa: {  	[dreg:$0x4] =	wrdreg $0xC0  }
0xab: {  	_ =	task [dreg:s6], $0x5FFFF  }
0xac: {  	[dreg:$0x1] =	wrdreg $0xFFFFFFFF  }
0xad: {  	[dreg:$0x0] =	wrdreg $0x60  }
0xae: {  	[dreg:$0x2] =	wrdreg s24  }
0xaf: {  	[dreg:$0x3] =	wrdreg $0xC6000  }
0xb0: {  	[dreg:$0x4] =	wrdreg $0x9  }
0xb1: {  	_ =	task.clear_ibuf [dreg:s6], $0x5FFFF;
	_ =	strace $0x9000004C  }
0xb2: {  	s29 =	simm.s32 $0x9;
	_ =	strace $0x8000004E  }
0xb3: {  	_ =	swait.ge [sflag:s29], $0x1  }
0xb4: {  	[sflag:s29] =	ssyncadd.s32 $0xFFFFFFFF  }
0xb5: {  	_ =	strace $0x9000004E  }
0xb6: {  	_ =	sfence  }
0xb7: {  	s30 =	sld [smem:$0x0];
	_ =	sdelay $0x2  }
0xb8: {  	s31 =	sshll.u32 s1, $0xD;
	s1 =	sshrl.u32 s1, $0x2  }
0xb9: {  	s3 =	sand.u32 $0x4000, s31;
	s1 =	sadd.s32 s1, s30  }
0xba: {  	s0 =	sor.u32 s3, s0;
	s1 =	sshll.u32 s1, $0x11  }
0xbb: {  	s0 =	sor.u32 s1, s0  }
0xbc: {  	s0 =	sadd.s32 $0x8F2B, s0  }
0xbd: {  	[sflag:s0] =	ssyncadd.remote.s32 $0x1  }
0xbe: {  	_ =	sfence.sel $0xFFFF  }
0xbf: {  	[dreg:$0x0] =	wrdreg $0xFFFFFFFF;
	(pc) =	sbr.abs _section_cstart, $3  }
0xc0: {  	[dreg:$0x1] =	wrdreg $0xFFFFFFFF  }
0xc1: {  	_ =	task.clear_ibuf [dreg:s6], $0x2FFFF;
	_ =	strace $0x9FFFFFFF  }
0xc2: {  	(tm) =	ssettm $0x7FFFFFFF  }
0xc3: {  	_ =	shalt  }
tec
execute0_lowered:
.L_overlay_start_1:
0x0: {  	(tag) =	ssettag $0x1  }
0x1: {  	s0 =	rddreg [dreg:$0x0]  }
0x2: {  	s1 =	rddreg [dreg:$0x1]  }
0x3: {  	s2 =	simm.s32 $0x0;
	s4 =	srdreg.scid;
	s18 =	stileid.u32  }
0x4: {  	s29 =	simm.s32 $0x4100;
	s28 =	simm.s32 $0x9;
	s3 =	sadd.s32 $0x9DDE00, s0  }
0x5: {  	[smem:$0x7FF] =	sst s2;
	s5 =	sadd.s32 $0x1883E00, s0;
	s6 =	sadd.s32 $0x9D4000, s0  }
0x6: {  	s30 =	simm.s32 $0x80;
	s7 =	sadd.s32 $0x9CA200, s0;
	s8 =	sadd.s32 $0xEBFE00, s0  }
0x7: {  	s4 =	sand.u32 $0x1, s4;
	s9 =	smul.u32 $0x4E000, s18;
	s0 =	sadd.s32 $0xA05000, s0  }
0x8: {  	s14 =	sshll.u32 s18, $0x6;
	s22 =	sadd.s32 $0x138000, s1;
	s24 =	ssub.s32 $0x9D3, s18  }
0x9: {  	s25 =	sadd.s32 $0x138400, s1;
	s17 =	smul.u32 $0x13800, s18;
	p0 =	sne.s32 s18, $0xF  }
0xa: {  	s18 =	simm.s32 $0x6180;
	_ =	strace $0x8000004D;
	[dreg:$0x3] =	wrdreg s14  }
0xb: {  	s10 =	ssub.s32 $0x2, s4;
	s11 =	smul.u32 $0x27100, s4;
	[dreg:$0x5] =	wrdreg s25  }
0xc: {  	s4 =	smul.u32 $0x138800, s4;
	s12 =	sshrl.u32 s10, $0x1;
	s9 =	sshrl.u32 s9, $0x2  }
0xd: {  	[dreg:$0x4] =	wrdreg s22;
	s13 =	ssub.s32 s10, s12;
	s10 =	sadd.s32 s9, s1  }
0xe: {  	s11 =	sadd.s32 s14, s11;
	s14 =	sshrl.u32 s24, $0x4;
	s24 =	sadd.s32 s17, s4  }
0xf: {  	s4 =	sshrl.u32 s4, $0x3;
	s17 =	simm.s32 $0x6;
	s15 =	sshrl.u32 s11, $0x3  }
0x10: {  	s31 =	sshll.u32 s11, $0x4;
	s16 =	sadd.s32 $0x400, s11;
	s23 =	sadd.s32 $0x1, s14  }
0x11: {  	s25 =	sshrl.u32 s24, $0x3;
	s4 =	sadd.s32 s0, s4;
	s26 =	sadd.s32 s6, s15  }
0x12: {  	s19 =	sadd.s32 s8, s31;
	s16 =	sshrl.u32 s16, $0x3;
	s9 =	sadd.s32 s5, s31  }
0x13: {  	s20 =	sadd.s32 s7, s15;
	s0 =	sadd.s32 s0, s25;
	[dreg:$0x6] =	wrdreg s26  }
0x14: {  	s31 =	smax.u32 s13, $0x1;
	s25 =	simm.s32 $0xC200;
	[dreg:$0x7] =	wrdreg s19  }
0x15: {  	s13 =	simm.s32 $0x5;
	s15 =	simm.s32 $0x4;
	[dreg:$0x8] =	wrdreg s9  }
.Ltmp0:
0x16: {  	[dreg:$0x9] =	wrdreg s20;
	s21 =	sadd.s32 s6, s16;
	(pc) =	sbr.rel .LBB2_1-.Ltmp0, $4  }
0x17: {  	s20 =	sshrl.u32 s23, $0x1;
	[dreg:$0xb] =	wrdreg s0;
	s26 =	sadd.s32 $0x27000, s4  }
0x18: {  	[dreg:$0xd] =	wrdreg s31;
	s0 =	simm.s32 $0x40;
	s4 =	simm.s32 $0x3  }
0x19: {  	s16 =	simm.s32 $0xA;
	s9 =	simm.s32 $0xA200;
	[dreg:$0xa] =	wrdreg s21  }
0x1a: {  	v0 =	vimm.f32 $0.0e+00;
	s21 =	sadd.s32 $0xFFFFFFFF, s14;
	[dreg:$0xc] =	wrdreg s26;
	s26 =	simm.s32 $0xB  }
.LBB2_13:
0x1b: {  	s12 =	simm.s32 $0x7  }
0x1c: {  	_ =	swait.ge [sflag:s12], $0x2000  }
0x1d: {  	[sflag:s12] =	ssyncset.done $0x0  }
0x1e: {  	s23 =	simm.s32 $0x8;
	[sflag:s12] =	ssyncadd.s32 $0xFFFFE000  }
0x1f: {  	_ =	swait.ge [sflag:s23], $0x2000  }
0x20: {  	[sflag:s23] =	ssyncset.done $0x0  }
0x21: {  	[sflag:s23] =	ssyncadd.s32 $0xFFFFE000  }
0x22: {  	[bflag:$0x0] =	sbarrier.arrive $0xFFFF  }
0x23: {  	s24 =	rddreg [dreg:$0x3]  }
0x24: {  	s19 =	sshrl.u32 s10, $0x3;
	s22 =	rddreg [dreg:$0xb];
	s12 =	sor.u32 $0x1C0B, s24  }
0x25: {  	[hbm:s22], [sflag:s12] =	dma.local [spmem:s19], $0x2700  }
0x26: {  	_ =	swait.ge [sflag:s26], $0x2700  }
0x27: {  	[sflag:s26] =	ssyncset.done $0x0;
	s22 =	rddreg [dreg:$0x4]  }
0x28: {  	s23 =	rddreg [dreg:$0xc];
	[sflag:s26] =	ssyncadd.s32 $0xFFFFD900;
	s19 =	sshrl.u32 @!p0 s22, $0x3  }
0x29: {  	[hbm:s23], [sflag:s12] =	dma.local @!p0 [spmem:s19], $0x100  }
0x2a: {  	s12 =	simm.s32 @!p0 $0xB  }
0x2b: {  	_ =	swait.ge @!p0 [sflag:s12], $0x100  }
0x2c: {  	s2 =	sadd.s32 $0x1, s2;
	s31 =	rddreg [dreg:$0xd]  }
0x2d: {  	p1 =	sne.s32 s2, s31  }
.Ltmp1:
0x2e: {  	_ = 	snop;
	(pc) =	sbr.rel @!p1 .LBB2_14-.Ltmp1, $3  }
0x2f: {  	_ =	sdelay $0x1  }
0x30: {  	[sflag:s12] =	ssyncset.done @!p0 $0x0  }
0x31: {  	[sflag:s12] =	ssyncadd.s32 @!p0 $0xFFFFFF00  }
.LBB2_1:
0x32: {  	[tilespmem:$0xC200] =	vst v0  }
0x33: {  	[tilespmem:$0xC210] =	vst v0  }
0x34: {  	[tilespmem:$0xC220] =	vst v0  }
0x35: {  	[tilespmem:$0xC230] =	vst v0  }
0x36: {  	[tilespmem:$0xC240] =	vst v0  }
0x37: {  	[tilespmem:$0xC250] =	vst v0  }
0x38: {  	[tilespmem:$0xC260] =	vst v0  }
0x39: {  	[tilespmem:$0xC270] =	vst v0  }
0x3a: {  	[tilespmem:$0xC280] =	vst v0  }
0x3b: {  	[tilespmem:$0xC290] =	vst v0  }
0x3c: {  	[tilespmem:$0xC2A0] =	vst v0  }
0x3d: {  	[tilespmem:$0xC2B0] =	vst v0  }
0x3e: {  	[tilespmem:$0xC2C0] =	vst v0  }
0x3f: {  	[tilespmem:$0xC2D0] =	vst v0  }
0x40: {  	[tilespmem:$0xC2E0] =	vst v0  }
0x41: {  	[tilespmem:$0xC2F0] =	vst v0  }
0x42: {  	[tilespmem:$0xC300] =	vst v0  }
0x43: {  	[tilespmem:$0xC310] =	vst v0  }
0x44: {  	[tilespmem:$0xC320] =	vst v0  }
0x45: {  	[tilespmem:$0xC330] =	vst v0  }
0x46: {  	[tilespmem:$0xC340] =	vst v0  }
0x47: {  	[tilespmem:$0xC350] =	vst v0  }
0x48: {  	[tilespmem:$0xC360] =	vst v0  }
0x49: {  	[tilespmem:$0xC370] =	vst v0  }
0x4a: {  	[tilespmem:$0xC380] =	vst v0  }
0x4b: {  	[tilespmem:$0xC390] =	vst v0  }
0x4c: {  	[tilespmem:$0xC3A0] =	vst v0  }
0x4d: {  	[tilespmem:$0xC3B0] =	vst v0  }
0x4e: {  	[tilespmem:$0xC3C0] =	vst v0  }
0x4f: {  	[tilespmem:$0xC3D0] =	vst v0  }
0x50: {  	[tilespmem:$0xC3E0] =	vst v0  }
0x51: {  	[tilespmem:$0xC3F0] =	vst v0  }
0x52: {  	[tilespmem:$0xC400] =	vst v0  }
0x53: {  	[tilespmem:$0xC410] =	vst v0  }
0x54: {  	[tilespmem:$0xC420] =	vst v0  }
0x55: {  	[tilespmem:$0xC430] =	vst v0  }
0x56: {  	[tilespmem:$0xC440] =	vst v0  }
0x57: {  	[tilespmem:$0xC450] =	vst v0  }
0x58: {  	[tilespmem:$0xC460] =	vst v0  }
0x59: {  	[tilespmem:$0xC470] =	vst v0  }
0x5a: {  	[tilespmem:$0xC480] =	vst v0  }
0x5b: {  	[tilespmem:$0xC490] =	vst v0  }
0x5c: {  	[tilespmem:$0xC4A0] =	vst v0  }
0x5d: {  	[tilespmem:$0xC4B0] =	vst v0  }
0x5e: {  	[tilespmem:$0xC4C0] =	vst v0  }
0x5f: {  	[tilespmem:$0xC4D0] =	vst v0  }
0x60: {  	[tilespmem:$0xC4E0] =	vst v0  }
0x61: {  	[tilespmem:$0xC4F0] =	vst v0  }
0x62: {  	[tilespmem:$0xC500] =	vst v0  }
0x63: {  	[tilespmem:$0xC510] =	vst v0  }
0x64: {  	[tilespmem:$0xC520] =	vst v0  }
0x65: {  	[tilespmem:$0xC530] =	vst v0  }
0x66: {  	[tilespmem:$0xC540] =	vst v0  }
0x67: {  	[tilespmem:$0xC550] =	vst v0  }
0x68: {  	[tilespmem:$0xC560] =	vst v0  }
0x69: {  	[tilespmem:$0xC570] =	vst v0  }
0x6a: {  	[tilespmem:$0xC580] =	vst v0  }
0x6b: {  	[tilespmem:$0xC590] =	vst v0  }
0x6c: {  	[tilespmem:$0xC5A0] =	vst v0  }
0x6d: {  	[tilespmem:$0xC5B0] =	vst v0  }
0x6e: {  	[tilespmem:$0xC5C0] =	vst v0  }
0x6f: {  	[tilespmem:$0xC5D0] =	vst v0  }
0x70: {  	[tilespmem:$0xC5E0] =	vst v0  }
0x71: {  	[tilespmem:$0xC5F0] =	vst v0;
	s19 =	sadd.s32 $0x0, s10  }
0x72: {  	[spmem:s19] =	stream.linear.scatter [tilespmem:s25], [sflag:$0xB], $0x400, $0x38;
	[tilespmem:$0x1FE80] =	vst v63  }
0x73: {  	s19 =	simm.s32 $0x1000;
	_ =	swait.ge [sflag:s26], $0x400  }
.LBB2_2:
0x74: {  	s23 =	sshra.s32 s19, $0x2;
	[sflag:s26] =	ssyncset.done $0x0;
	p1 =	sne.s32 s19, $0x4D000  }
.Ltmp2:
0x75: {  	s23 =	sadd.s32 s23, s10;
	[sflag:s26] =	ssyncadd.s32 $0xFFFFFC00;
	(pc) =	sbr.rel @p1 .LBB2_2-.Ltmp2, $3  }
0x76: {  	[spmem:s23] =	stream.linear.scatter [tilespmem:s25], [sflag:$0xB], $0x400, $0x38;
	[tilespmem:$0x1FE80] =	vst v63  }
0x77: {  	s19 =	sadd.s32 $0x1000, s19;
	_ =	sdelay $0x1  }
0x78: {  	_ =	swait.ge [sflag:s26], $0x400  }
0x79: {  	[sflag:s26] =	ssyncset.done $0x0  }
0x7a: {  	s19 =	simm.s32 @!p0 $0xC200;
	s23 =	simm.s32 @!p0 $0xB;
	[sflag:s26] =	ssyncadd.s32 $0xFFFFFC00  }
0x7b: {  	[spmem:s22] =	stream.linear.scatter @!p0 [tilespmem:s19], [sflag:$0xB], $0x400, $0x38;
	[tilespmem:$0x1FE80] =	vst v63  }
0x7c: {  	_ =	swait.ge @!p0 [sflag:s23], $0x400  }
0x7d: {  	[sflag:s23] =	ssyncset.done @!p0 $0x0  }
0x7e: {  	s12 =	rddreg [dreg:$0x5];
	[sflag:s23] =	ssyncadd.s32 @!p0 $0xFFFFFC00  }
0x7f: {  	[spmem:s12] =	stream.linear.scatter @!p0 [tilespmem:s19], [sflag:$0xB], $0x400, $0x38;
	[tilespmem:$0x1FE80] =	vst v63  }
0x80: {  	_ =	swait.ge @!p0 [sflag:s23], $0x400  }
0x81: {  	[sflag:s23] =	ssyncset.done @!p0 $0x0  }
0x82: {  	[sflag:s23] =	ssyncadd.s32 @!p0 $0xFFFFFC00  }
0x83: {  	[bflag:$0x0] =	sbarrier.arrive $0xFFFF  }
0x84: {  	s23 =	simm.s32 $0x0;
	s31 =	rddreg [dreg:$0x6]  }
0x85: {  	[tilespmem:s23], [sflag:$0x1] =	stream.linear.gather [hbm4b:s31+s23], $0x40, $0x38;
	[tilespmem:$0x1FE80] =	vst v63  }
0x86: {  	s22 =	simm.s32 $0x100;
	s19 =	rddreg [dreg:$0x7]  }
0x87: {  	[tilespmem:s22], [sflag:$0x9] =	stream.linear.gather [hbm4b:s19+s23], $0x2000, $0x38;
	[tilespmem:$0x1FE80] =	vst v63  }
0x88: {  	s24 =	rddreg [dreg:$0x8]  }
0x89: {  	[tilespmem:s29], [sflag:$0x9] =	stream.linear.gather [hbm4b:s24+s23], $0x2000, $0x38;
	[tilespmem:$0x1FE80] =	vst v63  }
0x8a: {  	s31 =	rddreg [dreg:$0x9];
	s19 =	simm.s32 $0x1  }
0x8b: {  	[tilespmem:s30], [sflag:$0x5] =	stream.linear.gather [hbm4b:s31+s23], $0x40, $0x38;
	[tilespmem:$0x1FE80] =	vst v63  }
0x8c: {  	_ =	swait.ge [sflag:s19], $0x40  }
.Ltmp3:
0x8d: {  	[sflag:s19] =	ssyncset.done $0x0;
	(pc) =	sbr.rel .LBB2_4-.Ltmp3, $4  }
0x8e: {  	s22 =	simm.s32 $0x2100;
	[sflag:s19] =	ssyncadd.s32 $0xFFFFFFC0  }
0x8f: {  	[tilespmem:s22], [sflag:$0x3] =	stream.indirect.gather [hbm4b:s3+s0], $0x80, s23, s0, $0xb8;
	[tilespmem:$0x1FE80] =	vst v63  }
0x90: {  	s31 =	simm.s32 $0x6100;
	s24 =	rddreg [dreg:$0xa]  }
0x91: {  	[tilespmem:s31], [sflag:$0x2] =	stream.linear.gather [hbm4b:s24+s23], $0x40, $0x38;
	[tilespmem:$0x1FE80] =	vst v63  }
.LBB2_12:
0x92: {  	s23 =	sadd.s32 $0x1, s23  }
0x93: {  	p1 =	sne.s32 s23, s20  }
.Ltmp4:
0x94: {  	_ = 	snop;
	(pc) =	sbr.rel @!p1 .LBB2_13-.Ltmp4, $1  }
0x95: {  	_ =	sdelay $0x3  }
.LBB2_4:
0x96: {  	s24 =	sshll.u32 s23, $0x1  }
0x97: {  	p1 =	sge.u32 s24, s14  }
.Ltmp5:
0x98: {  	_ = 	snop;
	(pc) =	sbr.rel @p1 .LBB2_8-.Ltmp5, $1  }
0x99: {  	_ =	sdelay $0x3  }
0x9a: {  	_ =	swait.ge [sflag:s4], $0x2000;
	s19 =	sor.u32 $0x1, s24  }
0x9b: {  	[sflag:s4] =	ssyncset.done $0x0;
	p1 =	sge.u32 s19, s14  }
0x9c: {  	[sflag:s4] =	ssyncadd.s32 $0xFFFFE000;
	s31 =	simm.s32 @!p1 $0x2  }
0x9d: {  	s22 =	simm.s32 @!p1 $0x6100;
	_ =	swait.ge @!p1 [sflag:s31], $0x40  }
0x9e: {  	s12 =	simm.s32 @!p1 $0x8200;
	p2 =	seq.s32 @!p1 s23, $0x0;
	[sflag:s31] =	ssyncset.done @!p1 $0x0  }
0x9f: {  	p2 =	por p2, p1;
	[sflag:s31] =	ssyncadd.s32 @!p1 $0xFFFFFFC0;
	s31 =	simm.s32 @!p1 $0x40  }
0xa0: {  	[tilespmem:s12], [sflag:$0x4] =	stream.indirect.gather @!p1 [hbm4b:s3+s31], $0x80, s22, s31, $0xb8;
	[tilespmem:$0x1FE80] =	vst v63  }
0xa1: {  	s12 =	simm.s32 @!p2 $0x8  }
0xa2: {  	s19 =	sshll.u32 @!p1 s19, $0xA;
	_ =	swait.ge @!p2 [sflag:s12], $0x2000  }
0xa3: {  	s19 =	sadd.s32 @!p1 s19, s11;
	[sflag:s12] =	ssyncset.done @!p2 $0x0  }
0xa4: {  	[sflag:s12] =	ssyncadd.s32 @!p2 $0xFFFFE000;
	s12 =	sshrl.u32 @!p1 s19, $0x3  }
0xa5: {  	s22 =	simm.s32 @!p1 $0x0;
	s31 =	simm.s32 @!p1 $0x6180;
	s12 =	sadd.s32 @!p1 s7, s12  }
0xa6: {  	[tilespmem:s31], [sflag:$0x6] =	stream.linear.gather @!p1 [hbm4b:s12+s22], $0x40, $0x38;
	[tilespmem:$0x1FE80] =	vst v63  }
0xa7: {  	s12 =	sshll.u32 @!p1 s19, $0x4  }
0xa8: {  	s31 =	simm.s32 @!p1 $0x6200;
	s19 =	sadd.s32 @!p1 s8, s12  }
0xa9: {  	[tilespmem:s31], [sflag:$0xA] =	stream.linear.gather @!p1 [hbm4b:s19+s22], $0x2000, $0x38;
	[tilespmem:$0x1FE80] =	vst v63  }
0xaa: {  	s12 =	sadd.s32 @!p1 s5, s12;
	s19 =	simm.s32 @!p1 $0xA200  }
0xab: {  	[tilespmem:s19], [sflag:$0xA] =	stream.linear.gather @!p1 [hbm4b:s12+s22], $0x2000, $0x38;
	[tilespmem:$0x1FE80] =	vst v63  }
0xac: {  	_ =	swait.ge [sflag:s28], $0x2000  }
0xad: {  	[sflag:s28] =	ssyncset.done $0x0  }
0xae: {  	[sflag:s28] =	ssyncadd.s32 $0xFFFFE000  }
0xaf: {  	_ =	swait.ge [sflag:s28], $0x2000  }
0xb0: {  	[sflag:s28] =	ssyncset.done $0x0  }
0xb1: {  	s31 =	simm.s32 $0x0;
	[sflag:s28] =	ssyncadd.s32 $0xFFFFE000  }
0xb2: {  	v1 =	vld [tilespmem:s31+$0x100]  }
0xb3: {  	v8 =	vld [tilespmem:s31+$0x2100]  }
0xb4: {  	v13 =	vld [tilespmem:s31+$0x2110]  }
0xb5: {  	v7 =	vld [tilespmem:s31+$0x2120]  }
0xb6: {  	v6 =	vld [tilespmem:s31+$0x2130]  }
0xb7: {  	v5 =	vld [tilespmem:s31+$0x2140]  }
0xb8: {  	v4 =	vld [tilespmem:s31+$0x2150]  }
0xb9: {  	v3 =	vld [tilespmem:s31+$0x2160]  }
0xba: {  	v2 =	vld [tilespmem:s31+$0x2170]  }
0xbb: {  	v14 =	vld [tilespmem:s31+$0x4100]  }
0xbc: {  	v15 =	vld [tilespmem:s31+$0x4110]  }
0xbd: {  	v12 =	vld [tilespmem:s31+$0x4120]  }
0xbe: {  	v11 =	vld [tilespmem:s31+$0x4130]  }
0xbf: {  	v10 =	vld [tilespmem:s31+$0x4140]  }
0xc0: {  	v9 =	vld [tilespmem:s31+$0x4150];
	v14 =	vadd.f32 v14, v8  }
0xc1: {  	s19 =	simm.s32 $0x200;
	v13 =	vadd.f32 v15, v13;
	v8 =	vld [tilespmem:s31+$0x4160]  }
.LBB2_6:
0xc2: {  	s12 =	sshra.s32 s19, $0x2;
	p1 =	sne.s32 s19, $0x7E00;
	v14 =	vmax.f32 v14, $0.0e+00;
	v7 =	vadd.f32 v12, v7;
	v12 =	vld [tilespmem:s31+$0x4170]  }
0xc3: {  	v15 =	vld [tilespmem:s12+$0x100];
	v14 =	vmul.f32 v14, v1;
	v13 =	vmax.f32 v13, $0.0e+00;
	v6 =	vadd.f32 v11, v6  }
0xc4: {  	v16 =	vld [tilespmem:s12+$0x2100];
	v11 =	vmul.f32 v13, v1;
	v7 =	vmax.f32 v7, $0.0e+00;
	v5 =	vadd.f32 v10, v5  }
0xc5: {  	v13 =	vld [tilespmem:s12+$0x2110];
	[tilespmem:s31+$0x4100] =	vst v14;
	v10 =	vmul.f32 v7, v1;
	v6 =	vmax.f32 v6, $0.0e+00;
	v4 =	vadd.f32 v9, v4  }
0xc6: {  	v7 =	vld [tilespmem:s12+$0x2120];
	[tilespmem:s31+$0x4110] =	vst v11;
	v9 =	vmul.f32 v6, v1;
	v5 =	vmax.f32 v5, $0.0e+00;
	v3 =	vadd.f32 v8, v3  }
0xc7: {  	v6 =	vld [tilespmem:s12+$0x2130];
	[tilespmem:s31+$0x4120] =	vst v10;
	v8 =	vmul.f32 v5, v1;
	v4 =	vmax.f32 v4, $0.0e+00;
	v2 =	vadd.f32 v12, v2  }
0xc8: {  	v5 =	vld [tilespmem:s12+$0x2140];
	[tilespmem:s31+$0x4130] =	vst v9;
	v9 =	vmul.f32 v4, v1;
	v3 =	vmax.f32 v3, $0.0e+00  }
0xc9: {  	v4 =	vld [tilespmem:s12+$0x2150];
	[tilespmem:s31+$0x4140] =	vst v8;
	v8 =	vmul.f32 v3, v1;
	v2 =	vmax.f32 v2, $0.0e+00  }
0xca: {  	v3 =	vld [tilespmem:s12+$0x2160];
	[tilespmem:s31+$0x4150] =	vst v9;
	v9 =	vmul.f32 v2, v1;
	v1 =	vmov v15  }
0xcb: {  	v2 =	vld [tilespmem:s12+$0x2170];
	[tilespmem:s31+$0x4160] =	vst v8  }
0xcc: {  	v8 =	vld [tilespmem:s12+$0x4100];
	[tilespmem:s31+$0x4170] =	vst v9;
	s31 =	smov.u32 s12  }
0xcd: {  	v15 =	vld [tilespmem:s31+$0x4110]  }
.Ltmp6:
0xce: {  	v12 =	vld [tilespmem:s31+$0x4120];
	(pc) =	sbr.rel @p1 .LBB2_6-.Ltmp6, $4  }
0xcf: {  	v11 =	vld [tilespmem:s31+$0x4130]  }
0xd0: {  	v10 =	vld [tilespmem:s31+$0x4140]  }
0xd1: {  	v14 =	vadd.f32 v8, v16;
	v9 =	vld [tilespmem:s31+$0x4150]  }
0xd2: {  	s19 =	sadd.s32 $0x200, s19;
	v13 =	vadd.f32 v15, v13;
	v8 =	vld [tilespmem:s31+$0x4160]  }
0xd3: {  	v14 =	vmax.f32 v14, $0.0e+00;
	v7 =	vadd.f32 v12, v7;
	v62 =	vld [tilespmem:s31+$0x4170]  }
0xd4: {  	v14 =	vmul.f32 v14, v1;
	v13 =	vmax.f32 v13, $0.0e+00;
	v6 =	vadd.f32 v11, v6  }
0xd5: {  	v63 =	vmul.f32 v13, v1;
	v7 =	vmax.f32 v7, $0.0e+00;
	v5 =	vadd.f32 v10, v5  }
0xd6: {  	[tilespmem:s31+$0x4100] =	vst v14;
	v7 =	vmul.f32 v7, v1;
	v6 =	vmax.f32 v6, $0.0e+00;
	v4 =	vadd.f32 v9, v4  }
0xd7: {  	[tilespmem:s31+$0x4110] =	vst v63;
	v6 =	vmul.f32 v6, v1;
	v5 =	vmax.f32 v5, $0.0e+00;
	v3 =	vadd.f32 v8, v3  }
0xd8: {  	[tilespmem:s31+$0x4120] =	vst v7;
	v5 =	vmul.f32 v5, v1;
	v4 =	vmax.f32 v4, $0.0e+00;
	v2 =	vadd.f32 v62, v2  }
0xd9: {  	[tilespmem:s31+$0x4130] =	vst v6;
	v4 =	vmul.f32 v4, v1;
	v3 =	vmax.f32 v3, $0.0e+00  }
0xda: {  	[tilespmem:s31+$0x4140] =	vst v5;
	v3 =	vmul.f32 v3, v1;
	v2 =	vmax.f32 v2, $0.0e+00  }
0xdb: {  	[tilespmem:s31+$0x4150] =	vst v4;
	v1 =	vmul.f32 v2, v1  }
0xdc: {  	s12 =	sadd.s32 $0x2, s24;
	[tilespmem:s31+$0x4160] =	vst v3  }
0xdd: {  	p1 =	sge.u32 s12, s14;
	[tilespmem:s31+$0x4170] =	vst v1  }
0xde: {  	s12 =	sshll.u32 @!p1 s12, $0xA;
	_ =	swait.ge [sflag:s13], $0x40  }
0xdf: {  	s12 =	sadd.s32 @!p1 s12, s11;
	[sflag:s13] =	ssyncset.done $0x0  }
0xe0: {  	s12 =	sshrl.u32 @!p1 s12, $0x3;
	[sflag:s13] =	ssyncadd.s32 $0xFFFFFFC0  }
0xe1: {  	[spmem:s1] =	stream.indirect.scatter.add.f32 [tilespmem:s29], [sflag:$0x7], $0x80, s30, s0, $0xb8;
	[tilespmem:$0x1FE80] =	vst v63  }
0xe2: {  	s19 =	simm.s32 @!p1 $0x0;
	s12 =	sadd.s32 @!p1 s6, s12  }
0xe3: {  	[tilespmem:s19], [sflag:$0x1] =	stream.linear.gather @!p1 [hbm4b:s12+s19], $0x40, $0x38;
	[tilespmem:$0x1FE80] =	vst v63  }
.LBB2_8:
0xe4: {  	p1 =	sge.u32 s24, s21  }
.Ltmp7:
0xe5: {  	_ = 	snop;
	(pc) =	sbr.rel @p1 .LBB2_12-.Ltmp7, $1  }
0xe6: {  	_ =	sdelay $0x3  }
0xe7: {  	_ =	swait.ge [sflag:s15], $0x2000;
	s12 =	sadd.s32 $0x2, s24  }
0xe8: {  	[sflag:s15] =	ssyncset.done $0x0;
	p1 =	sge.u32 s12, s14  }
0xe9: {  	[sflag:s15] =	ssyncadd.s32 $0xFFFFE000;
	s19 =	simm.s32 @!p1 $0x1  }
0xea: {  	_ =	swait.ge @!p1 [sflag:s19], $0x40  }
0xeb: {  	s22 =	simm.s32 @!p1 $0x0;
	[sflag:s19] =	ssyncset.done @!p1 $0x0  }
0xec: {  	s31 =	simm.s32 @!p1 $0x2100;
	[sflag:s19] =	ssyncadd.s32 @!p1 $0xFFFFFFC0;
	s19 =	simm.s32 @!p1 $0x40  }
0xed: {  	[tilespmem:s31], [sflag:$0x3] =	stream.indirect.gather @!p1 [hbm4b:s3+s19], $0x80, s22, s19, $0xb8;
	[tilespmem:$0x1FE80] =	vst v63  }
0xee: {  	s12 =	sshll.u32 @!p1 s12, $0xA;
	s19 =	simm.s32 @!p1 $0x7  }
0xef: {  	s12 =	sadd.s32 @!p1 s12, s11;
	_ =	swait.ge @!p1 [sflag:s19], $0x2000  }
0xf0: {  	s31 =	sshrl.u32 @!p1 s12, $0x3;
	s12 =	sshll.u32 @!p1 s12, $0x4;
	[sflag:s19] =	ssyncset.done @!p1 $0x0  }
0xf1: {  	[sflag:s19] =	ssyncadd.s32 @!p1 $0xFFFFE000;
	s19 =	sadd.s32 @!p1 s7, s31;
	s31 =	simm.s32 @!p1 $0x80  }
0xf2: {  	[tilespmem:s31], [sflag:$0x5] =	stream.linear.gather @!p1 [hbm4b:s19+s22], $0x40, $0x38;
	[tilespmem:$0x1FE80] =	vst v63  }
0xf3: {  	s19 =	sadd.s32 @!p1 s8, s12;
	s31 =	simm.s32 @!p1 $0x100  }
0xf4: {  	[tilespmem:s31], [sflag:$0x9] =	stream.linear.gather @!p1 [hbm4b:s19+s22], $0x2000, $0x38;
	[tilespmem:$0x1FE80] =	vst v63  }
0xf5: {  	s12 =	sadd.s32 @!p1 s5, s12;
	s19 =	simm.s32 @!p1 $0x4100  }
0xf6: {  	[tilespmem:s19], [sflag:$0x9] =	stream.linear.gather @!p1 [hbm4b:s12+s22], $0x2000, $0x38;
	[tilespmem:$0x1FE80] =	vst v63  }
0xf7: {  	_ =	swait.ge [sflag:s16], $0x2000  }
0xf8: {  	[sflag:s16] =	ssyncset.done $0x0  }
0xf9: {  	[sflag:s16] =	ssyncadd.s32 $0xFFFFE000  }
0xfa: {  	_ =	swait.ge [sflag:s16], $0x2000  }
0xfb: {  	[sflag:s16] =	ssyncset.done $0x0  }
0xfc: {  	s31 =	simm.s32 $0x0;
	[sflag:s16] =	ssyncadd.s32 $0xFFFFE000  }
0xfd: {  	v1 =	vld [tilespmem:s31+$0x6200]  }
0xfe: {  	v8 =	vld [tilespmem:s31+$0x8200]  }
0xff: {  	v13 =	vld [tilespmem:s31+$0x8210]  }
0x100: {  	v7 =	vld [tilespmem:s31+$0x8220]  }
0x101: {  	v6 =	vld [tilespmem:s31+$0x8230]  }
0x102: {  	v5 =	vld [tilespmem:s31+$0x8240]  }
0x103: {  	v4 =	vld [tilespmem:s31+$0x8250]  }
0x104: {  	v3 =	vld [tilespmem:s31+$0x8260]  }
0x105: {  	v2 =	vld [tilespmem:s31+$0x8270]  }
0x106: {  	v14 =	vld [tilespmem:s31+$0xA200]  }
0x107: {  	v15 =	vld [tilespmem:s31+$0xA210]  }
0x108: {  	v12 =	vld [tilespmem:s31+$0xA220]  }
0x109: {  	v11 =	vld [tilespmem:s31+$0xA230]  }
0x10a: {  	v10 =	vld [tilespmem:s31+$0xA240]  }
0x10b: {  	v9 =	vld [tilespmem:s31+$0xA250];
	v14 =	vadd.f32 v14, v8  }
0x10c: {  	s19 =	simm.s32 $0x200;
	v13 =	vadd.f32 v15, v13;
	v8 =	vld [tilespmem:s31+$0xA260]  }
.LBB2_10:
0x10d: {  	s12 =	sshra.s32 s19, $0x2;
	p1 =	sne.s32 s19, $0x7E00;
	v14 =	vmax.f32 v14, $0.0e+00;
	v7 =	vadd.f32 v12, v7;
	v12 =	vld [tilespmem:s31+$0xA270]  }
0x10e: {  	v15 =	vld [tilespmem:s12+$0x6200];
	v14 =	vmul.f32 v14, v1;
	v13 =	vmax.f32 v13, $0.0e+00;
	v6 =	vadd.f32 v11, v6  }
0x10f: {  	v16 =	vld [tilespmem:s12+$0x8200];
	v11 =	vmul.f32 v13, v1;
	v7 =	vmax.f32 v7, $0.0e+00;
	v5 =	vadd.f32 v10, v5  }
0x110: {  	v13 =	vld [tilespmem:s12+$0x8210];
	[tilespmem:s31+$0xA200] =	vst v14;
	v10 =	vmul.f32 v7, v1;
	v6 =	vmax.f32 v6, $0.0e+00;
	v4 =	vadd.f32 v9, v4  }
0x111: {  	v7 =	vld [tilespmem:s12+$0x8220];
	[tilespmem:s31+$0xA210] =	vst v11;
	v9 =	vmul.f32 v6, v1;
	v5 =	vmax.f32 v5, $0.0e+00;
	v3 =	vadd.f32 v8, v3  }
0x112: {  	v6 =	vld [tilespmem:s12+$0x8230];
	[tilespmem:s31+$0xA220] =	vst v10;
	v8 =	vmul.f32 v5, v1;
	v4 =	vmax.f32 v4, $0.0e+00;
	v2 =	vadd.f32 v12, v2  }
0x113: {  	v5 =	vld [tilespmem:s12+$0x8240];
	[tilespmem:s31+$0xA230] =	vst v9;
	v9 =	vmul.f32 v4, v1;
	v3 =	vmax.f32 v3, $0.0e+00  }
0x114: {  	v4 =	vld [tilespmem:s12+$0x8250];
	[tilespmem:s31+$0xA240] =	vst v8;
	v8 =	vmul.f32 v3, v1;
	v2 =	vmax.f32 v2, $0.0e+00  }
0x115: {  	v3 =	vld [tilespmem:s12+$0x8260];
	[tilespmem:s31+$0xA250] =	vst v9;
	v9 =	vmul.f32 v2, v1;
	v1 =	vmov v15  }
0x116: {  	v2 =	vld [tilespmem:s12+$0x8270];
	[tilespmem:s31+$0xA260] =	vst v8  }
0x117: {  	v8 =	vld [tilespmem:s12+$0xA200];
	[tilespmem:s31+$0xA270] =	vst v9;
	s31 =	smov.u32 s12  }
0x118: {  	v15 =	vld [tilespmem:s31+$0xA210]  }
.Ltmp8:
0x119: {  	v12 =	vld [tilespmem:s31+$0xA220];
	(pc) =	sbr.rel @p1 .LBB2_10-.Ltmp8, $4  }
0x11a: {  	v11 =	vld [tilespmem:s31+$0xA230]  }
0x11b: {  	v10 =	vld [tilespmem:s31+$0xA240]  }
0x11c: {  	v14 =	vadd.f32 v8, v16;
	v9 =	vld [tilespmem:s31+$0xA250]  }
0x11d: {  	s19 =	sadd.s32 $0x200, s19;
	v13 =	vadd.f32 v15, v13;
	v8 =	vld [tilespmem:s31+$0xA260]  }
0x11e: {  	v14 =	vmax.f32 v14, $0.0e+00;
	v7 =	vadd.f32 v12, v7;
	v62 =	vld [tilespmem:s31+$0xA270]  }
0x11f: {  	v14 =	vmul.f32 v14, v1;
	v13 =	vmax.f32 v13, $0.0e+00;
	v6 =	vadd.f32 v11, v6  }
0x120: {  	v63 =	vmul.f32 v13, v1;
	v7 =	vmax.f32 v7, $0.0e+00;
	v5 =	vadd.f32 v10, v5  }
0x121: {  	[tilespmem:s31+$0xA200] =	vst v14;
	v7 =	vmul.f32 v7, v1;
	v6 =	vmax.f32 v6, $0.0e+00;
	v4 =	vadd.f32 v9, v4  }
0x122: {  	[tilespmem:s31+$0xA210] =	vst v63;
	v6 =	vmul.f32 v6, v1;
	v5 =	vmax.f32 v5, $0.0e+00;
	v3 =	vadd.f32 v8, v3  }
0x123: {  	[tilespmem:s31+$0xA220] =	vst v7;
	v5 =	vmul.f32 v5, v1;
	v4 =	vmax.f32 v4, $0.0e+00;
	v2 =	vadd.f32 v62, v2  }
0x124: {  	[tilespmem:s31+$0xA230] =	vst v6;
	v4 =	vmul.f32 v4, v1;
	v3 =	vmax.f32 v3, $0.0e+00  }
0x125: {  	[tilespmem:s31+$0xA240] =	vst v5;
	v3 =	vmul.f32 v3, v1;
	v2 =	vmax.f32 v2, $0.0e+00  }
0x126: {  	[tilespmem:s31+$0xA250] =	vst v4;
	v1 =	vmul.f32 v2, v1  }
0x127: {  	s12 =	sadd.s32 $0x3, s24;
	[tilespmem:s31+$0xA260] =	vst v3  }
0x128: {  	p1 =	sge.u32 s12, s14;
	[tilespmem:s31+$0xA270] =	vst v1  }
0x129: {  	s12 =	sshll.u32 @!p1 s12, $0xA;
	_ =	swait.ge [sflag:s17], $0x40  }
.Ltmp9:
0x12a: {  	s12 =	sadd.s32 @!p1 s12, s11;
	[sflag:s17] =	ssyncset.done $0x0;
	(pc) =	sbr.rel .LBB2_12-.Ltmp9, $4  }
0x12b: {  	s12 =	sshrl.u32 @!p1 s12, $0x3;
	[sflag:s17] =	ssyncadd.s32 $0xFFFFFFC0  }
0x12c: {  	[spmem:s1] =	stream.indirect.scatter.add.f32 [tilespmem:s9], [sflag:$0x8], $0x80, s18, s0, $0xb8;
	[tilespmem:$0x1FE80] =	vst v63  }
0x12d: {  	s19 =	simm.s32 @!p1 $0x0;
	s22 =	simm.s32 @!p1 $0x6100;
	s12 =	sadd.s32 @!p1 s6, s12  }
0x12e: {  	[tilespmem:s22], [sflag:$0x2] =	stream.linear.gather @!p1 [hbm4b:s12+s19], $0x40, $0x38;
	[tilespmem:$0x1FE80] =	vst v63  }
.LBB2_14:
0x12f: {  	_ =	sfence.sel $0x180000  }
0x130: {  	[bflag:$0x0] =	sbarrier.arrive $0xFFFF  }
0x131: {  	_ =	strace $0x9000004D  }
0x132: {  	s0 =	stileid.u32;
	[bflag:$0x2] =	sbarrier.arrive $0xFFFF  }
0x133: {  	p0 =	sne.s32 s0, $0x0;
	s0 =	rddreg [dreg:$0x2]  }
0x134: {  	s0 =	sadd.s32 @!p0 $0x100000, s0  }
0x135: {  	[sflag:s0] =	ssyncadd.tile.s32 @!p0 $0x1;
	_ =	shalt  }
.Lfunc_end2:
_tile_overlayer_lowered:
.L_overlay_start_2:
0x136: {  	(tag) =	ssettag $0x2  }
0x137: {  	s0 =	rddreg [dreg:$0x0];
	s2 =	stileid.u32  }
0x138: {  	s1 =	rddreg [dreg:$0x1];
	p0 =	sne.s32 s2, $0x0  }
0x139: {  	s3 =	rddreg [dreg:$0x2];
	[bflag:$0x3] =	sbarrier.arrive $0xFFFF;
	s2 =	simm.s32 @!p0 $0x1C0B  }
0x13a: {  	[timem:s3], [sflag:s2] =	dma.local @!p0 [hbm:s0], s1  }
0x13b: {  	s0 =	simm.s32 @!p0 $0xB  }
0x13c: {  	_ =	swait.ge @!p0 [sflag:s0], s1  }
0x13d: {  	s1 =	ssub.s32 @!p0 $0x0, s1;
	[sflag:s0] =	ssyncset.done @!p0 $0x0  }
0x13e: {  	[sflag:s0] =	ssyncadd.s32 @!p0 s1  }
0x13f: {  	[bflag:$0x3] =	sbarrier.arrive $0xFFFF  }
0x140: {  	_ =	shalt  }

</sc_bundles>
